<compile_context>
chip_gen: v7x
topology: tpu7x:2x2x1
jax: 0.10.2.dev20260603
libtpu: 0.0.44.dev20260713+nightly
codegen_flags: <defaults>
</compile_context>

<pallas_src>
import jax
import jax.numpy as jnp
from jax import lax
from jax.experimental import pallas as pl
from jax.experimental.pallas import tpu as pltpu
from jax.experimental.pallas import tpu_sc as plsc

N = 10000
NPAD = 10240
E = 320000
D_EMB = 128
D_HID = 128
D_OUT = 64
DH = 64

NC = 2
NS = 16
NW = NC * NS
ROWS_PER_TILE = NPAD // NS
SROWS_PER_TILE = N // NS

EB = 128
ENB = 80
ENBC = 40
EPAD = NW * ENB * EB

LB = 128
LNB = 50
LPAD = NW * LNB * LB
LPW = LNB * LB

_MESH = plsc.VectorSubcoreMesh(
    core_axis_name="c", subcore_axis_name="s", num_cores=NC, num_subcores=NS)
_SC_PARAMS = pltpu.CompilerParams(use_tc_tiling_on_sc=False)
_SC_PARAMS_NL = pltpu.CompilerParams(
    use_tc_tiling_on_sc=False, needs_layout_passes=False)


def _wid():
    return lax.axis_index("s") * NC + lax.axis_index("c")


def _deg_body(dst_hbm, ones_hbm, zeros_hbm, out_hbm, table, onesv, idxd2,
              degsem):
    cid = lax.axis_index("c")
    sid = lax.axis_index("s")
    wid = _wid()
    r0 = sid * ROWS_PER_TILE
    pltpu.sync_copy(zeros_hbm.at[pl.ds(r0, ROWS_PER_TILE)],
                    table.at[pl.ds(r0, ROWS_PER_TILE)])
    pltpu.sync_copy(ones_hbm, onesv)
    pltpu.sync_copy(dst_hbm.at[pl.ds(wid * ENB, ENB)], idxd2)
    plsc.subcore_barrier()

    def body(j, _):
        pltpu.async_copy(onesv, table.at[idxd2.at[j]], degsem, add=True)
        return 0

    lax.fori_loop(0, ENB, body, 0)

    def drain(j, _):
        pltpu.make_async_copy(onesv, table.at[idxd2.at[j]], degsem).wait()
        return 0

    lax.fori_loop(0, ENB, drain, 0)
    plsc.subcore_barrier()
    pltpu.sync_copy(table.at[pl.ds(r0, ROWS_PER_TILE)],
                    out_hbm.at[cid, pl.ds(r0, ROWS_PER_TILE)])


def _degrees(dst2):
    ones = jnp.ones((EB, 16), jnp.float32)
    zeros = jnp.zeros((NPAD, 16), jnp.float32)
    f = pl.kernel(
        _deg_body,
        out_type=jax.ShapeDtypeStruct((NC, NPAD, 16), jnp.float32),
        mesh=_MESH,
        compiler_params=_SC_PARAMS,
        scratch_types=[
            pltpu.VMEM_SHARED((NPAD, 16), jnp.float32),
            pltpu.VMEM((EB, 16), jnp.float32),
            pltpu.VMEM((ENB, EB), jnp.int32),
            pltpu.SemaphoreType.DMA,
        ],
    )
    return f(dst2, ones, zeros)


def _agg_pass(hs_hbm, src_hbm, dst_hbm, zeros_hbm, write_out,
              table, hs_sp, idxs2, idxd2, rows, sems):
    sid = lax.axis_index("s")
    wid = _wid()
    r0 = sid * ROWS_PER_TILE
    h0 = sid * SROWS_PER_TILE
    pltpu.sync_copy(zeros_hbm.at[pl.ds(r0, ROWS_PER_TILE)],
                    table.at[pl.ds(r0, ROWS_PER_TILE)])
    pltpu.sync_copy(hs_hbm.at[pl.ds(h0, SROWS_PER_TILE)],
                    hs_sp.at[pl.ds(h0, SROWS_PER_TILE)])
    plsc.subcore_barrier()

    for c in range(ENB // ENBC):
        pltpu.sync_copy(src_hbm.at[pl.ds(wid * ENB + c * ENBC, ENBC)], idxs2)
        pltpu.sync_copy(dst_hbm.at[pl.ds(wid * ENB + c * ENBC, ENBC)], idxd2)
        for k in range(4):
            pltpu.async_copy(hs_sp.at[idxs2.at[k]], rows[k], sems[k])

        def body(t, _):
            j0 = 4 * t
            for k in range(4):
                pltpu.make_async_copy(
                    hs_sp.at[idxs2.at[j0 + k]], rows[k], sems[k]).wait()
                pltpu.sync_copy(rows[k], table.at[idxd2.at[j0 + k]], add=True)

                @pl.when(j0 + k + 4 < ENBC)
                def _():
                    pltpu.async_copy(
                        hs_sp.at[idxs2.at[j0 + k + 4]], rows[k], sems[k])

            return 0

        lax.fori_loop(0, ENBC // 4, body, 0)
    plsc.subcore_barrier()
    write_out(table.at[pl.ds(r0, ROWS_PER_TILE)], r0)


def _agg2_body(hs_hbm, src_hbm, dst_hbm, zeros_hbm, out_hbm,
               table, hs_sp, idxs2, idxd2, r0b, r1b, r2b, r3b,
               s0, s1, s2, s3):
    cid = lax.axis_index("c")

    def write_out(tslice, r0):
        pltpu.sync_copy(tslice, out_hbm.at[cid, pl.ds(r0, ROWS_PER_TILE)])

    _agg_pass(hs_hbm, src_hbm, dst_hbm, zeros_hbm, write_out,
              table, hs_sp, idxs2, idxd2, [r0b, r1b, r2b, r3b],
              [s0, s1, s2, s3])


def _aggab_body(hslo_hbm, hshi_hbm, src_hbm, dst_hbm, zeros_hbm, out_hbm,
                table, hs_sp, idxs2, idxd2, r0b, r1b, r2b, r3b,
                s0, s1, s2, s3):
    cid = lax.axis_index("c")
    for p, hs_hbm in enumerate((hslo_hbm, hshi_hbm)):
        def write_out(tslice, r0, p=p):
            pltpu.sync_copy(tslice, out_hbm.at[p, cid, pl.ds(r0, ROWS_PER_TILE)])

        _agg_pass(hs_hbm, src_hbm, dst_hbm, zeros_hbm, write_out,
                  table, hs_sp, idxs2, idxd2, [r0b, r1b, r2b, r3b],
                  [s0, s1, s2, s3])
        if p == 0:
            plsc.subcore_barrier()


_AGG_SCRATCH = [
    pltpu.VMEM_SHARED((NPAD, DH), jnp.float32),
    pltpu.VMEM_SHARED((N, DH), jnp.float32),
    pltpu.VMEM((ENBC, EB), jnp.int32),
    pltpu.VMEM((ENBC, EB), jnp.int32),
    pltpu.VMEM((EB, DH), jnp.float32),
    pltpu.VMEM((EB, DH), jnp.float32),
    pltpu.VMEM((EB, DH), jnp.float32),
    pltpu.VMEM((EB, DH), jnp.float32),
    pltpu.SemaphoreType.DMA,
    pltpu.SemaphoreType.DMA,
    pltpu.SemaphoreType.DMA,
    pltpu.SemaphoreType.DMA,
]


def _aggregate(hs, src2, dst2):
    zeros = jnp.zeros((NPAD, DH), jnp.float32)
    f = pl.kernel(
        _agg2_body,
        out_type=jax.ShapeDtypeStruct((NC, NPAD, DH), jnp.float32),
        mesh=_MESH,
        compiler_params=_SC_PARAMS,
        scratch_types=list(_AGG_SCRATCH),
    )
    return f(hs, src2, dst2, zeros)


def _aggregate_ab(hs_lo, hs_hi, src2, dst2):
    zeros = jnp.zeros((NPAD, DH), jnp.float32)
    f = pl.kernel(
        _aggab_body,
        out_type=jax.ShapeDtypeStruct((2, NC, NPAD, DH), jnp.float32),
        mesh=_MESH,
        compiler_params=_SC_PARAMS,
        scratch_types=list(_AGG_SCRATCH),
    )
    return f(hs_lo, hs_hi, src2, dst2, zeros)


def _decode_body(z_hbm, sl_hbm, dl_hbm, out_hbm, z_sp, sidx2, didx2,
                 srows0, drows0, srows1, drows1, outv0, outv1, vbuf,
                 sems0, semd0, sems1, semd1, semo0, semo1):
    sid = lax.axis_index("s")
    wid = _wid()
    h0 = sid * SROWS_PER_TILE
    pltpu.sync_copy(z_hbm.at[pl.ds(h0, SROWS_PER_TILE)],
                    z_sp.at[pl.ds(h0, SROWS_PER_TILE)])
    pltpu.sync_copy(sl_hbm.at[pl.ds(wid * LNB, LNB)], sidx2)
    pltpu.sync_copy(dl_hbm.at[pl.ds(wid * LNB, LNB)], didx2)
    plsc.subcore_barrier()

    pltpu.async_copy(z_sp.at[sidx2.at[0]], srows0, sems0)
    pltpu.async_copy(z_sp.at[didx2.at[0]], drows0, semd0)
    pltpu.async_copy(z_sp.at[sidx2.at[1]], srows1, sems1)
    pltpu.async_copy(z_sp.at[didx2.at[1]], drows1, semd1)

    iota = lax.iota(jnp.int32, 16)

    def compute(srows, drows, outv):
        def grp(g, _):
            for u in range(16):
                lbl = g * 16 + u
                halves = []
                for k in range(2):
                    p = (srows[lbl, pl.ds(32 * k, 32)] *
                         drows[lbl, pl.ds(32 * k, 32)])
                    a, b = plsc.unpack(p, format=plsc.PackFormat.INTERLEAVED)
                    halves.append(a + b)
                vbuf[u, pl.ds(0, 16)] = halves[0] + halves[1]
            accs = [jnp.zeros((16,), jnp.float32) for _ in range(4)]
            for c in range(16):
                col = jnp.full((16,), c, jnp.int32)
                accs[c % 4] = accs[c % 4] + plsc.load_gather(vbuf, [iota, col])
            outv[pl.ds(g * 16, 16)] = (accs[0] + accs[1]) + (accs[2] + accs[3])
            return 0

        lax.fori_loop(0, LB // 16, grp, 0)

    def body(t, _):
        j0 = 2 * t
        pltpu.make_async_copy(z_sp.at[sidx2.at[j0]], srows0, sems0).wait()
        pltpu.make_async_copy(z_sp.at[didx2.at[j0]], drows0, semd0).wait()

        @pl.when(j0 >= 2)
        def _():
            pltpu.make_async_copy(
                outv0, out_hbm.at[pl.ds(wid * LPW, LB)], semo0).wait()

        compute(srows0, drows0, outv0)
        pltpu.async_copy(outv0, out_hbm.at[pl.ds(wid * LPW + j0 * LB, LB)],
                         semo0)

        @pl.when(j0 + 2 < LNB)
        def _():
            pltpu.async_copy(z_sp.at[sidx2.at[j0 + 2]], srows0, sems0)
            pltpu.async_copy(z_sp.at[didx2.at[j0 + 2]], drows0, semd0)

        pltpu.make_async_copy(z_sp.at[sidx2.at[j0 + 1]], srows1, sems1).wait()
        pltpu.make_async_copy(z_sp.at[didx2.at[j0 + 1]], drows1, semd1).wait()

        @pl.when(j0 >= 2)
        def _():
            pltpu.make_async_copy(
                outv1, out_hbm.at[pl.ds(wid * LPW, LB)], semo1).wait()

        compute(srows1, drows1, outv1)
        pltpu.async_copy(outv1, out_hbm.at[pl.ds(wid * LPW + (j0 + 1) * LB, LB)],
                         semo1)

        @pl.when(j0 + 3 < LNB)
        def _():
            pltpu.async_copy(z_sp.at[sidx2.at[j0 + 3]], srows1, sems1)
            pltpu.async_copy(z_sp.at[didx2.at[j0 + 3]], drows1, semd1)

        return 0

    lax.fori_loop(0, LNB // 2, body, 0)
    pltpu.make_async_copy(outv0, out_hbm.at[pl.ds(wid * LPW, LB)], semo0).wait()
    pltpu.make_async_copy(outv1, out_hbm.at[pl.ds(wid * LPW, LB)], semo1).wait()


def _decode(z, sl2, dl2):
    f = pl.kernel(
        _decode_body,
        out_type=jax.ShapeDtypeStruct((LPAD,), jnp.float32),
        mesh=_MESH,
        compiler_params=_SC_PARAMS_NL,
        scratch_types=[
            pltpu.VMEM_SHARED((N, D_OUT), jnp.bfloat16),
            pltpu.VMEM((LNB, LB), jnp.int32),
            pltpu.VMEM((LNB, LB), jnp.int32),
            pltpu.VMEM((LB, D_OUT), jnp.bfloat16),
            pltpu.VMEM((LB, D_OUT), jnp.bfloat16),
            pltpu.VMEM((LB, D_OUT), jnp.bfloat16),
            pltpu.VMEM((LB, D_OUT), jnp.bfloat16),
            pltpu.VMEM((LB,), jnp.float32),
            pltpu.VMEM((LB,), jnp.float32),
            pltpu.VMEM((16, 17), jnp.float32),
            pltpu.SemaphoreType.DMA,
            pltpu.SemaphoreType.DMA,
            pltpu.SemaphoreType.DMA,
            pltpu.SemaphoreType.DMA,
            pltpu.SemaphoreType.DMA,
            pltpu.SemaphoreType.DMA,
        ],
    )
    return f(z, sl2, dl2)


_BLK = 1000


def _t1_body(deg_ref, emb_ref, w1_ref, hlo_ref, hhi_ref, dinv_ref):
    deg = deg_ref[0, :, 0:1] + deg_ref[1, :, 0:1] + 1.0
    dinv = lax.rsqrt(deg)
    h = jnp.dot(emb_ref[...], w1_ref[...], preferred_element_type=jnp.float32)
    hs = h * dinv
    hlo_ref[...] = hs[:, :DH]
    hhi_ref[...] = hs[:, DH:]
    dinv_ref[...] = jnp.broadcast_to(dinv, (_BLK, 16))


def _t1(deg, emb, w1):
    return pl.pallas_call(
        _t1_body,
        grid=(N // _BLK,),
        in_specs=[
            pl.BlockSpec((2, _BLK, 16), lambda i: (0, i, 0)),
            pl.BlockSpec((_BLK, D_EMB), lambda i: (i, 0)),
            pl.BlockSpec((D_EMB, D_HID), lambda i: (0, 0)),
        ],
        out_specs=[
            pl.BlockSpec((_BLK, DH), lambda i: (i, 0)),
            pl.BlockSpec((_BLK, DH), lambda i: (i, 0)),
            pl.BlockSpec((_BLK, 16), lambda i: (i, 0)),
        ],
        out_shape=[
            jax.ShapeDtypeStruct((N, DH), jnp.float32),
            jax.ShapeDtypeStruct((N, DH), jnp.float32),
            jax.ShapeDtypeStruct((N, 16), jnp.float32),
        ],
    )(deg, emb, w1)


def _t2_body(p_ref, hlo_ref, hhi_ref, dinv_ref, b1_ref, w2_ref, hs2_ref):
    dinv = dinv_ref[:, 0:1]
    agg = jnp.concatenate(
        [p_ref[0, 0] + p_ref[0, 1] + hlo_ref[...],
         p_ref[1, 0] + p_ref[1, 1] + hhi_ref[...]], axis=1)
    x2 = jnp.maximum(agg * dinv + b1_ref[...], 0.0)
    h2 = jnp.dot(x2, w2_ref[...], preferred_element_type=jnp.float32)
    hs2_ref[...] = h2 * dinv


def _t2(p, hlo, hhi, dinv, b1, w2):
    return pl.pallas_call(
        _t2_body,
        grid=(N // _BLK,),
        in_specs=[
            pl.BlockSpec((2, 2, _BLK, DH), lambda i: (0, 0, i, 0)),
            pl.BlockSpec((_BLK, DH), lambda i: (i, 0)),
            pl.BlockSpec((_BLK, DH), lambda i: (i, 0)),
            pl.BlockSpec((_BLK, 16), lambda i: (i, 0)),
            pl.BlockSpec((1, D_HID), lambda i: (0, 0)),
            pl.BlockSpec((D_HID, D_OUT), lambda i: (0, 0)),
        ],
        out_specs=pl.BlockSpec((_BLK, D_OUT), lambda i: (i, 0)),
        out_shape=jax.ShapeDtypeStruct((N, D_OUT), jnp.float32),
    )(p, hlo, hhi, dinv, b1, w2)


def _t3_body(q_ref, hs2_ref, dinv_ref, b2_ref, z_ref):
    dinv = dinv_ref[:, 0:1]
    z = (q_ref[0] + q_ref[1] + hs2_ref[...]) * dinv + b2_ref[...]
    z_ref[...] = z.astype(jnp.bfloat16)


def _t3(q, hs2, dinv, b2):
    return pl.pallas_call(
        _t3_body,
        grid=(N // _BLK,),
        in_specs=[
            pl.BlockSpec((2, _BLK, D_OUT), lambda i: (0, i, 0)),
            pl.BlockSpec((_BLK, D_OUT), lambda i: (i, 0)),
            pl.BlockSpec((_BLK, 16), lambda i: (i, 0)),
            pl.BlockSpec((1, D_OUT), lambda i: (0, 0)),
        ],
        out_specs=pl.BlockSpec((_BLK, D_OUT), lambda i: (i, 0)),
        out_shape=jax.ShapeDtypeStruct((N, D_OUT), jnp.bfloat16),
    )(q, hs2, dinv, b2)


def kernel(edge_index, edge_label_index, embedding, W1, b1, W2, b2):
    epad = EPAD - E
    src2 = jnp.concatenate(
        [edge_index[0].astype(jnp.int32), jnp.zeros((epad,), jnp.int32)]
    ).reshape(NW * ENB, EB)
    dst2 = jnp.concatenate(
        [edge_index[1].astype(jnp.int32), jnp.full((epad,), N, jnp.int32)]
    ).reshape(NW * ENB, EB)

    nl = edge_label_index.shape[1]
    lpad = LPAD - nl
    sl2 = jnp.concatenate(
        [edge_label_index[0].astype(jnp.int32), jnp.zeros((lpad,), jnp.int32)]
    ).reshape(NW * LNB, LB)
    dl2 = jnp.concatenate(
        [edge_label_index[1].astype(jnp.int32), jnp.zeros((lpad,), jnp.int32)]
    ).reshape(NW * LNB, LB)

    deg = _degrees(dst2)
    hlo, hhi, dinv = _t1(deg, embedding, W1)
    p = _aggregate_ab(hlo, hhi, src2, dst2)
    hs2 = _t2(p, hlo, hhi, dinv, b1[None, :], W2)
    q = _aggregate(hs2, src2, dst2)
    z = _t3(q, hs2, dinv, b2[None, :])
    scores = _decode(z, sl2, dl2)
    return scores[:nl]

# --- scband reference (transcript-rebuilt; emitter-appended) ---
"""Pipeline reference for scband-gcnlink-predictor-3633542333147 (READ-ONLY COPY).

The authoritative reference and input builder live on the scoring server;
editing this copy changes nothing except your own understanding.
"""

import jax, jax.numpy as jnp
import numpy as np

N_NODES = 10000
N_EDGES = 320000
N_LABEL = 200000
D_EMB = 128
D_HID = 128
D_OUT = 64


def setup_inputs(seed: int = 0) -> dict:
    key = jax.random.key(seed)
    k1, k2, k3, k4, k5, k6, k7 = jax.random.split(key, 7)
    edge_index = jax.random.randint(k1, (2, N_EDGES), 0, N_NODES)
    edge_label_index = jax.random.randint(k2, (2, N_LABEL), 0, N_NODES)
    embedding = jax.random.normal(k3, (N_NODES, D_EMB), dtype=jnp.float32)
    W1 = jax.random.normal(k4, (D_EMB, D_HID), dtype=jnp.float32) * (1.0 / np.sqrt(D_EMB))
    b1 = jnp.zeros((D_HID,), dtype=jnp.float32)
    W2 = jax.random.normal(k5, (D_HID, D_OUT), dtype=jnp.float32) * (1.0 / np.sqrt(D_HID))
    b2 = jnp.zeros((D_OUT,), dtype=jnp.float32)
    return {
        "edge_index": edge_index,
        "edge_label_index": edge_label_index,
        "embedding": embedding,
        "W1": W1,
        "b1": b1,
        "W2": W2,
        "b2": b2,
    }


def _gcn_conv(x, edge_index, W, b):
    # Faithful PyG GCNConv: linear transform, add self-loops, symmetric norm, scatter-add, bias.
    n = x.shape[0]
    loop = jnp.arange(n)
    src = jnp.concatenate([edge_index[0], loop])
    dst = jnp.concatenate([edge_index[1], loop])
    h = x @ W
    deg = jnp.zeros((n,), dtype=h.dtype).at[dst].add(1.0)
    dinv = jnp.where(deg > 0, 1.0 / jnp.sqrt(deg), 0.0)
    norm = dinv[src] * dinv[dst]
    msg = h[src] * norm[:, None]
    out = jnp.zeros_like(h).at[dst].add(msg)
    return out + b


def reference(edge_index, edge_label_index, embedding, W1, b1, W2, b2):
    # encode (node_ids=None -> full embedding table); dropout is identity in eval mode
    x = embedding
    x = jax.nn.relu(_gcn_conv(x, edge_index, W1, b1))
    z = _gcn_conv(x, edge_index, W2, b2)
    # decode
    s = z[edge_label_index[0]]
    d = z[edge_label_index[1]]
    return (s * d).sum(axis=-1)

if __name__ == "__main__":
    import jax
    _d = setup_inputs()
    print(jax.jit(kernel)(*tuple(_d.values())))

</pallas_src>

<mosaic_0001>
#map = affine_map<(d0, d1) -> (0, 0)>
#map1 = affine_map<(d0, d1) -> (0, 0, 0, 0)>
module attributes {stable_mosaic.version = 14 : i64} {
  func.func @_aggab_body(%arg0: i32, %arg1: i32, %arg2: memref<10000x64xf32, #tpu.memory_space<hbm>>, %arg3: memref<10000x64xf32, #tpu.memory_space<hbm>>, %arg4: memref<2560x128xi32, #tpu.memory_space<hbm>>, %arg5: memref<2560x128xi32, #tpu.memory_space<hbm>>, %arg6: memref<10240x64xf32, #tpu.memory_space<hbm>>, %arg7: memref<2x2x10240x64xf32, #tpu.memory_space<hbm>>, %arg8: memref<10240x64xf32, #tpu.memory_space<vmem_shared>>, %arg9: memref<10000x64xf32, #tpu.memory_space<vmem_shared>>, %arg10: memref<40x128xi32, #tpu.memory_space<vmem>>, %arg11: memref<40x128xi32, #tpu.memory_space<vmem>>, %arg12: memref<128x64xf32, #tpu.memory_space<vmem>>, %arg13: memref<128x64xf32, #tpu.memory_space<vmem>>, %arg14: memref<128x64xf32, #tpu.memory_space<vmem>>, %arg15: memref<128x64xf32, #tpu.memory_space<vmem>>, %arg16: memref<!tpu.dma_semaphore, #tpu.memory_space<semaphore_mem>>, %arg17: memref<!tpu.dma_semaphore, #tpu.memory_space<semaphore_mem>>, %arg18: memref<!tpu.dma_semaphore, #tpu.memory_space<semaphore_mem>>, %arg19: memref<!tpu.dma_semaphore, #tpu.memory_space<semaphore_mem>>) attributes {dimension_semantics = [#tpu.dimension_semantics<core_parallel>, #tpu.dimension_semantics<subcore_parallel>], iteration_bounds = array<i64: 2, 16>, scalar_prefetch = 0 : i64, scratch_operands = 12 : i64, tpu.core_type = #tpu.core_type<sc_vector_subcore>, window_params = [{transform_indices = #map}, {transform_indices = #map}, {transform_indices = #map}, {transform_indices = #map}, {transform_indices = #map}, {transform_indices = #map1}]} {
    %mul3A = arith.constant 2 : i32
    %mul3A_0 = arith.muli %arg1, %mul3A : i32
    %add3A = arith.addi %mul3A_0, %arg0 : i32
    %mul3A_1 = arith.constant 640 : i32
    %mul3A_2 = arith.muli %arg1, %mul3A_1 : i32
    %mul3A_3 = arith.constant 625 : i32
    %mul3A_4 = arith.muli %arg1, %mul3A_3 : i32
    "tpu.region"() ({
      %run_scoped3A_187 = tpu.sem_alloc : memref<!tpu.dma_semaphore, #tpu.memory_space<semaphore_mem>>
      %dma_start3A_188 = arith.constant 0 : i32
      %dma_start3A_189 = tpu.memref_slice %arg8[%mul3A_2, %dma_start3A_188] : memref<10240x64xf32, #tpu.memory_space<vmem_shared>> -> memref<640x64xf32, #tpu.memory_space<vmem_shared>>
      %dma_start3A_190 = arith.constant 0 : i32
      %dma_start3A_191 = tpu.memref_slice %arg6[%mul3A_2, %dma_start3A_190] : memref<10240x64xf32, #tpu.memory_space<hbm>> -> memref<640x64xf32, #tpu.memory_space<hbm>>
      tpu.enqueue_dma source(%dma_start3A_191 : memref<640x64xf32, #tpu.memory_space<hbm>>) target(%dma_start3A_189 : memref<640x64xf32, #tpu.memory_space<vmem_shared>>) target_semaphore(%run_scoped3A_187 : memref<!tpu.dma_semaphore, #tpu.memory_space<semaphore_mem>>)
      %dma_wait3A = arith.constant 0 : i32
      %dma_wait3A_192 = tpu.memref_slice %arg8[%mul3A_2, %dma_wait3A] : memref<10240x64xf32, #tpu.memory_space<vmem_shared>> -> memref<640x64xf32, #tpu.memory_space<vmem_shared>>
      %dma_wait3A_193 = arith.constant 0 : i32
      %dma_wait3A_194 = tpu.memref_slice %arg6[%mul3A_2, %dma_wait3A_193] : memref<10240x64xf32, #tpu.memory_space<hbm>> -> memref<640x64xf32, #tpu.memory_space<hbm>>
      tpu.wait_dma2 semaphore(%run_scoped3A_187 : memref<!tpu.dma_semaphore, #tpu.memory_space<semaphore_mem>>) src(%dma_wait3A_194 : memref<640x64xf32, #tpu.memory_space<hbm>>) dst(%dma_wait3A_192 : memref<640x64xf32, #tpu.memory_space<vmem_shared>>)
      tpu.yield
    }) : () -> ()
    "tpu.region"() ({
      %run_scoped3A_187 = tpu.sem_alloc : memref<!tpu.dma_semaphore, #tpu.memory_space<semaphore_mem>>
      %dma_start3A_188 = arith.constant 0 : i32
      %dma_start3A_189 = tpu.memref_slice %arg9[%mul3A_4, %dma_start3A_188] : memref<10000x64xf32, #tpu.memory_space<vmem_shared>> -> memref<625x64xf32, #tpu.memory_space<vmem_shared>>
      %dma_start3A_190 = arith.constant 0 : i32
      %dma_start3A_191 = tpu.memref_slice %arg2[%mul3A_4, %dma_start3A_190] : memref<10000x64xf32, #tpu.memory_space<hbm>> -> memref<625x64xf32, #tpu.memory_space<hbm>>
      tpu.enqueue_dma source(%dma_start3A_191 : memref<625x64xf32, #tpu.memory_space<hbm>>) target(%dma_start3A_189 : memref<625x64xf32, #tpu.memory_space<vmem_shared>>) target_semaphore(%run_scoped3A_187 : memref<!tpu.dma_semaphore, #tpu.memory_space<semaphore_mem>>)
      %dma_wait3A = arith.constant 0 : i32
      %dma_wait3A_192 = tpu.memref_slice %arg9[%mul3A_4, %dma_wait3A] : memref<10000x64xf32, #tpu.memory_space<vmem_shared>> -> memref<625x64xf32, #tpu.memory_space<vmem_shared>>
      %dma_wait3A_193 = arith.constant 0 : i32
      %dma_wait3A_194 = tpu.memref_slice %arg2[%mul3A_4, %dma_wait3A_193] : memref<10000x64xf32, #tpu.memory_space<hbm>> -> memref<625x64xf32, #tpu.memory_space<hbm>>
      tpu.wait_dma2 semaphore(%run_scoped3A_187 : memref<!tpu.dma_semaphore, #tpu.memory_space<semaphore_mem>>) src(%dma_wait3A_194 : memref<625x64xf32, #tpu.memory_space<hbm>>) dst(%dma_wait3A_192 : memref<625x64xf32, #tpu.memory_space<vmem_shared>>)
      tpu.yield
    }) : () -> ()
    %barrier3A = arith.constant 0 : index
    tpu.barrier barrier_id(%barrier3A)
    %mul3A_5 = arith.constant 80 : i32
    %mul3A_6 = arith.muli %add3A, %mul3A_5 : i32
    %add3A_7 = arith.constant 0 : i32
    %add3A_8 = arith.addi %mul3A_6, %add3A_7 : i32
    "tpu.region"() ({
      %run_scoped3A_187 = tpu.sem_alloc : memref<!tpu.dma_semaphore, #tpu.memory_space<semaphore_mem>>
      %dma_start3A_188 = arith.constant 0 : i32
      %dma_start3A_189 = tpu.memref_slice %arg4[%add3A_8, %dma_start3A_188] : memref<2560x128xi32, #tpu.memory_space<hbm>> -> memref<40x128xi32, #tpu.memory_space<hbm>>
      %dma_start3A_190 = arith.constant 0 : i32
      %dma_start3A_191 = tpu.memref_slice %arg4[%add3A_8, %dma_start3A_190] : memref<2560x128xi32, #tpu.memory_space<hbm>> -> memref<40x128xi32, #tpu.memory_space<hbm>>
      tpu.enqueue_dma source(%dma_start3A_191 : memref<40x128xi32, #tpu.memory_space<hbm>>) target(%arg10 : memref<40x128xi32, #tpu.memory_space<vmem>>) target_semaphore(%run_scoped3A_187 : memref<!tpu.dma_semaphore, #tpu.memory_space<semaphore_mem>>)
      %dma_wait3A = arith.constant 0 : i32
      %dma_wait3A_192 = tpu.memref_slice %arg4[%add3A_8, %dma_wait3A] : memref<2560x128xi32, #tpu.memory_space<hbm>> -> memref<40x128xi32, #tpu.memory_space<hbm>>
      %dma_wait3A_193 = arith.constant 0 : i32
      %dma_wait3A_194 = tpu.memref_slice %arg4[%add3A_8, %dma_wait3A_193] : memref<2560x128xi32, #tpu.memory_space<hbm>> -> memref<40x128xi32, #tpu.memory_space<hbm>>
      tpu.wait_dma2 semaphore(%run_scoped3A_187 : memref<!tpu.dma_semaphore, #tpu.memory_space<semaphore_mem>>) src(%dma_wait3A_194 : memref<40x128xi32, #tpu.memory_space<hbm>>) dst(%arg10 : memref<40x128xi32, #tpu.memory_space<vmem>>)
      tpu.yield
    }) : () -> ()
    %mul3A_9 = arith.constant 80 : i32
    %mul3A_10 = arith.muli %add3A, %mul3A_9 : i32
    %add3A_11 = arith.constant 0 : i32
    %add3A_12 = arith.addi %mul3A_10, %add3A_11 : i32
    "tpu.region"() ({
      %run_scoped3A_187 = tpu.sem_alloc : memref<!tpu.dma_semaphore, #tpu.memory_space<semaphore_mem>>
      %dma_start3A_188 = arith.constant 0 : i32
      %dma_start3A_189 = tpu.memref_slice %arg5[%add3A_12, %dma_start3A_188] : memref<2560x128xi32, #tpu.memory_space<hbm>> -> memref<40x128xi32, #tpu.memory_space<hbm>>
      %dma_start3A_190 = arith.constant 0 : i32
      %dma_start3A_191 = tpu.memref_slice %arg5[%add3A_12, %dma_start3A_190] : memref<2560x128xi32, #tpu.memory_space<hbm>> -> memref<40x128xi32, #tpu.memory_space<hbm>>
      tpu.enqueue_dma source(%dma_start3A_191 : memref<40x128xi32, #tpu.memory_space<hbm>>) target(%arg11 : memref<40x128xi32, #tpu.memory_space<vmem>>) target_semaphore(%run_scoped3A_187 : memref<!tpu.dma_semaphore, #tpu.memory_space<semaphore_mem>>)
      %dma_wait3A = arith.constant 0 : i32
      %dma_wait3A_192 = tpu.memref_slice %arg5[%add3A_12, %dma_wait3A] : memref<2560x128xi32, #tpu.memory_space<hbm>> -> memref<40x128xi32, #tpu.memory_space<hbm>>
      %dma_wait3A_193 = arith.constant 0 : i32
      %dma_wait3A_194 = tpu.memref_slice %arg5[%add3A_12, %dma_wait3A_193] : memref<2560x128xi32, #tpu.memory_space<hbm>> -> memref<40x128xi32, #tpu.memory_space<hbm>>
      tpu.wait_dma2 semaphore(%run_scoped3A_187 : memref<!tpu.dma_semaphore, #tpu.memory_space<semaphore_mem>>) src(%dma_wait3A_194 : memref<40x128xi32, #tpu.memory_space<hbm>>) dst(%arg11 : memref<40x128xi32, #tpu.memory_space<vmem>>)
      tpu.yield
    }) : () -> ()
    %dma_start3A = arith.constant 0 : i32
    %dma_start3A_13 = arith.constant 0 : i32
    %dma_start3A_14 = tpu.memref_slice %arg10[%dma_start3A, %dma_start3A_13] : memref<40x128xi32, #tpu.memory_space<vmem>> -> memref<1x128xi32, #tpu.memory_space<vmem>>
    %dma_start3A_15 = tpu.memref_squeeze %dma_start3A_14 : memref<1x128xi32, #tpu.memory_space<vmem>> -> memref<128xi32, #tpu.memory_space<vmem>>
    %dma_start3A_16 = arith.constant 0 : i32
    %dma_start3A_17 = arith.constant 0 : i32
    %dma_start3A_18 = tpu.memref_slice %arg9[%dma_start3A_16, %dma_start3A_17] : memref<10000x64xf32, #tpu.memory_space<vmem_shared>> -> memref<10000x64xf32, #tpu.memory_space<vmem_shared>>
    tpu.enqueue_indirect_dma source(%dma_start3A_18 : memref<10000x64xf32, #tpu.memory_space<vmem_shared>>) target(%arg12 : memref<128x64xf32, #tpu.memory_space<vmem>>) offsets(%dma_start3A_15 : memref<128xi32, #tpu.memory_space<vmem>>) semaphore(%arg16 : memref<!tpu.dma_semaphore, #tpu.memory_space<semaphore_mem>>)
    %dma_start3A_19 = arith.constant 1 : i32
    %dma_start3A_20 = arith.constant 0 : i32
    %dma_start3A_21 = tpu.memref_slice %arg10[%dma_start3A_19, %dma_start3A_20] : memref<40x128xi32, #tpu.memory_space<vmem>> -> memref<1x128xi32, #tpu.memory_space<vmem>>
    %dma_start3A_22 = tpu.memref_squeeze %dma_start3A_21 : memref<1x128xi32, #tpu.memory_space<vmem>> -> memref<128xi32, #tpu.memory_space<vmem>>
    %dma_start3A_23 = arith.constant 0 : i32
    %dma_start3A_24 = arith.constant 0 : i32
    %dma_start3A_25 = tpu.memref_slice %arg9[%dma_start3A_23, %dma_start3A_24] : memref<10000x64xf32, #tpu.memory_space<vmem_shared>> -> memref<10000x64xf32, #tpu.memory_space<vmem_shared>>
    tpu.enqueue_indirect_dma source(%dma_start3A_25 : memref<10000x64xf32, #tpu.memory_space<vmem_shared>>) target(%arg13 : memref<128x64xf32, #tpu.memory_space<vmem>>) offsets(%dma_start3A_22 : memref<128xi32, #tpu.memory_space<vmem>>) semaphore(%arg17 : memref<!tpu.dma_semaphore, #tpu.memory_space<semaphore_mem>>)
    %dma_start3A_26 = arith.constant 2 : i32
    %dma_start3A_27 = arith.constant 0 : i32
    %dma_start3A_28 = tpu.memref_slice %arg10[%dma_start3A_26, %dma_start3A_27] : memref<40x128xi32, #tpu.memory_space<vmem>> -> memref<1x128xi32, #tpu.memory_space<vmem>>
    %dma_start3A_29 = tpu.memref_squeeze %dma_start3A_28 : memref<1x128xi32, #tpu.memory_space<vmem>> -> memref<128xi32, #tpu.memory_space<vmem>>
    %dma_start3A_30 = arith.constant 0 : i32
    %dma_start3A_31 = arith.constant 0 : i32
    %dma_start3A_32 = tpu.memref_slice %arg9[%dma_start3A_30, %dma_start3A_31] : memref<10000x64xf32, #tpu.memory_space<vmem_shared>> -> memref<10000x64xf32, #tpu.memory_space<vmem_shared>>
    tpu.enqueue_indirect_dma source(%dma_start3A_32 : memref<10000x64xf32, #tpu.memory_space<vmem_shared>>) target(%arg14 : memref<128x64xf32, #tpu.memory_space<vmem>>) offsets(%dma_start3A_29 : memref<128xi32, #tpu.memory_space<vmem>>) semaphore(%arg18 : memref<!tpu.dma_semaphore, #tpu.memory_space<semaphore_mem>>)
    %dma_start3A_33 = arith.constant 3 : i32
    %dma_start3A_34 = arith.constant 0 : i32
    %dma_start3A_35 = tpu.memref_slice %arg10[%dma_start3A_33, %dma_start3A_34] : memref<40x128xi32, #tpu.memory_space<vmem>> -> memref<1x128xi32, #tpu.memory_space<vmem>>
    %dma_start3A_36 = tpu.memref_squeeze %dma_start3A_35 : memref<1x128xi32, #tpu.memory_space<vmem>> -> memref<128xi32, #tpu.memory_space<vmem>>
    %dma_start3A_37 = arith.constant 0 : i32
    %dma_start3A_38 = arith.constant 0 : i32
    %dma_start3A_39 = tpu.memref_slice %arg9[%dma_start3A_37, %dma_start3A_38] : memref<10000x64xf32, #tpu.memory_space<vmem_shared>> -> memref<10000x64xf32, #tpu.memory_space<vmem_shared>>
    tpu.enqueue_indirect_dma source(%dma_start3A_39 : memref<10000x64xf32, #tpu.memory_space<vmem_shared>>) target(%arg15 : memref<128x64xf32, #tpu.memory_space<vmem>>) offsets(%dma_start3A_36 : memref<128xi32, #tpu.memory_space<vmem>>) semaphore(%arg19 : memref<!tpu.dma_semaphore, #tpu.memory_space<semaphore_mem>>)
    %scan3A = arith.constant 0 : i32
    %scan3A_40 = arith.constant 0 : i32
    %scan3A_41 = arith.constant 10 : i32
    %scan3A_42 = arith.addi %scan3A_40, %scan3A_41 : i32
    %scan3A_43 = arith.constant 1 : i32
    %scan3A_44 = scf.for %scan3A_187 = %scan3A_40 to %scan3A_42 step %scan3A_43 iter_args(%scan3A_188 = %scan3A) -> (i32)  : i32 {
      %mul3A_189 = arith.constant 4 : i32
      %mul3A_190 = arith.muli %mul3A_189, %scan3A_187 : i32
      %add3A_191 = arith.constant 0 : i32
      %add3A_192 = arith.addi %mul3A_190, %add3A_191 : i32
      %dma_wait3A = arith.constant 0 : i32
      %dma_wait3A_193 = tpu.memref_slice %arg10[%add3A_192, %dma_wait3A] : memref<40x128xi32, #tpu.memory_space<vmem>> -> memref<1x128xi32, #tpu.memory_space<vmem>>
      %dma_wait3A_194 = tpu.memref_squeeze %dma_wait3A_193 : memref<1x128xi32, #tpu.memory_space<vmem>> -> memref<128xi32, #tpu.memory_space<vmem>>
      %dma_wait3A_195 = arith.constant 0 : i32
      %dma_wait3A_196 = arith.constant 0 : i32
      %dma_wait3A_197 = tpu.memref_slice %arg9[%dma_wait3A_195, %dma_wait3A_196] : memref<10000x64xf32, #tpu.memory_space<vmem_shared>> -> memref<10000x64xf32, #tpu.memory_space<vmem_shared>>
      tpu.wait_indirect_dma semaphore(%arg16 : memref<!tpu.dma_semaphore, #tpu.memory_space<semaphore_mem>>) src(%dma_wait3A_197 : memref<10000x64xf32, #tpu.memory_space<vmem_shared>>) dst(%arg12 : memref<128x64xf32, #tpu.memory_space<vmem>>)
      %add3A_198 = arith.constant 0 : i32
      %add3A_199 = arith.addi %mul3A_190, %add3A_198 : i32
      "tpu.region"() ({
        %run_scoped3A_264 = tpu.sem_alloc : memref<!tpu.dma_semaphore, #tpu.memory_space<semaphore_mem>>
        %dma_start3A_265 = arith.constant 0 : i32
        %dma_start3A_266 = tpu.memref_slice %arg11[%add3A_199, %dma_start3A_265] : memref<40x128xi32, #tpu.memory_space<vmem>> -> memref<1x128xi32, #tpu.memory_space<vmem>>
        %dma_start3A_267 = tpu.memref_squeeze %dma_start3A_266 : memref<1x128xi32, #tpu.memory_space<vmem>> -> memref<128xi32, #tpu.memory_space<vmem>>
        %dma_start3A_268 = arith.constant 0 : i32
        %dma_start3A_269 = arith.constant 0 : i32
        %dma_start3A_270 = tpu.memref_slice %arg8[%dma_start3A_268, %dma_start3A_269] : memref<10240x64xf32, #tpu.memory_space<vmem_shared>> -> memref<10240x64xf32, #tpu.memory_space<vmem_shared>>
        tpu.enqueue_indirect_dma source(%arg12 : memref<128x64xf32, #tpu.memory_space<vmem>>) target(%dma_start3A_270 : memref<10240x64xf32, #tpu.memory_space<vmem_shared>>) offsets(%dma_start3A_267 : memref<128xi32, #tpu.memory_space<vmem>>) semaphore(%run_scoped3A_264 : memref<!tpu.dma_semaphore, #tpu.memory_space<semaphore_mem>>) {add = true}
        %dma_wait3A_271 = arith.constant 0 : i32
        %dma_wait3A_272 = tpu.memref_slice %arg11[%add3A_199, %dma_wait3A_271] : memref<40x128xi32, #tpu.memory_space<vmem>> -> memref<1x128xi32, #tpu.memory_space<vmem>>
        %dma_wait3A_273 = tpu.memref_squeeze %dma_wait3A_272 : memref<1x128xi32, #tpu.memory_space<vmem>> -> memref<128xi32, #tpu.memory_space<vmem>>
        %dma_wait3A_274 = arith.constant 0 : i32
        %dma_wait3A_275 = arith.constant 0 : i32
        %dma_wait3A_276 = tpu.memref_slice %arg8[%dma_wait3A_274, %dma_wait3A_275] : memref<10240x64xf32, #tpu.memory_space<vmem_shared>> -> memref<10240x64xf32, #tpu.memory_space<vmem_shared>>
        tpu.wait_indirect_dma semaphore(%run_scoped3A_264 : memref<!tpu.dma_semaphore, #tpu.memory_space<semaphore_mem>>) src(%arg12 : memref<128x64xf32, #tpu.memory_space<vmem>>) dst(%dma_wait3A_276 : memref<10240x64xf32, #tpu.memory_space<vmem_shared>>)
        tpu.yield
      }) : () -> ()
      %add3A_200 = arith.constant 0 : i32
      %add3A_201 = arith.addi %mul3A_190, %add3A_200 : i32
      %add3A_202 = arith.constant 4 : i32
      %add3A_203 = arith.addi %add3A_201, %add3A_202 : i32
      %lt3A = arith.constant 40 : i32
      %lt3A_204 = arith.cmpi slt, %add3A_203, %lt3A : i32
      %convert_element_type3A = arith.extui %lt3A_204 : i1 to i32
      %cond3A = arith.constant 0 : i32
      %cond3A_205 = arith.cmpi ne, %convert_element_type3A, %cond3A : i32
      scf.if %cond3A_205 {
        %add3A_264 = arith.constant 0 : i32
        %add3A_265 = arith.addi %mul3A_190, %add3A_264 : i32
        %add3A_266 = arith.constant 4 : i32
        %add3A_267 = arith.addi %add3A_265, %add3A_266 : i32
        %dma_start3A_268 = arith.constant 0 : i32
        %dma_start3A_269 = tpu.memref_slice %arg10[%add3A_267, %dma_start3A_268] : memref<40x128xi32, #tpu.memory_space<vmem>> -> memref<1x128xi32, #tpu.memory_space<vmem>>
        %dma_start3A_270 = tpu.memref_squeeze %dma_start3A_269 : memref<1x128xi32, #tpu.memory_space<vmem>> -> memref<128xi32, #tpu.memory_space<vmem>>
        %dma_start3A_271 = arith.constant 0 : i32
        %dma_start3A_272 = arith.constant 0 : i32
        %dma_start3A_273 = tpu.memref_slice %arg9[%dma_start3A_271, %dma_start3A_272] : memref<10000x64xf32, #tpu.memory_space<vmem_shared>> -> memref<10000x64xf32, #tpu.memory_space<vmem_shared>>
        tpu.enqueue_indirect_dma source(%dma_start3A_273 : memref<10000x64xf32, #tpu.memory_space<vmem_shared>>) target(%arg12 : memref<128x64xf32, #tpu.memory_space<vmem>>) offsets(%dma_start3A_270 : memref<128xi32, #tpu.memory_space<vmem>>) semaphore(%arg16 : memref<!tpu.dma_semaphore, #tpu.memory_space<semaphore_mem>>)
      } else {
      }
      %add3A_206 = arith.constant 1 : i32
      %add3A_207 = arith.addi %mul3A_190, %add3A_206 : i32
      %dma_wait3A_208 = arith.constant 0 : i32
      %dma_wait3A_209 = tpu.memref_slice %arg10[%add3A_207, %dma_wait3A_208] : memref<40x128xi32, #tpu.memory_space<vmem>> -> memref<1x128xi32, #tpu.memory_space<vmem>>
      %dma_wait3A_210 = tpu.memref_squeeze %dma_wait3A_209 : memref<1x128xi32, #tpu.memory_space<vmem>> -> memref<128xi32, #tpu.memory_space<vmem>>
      %dma_wait3A_211 = arith.constant 0 : i32
      %dma_wait3A_212 = arith.constant 0 : i32
      %dma_wait3A_213 = tpu.memref_slice %arg9[%dma_wait3A_211, %dma_wait3A_212] : memref<10000x64xf32, #tpu.memory_space<vmem_shared>> -> memref<10000x64xf32, #tpu.memory_space<vmem_shared>>
      tpu.wait_indirect_dma semaphore(%arg17 : memref<!tpu.dma_semaphore, #tpu.memory_space<semaphore_mem>>) src(%dma_wait3A_213 : memref<10000x64xf32, #tpu.memory_space<vmem_shared>>) dst(%arg13 : memref<128x64xf32, #tpu.memory_space<vmem>>)
      %add3A_214 = arith.constant 1 : i32
      %add3A_215 = arith.addi %mul3A_190, %add3A_214 : i32
      "tpu.region"() ({
        %run_scoped3A_264 = tpu.sem_alloc : memref<!tpu.dma_semaphore, #tpu.memory_space<semaphore_mem>>
        %dma_start3A_265 = arith.constant 0 : i32
        %dma_start3A_266 = tpu.memref_slice %arg11[%add3A_215, %dma_start3A_265] : memref<40x128xi32, #tpu.memory_space<vmem>> -> memref<1x128xi32, #tpu.memory_space<vmem>>
        %dma_start3A_267 = tpu.memref_squeeze %dma_start3A_266 : memref<1x128xi32, #tpu.memory_space<vmem>> -> memref<128xi32, #tpu.memory_space<vmem>>
        %dma_start3A_268 = arith.constant 0 : i32
        %dma_start3A_269 = arith.constant 0 : i32
        %dma_start3A_270 = tpu.memref_slice %arg8[%dma_start3A_268, %dma_start3A_269] : memref<10240x64xf32, #tpu.memory_space<vmem_shared>> -> memref<10240x64xf32, #tpu.memory_space<vmem_shared>>
        tpu.enqueue_indirect_dma source(%arg13 : memref<128x64xf32, #tpu.memory_space<vmem>>) target(%dma_start3A_270 : memref<10240x64xf32, #tpu.memory_space<vmem_shared>>) offsets(%dma_start3A_267 : memref<128xi32, #tpu.memory_space<vmem>>) semaphore(%run_scoped3A_264 : memref<!tpu.dma_semaphore, #tpu.memory_space<semaphore_mem>>) {add = true}
        %dma_wait3A_271 = arith.constant 0 : i32
        %dma_wait3A_272 = tpu.memref_slice %arg11[%add3A_215, %dma_wait3A_271] : memref<40x128xi32, #tpu.memory_space<vmem>> -> memref<1x128xi32, #tpu.memory_space<vmem>>
        %dma_wait3A_273 = tpu.memref_squeeze %dma_wait3A_272 : memref<1x128xi32, #tpu.memory_space<vmem>> -> memref<128xi32, #tpu.memory_space<vmem>>
        %dma_wait3A_274 = arith.constant 0 : i32
        %dma_wait3A_275 = arith.constant 0 : i32
        %dma_wait3A_276 = tpu.memref_slice %arg8[%dma_wait3A_274, %dma_wait3A_275] : memref<10240x64xf32, #tpu.memory_space<vmem_shared>> -> memref<10240x64xf32, #tpu.memory_space<vmem_shared>>
        tpu.wait_indirect_dma semaphore(%run_scoped3A_264 : memref<!tpu.dma_semaphore, #tpu.memory_space<semaphore_mem>>) src(%arg13 : memref<128x64xf32, #tpu.memory_space<vmem>>) dst(%dma_wait3A_276 : memref<10240x64xf32, #tpu.memory_space<vmem_shared>>)
        tpu.yield
      }) : () -> ()
      %add3A_216 = arith.constant 1 : i32
      %add3A_217 = arith.addi %mul3A_190, %add3A_216 : i32
      %add3A_218 = arith.constant 4 : i32
      %add3A_219 = arith.addi %add3A_217, %add3A_218 : i32
      %lt3A_220 = arith.constant 40 : i32
      %lt3A_221 = arith.cmpi slt, %add3A_219, %lt3A_220 : i32
      %convert_element_type3A_222 = arith.extui %lt3A_221 : i1 to i32
      %cond3A_223 = arith.constant 0 : i32
      %cond3A_224 = arith.cmpi ne, %convert_element_type3A_222, %cond3A_223 : i32
      scf.if %cond3A_224 {
        %add3A_264 = arith.constant 1 : i32
        %add3A_265 = arith.addi %mul3A_190, %add3A_264 : i32
        %add3A_266 = arith.constant 4 : i32
        %add3A_267 = arith.addi %add3A_265, %add3A_266 : i32
        %dma_start3A_268 = arith.constant 0 : i32
        %dma_start3A_269 = tpu.memref_slice %arg10[%add3A_267, %dma_start3A_268] : memref<40x128xi32, #tpu.memory_space<vmem>> -> memref<1x128xi32, #tpu.memory_space<vmem>>
        %dma_start3A_270 = tpu.memref_squeeze %dma_start3A_269 : memref<1x128xi32, #tpu.memory_space<vmem>> -> memref<128xi32, #tpu.memory_space<vmem>>
        %dma_start3A_271 = arith.constant 0 : i32
        %dma_start3A_272 = arith.constant 0 : i32
        %dma_start3A_273 = tpu.memref_slice %arg9[%dma_start3A_271, %dma_start3A_272] : memref<10000x64xf32, #tpu.memory_space<vmem_shared>> -> memref<10000x64xf32, #tpu.memory_space<vmem_shared>>
        tpu.enqueue_indirect_dma source(%dma_start3A_273 : memref<10000x64xf32, #tpu.memory_space<vmem_shared>>) target(%arg13 : memref<128x64xf32, #tpu.memory_space<vmem>>) offsets(%dma_start3A_270 : memref<128xi32, #tpu.memory_space<vmem>>) semaphore(%arg17 : memref<!tpu.dma_semaphore, #tpu.memory_space<semaphore_mem>>)
      } else {
      }
      %add3A_225 = arith.constant 2 : i32
      %add3A_226 = arith.addi %mul3A_190, %add3A_225 : i32
      %dma_wait3A_227 = arith.constant 0 : i32
      %dma_wait3A_228 = tpu.memref_slice %arg10[%add3A_226, %dma_wait3A_227] : memref<40x128xi32, #tpu.memory_space<vmem>> -> memref<1x128xi32, #tpu.memory_space<vmem>>
      %dma_wait3A_229 = tpu.memref_squeeze %dma_wait3A_228 : memref<1x128xi32, #tpu.memory_space<vmem>> -> memref<128xi32, #tpu.memory_space<vmem>>
      %dma_wait3A_230 = arith.constant 0 : i32
      %dma_wait3A_231 = arith.constant 0 : i32
      %dma_wait3A_232 = tpu.memref_slice %arg9[%dma_wait3A_230, %dma_wait3A_231] : memref<10000x64xf32, #tpu.memory_space<vmem_shared>> -> memref<10000x64xf32, #tpu.memory_space<vmem_shared>>
      tpu.wait_indirect_dma semaphore(%arg18 : memref<!tpu.dma_semaphore, #tpu.memory_space<semaphore_mem>>) src(%dma_wait3A_232 : memref<10000x64xf32, #tpu.memory_space<vmem_shared>>) dst(%arg14 : memref<128x64xf32, #tpu.memory_space<vmem>>)
      %add3A_233 = arith.constant 2 : i32
      %add3A_234 = arith.addi %mul3A_190, %add3A_233 : i32
      "tpu.region"() ({
        %run_scoped3A_264 = tpu.sem_alloc : memref<!tpu.dma_semaphore, #tpu.memory_space<semaphore_mem>>
        %dma_start3A_265 = arith.constant 0 : i32
        %dma_start3A_266 = tpu.memref_slice %arg11[%add3A_234, %dma_start3A_265] : memref<40x128xi32, #tpu.memory_space<vmem>> -> memref<1x128xi32, #tpu.memory_space<vmem>>
        %dma_start3A_267 = tpu.memref_squeeze %dma_start3A_266 : memref<1x128xi32, #tpu.memory_space<vmem>> -> memref<128xi32, #tpu.memory_space<vmem>>
        %dma_start3A_268 = arith.constant 0 : i32
        %dma_start3A_269 = arith.constant 0 : i32
        %dma_start3A_270 = tpu.memref_slice %arg8[%dma_start3A_268, %dma_start3A_269] : memref<10240x64xf32, #tpu.memory_space<vmem_shared>> -> memref<10240x64xf32, #tpu.memory_space<vmem_shared>>
        tpu.enqueue_indirect_dma source(%arg14 : memref<128x64xf32, #tpu.memory_space<vmem>>) target(%dma_start3A_270 : memref<10240x64xf32, #tpu.memory_space<vmem_shared>>) offsets(%dma_start3A_267 : memref<128xi32, #tpu.memory_space<vmem>>) semaphore(%run_scoped3A_264 : memref<!tpu.dma_semaphore, #tpu.memory_space<semaphore_mem>>) {add = true}
        %dma_wait3A_271 = arith.constant 0 : i32
        %dma_wait3A_272 = tpu.memref_slice %arg11[%add3A_234, %dma_wait3A_271] : memref<40x128xi32, #tpu.memory_space<vmem>> -> memref<1x128xi32, #tpu.memory_space<vmem>>
        %dma_wait3A_273 = tpu.memref_squeeze %dma_wait3A_272 : memref<1x128xi32, #tpu.memory_space<vmem>> -> memref<128xi32, #tpu.memory_space<vmem>>
        %dma_wait3A_274 = arith.constant 0 : i32
        %dma_wait3A_275 = arith.constant 0 : i32
        %dma_wait3A_276 = tpu.memref_slice %arg8[%dma_wait3A_274, %dma_wait3A_275] : memref<10240x64xf32, #tpu.memory_space<vmem_shared>> -> memref<10240x64xf32, #tpu.memory_space<vmem_shared>>
        tpu.wait_indirect_dma semaphore(%run_scoped3A_264 : memref<!tpu.dma_semaphore, #tpu.memory_space<semaphore_mem>>) src(%arg14 : memref<128x64xf32, #tpu.memory_space<vmem>>) dst(%dma_wait3A_276 : memref<10240x64xf32, #tpu.memory_space<vmem_shared>>)
        tpu.yield
      }) : () -> ()
      %add3A_235 = arith.constant 2 : i32
      %add3A_236 = arith.addi %mul3A_190, %add3A_235 : i32
      %add3A_237 = arith.constant 4 : i32
      %add3A_238 = arith.addi %add3A_236, %add3A_237 : i32
      %lt3A_239 = arith.constant 40 : i32
      %lt3A_240 = arith.cmpi slt, %add3A_238, %lt3A_239 : i32
      %convert_element_type3A_241 = arith.extui %lt3A_240 : i1 to i32
      %cond3A_242 = arith.constant 0 : i32
      %cond3A_243 = arith.cmpi ne, %convert_element_type3A_241, %cond3A_242 : i32
      scf.if %cond3A_243 {
        %add3A_264 = arith.constant 2 : i32
        %add3A_265 = arith.addi %mul3A_190, %add3A_264 : i32
        %add3A_266 = arith.constant 4 : i32
        %add3A_267 = arith.addi %add3A_265, %add3A_266 : i32
        %dma_start3A_268 = arith.constant 0 : i32
        %dma_start3A_269 = tpu.memref_slice %arg10[%add3A_267, %dma_start3A_268] : memref<40x128xi32, #tpu.memory_space<vmem>> -> memref<1x128xi32, #tpu.memory_space<vmem>>
        %dma_start3A_270 = tpu.memref_squeeze %dma_start3A_269 : memref<1x128xi32, #tpu.memory_space<vmem>> -> memref<128xi32, #tpu.memory_space<vmem>>
        %dma_start3A_271 = arith.constant 0 : i32
        %dma_start3A_272 = arith.constant 0 : i32
        %dma_start3A_273 = tpu.memref_slice %arg9[%dma_start3A_271, %dma_start3A_272] : memref<10000x64xf32, #tpu.memory_space<vmem_shared>> -> memref<10000x64xf32, #tpu.memory_space<vmem_shared>>
        tpu.enqueue_indirect_dma source(%dma_start3A_273 : memref<10000x64xf32, #tpu.memory_space<vmem_shared>>) target(%arg14 : memref<128x64xf32, #tpu.memory_space<vmem>>) offsets(%dma_start3A_270 : memref<128xi32, #tpu.memory_space<vmem>>) semaphore(%arg18 : memref<!tpu.dma_semaphore, #tpu.memory_space<semaphore_mem>>)
      } else {
      }
      %add3A_244 = arith.constant 3 : i32
      %add3A_245 = arith.addi %mul3A_190, %add3A_244 : i32
      %dma_wait3A_246 = arith.constant 0 : i32
      %dma_wait3A_247 = tpu.memref_slice %arg10[%add3A_245, %dma_wait3A_246] : memref<40x128xi32, #tpu.memory_space<vmem>> -> memref<1x128xi32, #tpu.memory_space<vmem>>
      %dma_wait3A_248 = tpu.memref_squeeze %dma_wait3A_247 : memref<1x128xi32, #tpu.memory_space<vmem>> -> memref<128xi32, #tpu.memory_space<vmem>>
      %dma_wait3A_249 = arith.constant 0 : i32
      %dma_wait3A_250 = arith.constant 0 : i32
      %dma_wait3A_251 = tpu.memref_slice %arg9[%dma_wait3A_249, %dma_wait3A_250] : memref<10000x64xf32, #tpu.memory_space<vmem_shared>> -> memref<10000x64xf32, #tpu.memory_space<vmem_shared>>
      tpu.wait_indirect_dma semaphore(%arg19 : memref<!tpu.dma_semaphore, #tpu.memory_space<semaphore_mem>>) src(%dma_wait3A_251 : memref<10000x64xf32, #tpu.memory_space<vmem_shared>>) dst(%arg15 : memref<128x64xf32, #tpu.memory_space<vmem>>)
      %add3A_252 = arith.constant 3 : i32
      %add3A_253 = arith.addi %mul3A_190, %add3A_252 : i32
      "tpu.region"() ({
        %run_scoped3A_264 = tpu.sem_alloc : memref<!tpu.dma_semaphore, #tpu.memory_space<semaphore_mem>>
        %dma_start3A_265 = arith.constant 0 : i32
        %dma_start3A_266 = tpu.memref_slice %arg11[%add3A_253, %dma_start3A_265] : memref<40x128xi32, #tpu.memory_space<vmem>> -> memref<1x128xi32, #tpu.memory_space<vmem>>
        %dma_start3A_267 = tpu.memref_squeeze %dma_start3A_266 : memref<1x128xi32, #tpu.memory_space<vmem>> -> memref<128xi32, #tpu.memory_space<vmem>>
        %dma_start3A_268 = arith.constant 0 : i32
        %dma_start3A_269 = arith.constant 0 : i32
        %dma_start3A_270 = tpu.memref_slice %arg8[%dma_start3A_268, %dma_start3A_269] : memref<10240x64xf32, #tpu.memory_space<vmem_shared>> -> memref<10240x64xf32, #tpu.memory_space<vmem_shared>>
        tpu.enqueue_indirect_dma source(%arg15 : memref<128x64xf32, #tpu.memory_space<vmem>>) target(%dma_start3A_270 : memref<10240x64xf32, #tpu.memory_space<vmem_shared>>) offsets(%dma_start3A_267 : memref<128xi32, #tpu.memory_space<vmem>>) semaphore(%run_scoped3A_264 : memref<!tpu.dma_semaphore, #tpu.memory_space<semaphore_mem>>) {add = true}
        %dma_wait3A_271 = arith.constant 0 : i32
        %dma_wait3A_272 = tpu.memref_slice %arg11[%add3A_253, %dma_wait3A_271] : memref<40x128xi32, #tpu.memory_space<vmem>> -> memref<1x128xi32, #tpu.memory_space<vmem>>
        %dma_wait3A_273 = tpu.memref_squeeze %dma_wait3A_272 : memref<1x128xi32, #tpu.memory_space<vmem>> -> memref<128xi32, #tpu.memory_space<vmem>>
        %dma_wait3A_274 = arith.constant 0 : i32
        %dma_wait3A_275 = arith.constant 0 : i32
        %dma_wait3A_276 = tpu.memref_slice %arg8[%dma_wait3A_274, %dma_wait3A_275] : memref<10240x64xf32, #tpu.memory_space<vmem_shared>> -> memref<10240x64xf32, #tpu.memory_space<vmem_shared>>
        tpu.wait_indirect_dma semaphore(%run_scoped3A_264 : memref<!tpu.dma_semaphore, #tpu.memory_space<semaphore_mem>>) src(%arg15 : memref<128x64xf32, #tpu.memory_space<vmem>>) dst(%dma_wait3A_276 : memref<10240x64xf32, #tpu.memory_space<vmem_shared>>)
        tpu.yield
      }) : () -> ()
      %add3A_254 = arith.constant 3 : i32
      %add3A_255 = arith.addi %mul3A_190, %add3A_254 : i32
      %add3A_256 = arith.constant 4 : i32
      %add3A_257 = arith.addi %add3A_255, %add3A_256 : i32
      %lt3A_258 = arith.constant 40 : i32
      %lt3A_259 = arith.cmpi slt, %add3A_257, %lt3A_258 : i32
      %convert_element_type3A_260 = arith.extui %lt3A_259 : i1 to i32
      %cond3A_261 = arith.constant 0 : i32
      %cond3A_262 = arith.cmpi ne, %convert_element_type3A_260, %cond3A_261 : i32
      scf.if %cond3A_262 {
        %add3A_264 = arith.constant 3 : i32
        %add3A_265 = arith.addi %mul3A_190, %add3A_264 : i32
        %add3A_266 = arith.constant 4 : i32
        %add3A_267 = arith.addi %add3A_265, %add3A_266 : i32
        %dma_start3A_268 = arith.constant 0 : i32
        %dma_start3A_269 = tpu.memref_slice %arg10[%add3A_267, %dma_start3A_268] : memref<40x128xi32, #tpu.memory_space<vmem>> -> memref<1x128xi32, #tpu.memory_space<vmem>>
        %dma_start3A_270 = tpu.memref_squeeze %dma_start3A_269 : memref<1x128xi32, #tpu.memory_space<vmem>> -> memref<128xi32, #tpu.memory_space<vmem>>
        %dma_start3A_271 = arith.constant 0 : i32
        %dma_start3A_272 = arith.constant 0 : i32
        %dma_start3A_273 = tpu.memref_slice %arg9[%dma_start3A_271, %dma_start3A_272] : memref<10000x64xf32, #tpu.memory_space<vmem_shared>> -> memref<10000x64xf32, #tpu.memory_space<vmem_shared>>
        tpu.enqueue_indirect_dma source(%dma_start3A_273 : memref<10000x64xf32, #tpu.memory_space<vmem_shared>>) target(%arg15 : memref<128x64xf32, #tpu.memory_space<vmem>>) offsets(%dma_start3A_270 : memref<128xi32, #tpu.memory_space<vmem>>) semaphore(%arg19 : memref<!tpu.dma_semaphore, #tpu.memory_space<semaphore_mem>>)
      } else {
      }
      %scan3A_263 = arith.constant 0 : i32
      scf.yield %scan3A_263 : i32
    }
    %scan3A_45 = arith.constant 10 : i32
    %mul3A_46 = arith.constant 80 : i32
    %mul3A_47 = arith.muli %add3A, %mul3A_46 : i32
    %add3A_48 = arith.constant 40 : i32
    %add3A_49 = arith.addi %mul3A_47, %add3A_48 : i32
    "tpu.region"() ({
      %run_scoped3A_187 = tpu.sem_alloc : memref<!tpu.dma_semaphore, #tpu.memory_space<semaphore_mem>>
      %dma_start3A_188 = arith.constant 0 : i32
      %dma_start3A_189 = tpu.memref_slice %arg4[%add3A_49, %dma_start3A_188] : memref<2560x128xi32, #tpu.memory_space<hbm>> -> memref<40x128xi32, #tpu.memory_space<hbm>>
      %dma_start3A_190 = arith.constant 0 : i32
      %dma_start3A_191 = tpu.memref_slice %arg4[%add3A_49, %dma_start3A_190] : memref<2560x128xi32, #tpu.memory_space<hbm>> -> memref<40x128xi32, #tpu.memory_space<hbm>>
      tpu.enqueue_dma source(%dma_start3A_191 : memref<40x128xi32, #tpu.memory_space<hbm>>) target(%arg10 : memref<40x128xi32, #tpu.memory_space<vmem>>) target_semaphore(%run_scoped3A_187 : memref<!tpu.dma_semaphore, #tpu.memory_space<semaphore_mem>>)
      %dma_wait3A = arith.constant 0 : i32
      %dma_wait3A_192 = tpu.memref_slice %arg4[%add3A_49, %dma_wait3A] : memref<2560x128xi32, #tpu.memory_space<hbm>> -> memref<40x128xi32, #tpu.memory_space<hbm>>
      %dma_wait3A_193 = arith.constant 0 : i32
      %dma_wait3A_194 = tpu.memref_slice %arg4[%add3A_49, %dma_wait3A_193] : memref<2560x128xi32, #tpu.memory_space<hbm>> -> memref<40x128xi32, #tpu.memory_space<hbm>>
      tpu.wait_dma2 semaphore(%run_scoped3A_187 : memref<!tpu.dma_semaphore, #tpu.memory_space<semaphore_mem>>) src(%dma_wait3A_194 : memref<40x128xi32, #tpu.memory_space<hbm>>) dst(%arg10 : memref<40x128xi32, #tpu.memory_space<vmem>>)
      tpu.yield
    }) : () -> ()
    %mul3A_50 = arith.constant 80 : i32
    %mul3A_51 = arith.muli %add3A, %mul3A_50 : i32
    %add3A_52 = arith.constant 40 : i32
    %add3A_53 = arith.addi %mul3A_51, %add3A_52 : i32
    "tpu.region"() ({
      %run_scoped3A_187 = tpu.sem_alloc : memref<!tpu.dma_semaphore, #tpu.memory_space<semaphore_mem>>
      %dma_start3A_188 = arith.constant 0 : i32
      %dma_start3A_189 = tpu.memref_slice %arg5[%add3A_53, %dma_start3A_188] : memref<2560x128xi32, #tpu.memory_space<hbm>> -> memref<40x128xi32, #tpu.memory_space<hbm>>
      %dma_start3A_190 = arith.constant 0 : i32
      %dma_start3A_191 = tpu.memref_slice %arg5[%add3A_53, %dma_start3A_190] : memref<2560x128xi32, #tpu.memory_space<hbm>> -> memref<40x128xi32, #tpu.memory_space<hbm>>
      tpu.enqueue_dma source(%dma_start3A_191 : memref<40x128xi32, #tpu.memory_space<hbm>>) target(%arg11 : memref<40x128xi32, #tpu.memory_space<vmem>>) target_semaphore(%run_scoped3A_187 : memref<!tpu.dma_semaphore, #tpu.memory_space<semaphore_mem>>)
      %dma_wait3A = arith.constant 0 : i32
      %dma_wait3A_192 = tpu.memref_slice %arg5[%add3A_53, %dma_wait3A] : memref<2560x128xi32, #tpu.memory_space<hbm>> -> memref<40x128xi32, #tpu.memory_space<hbm>>
      %dma_wait3A_193 = arith.constant 0 : i32
      %dma_wait3A_194 = tpu.memref_slice %arg5[%add3A_53, %dma_wait3A_193] : memref<2560x128xi32, #tpu.memory_space<hbm>> -> memref<40x128xi32, #tpu.memory_space<hbm>>
      tpu.wait_dma2 semaphore(%run_scoped3A_187 : memref<!tpu.dma_semaphore, #tpu.memory_space<semaphore_mem>>) src(%dma_wait3A_194 : memref<40x128xi32, #tpu.memory_space<hbm>>) dst(%arg11 : memref<40x128xi32, #tpu.memory_space<vmem>>)
      tpu.yield
    }) : () -> ()
    %dma_start3A_54 = arith.constant 0 : i32
    %dma_start3A_55 = arith.constant 0 : i32
    %dma_start3A_56 = tpu.memref_slice %arg10[%dma_start3A_54, %dma_start3A_55] : memref<40x128xi32, #tpu.memory_space<vmem>> -> memref<1x128xi32, #tpu.memory_space<vmem>>
    %dma_start3A_57 = tpu.memref_squeeze %dma_start3A_56 : memref<1x128xi32, #tpu.memory_space<vmem>> -> memref<128xi32, #tpu.memory_space<vmem>>
    %dma_start3A_58 = arith.constant 0 : i32
    %dma_start3A_59 = arith.constant 0 : i32
    %dma_start3A_60 = tpu.memref_slice %arg9[%dma_start3A_58, %dma_start3A_59] : memref<10000x64xf32, #tpu.memory_space<vmem_shared>> -> memref<10000x64xf32, #tpu.memory_space<vmem_shared>>
    tpu.enqueue_indirect_dma source(%dma_start3A_60 : memref<10000x64xf32, #tpu.memory_space<vmem_shared>>) target(%arg12 : memref<128x64xf32, #tpu.memory_space<vmem>>) offsets(%dma_start3A_57 : memref<128xi32, #tpu.memory_space<vmem>>) semaphore(%arg16 : memref<!tpu.dma_semaphore, #tpu.memory_space<semaphore_mem>>)
    %dma_start3A_61 = arith.constant 1 : i32
    %dma_start3A_62 = arith.constant 0 : i32
    %dma_start3A_63 = tpu.memref_slice %arg10[%dma_start3A_61, %dma_start3A_62] : memref<40x128xi32, #tpu.memory_space<vmem>> -> memref<1x128xi32, #tpu.memory_space<vmem>>
    %dma_start3A_64 = tpu.memref_squeeze %dma_start3A_63 : memref<1x128xi32, #tpu.memory_space<vmem>> -> memref<128xi32, #tpu.memory_space<vmem>>
    %dma_start3A_65 = arith.constant 0 : i32
    %dma_start3A_66 = arith.constant 0 : i32
    %dma_start3A_67 = tpu.memref_slice %arg9[%dma_start3A_65, %dma_start3A_66] : memref<10000x64xf32, #tpu.memory_space<vmem_shared>> -> memref<10000x64xf32, #tpu.memory_space<vmem_shared>>
    tpu.enqueue_indirect_dma source(%dma_start3A_67 : memref<10000x64xf32, #tpu.memory_space<vmem_shared>>) target(%arg13 : memref<128x64xf32, #tpu.memory_space<vmem>>) offsets(%dma_start3A_64 : memref<128xi32, #tpu.memory_space<vmem>>) semaphore(%arg17 : memref<!tpu.dma_semaphore, #tpu.memory_space<semaphore_mem>>)
    %dma_start3A_68 = arith.constant 2 : i32
    %dma_start3A_69 = arith.constant 0 : i32
    %dma_start3A_70 = tpu.memref_slice %arg10[%dma_start3A_68, %dma_start3A_69] : memref<40x128xi32, #tpu.memory_space<vmem>> -> memref<1x128xi32, #tpu.memory_space<vmem>>
    %dma_start3A_71 = tpu.memref_squeeze %dma_start3A_70 : memref<1x128xi32, #tpu.memory_space<vmem>> -> memref<128xi32, #tpu.memory_space<vmem>>
    %dma_start3A_72 = arith.constant 0 : i32
    %dma_start3A_73 = arith.constant 0 : i32
    %dma_start3A_74 = tpu.memref_slice %arg9[%dma_start3A_72, %dma_start3A_73] : memref<10000x64xf32, #tpu.memory_space<vmem_shared>> -> memref<10000x64xf32, #tpu.memory_space<vmem_shared>>
    tpu.enqueue_indirect_dma source(%dma_start3A_74 : memref<10000x64xf32, #tpu.memory_space<vmem_shared>>) target(%arg14 : memref<128x64xf32, #tpu.memory_space<vmem>>) offsets(%dma_start3A_71 : memref<128xi32, #tpu.memory_space<vmem>>) semaphore(%arg18 : memref<!tpu.dma_semaphore, #tpu.memory_space<semaphore_mem>>)
    %dma_start3A_75 = arith.constant 3 : i32
    %dma_start3A_76 = arith.constant 0 : i32
    %dma_start3A_77 = tpu.memref_slice %arg10[%dma_start3A_75, %dma_start3A_76] : memref<40x128xi32, #tpu.memory_space<vmem>> -> memref<1x128xi32, #tpu.memory_space<vmem>>
    %dma_start3A_78 = tpu.memref_squeeze %dma_start3A_77 : memref<1x128xi32, #tpu.memory_space<vmem>> -> memref<128xi32, #tpu.memory_space<vmem>>
    %dma_start3A_79 = arith.constant 0 : i32
    %dma_start3A_80 = arith.constant 0 : i32
    %dma_start3A_81 = tpu.memref_slice %arg9[%dma_start3A_79, %dma_start3A_80] : memref<10000x64xf32, #tpu.memory_space<vmem_shared>> -> memref<10000x64xf32, #tpu.memory_space<vmem_shared>>
    tpu.enqueue_indirect_dma source(%dma_start3A_81 : memref<10000x64xf32, #tpu.memory_space<vmem_shared>>) target(%arg15 : memref<128x64xf32, #tpu.memory_space<vmem>>) offsets(%dma_start3A_78 : memref<128xi32, #tpu.memory_space<vmem>>) semaphore(%arg19 : memref<!tpu.dma_semaphore, #tpu.memory_space<semaphore_mem>>)
    %scan3A_82 = arith.constant 0 : i32
    %scan3A_83 = arith.constant 0 : i32
    %scan3A_84 = arith.constant 10 : i32
    %scan3A_85 = arith.addi %scan3A_83, %scan3A_84 : i32
    %scan3A_86 = arith.constant 1 : i32
    %scan3A_87 = scf.for %scan3A_187 = %scan3A_83 to %scan3A_85 step %scan3A_86 iter_args(%scan3A_188 = %scan3A_82) -> (i32)  : i32 {
      %mul3A_189 = arith.constant 4 : i32
      %mul3A_190 = arith.muli %mul3A_189, %scan3A_187 : i32
      %add3A_191 = arith.constant 0 : i32
      %add3A_192 = arith.addi %mul3A_190, %add3A_191 : i32
      %dma_wait3A = arith.constant 0 : i32
      %dma_wait3A_193 = tpu.memref_slice %arg10[%add3A_192, %dma_wait3A] : memref<40x128xi32, #tpu.memory_space<vmem>> -> memref<1x128xi32, #tpu.memory_space<vmem>>
      %dma_wait3A_194 = tpu.memref_squeeze %dma_wait3A_193 : memref<1x128xi32, #tpu.memory_space<vmem>> -> memref<128xi32, #tpu.memory_space<vmem>>
      %dma_wait3A_195 = arith.constant 0 : i32
      %dma_wait3A_196 = arith.constant 0 : i32
      %dma_wait3A_197 = tpu.memref_slice %arg9[%dma_wait3A_195, %dma_wait3A_196] : memref<10000x64xf32, #tpu.memory_space<vmem_shared>> -> memref<10000x64xf32, #tpu.memory_space<vmem_shared>>
      tpu.wait_indirect_dma semaphore(%arg16 : memref<!tpu.dma_semaphore, #tpu.memory_space<semaphore_mem>>) src(%dma_wait3A_197 : memref<10000x64xf32, #tpu.memory_space<vmem_shared>>) dst(%arg12 : memref<128x64xf32, #tpu.memory_space<vmem>>)
      %add3A_198 = arith.constant 0 : i32
      %add3A_199 = arith.addi %mul3A_190, %add3A_198 : i32
      "tpu.region"() ({
        %run_scoped3A_264 = tpu.sem_alloc : memref<!tpu.dma_semaphore, #tpu.memory_space<semaphore_mem>>
        %dma_start3A_265 = arith.constant 0 : i32
        %dma_start3A_266 = tpu.memref_slice %arg11[%add3A_199, %dma_start3A_265] : memref<40x128xi32, #tpu.memory_space<vmem>> -> memref<1x128xi32, #tpu.memory_space<vmem>>
        %dma_start3A_267 = tpu.memref_squeeze %dma_start3A_266 : memref<1x128xi32, #tpu.memory_space<vmem>> -> memref<128xi32, #tpu.memory_space<vmem>>
        %dma_start3A_268 = arith.constant 0 : i32
        %dma_start3A_269 = arith.constant 0 : i32
        %dma_start3A_270 = tpu.memref_slice %arg8[%dma_start3A_268, %dma_start3A_269] : memref<10240x64xf32, #tpu.memory_space<vmem_shared>> -> memref<10240x64xf32, #tpu.memory_space<vmem_shared>>
        tpu.enqueue_indirect_dma source(%arg12 : memref<128x64xf32, #tpu.memory_space<vmem>>) target(%dma_start3A_270 : memref<10240x64xf32, #tpu.memory_space<vmem_shared>>) offsets(%dma_start3A_267 : memref<128xi32, #tpu.memory_space<vmem>>) semaphore(%run_scoped3A_264 : memref<!tpu.dma_semaphore, #tpu.memory_space<semaphore_mem>>) {add = true}
        %dma_wait3A_271 = arith.constant 0 : i32
        %dma_wait3A_272 = tpu.memref_slice %arg11[%add3A_199, %dma_wait3A_271] : memref<40x128xi32, #tpu.memory_space<vmem>> -> memref<1x128xi32, #tpu.memory_space<vmem>>
        %dma_wait3A_273 = tpu.memref_squeeze %dma_wait3A_272 : memref<1x128xi32, #tpu.memory_space<vmem>> -> memref<128xi32, #tpu.memory_space<vmem>>
        %dma_wait3A_274 = arith.constant 0 : i32
        %dma_wait3A_275 = arith.constant 0 : i32
        %dma_wait3A_276 = tpu.memref_slice %arg8[%dma_wait3A_274, %dma_wait3A_275] : memref<10240x64xf32, #tpu.memory_space<vmem_shared>> -> memref<10240x64xf32, #tpu.memory_space<vmem_shared>>
        tpu.wait_indirect_dma semaphore(%run_scoped3A_264 : memref<!tpu.dma_semaphore, #tpu.memory_space<semaphore_mem>>) src(%arg12 : memref<128x64xf32, #tpu.memory_space<vmem>>) dst(%dma_wait3A_276 : memref<10240x64xf32, #tpu.memory_space<vmem_shared>>)
        tpu.yield
      }) : () -> ()
      %add3A_200 = arith.constant 0 : i32
      %add3A_201 = arith.addi %mul3A_190, %add3A_200 : i32
      %add3A_202 = arith.constant 4 : i32
      %add3A_203 = arith.addi %add3A_201, %add3A_202 : i32
      %lt3A = arith.constant 40 : i32
      %lt3A_204 = arith.cmpi slt, %add3A_203, %lt3A : i32
      %convert_element_type3A = arith.extui %lt3A_204 : i1 to i32
      %cond3A = arith.constant 0 : i32
      %cond3A_205 = arith.cmpi ne, %convert_element_type3A, %cond3A : i32
      scf.if %cond3A_205 {
        %add3A_264 = arith.constant 0 : i32
        %add3A_265 = arith.addi %mul3A_190, %add3A_264 : i32
        %add3A_266 = arith.constant 4 : i32
        %add3A_267 = arith.addi %add3A_265, %add3A_266 : i32
        %dma_start3A_268 = arith.constant 0 : i32
        %dma_start3A_269 = tpu.memref_slice %arg10[%add3A_267, %dma_start3A_268] : memref<40x128xi32, #tpu.memory_space<vmem>> -> memref<1x128xi32, #tpu.memory_space<vmem>>
        %dma_start3A_270 = tpu.memref_squeeze %dma_start3A_269 : memref<1x128xi32, #tpu.memory_space<vmem>> -> memref<128xi32, #tpu.memory_space<vmem>>
        %dma_start3A_271 = arith.constant 0 : i32
        %dma_start3A_272 = arith.constant 0 : i32
        %dma_start3A_273 = tpu.memref_slice %arg9[%dma_start3A_271, %dma_start3A_272] : memref<10000x64xf32, #tpu.memory_space<vmem_shared>> -> memref<10000x64xf32, #tpu.memory_space<vmem_shared>>
        tpu.enqueue_indirect_dma source(%dma_start3A_273 : memref<10000x64xf32, #tpu.memory_space<vmem_shared>>) target(%arg12 : memref<128x64xf32, #tpu.memory_space<vmem>>) offsets(%dma_start3A_270 : memref<128xi32, #tpu.memory_space<vmem>>) semaphore(%arg16 : memref<!tpu.dma_semaphore, #tpu.memory_space<semaphore_mem>>)
      } else {
      }
      %add3A_206 = arith.constant 1 : i32
      %add3A_207 = arith.addi %mul3A_190, %add3A_206 : i32
      %dma_wait3A_208 = arith.constant 0 : i32
      %dma_wait3A_209 = tpu.memref_slice %arg10[%add3A_207, %dma_wait3A_208] : memref<40x128xi32, #tpu.memory_space<vmem>> -> memref<1x128xi32, #tpu.memory_space<vmem>>
      %dma_wait3A_210 = tpu.memref_squeeze %dma_wait3A_209 : memref<1x128xi32, #tpu.memory_space<vmem>> -> memref<128xi32, #tpu.memory_space<vmem>>
      %dma_wait3A_211 = arith.constant 0 : i32
      %dma_wait3A_212 = arith.constant 0 : i32
      %dma_wait3A_213 = tpu.memref_slice %arg9[%dma_wait3A_211, %dma_wait3A_212] : memref<10000x64xf32, #tpu.memory_space<vmem_shared>> -> memref<10000x64xf32, #tpu.memory_space<vmem_shared>>
      tpu.wait_indirect_dma semaphore(%arg17 : memref<!tpu.dma_semaphore, #tpu.memory_space<semaphore_mem>>) src(%dma_wait3A_213 : memref<10000x64xf32, #tpu.memory_space<vmem_shared>>) dst(%arg13 : memref<128x64xf32, #tpu.memory_space<vmem>>)
      %add3A_214 = arith.constant 1 : i32
      %add3A_215 = arith.addi %mul3A_190, %add3A_214 : i32
      "tpu.region"() ({
        %run_scoped3A_264 = tpu.sem_alloc : memref<!tpu.dma_semaphore, #tpu.memory_space<semaphore_mem>>
        %dma_start3A_265 = arith.constant 0 : i32
        %dma_start3A_266 = tpu.memref_slice %arg11[%add3A_215, %dma_start3A_265] : memref<40x128xi32, #tpu.memory_space<vmem>> -> memref<1x128xi32, #tpu.memory_space<vmem>>
        %dma_start3A_267 = tpu.memref_squeeze %dma_start3A_266 : memref<1x128xi32, #tpu.memory_space<vmem>> -> memref<128xi32, #tpu.memory_space<vmem>>
        %dma_start3A_268 = arith.constant 0 : i32
        %dma_start3A_269 = arith.constant 0 : i32
        %dma_start3A_270 = tpu.memref_slice %arg8[%dma_start3A_268, %dma_start3A_269] : memref<10240x64xf32, #tpu.memory_space<vmem_shared>> -> memref<10240x64xf32, #tpu.memory_space<vmem_shared>>
        tpu.enqueue_indirect_dma source(%arg13 : memref<128x64xf32, #tpu.memory_space<vmem>>) target(%dma_start3A_270 : memref<10240x64xf32, #tpu.memory_space<vmem_shared>>) offsets(%dma_start3A_267 : memref<128xi32, #tpu.memory_space<vmem>>) semaphore(%run_scoped3A_264 : memref<!tpu.dma_semaphore, #tpu.memory_space<semaphore_mem>>) {add = true}
        %dma_wait3A_271 = arith.constant 0 : i32
        %dma_wait3A_272 = tpu.memref_slice %arg11[%add3A_215, %dma_wait3A_271] : memref<40x128xi32, #tpu.memory_space<vmem>> -> memref<1x128xi32, #tpu.memory_space<vmem>>
        %dma_wait3A_273 = tpu.memref_squeeze %dma_wait3A_272 : memref<1x128xi32, #tpu.memory_space<vmem>> -> memref<128xi32, #tpu.memory_space<vmem>>
        %dma_wait3A_274 = arith.constant 0 : i32
        %dma_wait3A_275 = arith.constant 0 : i32
        %dma_wait3A_276 = tpu.memref_slice %arg8[%dma_wait3A_274, %dma_wait3A_275] : memref<10240x64xf32, #tpu.memory_space<vmem_shared>> -> memref<10240x64xf32, #tpu.memory_space<vmem_shared>>
        tpu.wait_indirect_dma semaphore(%run_scoped3A_264 : memref<!tpu.dma_semaphore, #tpu.memory_space<semaphore_mem>>) src(%arg13 : memref<128x64xf32, #tpu.memory_space<vmem>>) dst(%dma_wait3A_276 : memref<10240x64xf32, #tpu.memory_space<vmem_shared>>)
        tpu.yield
      }) : () -> ()
      %add3A_216 = arith.constant 1 : i32
      %add3A_217 = arith.addi %mul3A_190, %add3A_216 : i32
      %add3A_218 = arith.constant 4 : i32
      %add3A_219 = arith.addi %add3A_217, %add3A_218 : i32
      %lt3A_220 = arith.constant 40 : i32
      %lt3A_221 = arith.cmpi slt, %add3A_219, %lt3A_220 : i32
      %convert_element_type3A_222 = arith.extui %lt3A_221 : i1 to i32
      %cond3A_223 = arith.constant 0 : i32
      %cond3A_224 = arith.cmpi ne, %convert_element_type3A_222, %cond3A_223 : i32
      scf.if %cond3A_224 {
        %add3A_264 = arith.constant 1 : i32
        %add3A_265 = arith.addi %mul3A_190, %add3A_264 : i32
        %add3A_266 = arith.constant 4 : i32
        %add3A_267 = arith.addi %add3A_265, %add3A_266 : i32
        %dma_start3A_268 = arith.constant 0 : i32
        %dma_start3A_269 = tpu.memref_slice %arg10[%add3A_267, %dma_start3A_268] : memref<40x128xi32, #tpu.memory_space<vmem>> -> memref<1x128xi32, #tpu.memory_space<vmem>>
        %dma_start3A_270 = tpu.memref_squeeze %dma_start3A_269 : memref<1x128xi32, #tpu.memory_space<vmem>> -> memref<128xi32, #tpu.memory_space<vmem>>
        %dma_start3A_271 = arith.constant 0 : i32
        %dma_start3A_272 = arith.constant 0 : i32
        %dma_start3A_273 = tpu.memref_slice %arg9[%dma_start3A_271, %dma_start3A_272] : memref<10000x64xf32, #tpu.memory_space<vmem_shared>> -> memref<10000x64xf32, #tpu.memory_space<vmem_shared>>
        tpu.enqueue_indirect_dma source(%dma_start3A_273 : memref<10000x64xf32, #tpu.memory_space<vmem_shared>>) target(%arg13 : memref<128x64xf32, #tpu.memory_space<vmem>>) offsets(%dma_start3A_270 : memref<128xi32, #tpu.memory_space<vmem>>) semaphore(%arg17 : memref<!tpu.dma_semaphore, #tpu.memory_space<semaphore_mem>>)
      } else {
      }
      %add3A_225 = arith.constant 2 : i32
      %add3A_226 = arith.addi %mul3A_190, %add3A_225 : i32
      %dma_wait3A_227 = arith.constant 0 : i32
      %dma_wait3A_228 = tpu.memref_slice %arg10[%add3A_226, %dma_wait3A_227] : memref<40x128xi32, #tpu.memory_space<vmem>> -> memref<1x128xi32, #tpu.memory_space<vmem>>
      %dma_wait3A_229 = tpu.memref_squeeze %dma_wait3A_228 : memref<1x128xi32, #tpu.memory_space<vmem>> -> memref<128xi32, #tpu.memory_space<vmem>>
      %dma_wait3A_230 = arith.constant 0 : i32
      %dma_wait3A_231 = arith.constant 0 : i32
      %dma_wait3A_232 = tpu.memref_slice %arg9[%dma_wait3A_230, %dma_wait3A_231] : memref<10000x64xf32, #tpu.memory_space<vmem_shared>> -> memref<10000x64xf32, #tpu.memory_space<vmem_shared>>
      tpu.wait_indirect_dma semaphore(%arg18 : memref<!tpu.dma_semaphore, #tpu.memory_space<semaphore_mem>>) src(%dma_wait3A_232 : memref<10000x64xf32, #tpu.memory_space<vmem_shared>>) dst(%arg14 : memref<128x64xf32, #tpu.memory_space<vmem>>)
      %add3A_233 = arith.constant 2 : i32
      %add3A_234 = arith.addi %mul3A_190, %add3A_233 : i32
      "tpu.region"() ({
        %run_scoped3A_264 = tpu.sem_alloc : memref<!tpu.dma_semaphore, #tpu.memory_space<semaphore_mem>>
        %dma_start3A_265 = arith.constant 0 : i32
        %dma_start3A_266 = tpu.memref_slice %arg11[%add3A_234, %dma_start3A_265] : memref<40x128xi32, #tpu.memory_space<vmem>> -> memref<1x128xi32, #tpu.memory_space<vmem>>
        %dma_start3A_267 = tpu.memref_squeeze %dma_start3A_266 : memref<1x128xi32, #tpu.memory_space<vmem>> -> memref<128xi32, #tpu.memory_space<vmem>>
        %dma_start3A_268 = arith.constant 0 : i32
        %dma_start3A_269 = arith.constant 0 : i32
        %dma_start3A_270 = tpu.memref_slice %arg8[%dma_start3A_268, %dma_start3A_269] : memref<10240x64xf32, #tpu.memory_space<vmem_shared>> -> memref<10240x64xf32, #tpu.memory_space<vmem_shared>>
        tpu.enqueue_indirect_dma source(%arg14 : memref<128x64xf32, #tpu.memory_space<vmem>>) target(%dma_start3A_270 : memref<10240x64xf32, #tpu.memory_space<vmem_shared>>) offsets(%dma_start3A_267 : memref<128xi32, #tpu.memory_space<vmem>>) semaphore(%run_scoped3A_264 : memref<!tpu.dma_semaphore, #tpu.memory_space<semaphore_mem>>) {add = true}
        %dma_wait3A_271 = arith.constant 0 : i32
        %dma_wait3A_272 = tpu.memref_slice %arg11[%add3A_234, %dma_wait3A_271] : memref<40x128xi32, #tpu.memory_space<vmem>> -> memref<1x128xi32, #tpu.memory_space<vmem>>
        %dma_wait3A_273 = tpu.memref_squeeze %dma_wait3A_272 : memref<1x128xi32, #tpu.memory_space<vmem>> -> memref<128xi32, #tpu.memory_space<vmem>>
        %dma_wait3A_274 = arith.constant 0 : i32
        %dma_wait3A_275 = arith.constant 0 : i32
        %dma_wait3A_276 = tpu.memref_slice %arg8[%dma_wait3A_274, %dma_wait3A_275] : memref<10240x64xf32, #tpu.memory_space<vmem_shared>> -> memref<10240x64xf32, #tpu.memory_space<vmem_shared>>
        tpu.wait_indirect_dma semaphore(%run_scoped3A_264 : memref<!tpu.dma_semaphore, #tpu.memory_space<semaphore_mem>>) src(%arg14 : memref<128x64xf32, #tpu.memory_space<vmem>>) dst(%dma_wait3A_276 : memref<10240x64xf32, #tpu.memory_space<vmem_shared>>)
        tpu.yield
      }) : () -> ()
      %add3A_235 = arith.constant 2 : i32
      %add3A_236 = arith.addi %mul3A_190, %add3A_235 : i32
      %add3A_237 = arith.constant 4 : i32
      %add3A_238 = arith.addi %add3A_236, %add3A_237 : i32
      %lt3A_239 = arith.constant 40 : i32
      %lt3A_240 = arith.cmpi slt, %add3A_238, %lt3A_239 : i32
      %convert_element_type3A_241 = arith.extui %lt3A_240 : i1 to i32
      %cond3A_242 = arith.constant 0 : i32
      %cond3A_243 = arith.cmpi ne, %convert_element_type3A_241, %cond3A_242 : i32
      scf.if %cond3A_243 {
        %add3A_264 = arith.constant 2 : i32
        %add3A_265 = arith.addi %mul3A_190, %add3A_264 : i32
        %add3A_266 = arith.constant 4 : i32
        %add3A_267 = arith.addi %add3A_265, %add3A_266 : i32
        %dma_start3A_268 = arith.constant 0 : i32
        %dma_start3A_269 = tpu.memref_slice %arg10[%add3A_267, %dma_start3A_268] : memref<40x128xi32, #tpu.memory_space<vmem>> -> memref<1x128xi32, #tpu.memory_space<vmem>>
        %dma_start3A_270 = tpu.memref_squeeze %dma_start3A_269 : memref<1x128xi32, #tpu.memory_space<vmem>> -> memref<128xi32, #tpu.memory_space<vmem>>
        %dma_start3A_271 = arith.constant 0 : i32
        %dma_start3A_272 = arith.constant 0 : i32
        %dma_start3A_273 = tpu.memref_slice %arg9[%dma_start3A_271, %dma_start3A_272] : memref<10000x64xf32, #tpu.memory_space<vmem_shared>> -> memref<10000x64xf32, #tpu.memory_space<vmem_shared>>
        tpu.enqueue_indirect_dma source(%dma_start3A_273 : memref<10000x64xf32, #tpu.memory_space<vmem_shared>>) target(%arg14 : memref<128x64xf32, #tpu.memory_space<vmem>>) offsets(%dma_start3A_270 : memref<128xi32, #tpu.memory_space<vmem>>) semaphore(%arg18 : memref<!tpu.dma_semaphore, #tpu.memory_space<semaphore_mem>>)
      } else {
      }
      %add3A_244 = arith.constant 3 : i32
      %add3A_245 = arith.addi %mul3A_190, %add3A_244 : i32
      %dma_wait3A_246 = arith.constant 0 : i32
      %dma_wait3A_247 = tpu.memref_slice %arg10[%add3A_245, %dma_wait3A_246] : memref<40x128xi32, #tpu.memory_space<vmem>> -> memref<1x128xi32, #tpu.memory_space<vmem>>
      %dma_wait3A_248 = tpu.memref_squeeze %dma_wait3A_247 : memref<1x128xi32, #tpu.memory_space<vmem>> -> memref<128xi32, #tpu.memory_space<vmem>>
      %dma_wait3A_249 = arith.constant 0 : i32
      %dma_wait3A_250 = arith.constant 0 : i32
      %dma_wait3A_251 = tpu.memref_slice %arg9[%dma_wait3A_249, %dma_wait3A_250] : memref<10000x64xf32, #tpu.memory_space<vmem_shared>> -> memref<10000x64xf32, #tpu.memory_space<vmem_shared>>
      tpu.wait_indirect_dma semaphore(%arg19 : memref<!tpu.dma_semaphore, #tpu.memory_space<semaphore_mem>>) src(%dma_wait3A_251 : memref<10000x64xf32, #tpu.memory_space<vmem_shared>>) dst(%arg15 : memref<128x64xf32, #tpu.memory_space<vmem>>)
      %add3A_252 = arith.constant 3 : i32
      %add3A_253 = arith.addi %mul3A_190, %add3A_252 : i32
      "tpu.region"() ({
        %run_scoped3A_264 = tpu.sem_alloc : memref<!tpu.dma_semaphore, #tpu.memory_space<semaphore_mem>>
        %dma_start3A_265 = arith.constant 0 : i32
        %dma_start3A_266 = tpu.memref_slice %arg11[%add3A_253, %dma_start3A_265] : memref<40x128xi32, #tpu.memory_space<vmem>> -> memref<1x128xi32, #tpu.memory_space<vmem>>
        %dma_start3A_267 = tpu.memref_squeeze %dma_start3A_266 : memref<1x128xi32, #tpu.memory_space<vmem>> -> memref<128xi32, #tpu.memory_space<vmem>>
        %dma_start3A_268 = arith.constant 0 : i32
        %dma_start3A_269 = arith.constant 0 : i32
        %dma_start3A_270 = tpu.memref_slice %arg8[%dma_start3A_268, %dma_start3A_269] : memref<10240x64xf32, #tpu.memory_space<vmem_shared>> -> memref<10240x64xf32, #tpu.memory_space<vmem_shared>>
        tpu.enqueue_indirect_dma source(%arg15 : memref<128x64xf32, #tpu.memory_space<vmem>>) target(%dma_start3A_270 : memref<10240x64xf32, #tpu.memory_space<vmem_shared>>) offsets(%dma_start3A_267 : memref<128xi32, #tpu.memory_space<vmem>>) semaphore(%run_scoped3A_264 : memref<!tpu.dma_semaphore, #tpu.memory_space<semaphore_mem>>) {add = true}
        %dma_wait3A_271 = arith.constant 0 : i32
        %dma_wait3A_272 = tpu.memref_slice %arg11[%add3A_253, %dma_wait3A_271] : memref<40x128xi32, #tpu.memory_space<vmem>> -> memref<1x128xi32, #tpu.memory_space<vmem>>
        %dma_wait3A_273 = tpu.memref_squeeze %dma_wait3A_272 : memref<1x128xi32, #tpu.memory_space<vmem>> -> memref<128xi32, #tpu.memory_space<vmem>>
        %dma_wait3A_274 = arith.constant 0 : i32
        %dma_wait3A_275 = arith.constant 0 : i32
        %dma_wait3A_276 = tpu.memref_slice %arg8[%dma_wait3A_274, %dma_wait3A_275] : memref<10240x64xf32, #tpu.memory_space<vmem_shared>> -> memref<10240x64xf32, #tpu.memory_space<vmem_shared>>
        tpu.wait_indirect_dma semaphore(%run_scoped3A_264 : memref<!tpu.dma_semaphore, #tpu.memory_space<semaphore_mem>>) src(%arg15 : memref<128x64xf32, #tpu.memory_space<vmem>>) dst(%dma_wait3A_276 : memref<10240x64xf32, #tpu.memory_space<vmem_shared>>)
        tpu.yield
      }) : () -> ()
      %add3A_254 = arith.constant 3 : i32
      %add3A_255 = arith.addi %mul3A_190, %add3A_254 : i32
      %add3A_256 = arith.constant 4 : i32
      %add3A_257 = arith.addi %add3A_255, %add3A_256 : i32
      %lt3A_258 = arith.constant 40 : i32
      %lt3A_259 = arith.cmpi slt, %add3A_257, %lt3A_258 : i32
      %convert_element_type3A_260 = arith.extui %lt3A_259 : i1 to i32
      %cond3A_261 = arith.constant 0 : i32
      %cond3A_262 = arith.cmpi ne, %convert_element_type3A_260, %cond3A_261 : i32
      scf.if %cond3A_262 {
        %add3A_264 = arith.constant 3 : i32
        %add3A_265 = arith.addi %mul3A_190, %add3A_264 : i32
        %add3A_266 = arith.constant 4 : i32
        %add3A_267 = arith.addi %add3A_265, %add3A_266 : i32
        %dma_start3A_268 = arith.constant 0 : i32
        %dma_start3A_269 = tpu.memref_slice %arg10[%add3A_267, %dma_start3A_268] : memref<40x128xi32, #tpu.memory_space<vmem>> -> memref<1x128xi32, #tpu.memory_space<vmem>>
        %dma_start3A_270 = tpu.memref_squeeze %dma_start3A_269 : memref<1x128xi32, #tpu.memory_space<vmem>> -> memref<128xi32, #tpu.memory_space<vmem>>
        %dma_start3A_271 = arith.constant 0 : i32
        %dma_start3A_272 = arith.constant 0 : i32
        %dma_start3A_273 = tpu.memref_slice %arg9[%dma_start3A_271, %dma_start3A_272] : memref<10000x64xf32, #tpu.memory_space<vmem_shared>> -> memref<10000x64xf32, #tpu.memory_space<vmem_shared>>
        tpu.enqueue_indirect_dma source(%dma_start3A_273 : memref<10000x64xf32, #tpu.memory_space<vmem_shared>>) target(%arg15 : memref<128x64xf32, #tpu.memory_space<vmem>>) offsets(%dma_start3A_270 : memref<128xi32, #tpu.memory_space<vmem>>) semaphore(%arg19 : memref<!tpu.dma_semaphore, #tpu.memory_space<semaphore_mem>>)
      } else {
      }
      %scan3A_263 = arith.constant 0 : i32
      scf.yield %scan3A_263 : i32
    }
    %scan3A_88 = arith.constant 10 : i32
    %barrier3A_89 = arith.constant 0 : index
    tpu.barrier barrier_id(%barrier3A_89)
    %run_scoped3A = arith.constant 0 : i32
    "tpu.region"() ({
      %run_scoped3A_187 = tpu.sem_alloc : memref<!tpu.dma_semaphore, #tpu.memory_space<semaphore_mem>>
      %dma_start3A_188 = arith.constant 0 : i32
      %dma_start3A_189 = tpu.memref_slice %arg7[%run_scoped3A, %arg0, %mul3A_2, %dma_start3A_188] : memref<2x2x10240x64xf32, #tpu.memory_space<hbm>> -> memref<1x1x640x64xf32, #tpu.memory_space<hbm>>
      %dma_start3A_190 = tpu.memref_squeeze %dma_start3A_189 : memref<1x1x640x64xf32, #tpu.memory_space<hbm>> -> memref<640x64xf32, #tpu.memory_space<hbm>>
      %dma_start3A_191 = arith.constant 0 : i32
      %dma_start3A_192 = tpu.memref_slice %arg8[%mul3A_2, %dma_start3A_191] : memref<10240x64xf32, #tpu.memory_space<vmem_shared>> -> memref<640x64xf32, #tpu.memory_space<vmem_shared>>
      tpu.enqueue_dma source(%dma_start3A_192 : memref<640x64xf32, #tpu.memory_space<vmem_shared>>) target(%dma_start3A_190 : memref<640x64xf32, #tpu.memory_space<hbm>>) target_semaphore(%run_scoped3A_187 : memref<!tpu.dma_semaphore, #tpu.memory_space<semaphore_mem>>)
      %dma_wait3A = arith.constant 0 : i32
      %dma_wait3A_193 = tpu.memref_slice %arg7[%run_scoped3A, %arg0, %mul3A_2, %dma_wait3A] : memref<2x2x10240x64xf32, #tpu.memory_space<hbm>> -> memref<1x1x640x64xf32, #tpu.memory_space<hbm>>
      %dma_wait3A_194 = tpu.memref_squeeze %dma_wait3A_193 : memref<1x1x640x64xf32, #tpu.memory_space<hbm>> -> memref<640x64xf32, #tpu.memory_space<hbm>>
      %dma_wait3A_195 = arith.constant 0 : i32
      %dma_wait3A_196 = tpu.memref_slice %arg8[%mul3A_2, %dma_wait3A_195] : memref<10240x64xf32, #tpu.memory_space<vmem_shared>> -> memref<640x64xf32, #tpu.memory_space<vmem_shared>>
      tpu.wait_dma2 semaphore(%run_scoped3A_187 : memref<!tpu.dma_semaphore, #tpu.memory_space<semaphore_mem>>) src(%dma_wait3A_196 : memref<640x64xf32, #tpu.memory_space<vmem_shared>>) dst(%dma_wait3A_194 : memref<640x64xf32, #tpu.memory_space<hbm>>)
      tpu.yield
    }) : () -> ()
    %barrier3A_90 = arith.constant 0 : index
    tpu.barrier barrier_id(%barrier3A_90)
    %mul3A_91 = arith.constant 2 : i32
    %mul3A_92 = arith.muli %arg1, %mul3A_91 : i32
    %add3A_93 = arith.addi %mul3A_92, %arg0 : i32
    %mul3A_94 = arith.constant 640 : i32
    %mul3A_95 = arith.muli %arg1, %mul3A_94 : i32
    %mul3A_96 = arith.constant 625 : i32
    %mul3A_97 = arith.muli %arg1, %mul3A_96 : i32
    "tpu.region"() ({
      %run_scoped3A_187 = tpu.sem_alloc : memref<!tpu.dma_semaphore, #tpu.memory_space<semaphore_mem>>
      %dma_start3A_188 = arith.constant 0 : i32
      %dma_start3A_189 = tpu.memref_slice %arg8[%mul3A_95, %dma_start3A_188] : memref<10240x64xf32, #tpu.memory_space<vmem_shared>> -> memref<640x64xf32, #tpu.memory_space<vmem_shared>>
      %dma_start3A_190 = arith.constant 0 : i32
      %dma_start3A_191 = tpu.memref_slice %arg6[%mul3A_95, %dma_start3A_190] : memref<10240x64xf32, #tpu.memory_space<hbm>> -> memref<640x64xf32, #tpu.memory_space<hbm>>
      tpu.enqueue_dma source(%dma_start3A_191 : memref<640x64xf32, #tpu.memory_space<hbm>>) target(%dma_start3A_189 : memref<640x64xf32, #tpu.memory_space<vmem_shared>>) target_semaphore(%run_scoped3A_187 : memref<!tpu.dma_semaphore, #tpu.memory_space<semaphore_mem>>)
      %dma_wait3A = arith.constant 0 : i32
      %dma_wait3A_192 = tpu.memref_slice %arg8[%mul3A_95, %dma_wait3A] : memref<10240x64xf32, #tpu.memory_space<vmem_shared>> -> memref<640x64xf32, #tpu.memory_space<vmem_shared>>
      %dma_wait3A_193 = arith.constant 0 : i32
      %dma_wait3A_194 = tpu.memref_slice %arg6[%mul3A_95, %dma_wait3A_193] : memref<10240x64xf32, #tpu.memory_space<hbm>> -> memref<640x64xf32, #tpu.memory_space<hbm>>
      tpu.wait_dma2 semaphore(%run_scoped3A_187 : memref<!tpu.dma_semaphore, #tpu.memory_space<semaphore_mem>>) src(%dma_wait3A_194 : memref<640x64xf32, #tpu.memory_space<hbm>>) dst(%dma_wait3A_192 : memref<640x64xf32, #tpu.memory_space<vmem_shared>>)
      tpu.yield
    }) : () -> ()
    "tpu.region"() ({
      %run_scoped3A_187 = tpu.sem_alloc : memref<!tpu.dma_semaphore, #tpu.memory_space<semaphore_mem>>
      %dma_start3A_188 = arith.constant 0 : i32
      %dma_start3A_189 = tpu.memref_slice %arg9[%mul3A_97, %dma_start3A_188] : memref<10000x64xf32, #tpu.memory_space<vmem_shared>> -> memref<625x64xf32, #tpu.memory_space<vmem_shared>>
      %dma_start3A_190 = arith.constant 0 : i32
      %dma_start3A_191 = tpu.memref_slice %arg3[%mul3A_97, %dma_start3A_190] : memref<10000x64xf32, #tpu.memory_space<hbm>> -> memref<625x64xf32, #tpu.memory_space<hbm>>
      tpu.enqueue_dma source(%dma_start3A_191 : memref<625x64xf32, #tpu.memory_space<hbm>>) target(%dma_start3A_189 : memref<625x64xf32, #tpu.memory_space<vmem_shared>>) target_semaphore(%run_scoped3A_187 : memref<!tpu.dma_semaphore, #tpu.memory_space<semaphore_mem>>)
      %dma_wait3A = arith.constant 0 : i32
      %dma_wait3A_192 = tpu.memref_slice %arg9[%mul3A_97, %dma_wait3A] : memref<10000x64xf32, #tpu.memory_space<vmem_shared>> -> memref<625x64xf32, #tpu.memory_space<vmem_shared>>
      %dma_wait3A_193 = arith.constant 0 : i32
      %dma_wait3A_194 = tpu.memref_slice %arg3[%mul3A_97, %dma_wait3A_193] : memref<10000x64xf32, #tpu.memory_space<hbm>> -> memref<625x64xf32, #tpu.memory_space<hbm>>
      tpu.wait_dma2 semaphore(%run_scoped3A_187 : memref<!tpu.dma_semaphore, #tpu.memory_space<semaphore_mem>>) src(%dma_wait3A_194 : memref<625x64xf32, #tpu.memory_space<hbm>>) dst(%dma_wait3A_192 : memref<625x64xf32, #tpu.memory_space<vmem_shared>>)
      tpu.yield
    }) : () -> ()
    %barrier3A_98 = arith.constant 0 : index
    tpu.barrier barrier_id(%barrier3A_98)
    %mul3A_99 = arith.constant 80 : i32
    %mul3A_100 = arith.muli %add3A_93, %mul3A_99 : i32
    %add3A_101 = arith.constant 0 : i32
    %add3A_102 = arith.addi %mul3A_100, %add3A_101 : i32
    "tpu.region"() ({
      %run_scoped3A_187 = tpu.sem_alloc : memref<!tpu.dma_semaphore, #tpu.memory_space<semaphore_mem>>
      %dma_start3A_188 = arith.constant 0 : i32
      %dma_start3A_189 = tpu.memref_slice %arg4[%add3A_102, %dma_start3A_188] : memref<2560x128xi32, #tpu.memory_space<hbm>> -> memref<40x128xi32, #tpu.memory_space<hbm>>
      %dma_start3A_190 = arith.constant 0 : i32
      %dma_start3A_191 = tpu.memref_slice %arg4[%add3A_102, %dma_start3A_190] : memref<2560x128xi32, #tpu.memory_space<hbm>> -> memref<40x128xi32, #tpu.memory_space<hbm>>
      tpu.enqueue_dma source(%dma_start3A_191 : memref<40x128xi32, #tpu.memory_space<hbm>>) target(%arg10 : memref<40x128xi32, #tpu.memory_space<vmem>>) target_semaphore(%run_scoped3A_187 : memref<!tpu.dma_semaphore, #tpu.memory_space<semaphore_mem>>)
      %dma_wait3A = arith.constant 0 : i32
      %dma_wait3A_192 = tpu.memref_slice %arg4[%add3A_102, %dma_wait3A] : memref<2560x128xi32, #tpu.memory_space<hbm>> -> memref<40x128xi32, #tpu.memory_space<hbm>>
      %dma_wait3A_193 = arith.constant 0 : i32
      %dma_wait3A_194 = tpu.memref_slice %arg4[%add3A_102, %dma_wait3A_193] : memref<2560x128xi32, #tpu.memory_space<hbm>> -> memref<40x128xi32, #tpu.memory_space<hbm>>
      tpu.wait_dma2 semaphore(%run_scoped3A_187 : memref<!tpu.dma_semaphore, #tpu.memory_space<semaphore_mem>>) src(%dma_wait3A_194 : memref<40x128xi32, #tpu.memory_space<hbm>>) dst(%arg10 : memref<40x128xi32, #tpu.memory_space<vmem>>)
      tpu.yield
    }) : () -> ()
    %mul3A_103 = arith.constant 80 : i32
    %mul3A_104 = arith.muli %add3A_93, %mul3A_103 : i32
    %add3A_105 = arith.constant 0 : i32
    %add3A_106 = arith.addi %mul3A_104, %add3A_105 : i32
    "tpu.region"() ({
      %run_scoped3A_187 = tpu.sem_alloc : memref<!tpu.dma_semaphore, #tpu.memory_space<semaphore_mem>>
      %dma_start3A_188 = arith.constant 0 : i32
      %dma_start3A_189 = tpu.memref_slice %arg5[%add3A_106, %dma_start3A_188] : memref<2560x128xi32, #tpu.memory_space<hbm>> -> memref<40x128xi32, #tpu.memory_space<hbm>>
      %dma_start3A_190 = arith.constant 0 : i32
      %dma_start3A_191 = tpu.memref_slice %arg5[%add3A_106, %dma_start3A_190] : memref<2560x128xi32, #tpu.memory_space<hbm>> -> memref<40x128xi32, #tpu.memory_space<hbm>>
      tpu.enqueue_dma source(%dma_start3A_191 : memref<40x128xi32, #tpu.memory_space<hbm>>) target(%arg11 : memref<40x128xi32, #tpu.memory_space<vmem>>) target_semaphore(%run_scoped3A_187 : memref<!tpu.dma_semaphore, #tpu.memory_space<semaphore_mem>>)
      %dma_wait3A = arith.constant 0 : i32
      %dma_wait3A_192 = tpu.memref_slice %arg5[%add3A_106, %dma_wait3A] : memref<2560x128xi32, #tpu.memory_space<hbm>> -> memref<40x128xi32, #tpu.memory_space<hbm>>
      %dma_wait3A_193 = arith.constant 0 : i32
      %dma_wait3A_194 = tpu.memref_slice %arg5[%add3A_106, %dma_wait3A_193] : memref<2560x128xi32, #tpu.memory_space<hbm>> -> memref<40x128xi32, #tpu.memory_space<hbm>>
      tpu.wait_dma2 semaphore(%run_scoped3A_187 : memref<!tpu.dma_semaphore, #tpu.memory_space<semaphore_mem>>) src(%dma_wait3A_194 : memref<40x128xi32, #tpu.memory_space<hbm>>) dst(%arg11 : memref<40x128xi32, #tpu.memory_space<vmem>>)
      tpu.yield
    }) : () -> ()
    %dma_start3A_107 = arith.constant 0 : i32
    %dma_start3A_108 = arith.constant 0 : i32
    %dma_start3A_109 = tpu.memref_slice %arg10[%dma_start3A_107, %dma_start3A_108] : memref<40x128xi32, #tpu.memory_space<vmem>> -> memref<1x128xi32, #tpu.memory_space<vmem>>
    %dma_start3A_110 = tpu.memref_squeeze %dma_start3A_109 : memref<1x128xi32, #tpu.memory_space<vmem>> -> memref<128xi32, #tpu.memory_space<vmem>>
    %dma_start3A_111 = arith.constant 0 : i32
    %dma_start3A_112 = arith.constant 0 : i32
    %dma_start3A_113 = tpu.memref_slice %arg9[%dma_start3A_111, %dma_start3A_112] : memref<10000x64xf32, #tpu.memory_space<vmem_shared>> -> memref<10000x64xf32, #tpu.memory_space<vmem_shared>>
    tpu.enqueue_indirect_dma source(%dma_start3A_113 : memref<10000x64xf32, #tpu.memory_space<vmem_shared>>) target(%arg12 : memref<128x64xf32, #tpu.memory_space<vmem>>) offsets(%dma_start3A_110 : memref<128xi32, #tpu.memory_space<vmem>>) semaphore(%arg16 : memref<!tpu.dma_semaphore, #tpu.memory_space<semaphore_mem>>)
    %dma_start3A_114 = arith.constant 1 : i32
    %dma_start3A_115 = arith.constant 0 : i32
    %dma_start3A_116 = tpu.memref_slice %arg10[%dma_start3A_114, %dma_start3A_115] : memref<40x128xi32, #tpu.memory_space<vmem>> -> memref<1x128xi32, #tpu.memory_space<vmem>>
    %dma_start3A_117 = tpu.memref_squeeze %dma_start3A_116 : memref<1x128xi32, #tpu.memory_space<vmem>> -> memref<128xi32, #tpu.memory_space<vmem>>
    %dma_start3A_118 = arith.constant 0 : i32
    %dma_start3A_119 = arith.constant 0 : i32
    %dma_start3A_120 = tpu.memref_slice %arg9[%dma_start3A_118, %dma_start3A_119] : memref<10000x64xf32, #tpu.memory_space<vmem_shared>> -> memref<10000x64xf32, #tpu.memory_space<vmem_shared>>
    tpu.enqueue_indirect_dma source(%dma_start3A_120 : memref<10000x64xf32, #tpu.memory_space<vmem_shared>>) target(%arg13 : memref<128x64xf32, #tpu.memory_space<vmem>>) offsets(%dma_start3A_117 : memref<128xi32, #tpu.memory_space<vmem>>) semaphore(%arg17 : memref<!tpu.dma_semaphore, #tpu.memory_space<semaphore_mem>>)
    %dma_start3A_121 = arith.constant 2 : i32
    %dma_start3A_122 = arith.constant 0 : i32
    %dma_start3A_123 = tpu.memref_slice %arg10[%dma_start3A_121, %dma_start3A_122] : memref<40x128xi32, #tpu.memory_space<vmem>> -> memref<1x128xi32, #tpu.memory_space<vmem>>
    %dma_start3A_124 = tpu.memref_squeeze %dma_start3A_123 : memref<1x128xi32, #tpu.memory_space<vmem>> -> memref<128xi32, #tpu.memory_space<vmem>>
    %dma_start3A_125 = arith.constant 0 : i32
    %dma_start3A_126 = arith.constant 0 : i32
    %dma_start3A_127 = tpu.memref_slice %arg9[%dma_start3A_125, %dma_start3A_126] : memref<10000x64xf32, #tpu.memory_space<vmem_shared>> -> memref<10000x64xf32, #tpu.memory_space<vmem_shared>>
    tpu.enqueue_indirect_dma source(%dma_start3A_127 : memref<10000x64xf32, #tpu.memory_space<vmem_shared>>) target(%arg14 : memref<128x64xf32, #tpu.memory_space<vmem>>) offsets(%dma_start3A_124 : memref<128xi32, #tpu.memory_space<vmem>>) semaphore(%arg18 : memref<!tpu.dma_semaphore, #tpu.memory_space<semaphore_mem>>)
    %dma_start3A_128 = arith.constant 3 : i32
    %dma_start3A_129 = arith.constant 0 : i32
    %dma_start3A_130 = tpu.memref_slice %arg10[%dma_start3A_128, %dma_start3A_129] : memref<40x128xi32, #tpu.memory_space<vmem>> -> memref<1x128xi32, #tpu.memory_space<vmem>>
    %dma_start3A_131 = tpu.memref_squeeze %dma_start3A_130 : memref<1x128xi32, #tpu.memory_space<vmem>> -> memref<128xi32, #tpu.memory_space<vmem>>
    %dma_start3A_132 = arith.constant 0 : i32
    %dma_start3A_133 = arith.constant 0 : i32
    %dma_start3A_134 = tpu.memref_slice %arg9[%dma_start3A_132, %dma_start3A_133] : memref<10000x64xf32, #tpu.memory_space<vmem_shared>> -> memref<10000x64xf32, #tpu.memory_space<vmem_shared>>
    tpu.enqueue_indirect_dma source(%dma_start3A_134 : memref<10000x64xf32, #tpu.memory_space<vmem_shared>>) target(%arg15 : memref<128x64xf32, #tpu.memory_space<vmem>>) offsets(%dma_start3A_131 : memref<128xi32, #tpu.memory_space<vmem>>) semaphore(%arg19 : memref<!tpu.dma_semaphore, #tpu.memory_space<semaphore_mem>>)
    %scan3A_135 = arith.constant 0 : i32
    %scan3A_136 = arith.constant 0 : i32
    %scan3A_137 = arith.constant 10 : i32
    %scan3A_138 = arith.addi %scan3A_136, %scan3A_137 : i32
    %scan3A_139 = arith.constant 1 : i32
    %scan3A_140 = scf.for %scan3A_187 = %scan3A_136 to %scan3A_138 step %scan3A_139 iter_args(%scan3A_188 = %scan3A_135) -> (i32)  : i32 {
      %mul3A_189 = arith.constant 4 : i32
      %mul3A_190 = arith.muli %mul3A_189, %scan3A_187 : i32
      %add3A_191 = arith.constant 0 : i32
      %add3A_192 = arith.addi %mul3A_190, %add3A_191 : i32
      %dma_wait3A = arith.constant 0 : i32
      %dma_wait3A_193 = tpu.memref_slice %arg10[%add3A_192, %dma_wait3A] : memref<40x128xi32, #tpu.memory_space<vmem>> -> memref<1x128xi32, #tpu.memory_space<vmem>>
      %dma_wait3A_194 = tpu.memref_squeeze %dma_wait3A_193 : memref<1x128xi32, #tpu.memory_space<vmem>> -> memref<128xi32, #tpu.memory_space<vmem>>
      %dma_wait3A_195 = arith.constant 0 : i32
      %dma_wait3A_196 = arith.constant 0 : i32
      %dma_wait3A_197 = tpu.memref_slice %arg9[%dma_wait3A_195, %dma_wait3A_196] : memref<10000x64xf32, #tpu.memory_space<vmem_shared>> -> memref<10000x64xf32, #tpu.memory_space<vmem_shared>>
      tpu.wait_indirect_dma semaphore(%arg16 : memref<!tpu.dma_semaphore, #tpu.memory_space<semaphore_mem>>) src(%dma_wait3A_197 : memref<10000x64xf32, #tpu.memory_space<vmem_shared>>) dst(%arg12 : memref<128x64xf32, #tpu.memory_space<vmem>>)
      %add3A_198 = arith.constant 0 : i32
      %add3A_199 = arith.addi %mul3A_190, %add3A_198 : i32
      "tpu.region"() ({
        %run_scoped3A_264 = tpu.sem_alloc : memref<!tpu.dma_semaphore, #tpu.memory_space<semaphore_mem>>
        %dma_start3A_265 = arith.constant 0 : i32
        %dma_start3A_266 = tpu.memref_slice %arg11[%add3A_199, %dma_start3A_265] : memref<40x128xi32, #tpu.memory_space<vmem>> -> memref<1x128xi32, #tpu.memory_space<vmem>>
        %dma_start3A_267 = tpu.memref_squeeze %dma_start3A_266 : memref<1x128xi32, #tpu.memory_space<vmem>> -> memref<128xi32, #tpu.memory_space<vmem>>
        %dma_start3A_268 = arith.constant 0 : i32
        %dma_start3A_269 = arith.constant 0 : i32
        %dma_start3A_270 = tpu.memref_slice %arg8[%dma_start3A_268, %dma_start3A_269] : memref<10240x64xf32, #tpu.memory_space<vmem_shared>> -> memref<10240x64xf32, #tpu.memory_space<vmem_shared>>
        tpu.enqueue_indirect_dma source(%arg12 : memref<128x64xf32, #tpu.memory_space<vmem>>) target(%dma_start3A_270 : memref<10240x64xf32, #tpu.memory_space<vmem_shared>>) offsets(%dma_start3A_267 : memref<128xi32, #tpu.memory_space<vmem>>) semaphore(%run_scoped3A_264 : memref<!tpu.dma_semaphore, #tpu.memory_space<semaphore_mem>>) {add = true}
        %dma_wait3A_271 = arith.constant 0 : i32
        %dma_wait3A_272 = tpu.memref_slice %arg11[%add3A_199, %dma_wait3A_271] : memref<40x128xi32, #tpu.memory_space<vmem>> -> memref<1x128xi32, #tpu.memory_space<vmem>>
        %dma_wait3A_273 = tpu.memref_squeeze %dma_wait3A_272 : memref<1x128xi32, #tpu.memory_space<vmem>> -> memref<128xi32, #tpu.memory_space<vmem>>
        %dma_wait3A_274 = arith.constant 0 : i32
        %dma_wait3A_275 = arith.constant 0 : i32
        %dma_wait3A_276 = tpu.memref_slice %arg8[%dma_wait3A_274, %dma_wait3A_275] : memref<10240x64xf32, #tpu.memory_space<vmem_shared>> -> memref<10240x64xf32, #tpu.memory_space<vmem_shared>>
        tpu.wait_indirect_dma semaphore(%run_scoped3A_264 : memref<!tpu.dma_semaphore, #tpu.memory_space<semaphore_mem>>) src(%arg12 : memref<128x64xf32, #tpu.memory_space<vmem>>) dst(%dma_wait3A_276 : memref<10240x64xf32, #tpu.memory_space<vmem_shared>>)
        tpu.yield
      }) : () -> ()
      %add3A_200 = arith.constant 0 : i32
      %add3A_201 = arith.addi %mul3A_190, %add3A_200 : i32
      %add3A_202 = arith.constant 4 : i32
      %add3A_203 = arith.addi %add3A_201, %add3A_202 : i32
      %lt3A = arith.constant 40 : i32
      %lt3A_204 = arith.cmpi slt, %add3A_203, %lt3A : i32
      %convert_element_type3A = arith.extui %lt3A_204 : i1 to i32
      %cond3A = arith.constant 0 : i32
      %cond3A_205 = arith.cmpi ne, %convert_element_type3A, %cond3A : i32
      scf.if %cond3A_205 {
        %add3A_264 = arith.constant 0 : i32
        %add3A_265 = arith.addi %mul3A_190, %add3A_264 : i32
        %add3A_266 = arith.constant 4 : i32
        %add3A_267 = arith.addi %add3A_265, %add3A_266 : i32
        %dma_start3A_268 = arith.constant 0 : i32
        %dma_start3A_269 = tpu.memref_slice %arg10[%add3A_267, %dma_start3A_268] : memref<40x128xi32, #tpu.memory_space<vmem>> -> memref<1x128xi32, #tpu.memory_space<vmem>>
        %dma_start3A_270 = tpu.memref_squeeze %dma_start3A_269 : memref<1x128xi32, #tpu.memory_space<vmem>> -> memref<128xi32, #tpu.memory_space<vmem>>
        %dma_start3A_271 = arith.constant 0 : i32
        %dma_start3A_272 = arith.constant 0 : i32
        %dma_start3A_273 = tpu.memref_slice %arg9[%dma_start3A_271, %dma_start3A_272] : memref<10000x64xf32, #tpu.memory_space<vmem_shared>> -> memref<10000x64xf32, #tpu.memory_space<vmem_shared>>
        tpu.enqueue_indirect_dma source(%dma_start3A_273 : memref<10000x64xf32, #tpu.memory_space<vmem_shared>>) target(%arg12 : memref<128x64xf32, #tpu.memory_space<vmem>>) offsets(%dma_start3A_270 : memref<128xi32, #tpu.memory_space<vmem>>) semaphore(%arg16 : memref<!tpu.dma_semaphore, #tpu.memory_space<semaphore_mem>>)
      } else {
      }
      %add3A_206 = arith.constant 1 : i32
      %add3A_207 = arith.addi %mul3A_190, %add3A_206 : i32
      %dma_wait3A_208 = arith.constant 0 : i32
      %dma_wait3A_209 = tpu.memref_slice %arg10[%add3A_207, %dma_wait3A_208] : memref<40x128xi32, #tpu.memory_space<vmem>> -> memref<1x128xi32, #tpu.memory_space<vmem>>
      %dma_wait3A_210 = tpu.memref_squeeze %dma_wait3A_209 : memref<1x128xi32, #tpu.memory_space<vmem>> -> memref<128xi32, #tpu.memory_space<vmem>>
      %dma_wait3A_211 = arith.constant 0 : i32
      %dma_wait3A_212 = arith.constant 0 : i32
      %dma_wait3A_213 = tpu.memref_slice %arg9[%dma_wait3A_211, %dma_wait3A_212] : memref<10000x64xf32, #tpu.memory_space<vmem_shared>> -> memref<10000x64xf32, #tpu.memory_space<vmem_shared>>
      tpu.wait_indirect_dma semaphore(%arg17 : memref<!tpu.dma_semaphore, #tpu.memory_space<semaphore_mem>>) src(%dma_wait3A_213 : memref<10000x64xf32, #tpu.memory_space<vmem_shared>>) dst(%arg13 : memref<128x64xf32, #tpu.memory_space<vmem>>)
      %add3A_214 = arith.constant 1 : i32
      %add3A_215 = arith.addi %mul3A_190, %add3A_214 : i32
      "tpu.region"() ({
        %run_scoped3A_264 = tpu.sem_alloc : memref<!tpu.dma_semaphore, #tpu.memory_space<semaphore_mem>>
        %dma_start3A_265 = arith.constant 0 : i32
        %dma_start3A_266 = tpu.memref_slice %arg11[%add3A_215, %dma_start3A_265] : memref<40x128xi32, #tpu.memory_space<vmem>> -> memref<1x128xi32, #tpu.memory_space<vmem>>
        %dma_start3A_267 = tpu.memref_squeeze %dma_start3A_266 : memref<1x128xi32, #tpu.memory_space<vmem>> -> memref<128xi32, #tpu.memory_space<vmem>>
        %dma_start3A_268 = arith.constant 0 : i32
        %dma_start3A_269 = arith.constant 0 : i32
        %dma_start3A_270 = tpu.memref_slice %arg8[%dma_start3A_268, %dma_start3A_269] : memref<10240x64xf32, #tpu.memory_space<vmem_shared>> -> memref<10240x64xf32, #tpu.memory_space<vmem_shared>>
        tpu.enqueue_indirect_dma source(%arg13 : memref<128x64xf32, #tpu.memory_space<vmem>>) target(%dma_start3A_270 : memref<10240x64xf32, #tpu.memory_space<vmem_shared>>) offsets(%dma_start3A_267 : memref<128xi32, #tpu.memory_space<vmem>>) semaphore(%run_scoped3A_264 : memref<!tpu.dma_semaphore, #tpu.memory_space<semaphore_mem>>) {add = true}
        %dma_wait3A_271 = arith.constant 0 : i32
        %dma_wait3A_272 = tpu.memref_slice %arg11[%add3A_215, %dma_wait3A_271] : memref<40x128xi32, #tpu.memory_space<vmem>> -> memref<1x128xi32, #tpu.memory_space<vmem>>
        %dma_wait3A_273 = tpu.memref_squeeze %dma_wait3A_272 : memref<1x128xi32, #tpu.memory_space<vmem>> -> memref<128xi32, #tpu.memory_space<vmem>>
        %dma_wait3A_274 = arith.constant 0 : i32
        %dma_wait3A_275 = arith.constant 0 : i32
        %dma_wait3A_276 = tpu.memref_slice %arg8[%dma_wait3A_274, %dma_wait3A_275] : memref<10240x64xf32, #tpu.memory_space<vmem_shared>> -> memref<10240x64xf32, #tpu.memory_space<vmem_shared>>
        tpu.wait_indirect_dma semaphore(%run_scoped3A_264 : memref<!tpu.dma_semaphore, #tpu.memory_space<semaphore_mem>>) src(%arg13 : memref<128x64xf32, #tpu.memory_space<vmem>>) dst(%dma_wait3A_276 : memref<10240x64xf32, #tpu.memory_space<vmem_shared>>)
        tpu.yield
      }) : () -> ()
      %add3A_216 = arith.constant 1 : i32
      %add3A_217 = arith.addi %mul3A_190, %add3A_216 : i32
      %add3A_218 = arith.constant 4 : i32
      %add3A_219 = arith.addi %add3A_217, %add3A_218 : i32
      %lt3A_220 = arith.constant 40 : i32
      %lt3A_221 = arith.cmpi slt, %add3A_219, %lt3A_220 : i32
      %convert_element_type3A_222 = arith.extui %lt3A_221 : i1 to i32
      %cond3A_223 = arith.constant 0 : i32
      %cond3A_224 = arith.cmpi ne, %convert_element_type3A_222, %cond3A_223 : i32
      scf.if %cond3A_224 {
        %add3A_264 = arith.constant 1 : i32
        %add3A_265 = arith.addi %mul3A_190, %add3A_264 : i32
        %add3A_266 = arith.constant 4 : i32
        %add3A_267 = arith.addi %add3A_265, %add3A_266 : i32
        %dma_start3A_268 = arith.constant 0 : i32
        %dma_start3A_269 = tpu.memref_slice %arg10[%add3A_267, %dma_start3A_268] : memref<40x128xi32, #tpu.memory_space<vmem>> -> memref<1x128xi32, #tpu.memory_space<vmem>>
        %dma_start3A_270 = tpu.memref_squeeze %dma_start3A_269 : memref<1x128xi32, #tpu.memory_space<vmem>> -> memref<128xi32, #tpu.memory_space<vmem>>
        %dma_start3A_271 = arith.constant 0 : i32
        %dma_start3A_272 = arith.constant 0 : i32
        %dma_start3A_273 = tpu.memref_slice %arg9[%dma_start3A_271, %dma_start3A_272] : memref<10000x64xf32, #tpu.memory_space<vmem_shared>> -> memref<10000x64xf32, #tpu.memory_space<vmem_shared>>
        tpu.enqueue_indirect_dma source(%dma_start3A_273 : memref<10000x64xf32, #tpu.memory_space<vmem_shared>>) target(%arg13 : memref<128x64xf32, #tpu.memory_space<vmem>>) offsets(%dma_start3A_270 : memref<128xi32, #tpu.memory_space<vmem>>) semaphore(%arg17 : memref<!tpu.dma_semaphore, #tpu.memory_space<semaphore_mem>>)
      } else {
      }
      %add3A_225 = arith.constant 2 : i32
      %add3A_226 = arith.addi %mul3A_190, %add3A_225 : i32
      %dma_wait3A_227 = arith.constant 0 : i32
      %dma_wait3A_228 = tpu.memref_slice %arg10[%add3A_226, %dma_wait3A_227] : memref<40x128xi32, #tpu.memory_space<vmem>> -> memref<1x128xi32, #tpu.memory_space<vmem>>
      %dma_wait3A_229 = tpu.memref_squeeze %dma_wait3A_228 : memref<1x128xi32, #tpu.memory_space<vmem>> -> memref<128xi32, #tpu.memory_space<vmem>>
      %dma_wait3A_230 = arith.constant 0 : i32
      %dma_wait3A_231 = arith.constant 0 : i32
      %dma_wait3A_232 = tpu.memref_slice %arg9[%dma_wait3A_230, %dma_wait3A_231] : memref<10000x64xf32, #tpu.memory_space<vmem_shared>> -> memref<10000x64xf32, #tpu.memory_space<vmem_shared>>
      tpu.wait_indirect_dma semaphore(%arg18 : memref<!tpu.dma_semaphore, #tpu.memory_space<semaphore_mem>>) src(%dma_wait3A_232 : memref<10000x64xf32, #tpu.memory_space<vmem_shared>>) dst(%arg14 : memref<128x64xf32, #tpu.memory_space<vmem>>)
      %add3A_233 = arith.constant 2 : i32
      %add3A_234 = arith.addi %mul3A_190, %add3A_233 : i32
      "tpu.region"() ({
        %run_scoped3A_264 = tpu.sem_alloc : memref<!tpu.dma_semaphore, #tpu.memory_space<semaphore_mem>>
        %dma_start3A_265 = arith.constant 0 : i32
        %dma_start3A_266 = tpu.memref_slice %arg11[%add3A_234, %dma_start3A_265] : memref<40x128xi32, #tpu.memory_space<vmem>> -> memref<1x128xi32, #tpu.memory_space<vmem>>
        %dma_start3A_267 = tpu.memref_squeeze %dma_start3A_266 : memref<1x128xi32, #tpu.memory_space<vmem>> -> memref<128xi32, #tpu.memory_space<vmem>>
        %dma_start3A_268 = arith.constant 0 : i32
        %dma_start3A_269 = arith.constant 0 : i32
        %dma_start3A_270 = tpu.memref_slice %arg8[%dma_start3A_268, %dma_start3A_269] : memref<10240x64xf32, #tpu.memory_space<vmem_shared>> -> memref<10240x64xf32, #tpu.memory_space<vmem_shared>>
        tpu.enqueue_indirect_dma source(%arg14 : memref<128x64xf32, #tpu.memory_space<vmem>>) target(%dma_start3A_270 : memref<10240x64xf32, #tpu.memory_space<vmem_shared>>) offsets(%dma_start3A_267 : memref<128xi32, #tpu.memory_space<vmem>>) semaphore(%run_scoped3A_264 : memref<!tpu.dma_semaphore, #tpu.memory_space<semaphore_mem>>) {add = true}
        %dma_wait3A_271 = arith.constant 0 : i32
        %dma_wait3A_272 = tpu.memref_slice %arg11[%add3A_234, %dma_wait3A_271] : memref<40x128xi32, #tpu.memory_space<vmem>> -> memref<1x128xi32, #tpu.memory_space<vmem>>
        %dma_wait3A_273 = tpu.memref_squeeze %dma_wait3A_272 : memref<1x128xi32, #tpu.memory_space<vmem>> -> memref<128xi32, #tpu.memory_space<vmem>>
        %dma_wait3A_274 = arith.constant 0 : i32
        %dma_wait3A_275 = arith.constant 0 : i32
        %dma_wait3A_276 = tpu.memref_slice %arg8[%dma_wait3A_274, %dma_wait3A_275] : memref<10240x64xf32, #tpu.memory_space<vmem_shared>> -> memref<10240x64xf32, #tpu.memory_space<vmem_shared>>
        tpu.wait_indirect_dma semaphore(%run_scoped3A_264 : memref<!tpu.dma_semaphore, #tpu.memory_space<semaphore_mem>>) src(%arg14 : memref<128x64xf32, #tpu.memory_space<vmem>>) dst(%dma_wait3A_276 : memref<10240x64xf32, #tpu.memory_space<vmem_shared>>)
        tpu.yield
      }) : () -> ()
      %add3A_235 = arith.constant 2 : i32
      %add3A_236 = arith.addi %mul3A_190, %add3A_235 : i32
      %add3A_237 = arith.constant 4 : i32
      %add3A_238 = arith.addi %add3A_236, %add3A_237 : i32
      %lt3A_239 = arith.constant 40 : i32
      %lt3A_240 = arith.cmpi slt, %add3A_238, %lt3A_239 : i32
      %convert_element_type3A_241 = arith.extui %lt3A_240 : i1 to i32
      %cond3A_242 = arith.constant 0 : i32
      %cond3A_243 = arith.cmpi ne, %convert_element_type3A_241, %cond3A_242 : i32
      scf.if %cond3A_243 {
        %add3A_264 = arith.constant 2 : i32
        %add3A_265 = arith.addi %mul3A_190, %add3A_264 : i32
        %add3A_266 = arith.constant 4 : i32
        %add3A_267 = arith.addi %add3A_265, %add3A_266 : i32
        %dma_start3A_268 = arith.constant 0 : i32
        %dma_start3A_269 = tpu.memref_slice %arg10[%add3A_267, %dma_start3A_268] : memref<40x128xi32, #tpu.memory_space<vmem>> -> memref<1x128xi32, #tpu.memory_space<vmem>>
        %dma_start3A_270 = tpu.memref_squeeze %dma_start3A_269 : memref<1x128xi32, #tpu.memory_space<vmem>> -> memref<128xi32, #tpu.memory_space<vmem>>
        %dma_start3A_271 = arith.constant 0 : i32
        %dma_start3A_272 = arith.constant 0 : i32
        %dma_start3A_273 = tpu.memref_slice %arg9[%dma_start3A_271, %dma_start3A_272] : memref<10000x64xf32, #tpu.memory_space<vmem_shared>> -> memref<10000x64xf32, #tpu.memory_space<vmem_shared>>
        tpu.enqueue_indirect_dma source(%dma_start3A_273 : memref<10000x64xf32, #tpu.memory_space<vmem_shared>>) target(%arg14 : memref<128x64xf32, #tpu.memory_space<vmem>>) offsets(%dma_start3A_270 : memref<128xi32, #tpu.memory_space<vmem>>) semaphore(%arg18 : memref<!tpu.dma_semaphore, #tpu.memory_space<semaphore_mem>>)
      } else {
      }
      %add3A_244 = arith.constant 3 : i32
      %add3A_245 = arith.addi %mul3A_190, %add3A_244 : i32
      %dma_wait3A_246 = arith.constant 0 : i32
      %dma_wait3A_247 = tpu.memref_slice %arg10[%add3A_245, %dma_wait3A_246] : memref<40x128xi32, #tpu.memory_space<vmem>> -> memref<1x128xi32, #tpu.memory_space<vmem>>
      %dma_wait3A_248 = tpu.memref_squeeze %dma_wait3A_247 : memref<1x128xi32, #tpu.memory_space<vmem>> -> memref<128xi32, #tpu.memory_space<vmem>>
      %dma_wait3A_249 = arith.constant 0 : i32
      %dma_wait3A_250 = arith.constant 0 : i32
      %dma_wait3A_251 = tpu.memref_slice %arg9[%dma_wait3A_249, %dma_wait3A_250] : memref<10000x64xf32, #tpu.memory_space<vmem_shared>> -> memref<10000x64xf32, #tpu.memory_space<vmem_shared>>
      tpu.wait_indirect_dma semaphore(%arg19 : memref<!tpu.dma_semaphore, #tpu.memory_space<semaphore_mem>>) src(%dma_wait3A_251 : memref<10000x64xf32, #tpu.memory_space<vmem_shared>>) dst(%arg15 : memref<128x64xf32, #tpu.memory_space<vmem>>)
      %add3A_252 = arith.constant 3 : i32
      %add3A_253 = arith.addi %mul3A_190, %add3A_252 : i32
      "tpu.region"() ({
        %run_scoped3A_264 = tpu.sem_alloc : memref<!tpu.dma_semaphore, #tpu.memory_space<semaphore_mem>>
        %dma_start3A_265 = arith.constant 0 : i32
        %dma_start3A_266 = tpu.memref_slice %arg11[%add3A_253, %dma_start3A_265] : memref<40x128xi32, #tpu.memory_space<vmem>> -> memref<1x128xi32, #tpu.memory_space<vmem>>
        %dma_start3A_267 = tpu.memref_squeeze %dma_start3A_266 : memref<1x128xi32, #tpu.memory_space<vmem>> -> memref<128xi32, #tpu.memory_space<vmem>>
        %dma_start3A_268 = arith.constant 0 : i32
        %dma_start3A_269 = arith.constant 0 : i32
        %dma_start3A_270 = tpu.memref_slice %arg8[%dma_start3A_268, %dma_start3A_269] : memref<10240x64xf32, #tpu.memory_space<vmem_shared>> -> memref<10240x64xf32, #tpu.memory_space<vmem_shared>>
        tpu.enqueue_indirect_dma source(%arg15 : memref<128x64xf32, #tpu.memory_space<vmem>>) target(%dma_start3A_270 : memref<10240x64xf32, #tpu.memory_space<vmem_shared>>) offsets(%dma_start3A_267 : memref<128xi32, #tpu.memory_space<vmem>>) semaphore(%run_scoped3A_264 : memref<!tpu.dma_semaphore, #tpu.memory_space<semaphore_mem>>) {add = true}
        %dma_wait3A_271 = arith.constant 0 : i32
        %dma_wait3A_272 = tpu.memref_slice %arg11[%add3A_253, %dma_wait3A_271] : memref<40x128xi32, #tpu.memory_space<vmem>> -> memref<1x128xi32, #tpu.memory_space<vmem>>
        %dma_wait3A_273 = tpu.memref_squeeze %dma_wait3A_272 : memref<1x128xi32, #tpu.memory_space<vmem>> -> memref<128xi32, #tpu.memory_space<vmem>>
        %dma_wait3A_274 = arith.constant 0 : i32
        %dma_wait3A_275 = arith.constant 0 : i32
        %dma_wait3A_276 = tpu.memref_slice %arg8[%dma_wait3A_274, %dma_wait3A_275] : memref<10240x64xf32, #tpu.memory_space<vmem_shared>> -> memref<10240x64xf32, #tpu.memory_space<vmem_shared>>
        tpu.wait_indirect_dma semaphore(%run_scoped3A_264 : memref<!tpu.dma_semaphore, #tpu.memory_space<semaphore_mem>>) src(%arg15 : memref<128x64xf32, #tpu.memory_space<vmem>>) dst(%dma_wait3A_276 : memref<10240x64xf32, #tpu.memory_space<vmem_shared>>)
        tpu.yield
      }) : () -> ()
      %add3A_254 = arith.constant 3 : i32
      %add3A_255 = arith.addi %mul3A_190, %add3A_254 : i32
      %add3A_256 = arith.constant 4 : i32
      %add3A_257 = arith.addi %add3A_255, %add3A_256 : i32
      %lt3A_258 = arith.constant 40 : i32
      %lt3A_259 = arith.cmpi slt, %add3A_257, %lt3A_258 : i32
      %convert_element_type3A_260 = arith.extui %lt3A_259 : i1 to i32
      %cond3A_261 = arith.constant 0 : i32
      %cond3A_262 = arith.cmpi ne, %convert_element_type3A_260, %cond3A_261 : i32
      scf.if %cond3A_262 {
        %add3A_264 = arith.constant 3 : i32
        %add3A_265 = arith.addi %mul3A_190, %add3A_264 : i32
        %add3A_266 = arith.constant 4 : i32
        %add3A_267 = arith.addi %add3A_265, %add3A_266 : i32
        %dma_start3A_268 = arith.constant 0 : i32
        %dma_start3A_269 = tpu.memref_slice %arg10[%add3A_267, %dma_start3A_268] : memref<40x128xi32, #tpu.memory_space<vmem>> -> memref<1x128xi32, #tpu.memory_space<vmem>>
        %dma_start3A_270 = tpu.memref_squeeze %dma_start3A_269 : memref<1x128xi32, #tpu.memory_space<vmem>> -> memref<128xi32, #tpu.memory_space<vmem>>
        %dma_start3A_271 = arith.constant 0 : i32
        %dma_start3A_272 = arith.constant 0 : i32
        %dma_start3A_273 = tpu.memref_slice %arg9[%dma_start3A_271, %dma_start3A_272] : memref<10000x64xf32, #tpu.memory_space<vmem_shared>> -> memref<10000x64xf32, #tpu.memory_space<vmem_shared>>
        tpu.enqueue_indirect_dma source(%dma_start3A_273 : memref<10000x64xf32, #tpu.memory_space<vmem_shared>>) target(%arg15 : memref<128x64xf32, #tpu.memory_space<vmem>>) offsets(%dma_start3A_270 : memref<128xi32, #tpu.memory_space<vmem>>) semaphore(%arg19 : memref<!tpu.dma_semaphore, #tpu.memory_space<semaphore_mem>>)
      } else {
      }
      %scan3A_263 = arith.constant 0 : i32
      scf.yield %scan3A_263 : i32
    }
    %scan3A_141 = arith.constant 10 : i32
    %mul3A_142 = arith.constant 80 : i32
    %mul3A_143 = arith.muli %add3A_93, %mul3A_142 : i32
    %add3A_144 = arith.constant 40 : i32
    %add3A_145 = arith.addi %mul3A_143, %add3A_144 : i32
    "tpu.region"() ({
      %run_scoped3A_187 = tpu.sem_alloc : memref<!tpu.dma_semaphore, #tpu.memory_space<semaphore_mem>>
      %dma_start3A_188 = arith.constant 0 : i32
      %dma_start3A_189 = tpu.memref_slice %arg4[%add3A_145, %dma_start3A_188] : memref<2560x128xi32, #tpu.memory_space<hbm>> -> memref<40x128xi32, #tpu.memory_space<hbm>>
      %dma_start3A_190 = arith.constant 0 : i32
      %dma_start3A_191 = tpu.memref_slice %arg4[%add3A_145, %dma_start3A_190] : memref<2560x128xi32, #tpu.memory_space<hbm>> -> memref<40x128xi32, #tpu.memory_space<hbm>>
      tpu.enqueue_dma source(%dma_start3A_191 : memref<40x128xi32, #tpu.memory_space<hbm>>) target(%arg10 : memref<40x128xi32, #tpu.memory_space<vmem>>) target_semaphore(%run_scoped3A_187 : memref<!tpu.dma_semaphore, #tpu.memory_space<semaphore_mem>>)
      %dma_wait3A = arith.constant 0 : i32
      %dma_wait3A_192 = tpu.memref_slice %arg4[%add3A_145, %dma_wait3A] : memref<2560x128xi32, #tpu.memory_space<hbm>> -> memref<40x128xi32, #tpu.memory_space<hbm>>
      %dma_wait3A_193 = arith.constant 0 : i32
      %dma_wait3A_194 = tpu.memref_slice %arg4[%add3A_145, %dma_wait3A_193] : memref<2560x128xi32, #tpu.memory_space<hbm>> -> memref<40x128xi32, #tpu.memory_space<hbm>>
      tpu.wait_dma2 semaphore(%run_scoped3A_187 : memref<!tpu.dma_semaphore, #tpu.memory_space<semaphore_mem>>) src(%dma_wait3A_194 : memref<40x128xi32, #tpu.memory_space<hbm>>) dst(%arg10 : memref<40x128xi32, #tpu.memory_space<vmem>>)
      tpu.yield
    }) : () -> ()
    %mul3A_146 = arith.constant 80 : i32
    %mul3A_147 = arith.muli %add3A_93, %mul3A_146 : i32
    %add3A_148 = arith.constant 40 : i32
    %add3A_149 = arith.addi %mul3A_147, %add3A_148 : i32
    "tpu.region"() ({
      %run_scoped3A_187 = tpu.sem_alloc : memref<!tpu.dma_semaphore, #tpu.memory_space<semaphore_mem>>
      %dma_start3A_188 = arith.constant 0 : i32
      %dma_start3A_189 = tpu.memref_slice %arg5[%add3A_149, %dma_start3A_188] : memref<2560x128xi32, #tpu.memory_space<hbm>> -> memref<40x128xi32, #tpu.memory_space<hbm>>
      %dma_start3A_190 = arith.constant 0 : i32
      %dma_start3A_191 = tpu.memref_slice %arg5[%add3A_149, %dma_start3A_190] : memref<2560x128xi32, #tpu.memory_space<hbm>> -> memref<40x128xi32, #tpu.memory_space<hbm>>
      tpu.enqueue_dma source(%dma_start3A_191 : memref<40x128xi32, #tpu.memory_space<hbm>>) target(%arg11 : memref<40x128xi32, #tpu.memory_space<vmem>>) target_semaphore(%run_scoped3A_187 : memref<!tpu.dma_semaphore, #tpu.memory_space<semaphore_mem>>)
      %dma_wait3A = arith.constant 0 : i32
      %dma_wait3A_192 = tpu.memref_slice %arg5[%add3A_149, %dma_wait3A] : memref<2560x128xi32, #tpu.memory_space<hbm>> -> memref<40x128xi32, #tpu.memory_space<hbm>>
      %dma_wait3A_193 = arith.constant 0 : i32
      %dma_wait3A_194 = tpu.memref_slice %arg5[%add3A_149, %dma_wait3A_193] : memref<2560x128xi32, #tpu.memory_space<hbm>> -> memref<40x128xi32, #tpu.memory_space<hbm>>
      tpu.wait_dma2 semaphore(%run_scoped3A_187 : memref<!tpu.dma_semaphore, #tpu.memory_space<semaphore_mem>>) src(%dma_wait3A_194 : memref<40x128xi32, #tpu.memory_space<hbm>>) dst(%arg11 : memref<40x128xi32, #tpu.memory_space<vmem>>)
      tpu.yield
    }) : () -> ()
    %dma_start3A_150 = arith.constant 0 : i32
    %dma_start3A_151 = arith.constant 0 : i32
    %dma_start3A_152 = tpu.memref_slice %arg10[%dma_start3A_150, %dma_start3A_151] : memref<40x128xi32, #tpu.memory_space<vmem>> -> memref<1x128xi32, #tpu.memory_space<vmem>>
    %dma_start3A_153 = tpu.memref_squeeze %dma_start3A_152 : memref<1x128xi32, #tpu.memory_space<vmem>> -> memref<128xi32, #tpu.memory_space<vmem>>
    %dma_start3A_154 = arith.constant 0 : i32
    %dma_start3A_155 = arith.constant 0 : i32
    %dma_start3A_156 = tpu.memref_slice %arg9[%dma_start3A_154, %dma_start3A_155] : memref<10000x64xf32, #tpu.memory_space<vmem_shared>> -> memref<10000x64xf32, #tpu.memory_space<vmem_shared>>
    tpu.enqueue_indirect_dma source(%dma_start3A_156 : memref<10000x64xf32, #tpu.memory_space<vmem_shared>>) target(%arg12 : memref<128x64xf32, #tpu.memory_space<vmem>>) offsets(%dma_start3A_153 : memref<128xi32, #tpu.memory_space<vmem>>) semaphore(%arg16 : memref<!tpu.dma_semaphore, #tpu.memory_space<semaphore_mem>>)
    %dma_start3A_157 = arith.constant 1 : i32
    %dma_start3A_158 = arith.constant 0 : i32
    %dma_start3A_159 = tpu.memref_slice %arg10[%dma_start3A_157, %dma_start3A_158] : memref<40x128xi32, #tpu.memory_space<vmem>> -> memref<1x128xi32, #tpu.memory_space<vmem>>
    %dma_start3A_160 = tpu.memref_squeeze %dma_start3A_159 : memref<1x128xi32, #tpu.memory_space<vmem>> -> memref<128xi32, #tpu.memory_space<vmem>>
    %dma_start3A_161 = arith.constant 0 : i32
    %dma_start3A_162 = arith.constant 0 : i32
    %dma_start3A_163 = tpu.memref_slice %arg9[%dma_start3A_161, %dma_start3A_162] : memref<10000x64xf32, #tpu.memory_space<vmem_shared>> -> memref<10000x64xf32, #tpu.memory_space<vmem_shared>>
    tpu.enqueue_indirect_dma source(%dma_start3A_163 : memref<10000x64xf32, #tpu.memory_space<vmem_shared>>) target(%arg13 : memref<128x64xf32, #tpu.memory_space<vmem>>) offsets(%dma_start3A_160 : memref<128xi32, #tpu.memory_space<vmem>>) semaphore(%arg17 : memref<!tpu.dma_semaphore, #tpu.memory_space<semaphore_mem>>)
    %dma_start3A_164 = arith.constant 2 : i32
    %dma_start3A_165 = arith.constant 0 : i32
    %dma_start3A_166 = tpu.memref_slice %arg10[%dma_start3A_164, %dma_start3A_165] : memref<40x128xi32, #tpu.memory_space<vmem>> -> memref<1x128xi32, #tpu.memory_space<vmem>>
    %dma_start3A_167 = tpu.memref_squeeze %dma_start3A_166 : memref<1x128xi32, #tpu.memory_space<vmem>> -> memref<128xi32, #tpu.memory_space<vmem>>
    %dma_start3A_168 = arith.constant 0 : i32
    %dma_start3A_169 = arith.constant 0 : i32
    %dma_start3A_170 = tpu.memref_slice %arg9[%dma_start3A_168, %dma_start3A_169] : memref<10000x64xf32, #tpu.memory_space<vmem_shared>> -> memref<10000x64xf32, #tpu.memory_space<vmem_shared>>
    tpu.enqueue_indirect_dma source(%dma_start3A_170 : memref<10000x64xf32, #tpu.memory_space<vmem_shared>>) target(%arg14 : memref<128x64xf32, #tpu.memory_space<vmem>>) offsets(%dma_start3A_167 : memref<128xi32, #tpu.memory_space<vmem>>) semaphore(%arg18 : memref<!tpu.dma_semaphore, #tpu.memory_space<semaphore_mem>>)
    %dma_start3A_171 = arith.constant 3 : i32
    %dma_start3A_172 = arith.constant 0 : i32
    %dma_start3A_173 = tpu.memref_slice %arg10[%dma_start3A_171, %dma_start3A_172] : memref<40x128xi32, #tpu.memory_space<vmem>> -> memref<1x128xi32, #tpu.memory_space<vmem>>
    %dma_start3A_174 = tpu.memref_squeeze %dma_start3A_173 : memref<1x128xi32, #tpu.memory_space<vmem>> -> memref<128xi32, #tpu.memory_space<vmem>>
    %dma_start3A_175 = arith.constant 0 : i32
    %dma_start3A_176 = arith.constant 0 : i32
    %dma_start3A_177 = tpu.memref_slice %arg9[%dma_start3A_175, %dma_start3A_176] : memref<10000x64xf32, #tpu.memory_space<vmem_shared>> -> memref<10000x64xf32, #tpu.memory_space<vmem_shared>>
    tpu.enqueue_indirect_dma source(%dma_start3A_177 : memref<10000x64xf32, #tpu.memory_space<vmem_shared>>) target(%arg15 : memref<128x64xf32, #tpu.memory_space<vmem>>) offsets(%dma_start3A_174 : memref<128xi32, #tpu.memory_space<vmem>>) semaphore(%arg19 : memref<!tpu.dma_semaphore, #tpu.memory_space<semaphore_mem>>)
    %scan3A_178 = arith.constant 0 : i32
    %scan3A_179 = arith.constant 0 : i32
    %scan3A_180 = arith.constant 10 : i32
    %scan3A_181 = arith.addi %scan3A_179, %scan3A_180 : i32
    %scan3A_182 = arith.constant 1 : i32
    %scan3A_183 = scf.for %scan3A_187 = %scan3A_179 to %scan3A_181 step %scan3A_182 iter_args(%scan3A_188 = %scan3A_178) -> (i32)  : i32 {
      %mul3A_189 = arith.constant 4 : i32
      %mul3A_190 = arith.muli %mul3A_189, %scan3A_187 : i32
      %add3A_191 = arith.constant 0 : i32
      %add3A_192 = arith.addi %mul3A_190, %add3A_191 : i32
      %dma_wait3A = arith.constant 0 : i32
      %dma_wait3A_193 = tpu.memref_slice %arg10[%add3A_192, %dma_wait3A] : memref<40x128xi32, #tpu.memory_space<vmem>> -> memref<1x128xi32, #tpu.memory_space<vmem>>
      %dma_wait3A_194 = tpu.memref_squeeze %dma_wait3A_193 : memref<1x128xi32, #tpu.memory_space<vmem>> -> memref<128xi32, #tpu.memory_space<vmem>>
      %dma_wait3A_195 = arith.constant 0 : i32
      %dma_wait3A_196 = arith.constant 0 : i32
      %dma_wait3A_197 = tpu.memref_slice %arg9[%dma_wait3A_195, %dma_wait3A_196] : memref<10000x64xf32, #tpu.memory_space<vmem_shared>> -> memref<10000x64xf32, #tpu.memory_space<vmem_shared>>
      tpu.wait_indirect_dma semaphore(%arg16 : memref<!tpu.dma_semaphore, #tpu.memory_space<semaphore_mem>>) src(%dma_wait3A_197 : memref<10000x64xf32, #tpu.memory_space<vmem_shared>>) dst(%arg12 : memref<128x64xf32, #tpu.memory_space<vmem>>)
      %add3A_198 = arith.constant 0 : i32
      %add3A_199 = arith.addi %mul3A_190, %add3A_198 : i32
      "tpu.region"() ({
        %run_scoped3A_264 = tpu.sem_alloc : memref<!tpu.dma_semaphore, #tpu.memory_space<semaphore_mem>>
        %dma_start3A_265 = arith.constant 0 : i32
        %dma_start3A_266 = tpu.memref_slice %arg11[%add3A_199, %dma_start3A_265] : memref<40x128xi32, #tpu.memory_space<vmem>> -> memref<1x128xi32, #tpu.memory_space<vmem>>
        %dma_start3A_267 = tpu.memref_squeeze %dma_start3A_266 : memref<1x128xi32, #tpu.memory_space<vmem>> -> memref<128xi32, #tpu.memory_space<vmem>>
        %dma_start3A_268 = arith.constant 0 : i32
        %dma_start3A_269 = arith.constant 0 : i32
        %dma_start3A_270 = tpu.memref_slice %arg8[%dma_start3A_268, %dma_start3A_269] : memref<10240x64xf32, #tpu.memory_space<vmem_shared>> -> memref<10240x64xf32, #tpu.memory_space<vmem_shared>>
        tpu.enqueue_indirect_dma source(%arg12 : memref<128x64xf32, #tpu.memory_space<vmem>>) target(%dma_start3A_270 : memref<10240x64xf32, #tpu.memory_space<vmem_shared>>) offsets(%dma_start3A_267 : memref<128xi32, #tpu.memory_space<vmem>>) semaphore(%run_scoped3A_264 : memref<!tpu.dma_semaphore, #tpu.memory_space<semaphore_mem>>) {add = true}
        %dma_wait3A_271 = arith.constant 0 : i32
        %dma_wait3A_272 = tpu.memref_slice %arg11[%add3A_199, %dma_wait3A_271] : memref<40x128xi32, #tpu.memory_space<vmem>> -> memref<1x128xi32, #tpu.memory_space<vmem>>
        %dma_wait3A_273 = tpu.memref_squeeze %dma_wait3A_272 : memref<1x128xi32, #tpu.memory_space<vmem>> -> memref<128xi32, #tpu.memory_space<vmem>>
        %dma_wait3A_274 = arith.constant 0 : i32
        %dma_wait3A_275 = arith.constant 0 : i32
        %dma_wait3A_276 = tpu.memref_slice %arg8[%dma_wait3A_274, %dma_wait3A_275] : memref<10240x64xf32, #tpu.memory_space<vmem_shared>> -> memref<10240x64xf32, #tpu.memory_space<vmem_shared>>
        tpu.wait_indirect_dma semaphore(%run_scoped3A_264 : memref<!tpu.dma_semaphore, #tpu.memory_space<semaphore_mem>>) src(%arg12 : memref<128x64xf32, #tpu.memory_space<vmem>>) dst(%dma_wait3A_276 : memref<10240x64xf32, #tpu.memory_space<vmem_shared>>)
        tpu.yield
      }) : () -> ()
      %add3A_200 = arith.constant 0 : i32
      %add3A_201 = arith.addi %mul3A_190, %add3A_200 : i32
      %add3A_202 = arith.constant 4 : i32
      %add3A_203 = arith.addi %add3A_201, %add3A_202 : i32
      %lt3A = arith.constant 40 : i32
      %lt3A_204 = arith.cmpi slt, %add3A_203, %lt3A : i32
      %convert_element_type3A = arith.extui %lt3A_204 : i1 to i32
      %cond3A = arith.constant 0 : i32
      %cond3A_205 = arith.cmpi ne, %convert_element_type3A, %cond3A : i32
      scf.if %cond3A_205 {
        %add3A_264 = arith.constant 0 : i32
        %add3A_265 = arith.addi %mul3A_190, %add3A_264 : i32
        %add3A_266 = arith.constant 4 : i32
        %add3A_267 = arith.addi %add3A_265, %add3A_266 : i32
        %dma_start3A_268 = arith.constant 0 : i32
        %dma_start3A_269 = tpu.memref_slice %arg10[%add3A_267, %dma_start3A_268] : memref<40x128xi32, #tpu.memory_space<vmem>> -> memref<1x128xi32, #tpu.memory_space<vmem>>
        %dma_start3A_270 = tpu.memref_squeeze %dma_start3A_269 : memref<1x128xi32, #tpu.memory_space<vmem>> -> memref<128xi32, #tpu.memory_space<vmem>>
        %dma_start3A_271 = arith.constant 0 : i32
        %dma_start3A_272 = arith.constant 0 : i32
        %dma_start3A_273 = tpu.memref_slice %arg9[%dma_start3A_271, %dma_start3A_272] : memref<10000x64xf32, #tpu.memory_space<vmem_shared>> -> memref<10000x64xf32, #tpu.memory_space<vmem_shared>>
        tpu.enqueue_indirect_dma source(%dma_start3A_273 : memref<10000x64xf32, #tpu.memory_space<vmem_shared>>) target(%arg12 : memref<128x64xf32, #tpu.memory_space<vmem>>) offsets(%dma_start3A_270 : memref<128xi32, #tpu.memory_space<vmem>>) semaphore(%arg16 : memref<!tpu.dma_semaphore, #tpu.memory_space<semaphore_mem>>)
      } else {
      }
      %add3A_206 = arith.constant 1 : i32
      %add3A_207 = arith.addi %mul3A_190, %add3A_206 : i32
      %dma_wait3A_208 = arith.constant 0 : i32
      %dma_wait3A_209 = tpu.memref_slice %arg10[%add3A_207, %dma_wait3A_208] : memref<40x128xi32, #tpu.memory_space<vmem>> -> memref<1x128xi32, #tpu.memory_space<vmem>>
      %dma_wait3A_210 = tpu.memref_squeeze %dma_wait3A_209 : memref<1x128xi32, #tpu.memory_space<vmem>> -> memref<128xi32, #tpu.memory_space<vmem>>
      %dma_wait3A_211 = arith.constant 0 : i32
      %dma_wait3A_212 = arith.constant 0 : i32
      %dma_wait3A_213 = tpu.memref_slice %arg9[%dma_wait3A_211, %dma_wait3A_212] : memref<10000x64xf32, #tpu.memory_space<vmem_shared>> -> memref<10000x64xf32, #tpu.memory_space<vmem_shared>>
      tpu.wait_indirect_dma semaphore(%arg17 : memref<!tpu.dma_semaphore, #tpu.memory_space<semaphore_mem>>) src(%dma_wait3A_213 : memref<10000x64xf32, #tpu.memory_space<vmem_shared>>) dst(%arg13 : memref<128x64xf32, #tpu.memory_space<vmem>>)
      %add3A_214 = arith.constant 1 : i32
      %add3A_215 = arith.addi %mul3A_190, %add3A_214 : i32
      "tpu.region"() ({
        %run_scoped3A_264 = tpu.sem_alloc : memref<!tpu.dma_semaphore, #tpu.memory_space<semaphore_mem>>
        %dma_start3A_265 = arith.constant 0 : i32
        %dma_start3A_266 = tpu.memref_slice %arg11[%add3A_215, %dma_start3A_265] : memref<40x128xi32, #tpu.memory_space<vmem>> -> memref<1x128xi32, #tpu.memory_space<vmem>>
        %dma_start3A_267 = tpu.memref_squeeze %dma_start3A_266 : memref<1x128xi32, #tpu.memory_space<vmem>> -> memref<128xi32, #tpu.memory_space<vmem>>
        %dma_start3A_268 = arith.constant 0 : i32
        %dma_start3A_269 = arith.constant 0 : i32
        %dma_start3A_270 = tpu.memref_slice %arg8[%dma_start3A_268, %dma_start3A_269] : memref<10240x64xf32, #tpu.memory_space<vmem_shared>> -> memref<10240x64xf32, #tpu.memory_space<vmem_shared>>
        tpu.enqueue_indirect_dma source(%arg13 : memref<128x64xf32, #tpu.memory_space<vmem>>) target(%dma_start3A_270 : memref<10240x64xf32, #tpu.memory_space<vmem_shared>>) offsets(%dma_start3A_267 : memref<128xi32, #tpu.memory_space<vmem>>) semaphore(%run_scoped3A_264 : memref<!tpu.dma_semaphore, #tpu.memory_space<semaphore_mem>>) {add = true}
        %dma_wait3A_271 = arith.constant 0 : i32
        %dma_wait3A_272 = tpu.memref_slice %arg11[%add3A_215, %dma_wait3A_271] : memref<40x128xi32, #tpu.memory_space<vmem>> -> memref<1x128xi32, #tpu.memory_space<vmem>>
        %dma_wait3A_273 = tpu.memref_squeeze %dma_wait3A_272 : memref<1x128xi32, #tpu.memory_space<vmem>> -> memref<128xi32, #tpu.memory_space<vmem>>
        %dma_wait3A_274 = arith.constant 0 : i32
        %dma_wait3A_275 = arith.constant 0 : i32
        %dma_wait3A_276 = tpu.memref_slice %arg8[%dma_wait3A_274, %dma_wait3A_275] : memref<10240x64xf32, #tpu.memory_space<vmem_shared>> -> memref<10240x64xf32, #tpu.memory_space<vmem_shared>>
        tpu.wait_indirect_dma semaphore(%run_scoped3A_264 : memref<!tpu.dma_semaphore, #tpu.memory_space<semaphore_mem>>) src(%arg13 : memref<128x64xf32, #tpu.memory_space<vmem>>) dst(%dma_wait3A_276 : memref<10240x64xf32, #tpu.memory_space<vmem_shared>>)
        tpu.yield
      }) : () -> ()
      %add3A_216 = arith.constant 1 : i32
      %add3A_217 = arith.addi %mul3A_190, %add3A_216 : i32
      %add3A_218 = arith.constant 4 : i32
      %add3A_219 = arith.addi %add3A_217, %add3A_218 : i32
      %lt3A_220 = arith.constant 40 : i32
      %lt3A_221 = arith.cmpi slt, %add3A_219, %lt3A_220 : i32
      %convert_element_type3A_222 = arith.extui %lt3A_221 : i1 to i32
      %cond3A_223 = arith.constant 0 : i32
      %cond3A_224 = arith.cmpi ne, %convert_element_type3A_222, %cond3A_223 : i32
      scf.if %cond3A_224 {
        %add3A_264 = arith.constant 1 : i32
        %add3A_265 = arith.addi %mul3A_190, %add3A_264 : i32
        %add3A_266 = arith.constant 4 : i32
        %add3A_267 = arith.addi %add3A_265, %add3A_266 : i32
        %dma_start3A_268 = arith.constant 0 : i32
        %dma_start3A_269 = tpu.memref_slice %arg10[%add3A_267, %dma_start3A_268] : memref<40x128xi32, #tpu.memory_space<vmem>> -> memref<1x128xi32, #tpu.memory_space<vmem>>
        %dma_start3A_270 = tpu.memref_squeeze %dma_start3A_269 : memref<1x128xi32, #tpu.memory_space<vmem>> -> memref<128xi32, #tpu.memory_space<vmem>>
        %dma_start3A_271 = arith.constant 0 : i32
        %dma_start3A_272 = arith.constant 0 : i32
        %dma_start3A_273 = tpu.memref_slice %arg9[%dma_start3A_271, %dma_start3A_272] : memref<10000x64xf32, #tpu.memory_space<vmem_shared>> -> memref<10000x64xf32, #tpu.memory_space<vmem_shared>>
        tpu.enqueue_indirect_dma source(%dma_start3A_273 : memref<10000x64xf32, #tpu.memory_space<vmem_shared>>) target(%arg13 : memref<128x64xf32, #tpu.memory_space<vmem>>) offsets(%dma_start3A_270 : memref<128xi32, #tpu.memory_space<vmem>>) semaphore(%arg17 : memref<!tpu.dma_semaphore, #tpu.memory_space<semaphore_mem>>)
      } else {
      }
      %add3A_225 = arith.constant 2 : i32
      %add3A_226 = arith.addi %mul3A_190, %add3A_225 : i32
      %dma_wait3A_227 = arith.constant 0 : i32
      %dma_wait3A_228 = tpu.memref_slice %arg10[%add3A_226, %dma_wait3A_227] : memref<40x128xi32, #tpu.memory_space<vmem>> -> memref<1x128xi32, #tpu.memory_space<vmem>>
      %dma_wait3A_229 = tpu.memref_squeeze %dma_wait3A_228 : memref<1x128xi32, #tpu.memory_space<vmem>> -> memref<128xi32, #tpu.memory_space<vmem>>
      %dma_wait3A_230 = arith.constant 0 : i32
      %dma_wait3A_231 = arith.constant 0 : i32
      %dma_wait3A_232 = tpu.memref_slice %arg9[%dma_wait3A_230, %dma_wait3A_231] : memref<10000x64xf32, #tpu.memory_space<vmem_shared>> -> memref<10000x64xf32, #tpu.memory_space<vmem_shared>>
      tpu.wait_indirect_dma semaphore(%arg18 : memref<!tpu.dma_semaphore, #tpu.memory_space<semaphore_mem>>) src(%dma_wait3A_232 : memref<10000x64xf32, #tpu.memory_space<vmem_shared>>) dst(%arg14 : memref<128x64xf32, #tpu.memory_space<vmem>>)
      %add3A_233 = arith.constant 2 : i32
      %add3A_234 = arith.addi %mul3A_190, %add3A_233 : i32
      "tpu.region"() ({
        %run_scoped3A_264 = tpu.sem_alloc : memref<!tpu.dma_semaphore, #tpu.memory_space<semaphore_mem>>
        %dma_start3A_265 = arith.constant 0 : i32
        %dma_start3A_266 = tpu.memref_slice %arg11[%add3A_234, %dma_start3A_265] : memref<40x128xi32, #tpu.memory_space<vmem>> -> memref<1x128xi32, #tpu.memory_space<vmem>>
        %dma_start3A_267 = tpu.memref_squeeze %dma_start3A_266 : memref<1x128xi32, #tpu.memory_space<vmem>> -> memref<128xi32, #tpu.memory_space<vmem>>
        %dma_start3A_268 = arith.constant 0 : i32
        %dma_start3A_269 = arith.constant 0 : i32
        %dma_start3A_270 = tpu.memref_slice %arg8[%dma_start3A_268, %dma_start3A_269] : memref<10240x64xf32, #tpu.memory_space<vmem_shared>> -> memref<10240x64xf32, #tpu.memory_space<vmem_shared>>
        tpu.enqueue_indirect_dma source(%arg14 : memref<128x64xf32, #tpu.memory_space<vmem>>) target(%dma_start3A_270 : memref<10240x64xf32, #tpu.memory_space<vmem_shared>>) offsets(%dma_start3A_267 : memref<128xi32, #tpu.memory_space<vmem>>) semaphore(%run_scoped3A_264 : memref<!tpu.dma_semaphore, #tpu.memory_space<semaphore_mem>>) {add = true}
        %dma_wait3A_271 = arith.constant 0 : i32
        %dma_wait3A_272 = tpu.memref_slice %arg11[%add3A_234, %dma_wait3A_271] : memref<40x128xi32, #tpu.memory_space<vmem>> -> memref<1x128xi32, #tpu.memory_space<vmem>>
        %dma_wait3A_273 = tpu.memref_squeeze %dma_wait3A_272 : memref<1x128xi32, #tpu.memory_space<vmem>> -> memref<128xi32, #tpu.memory_space<vmem>>
        %dma_wait3A_274 = arith.constant 0 : i32
        %dma_wait3A_275 = arith.constant 0 : i32
        %dma_wait3A_276 = tpu.memref_slice %arg8[%dma_wait3A_274, %dma_wait3A_275] : memref<10240x64xf32, #tpu.memory_space<vmem_shared>> -> memref<10240x64xf32, #tpu.memory_space<vmem_shared>>
        tpu.wait_indirect_dma semaphore(%run_scoped3A_264 : memref<!tpu.dma_semaphore, #tpu.memory_space<semaphore_mem>>) src(%arg14 : memref<128x64xf32, #tpu.memory_space<vmem>>) dst(%dma_wait3A_276 : memref<10240x64xf32, #tpu.memory_space<vmem_shared>>)
        tpu.yield
      }) : () -> ()
      %add3A_235 = arith.constant 2 : i32
      %add3A_236 = arith.addi %mul3A_190, %add3A_235 : i32
      %add3A_237 = arith.constant 4 : i32
      %add3A_238 = arith.addi %add3A_236, %add3A_237 : i32
      %lt3A_239 = arith.constant 40 : i32
      %lt3A_240 = arith.cmpi slt, %add3A_238, %lt3A_239 : i32
      %convert_element_type3A_241 = arith.extui %lt3A_240 : i1 to i32
      %cond3A_242 = arith.constant 0 : i32
      %cond3A_243 = arith.cmpi ne, %convert_element_type3A_241, %cond3A_242 : i32
      scf.if %cond3A_243 {
        %add3A_264 = arith.constant 2 : i32
        %add3A_265 = arith.addi %mul3A_190, %add3A_264 : i32
        %add3A_266 = arith.constant 4 : i32
        %add3A_267 = arith.addi %add3A_265, %add3A_266 : i32
        %dma_start3A_268 = arith.constant 0 : i32
        %dma_start3A_269 = tpu.memref_slice %arg10[%add3A_267, %dma_start3A_268] : memref<40x128xi32, #tpu.memory_space<vmem>> -> memref<1x128xi32, #tpu.memory_space<vmem>>
        %dma_start3A_270 = tpu.memref_squeeze %dma_start3A_269 : memref<1x128xi32, #tpu.memory_space<vmem>> -> memref<128xi32, #tpu.memory_space<vmem>>
        %dma_start3A_271 = arith.constant 0 : i32
        %dma_start3A_272 = arith.constant 0 : i32
        %dma_start3A_273 = tpu.memref_slice %arg9[%dma_start3A_271, %dma_start3A_272] : memref<10000x64xf32, #tpu.memory_space<vmem_shared>> -> memref<10000x64xf32, #tpu.memory_space<vmem_shared>>
        tpu.enqueue_indirect_dma source(%dma_start3A_273 : memref<10000x64xf32, #tpu.memory_space<vmem_shared>>) target(%arg14 : memref<128x64xf32, #tpu.memory_space<vmem>>) offsets(%dma_start3A_270 : memref<128xi32, #tpu.memory_space<vmem>>) semaphore(%arg18 : memref<!tpu.dma_semaphore, #tpu.memory_space<semaphore_mem>>)
      } else {
      }
      %add3A_244 = arith.constant 3 : i32
      %add3A_245 = arith.addi %mul3A_190, %add3A_244 : i32
      %dma_wait3A_246 = arith.constant 0 : i32
      %dma_wait3A_247 = tpu.memref_slice %arg10[%add3A_245, %dma_wait3A_246] : memref<40x128xi32, #tpu.memory_space<vmem>> -> memref<1x128xi32, #tpu.memory_space<vmem>>
      %dma_wait3A_248 = tpu.memref_squeeze %dma_wait3A_247 : memref<1x128xi32, #tpu.memory_space<vmem>> -> memref<128xi32, #tpu.memory_space<vmem>>
      %dma_wait3A_249 = arith.constant 0 : i32
      %dma_wait3A_250 = arith.constant 0 : i32
      %dma_wait3A_251 = tpu.memref_slice %arg9[%dma_wait3A_249, %dma_wait3A_250] : memref<10000x64xf32, #tpu.memory_space<vmem_shared>> -> memref<10000x64xf32, #tpu.memory_space<vmem_shared>>
      tpu.wait_indirect_dma semaphore(%arg19 : memref<!tpu.dma_semaphore, #tpu.memory_space<semaphore_mem>>) src(%dma_wait3A_251 : memref<10000x64xf32, #tpu.memory_space<vmem_shared>>) dst(%arg15 : memref<128x64xf32, #tpu.memory_space<vmem>>)
      %add3A_252 = arith.constant 3 : i32
      %add3A_253 = arith.addi %mul3A_190, %add3A_252 : i32
      "tpu.region"() ({
        %run_scoped3A_264 = tpu.sem_alloc : memref<!tpu.dma_semaphore, #tpu.memory_space<semaphore_mem>>
        %dma_start3A_265 = arith.constant 0 : i32
        %dma_start3A_266 = tpu.memref_slice %arg11[%add3A_253, %dma_start3A_265] : memref<40x128xi32, #tpu.memory_space<vmem>> -> memref<1x128xi32, #tpu.memory_space<vmem>>
        %dma_start3A_267 = tpu.memref_squeeze %dma_start3A_266 : memref<1x128xi32, #tpu.memory_space<vmem>> -> memref<128xi32, #tpu.memory_space<vmem>>
        %dma_start3A_268 = arith.constant 0 : i32
        %dma_start3A_269 = arith.constant 0 : i32
        %dma_start3A_270 = tpu.memref_slice %arg8[%dma_start3A_268, %dma_start3A_269] : memref<10240x64xf32, #tpu.memory_space<vmem_shared>> -> memref<10240x64xf32, #tpu.memory_space<vmem_shared>>
        tpu.enqueue_indirect_dma source(%arg15 : memref<128x64xf32, #tpu.memory_space<vmem>>) target(%dma_start3A_270 : memref<10240x64xf32, #tpu.memory_space<vmem_shared>>) offsets(%dma_start3A_267 : memref<128xi32, #tpu.memory_space<vmem>>) semaphore(%run_scoped3A_264 : memref<!tpu.dma_semaphore, #tpu.memory_space<semaphore_mem>>) {add = true}
        %dma_wait3A_271 = arith.constant 0 : i32
        %dma_wait3A_272 = tpu.memref_slice %arg11[%add3A_253, %dma_wait3A_271] : memref<40x128xi32, #tpu.memory_space<vmem>> -> memref<1x128xi32, #tpu.memory_space<vmem>>
        %dma_wait3A_273 = tpu.memref_squeeze %dma_wait3A_272 : memref<1x128xi32, #tpu.memory_space<vmem>> -> memref<128xi32, #tpu.memory_space<vmem>>
        %dma_wait3A_274 = arith.constant 0 : i32
        %dma_wait3A_275 = arith.constant 0 : i32
        %dma_wait3A_276 = tpu.memref_slice %arg8[%dma_wait3A_274, %dma_wait3A_275] : memref<10240x64xf32, #tpu.memory_space<vmem_shared>> -> memref<10240x64xf32, #tpu.memory_space<vmem_shared>>
        tpu.wait_indirect_dma semaphore(%run_scoped3A_264 : memref<!tpu.dma_semaphore, #tpu.memory_space<semaphore_mem>>) src(%arg15 : memref<128x64xf32, #tpu.memory_space<vmem>>) dst(%dma_wait3A_276 : memref<10240x64xf32, #tpu.memory_space<vmem_shared>>)
        tpu.yield
      }) : () -> ()
      %add3A_254 = arith.constant 3 : i32
      %add3A_255 = arith.addi %mul3A_190, %add3A_254 : i32
      %add3A_256 = arith.constant 4 : i32
      %add3A_257 = arith.addi %add3A_255, %add3A_256 : i32
      %lt3A_258 = arith.constant 40 : i32
      %lt3A_259 = arith.cmpi slt, %add3A_257, %lt3A_258 : i32
      %convert_element_type3A_260 = arith.extui %lt3A_259 : i1 to i32
      %cond3A_261 = arith.constant 0 : i32
      %cond3A_262 = arith.cmpi ne, %convert_element_type3A_260, %cond3A_261 : i32
      scf.if %cond3A_262 {
        %add3A_264 = arith.constant 3 : i32
        %add3A_265 = arith.addi %mul3A_190, %add3A_264 : i32
        %add3A_266 = arith.constant 4 : i32
        %add3A_267 = arith.addi %add3A_265, %add3A_266 : i32
        %dma_start3A_268 = arith.constant 0 : i32
        %dma_start3A_269 = tpu.memref_slice %arg10[%add3A_267, %dma_start3A_268] : memref<40x128xi32, #tpu.memory_space<vmem>> -> memref<1x128xi32, #tpu.memory_space<vmem>>
        %dma_start3A_270 = tpu.memref_squeeze %dma_start3A_269 : memref<1x128xi32, #tpu.memory_space<vmem>> -> memref<128xi32, #tpu.memory_space<vmem>>
        %dma_start3A_271 = arith.constant 0 : i32
        %dma_start3A_272 = arith.constant 0 : i32
        %dma_start3A_273 = tpu.memref_slice %arg9[%dma_start3A_271, %dma_start3A_272] : memref<10000x64xf32, #tpu.memory_space<vmem_shared>> -> memref<10000x64xf32, #tpu.memory_space<vmem_shared>>
        tpu.enqueue_indirect_dma source(%dma_start3A_273 : memref<10000x64xf32, #tpu.memory_space<vmem_shared>>) target(%arg15 : memref<128x64xf32, #tpu.memory_space<vmem>>) offsets(%dma_start3A_270 : memref<128xi32, #tpu.memory_space<vmem>>) semaphore(%arg19 : memref<!tpu.dma_semaphore, #tpu.memory_space<semaphore_mem>>)
      } else {
      }
      %scan3A_263 = arith.constant 0 : i32
      scf.yield %scan3A_263 : i32
    }
    %scan3A_184 = arith.constant 10 : i32
    %barrier3A_185 = arith.constant 0 : index
    tpu.barrier barrier_id(%barrier3A_185)
    %run_scoped3A_186 = arith.constant 1 : i32
    "tpu.region"() ({
      %run_scoped3A_187 = tpu.sem_alloc : memref<!tpu.dma_semaphore, #tpu.memory_space<semaphore_mem>>
      %dma_start3A_188 = arith.constant 0 : i32
      %dma_start3A_189 = tpu.memref_slice %arg7[%run_scoped3A_186, %arg0, %mul3A_95, %dma_start3A_188] : memref<2x2x10240x64xf32, #tpu.memory_space<hbm>> -> memref<1x1x640x64xf32, #tpu.memory_space<hbm>>
      %dma_start3A_190 = tpu.memref_squeeze %dma_start3A_189 : memref<1x1x640x64xf32, #tpu.memory_space<hbm>> -> memref<640x64xf32, #tpu.memory_space<hbm>>
      %dma_start3A_191 = arith.constant 0 : i32
      %dma_start3A_192 = tpu.memref_slice %arg8[%mul3A_95, %dma_start3A_191] : memref<10240x64xf32, #tpu.memory_space<vmem_shared>> -> memref<640x64xf32, #tpu.memory_space<vmem_shared>>
      tpu.enqueue_dma source(%dma_start3A_192 : memref<640x64xf32, #tpu.memory_space<vmem_shared>>) target(%dma_start3A_190 : memref<640x64xf32, #tpu.memory_space<hbm>>) target_semaphore(%run_scoped3A_187 : memref<!tpu.dma_semaphore, #tpu.memory_space<semaphore_mem>>)
      %dma_wait3A = arith.constant 0 : i32
      %dma_wait3A_193 = tpu.memref_slice %arg7[%run_scoped3A_186, %arg0, %mul3A_95, %dma_wait3A] : memref<2x2x10240x64xf32, #tpu.memory_space<hbm>> -> memref<1x1x640x64xf32, #tpu.memory_space<hbm>>
      %dma_wait3A_194 = tpu.memref_squeeze %dma_wait3A_193 : memref<1x1x640x64xf32, #tpu.memory_space<hbm>> -> memref<640x64xf32, #tpu.memory_space<hbm>>
      %dma_wait3A_195 = arith.constant 0 : i32
      %dma_wait3A_196 = tpu.memref_slice %arg8[%mul3A_95, %dma_wait3A_195] : memref<10240x64xf32, #tpu.memory_space<vmem_shared>> -> memref<640x64xf32, #tpu.memory_space<vmem_shared>>
      tpu.wait_dma2 semaphore(%run_scoped3A_187 : memref<!tpu.dma_semaphore, #tpu.memory_space<semaphore_mem>>) src(%dma_wait3A_196 : memref<640x64xf32, #tpu.memory_space<vmem_shared>>) dst(%dma_wait3A_194 : memref<640x64xf32, #tpu.memory_space<hbm>>)
      tpu.yield
    }) : () -> ()
    return
  }
}

#map = affine_map<(d0, d1) -> (0, 0)>
#map1 = affine_map<(d0, d1) -> (0, 0, 0)>
module attributes {stable_mosaic.version = 14 : i64} {
  func.func @_agg2_body(%arg0: i32, %arg1: i32, %arg2: memref<10000x64xf32, #tpu.memory_space<hbm>>, %arg3: memref<2560x128xi32, #tpu.memory_space<hbm>>, %arg4: memref<2560x128xi32, #tpu.memory_space<hbm>>, %arg5: memref<10240x64xf32, #tpu.memory_space<hbm>>, %arg6: memref<2x10240x64xf32, #tpu.memory_space<hbm>>, %arg7: memref<10240x64xf32, #tpu.memory_space<vmem_shared>>, %arg8: memref<10000x64xf32, #tpu.memory_space<vmem_shared>>, %arg9: memref<40x128xi32, #tpu.memory_space<vmem>>, %arg10: memref<40x128xi32, #tpu.memory_space<vmem>>, %arg11: memref<128x64xf32, #tpu.memory_space<vmem>>, %arg12: memref<128x64xf32, #tpu.memory_space<vmem>>, %arg13: memref<128x64xf32, #tpu.memory_space<vmem>>, %arg14: memref<128x64xf32, #tpu.memory_space<vmem>>, %arg15: memref<!tpu.dma_semaphore, #tpu.memory_space<semaphore_mem>>, %arg16: memref<!tpu.dma_semaphore, #tpu.memory_space<semaphore_mem>>, %arg17: memref<!tpu.dma_semaphore, #tpu.memory_space<semaphore_mem>>, %arg18: memref<!tpu.dma_semaphore, #tpu.memory_space<semaphore_mem>>) attributes {dimension_semantics = [#tpu.dimension_semantics<core_parallel>, #tpu.dimension_semantics<subcore_parallel>], iteration_bounds = array<i64: 2, 16>, scalar_prefetch = 0 : i64, scratch_operands = 12 : i64, tpu.core_type = #tpu.core_type<sc_vector_subcore>, window_params = [{transform_indices = #map}, {transform_indices = #map}, {transform_indices = #map}, {transform_indices = #map}, {transform_indices = #map1}]} {
    %mul3A = arith.constant 2 : i32
    %mul3A_0 = arith.muli %arg1, %mul3A : i32
    %add3A = arith.addi %mul3A_0, %arg0 : i32
    %mul3A_1 = arith.constant 640 : i32
    %mul3A_2 = arith.muli %arg1, %mul3A_1 : i32
    %mul3A_3 = arith.constant 625 : i32
    %mul3A_4 = arith.muli %arg1, %mul3A_3 : i32
    "tpu.region"() ({
      %run_scoped3A = tpu.sem_alloc : memref<!tpu.dma_semaphore, #tpu.memory_space<semaphore_mem>>
      %dma_start3A_90 = arith.constant 0 : i32
      %dma_start3A_91 = tpu.memref_slice %arg7[%mul3A_2, %dma_start3A_90] : memref<10240x64xf32, #tpu.memory_space<vmem_shared>> -> memref<640x64xf32, #tpu.memory_space<vmem_shared>>
      %dma_start3A_92 = arith.constant 0 : i32
      %dma_start3A_93 = tpu.memref_slice %arg5[%mul3A_2, %dma_start3A_92] : memref<10240x64xf32, #tpu.memory_space<hbm>> -> memref<640x64xf32, #tpu.memory_space<hbm>>
      tpu.enqueue_dma source(%dma_start3A_93 : memref<640x64xf32, #tpu.memory_space<hbm>>) target(%dma_start3A_91 : memref<640x64xf32, #tpu.memory_space<vmem_shared>>) target_semaphore(%run_scoped3A : memref<!tpu.dma_semaphore, #tpu.memory_space<semaphore_mem>>)
      %dma_wait3A = arith.constant 0 : i32
      %dma_wait3A_94 = tpu.memref_slice %arg7[%mul3A_2, %dma_wait3A] : memref<10240x64xf32, #tpu.memory_space<vmem_shared>> -> memref<640x64xf32, #tpu.memory_space<vmem_shared>>
      %dma_wait3A_95 = arith.constant 0 : i32
      %dma_wait3A_96 = tpu.memref_slice %arg5[%mul3A_2, %dma_wait3A_95] : memref<10240x64xf32, #tpu.memory_space<hbm>> -> memref<640x64xf32, #tpu.memory_space<hbm>>
      tpu.wait_dma2 semaphore(%run_scoped3A : memref<!tpu.dma_semaphore, #tpu.memory_space<semaphore_mem>>) src(%dma_wait3A_96 : memref<640x64xf32, #tpu.memory_space<hbm>>) dst(%dma_wait3A_94 : memref<640x64xf32, #tpu.memory_space<vmem_shared>>)
      tpu.yield
    }) : () -> ()
    "tpu.region"() ({
      %run_scoped3A = tpu.sem_alloc : memref<!tpu.dma_semaphore, #tpu.memory_space<semaphore_mem>>
      %dma_start3A_90 = arith.constant 0 : i32
      %dma_start3A_91 = tpu.memref_slice %arg8[%mul3A_4, %dma_start3A_90] : memref<10000x64xf32, #tpu.memory_space<vmem_shared>> -> memref<625x64xf32, #tpu.memory_space<vmem_shared>>
      %dma_start3A_92 = arith.constant 0 : i32
      %dma_start3A_93 = tpu.memref_slice %arg2[%mul3A_4, %dma_start3A_92] : memref<10000x64xf32, #tpu.memory_space<hbm>> -> memref<625x64xf32, #tpu.memory_space<hbm>>
      tpu.enqueue_dma source(%dma_start3A_93 : memref<625x64xf32, #tpu.memory_space<hbm>>) target(%dma_start3A_91 : memref<625x64xf32, #tpu.memory_space<vmem_shared>>) target_semaphore(%run_scoped3A : memref<!tpu.dma_semaphore, #tpu.memory_space<semaphore_mem>>)
      %dma_wait3A = arith.constant 0 : i32
      %dma_wait3A_94 = tpu.memref_slice %arg8[%mul3A_4, %dma_wait3A] : memref<10000x64xf32, #tpu.memory_space<vmem_shared>> -> memref<625x64xf32, #tpu.memory_space<vmem_shared>>
      %dma_wait3A_95 = arith.constant 0 : i32
      %dma_wait3A_96 = tpu.memref_slice %arg2[%mul3A_4, %dma_wait3A_95] : memref<10000x64xf32, #tpu.memory_space<hbm>> -> memref<625x64xf32, #tpu.memory_space<hbm>>
      tpu.wait_dma2 semaphore(%run_scoped3A : memref<!tpu.dma_semaphore, #tpu.memory_space<semaphore_mem>>) src(%dma_wait3A_96 : memref<625x64xf32, #tpu.memory_space<hbm>>) dst(%dma_wait3A_94 : memref<625x64xf32, #tpu.memory_space<vmem_shared>>)
      tpu.yield
    }) : () -> ()
    %barrier3A = arith.constant 0 : index
    tpu.barrier barrier_id(%barrier3A)
    %mul3A_5 = arith.constant 80 : i32
    %mul3A_6 = arith.muli %add3A, %mul3A_5 : i32
    %add3A_7 = arith.constant 0 : i32
    %add3A_8 = arith.addi %mul3A_6, %add3A_7 : i32
    "tpu.region"() ({
      %run_scoped3A = tpu.sem_alloc : memref<!tpu.dma_semaphore, #tpu.memory_space<semaphore_mem>>
      %dma_start3A_90 = arith.constant 0 : i32
      %dma_start3A_91 = tpu.memref_slice %arg3[%add3A_8, %dma_start3A_90] : memref<2560x128xi32, #tpu.memory_space<hbm>> -> memref<40x128xi32, #tpu.memory_space<hbm>>
      %dma_start3A_92 = arith.constant 0 : i32
      %dma_start3A_93 = tpu.memref_slice %arg3[%add3A_8, %dma_start3A_92] : memref<2560x128xi32, #tpu.memory_space<hbm>> -> memref<40x128xi32, #tpu.memory_space<hbm>>
      tpu.enqueue_dma source(%dma_start3A_93 : memref<40x128xi32, #tpu.memory_space<hbm>>) target(%arg9 : memref<40x128xi32, #tpu.memory_space<vmem>>) target_semaphore(%run_scoped3A : memref<!tpu.dma_semaphore, #tpu.memory_space<semaphore_mem>>)
      %dma_wait3A = arith.constant 0 : i32
      %dma_wait3A_94 = tpu.memref_slice %arg3[%add3A_8, %dma_wait3A] : memref<2560x128xi32, #tpu.memory_space<hbm>> -> memref<40x128xi32, #tpu.memory_space<hbm>>
      %dma_wait3A_95 = arith.constant 0 : i32
      %dma_wait3A_96 = tpu.memref_slice %arg3[%add3A_8, %dma_wait3A_95] : memref<2560x128xi32, #tpu.memory_space<hbm>> -> memref<40x128xi32, #tpu.memory_space<hbm>>
      tpu.wait_dma2 semaphore(%run_scoped3A : memref<!tpu.dma_semaphore, #tpu.memory_space<semaphore_mem>>) src(%dma_wait3A_96 : memref<40x128xi32, #tpu.memory_space<hbm>>) dst(%arg9 : memref<40x128xi32, #tpu.memory_space<vmem>>)
      tpu.yield
    }) : () -> ()
    %mul3A_9 = arith.constant 80 : i32
    %mul3A_10 = arith.muli %add3A, %mul3A_9 : i32
    %add3A_11 = arith.constant 0 : i32
    %add3A_12 = arith.addi %mul3A_10, %add3A_11 : i32
    "tpu.region"() ({
      %run_scoped3A = tpu.sem_alloc : memref<!tpu.dma_semaphore, #tpu.memory_space<semaphore_mem>>
      %dma_start3A_90 = arith.constant 0 : i32
      %dma_start3A_91 = tpu.memref_slice %arg4[%add3A_12, %dma_start3A_90] : memref<2560x128xi32, #tpu.memory_space<hbm>> -> memref<40x128xi32, #tpu.memory_space<hbm>>
      %dma_start3A_92 = arith.constant 0 : i32
      %dma_start3A_93 = tpu.memref_slice %arg4[%add3A_12, %dma_start3A_92] : memref<2560x128xi32, #tpu.memory_space<hbm>> -> memref<40x128xi32, #tpu.memory_space<hbm>>
      tpu.enqueue_dma source(%dma_start3A_93 : memref<40x128xi32, #tpu.memory_space<hbm>>) target(%arg10 : memref<40x128xi32, #tpu.memory_space<vmem>>) target_semaphore(%run_scoped3A : memref<!tpu.dma_semaphore, #tpu.memory_space<semaphore_mem>>)
      %dma_wait3A = arith.constant 0 : i32
      %dma_wait3A_94 = tpu.memref_slice %arg4[%add3A_12, %dma_wait3A] : memref<2560x128xi32, #tpu.memory_space<hbm>> -> memref<40x128xi32, #tpu.memory_space<hbm>>
      %dma_wait3A_95 = arith.constant 0 : i32
      %dma_wait3A_96 = tpu.memref_slice %arg4[%add3A_12, %dma_wait3A_95] : memref<2560x128xi32, #tpu.memory_space<hbm>> -> memref<40x128xi32, #tpu.memory_space<hbm>>
      tpu.wait_dma2 semaphore(%run_scoped3A : memref<!tpu.dma_semaphore, #tpu.memory_space<semaphore_mem>>) src(%dma_wait3A_96 : memref<40x128xi32, #tpu.memory_space<hbm>>) dst(%arg10 : memref<40x128xi32, #tpu.memory_space<vmem>>)
      tpu.yield
    }) : () -> ()
    %dma_start3A = arith.constant 0 : i32
    %dma_start3A_13 = arith.constant 0 : i32
    %dma_start3A_14 = tpu.memref_slice %arg9[%dma_start3A, %dma_start3A_13] : memref<40x128xi32, #tpu.memory_space<vmem>> -> memref<1x128xi32, #tpu.memory_space<vmem>>
    %dma_start3A_15 = tpu.memref_squeeze %dma_start3A_14 : memref<1x128xi32, #tpu.memory_space<vmem>> -> memref<128xi32, #tpu.memory_space<vmem>>
    %dma_start3A_16 = arith.constant 0 : i32
    %dma_start3A_17 = arith.constant 0 : i32
    %dma_start3A_18 = tpu.memref_slice %arg8[%dma_start3A_16, %dma_start3A_17] : memref<10000x64xf32, #tpu.memory_space<vmem_shared>> -> memref<10000x64xf32, #tpu.memory_space<vmem_shared>>
    tpu.enqueue_indirect_dma source(%dma_start3A_18 : memref<10000x64xf32, #tpu.memory_space<vmem_shared>>) target(%arg11 : memref<128x64xf32, #tpu.memory_space<vmem>>) offsets(%dma_start3A_15 : memref<128xi32, #tpu.memory_space<vmem>>) semaphore(%arg15 : memref<!tpu.dma_semaphore, #tpu.memory_space<semaphore_mem>>)
    %dma_start3A_19 = arith.constant 1 : i32
    %dma_start3A_20 = arith.constant 0 : i32
    %dma_start3A_21 = tpu.memref_slice %arg9[%dma_start3A_19, %dma_start3A_20] : memref<40x128xi32, #tpu.memory_space<vmem>> -> memref<1x128xi32, #tpu.memory_space<vmem>>
    %dma_start3A_22 = tpu.memref_squeeze %dma_start3A_21 : memref<1x128xi32, #tpu.memory_space<vmem>> -> memref<128xi32, #tpu.memory_space<vmem>>
    %dma_start3A_23 = arith.constant 0 : i32
    %dma_start3A_24 = arith.constant 0 : i32
    %dma_start3A_25 = tpu.memref_slice %arg8[%dma_start3A_23, %dma_start3A_24] : memref<10000x64xf32, #tpu.memory_space<vmem_shared>> -> memref<10000x64xf32, #tpu.memory_space<vmem_shared>>
    tpu.enqueue_indirect_dma source(%dma_start3A_25 : memref<10000x64xf32, #tpu.memory_space<vmem_shared>>) target(%arg12 : memref<128x64xf32, #tpu.memory_space<vmem>>) offsets(%dma_start3A_22 : memref<128xi32, #tpu.memory_space<vmem>>) semaphore(%arg16 : memref<!tpu.dma_semaphore, #tpu.memory_space<semaphore_mem>>)
    %dma_start3A_26 = arith.constant 2 : i32
    %dma_start3A_27 = arith.constant 0 : i32
    %dma_start3A_28 = tpu.memref_slice %arg9[%dma_start3A_26, %dma_start3A_27] : memref<40x128xi32, #tpu.memory_space<vmem>> -> memref<1x128xi32, #tpu.memory_space<vmem>>
    %dma_start3A_29 = tpu.memref_squeeze %dma_start3A_28 : memref<1x128xi32, #tpu.memory_space<vmem>> -> memref<128xi32, #tpu.memory_space<vmem>>
    %dma_start3A_30 = arith.constant 0 : i32
    %dma_start3A_31 = arith.constant 0 : i32
    %dma_start3A_32 = tpu.memref_slice %arg8[%dma_start3A_30, %dma_start3A_31] : memref<10000x64xf32, #tpu.memory_space<vmem_shared>> -> memref<10000x64xf32, #tpu.memory_space<vmem_shared>>
    tpu.enqueue_indirect_dma source(%dma_start3A_32 : memref<10000x64xf32, #tpu.memory_space<vmem_shared>>) target(%arg13 : memref<128x64xf32, #tpu.memory_space<vmem>>) offsets(%dma_start3A_29 : memref<128xi32, #tpu.memory_space<vmem>>) semaphore(%arg17 : memref<!tpu.dma_semaphore, #tpu.memory_space<semaphore_mem>>)
    %dma_start3A_33 = arith.constant 3 : i32
    %dma_start3A_34 = arith.constant 0 : i32
    %dma_start3A_35 = tpu.memref_slice %arg9[%dma_start3A_33, %dma_start3A_34] : memref<40x128xi32, #tpu.memory_space<vmem>> -> memref<1x128xi32, #tpu.memory_space<vmem>>
    %dma_start3A_36 = tpu.memref_squeeze %dma_start3A_35 : memref<1x128xi32, #tpu.memory_space<vmem>> -> memref<128xi32, #tpu.memory_space<vmem>>
    %dma_start3A_37 = arith.constant 0 : i32
    %dma_start3A_38 = arith.constant 0 : i32
    %dma_start3A_39 = tpu.memref_slice %arg8[%dma_start3A_37, %dma_start3A_38] : memref<10000x64xf32, #tpu.memory_space<vmem_shared>> -> memref<10000x64xf32, #tpu.memory_space<vmem_shared>>
    tpu.enqueue_indirect_dma source(%dma_start3A_39 : memref<10000x64xf32, #tpu.memory_space<vmem_shared>>) target(%arg14 : memref<128x64xf32, #tpu.memory_space<vmem>>) offsets(%dma_start3A_36 : memref<128xi32, #tpu.memory_space<vmem>>) semaphore(%arg18 : memref<!tpu.dma_semaphore, #tpu.memory_space<semaphore_mem>>)
    %scan3A = arith.constant 0 : i32
    %scan3A_40 = arith.constant 0 : i32
    %scan3A_41 = arith.constant 10 : i32
    %scan3A_42 = arith.addi %scan3A_40, %scan3A_41 : i32
    %scan3A_43 = arith.constant 1 : i32
    %scan3A_44 = scf.for %scan3A_90 = %scan3A_40 to %scan3A_42 step %scan3A_43 iter_args(%scan3A_91 = %scan3A) -> (i32)  : i32 {
      %mul3A_92 = arith.constant 4 : i32
      %mul3A_93 = arith.muli %mul3A_92, %scan3A_90 : i32
      %add3A_94 = arith.constant 0 : i32
      %add3A_95 = arith.addi %mul3A_93, %add3A_94 : i32
      %dma_wait3A = arith.constant 0 : i32
      %dma_wait3A_96 = tpu.memref_slice %arg9[%add3A_95, %dma_wait3A] : memref<40x128xi32, #tpu.memory_space<vmem>> -> memref<1x128xi32, #tpu.memory_space<vmem>>
      %dma_wait3A_97 = tpu.memref_squeeze %dma_wait3A_96 : memref<1x128xi32, #tpu.memory_space<vmem>> -> memref<128xi32, #tpu.memory_space<vmem>>
      %dma_wait3A_98 = arith.constant 0 : i32
      %dma_wait3A_99 = arith.constant 0 : i32
      %dma_wait3A_100 = tpu.memref_slice %arg8[%dma_wait3A_98, %dma_wait3A_99] : memref<10000x64xf32, #tpu.memory_space<vmem_shared>> -> memref<10000x64xf32, #tpu.memory_space<vmem_shared>>
      tpu.wait_indirect_dma semaphore(%arg15 : memref<!tpu.dma_semaphore, #tpu.memory_space<semaphore_mem>>) src(%dma_wait3A_100 : memref<10000x64xf32, #tpu.memory_space<vmem_shared>>) dst(%arg11 : memref<128x64xf32, #tpu.memory_space<vmem>>)
      %add3A_101 = arith.constant 0 : i32
      %add3A_102 = arith.addi %mul3A_93, %add3A_101 : i32
      "tpu.region"() ({
        %run_scoped3A = tpu.sem_alloc : memref<!tpu.dma_semaphore, #tpu.memory_space<semaphore_mem>>
        %dma_start3A_167 = arith.constant 0 : i32
        %dma_start3A_168 = tpu.memref_slice %arg10[%add3A_102, %dma_start3A_167] : memref<40x128xi32, #tpu.memory_space<vmem>> -> memref<1x128xi32, #tpu.memory_space<vmem>>
        %dma_start3A_169 = tpu.memref_squeeze %dma_start3A_168 : memref<1x128xi32, #tpu.memory_space<vmem>> -> memref<128xi32, #tpu.memory_space<vmem>>
        %dma_start3A_170 = arith.constant 0 : i32
        %dma_start3A_171 = arith.constant 0 : i32
        %dma_start3A_172 = tpu.memref_slice %arg7[%dma_start3A_170, %dma_start3A_171] : memref<10240x64xf32, #tpu.memory_space<vmem_shared>> -> memref<10240x64xf32, #tpu.memory_space<vmem_shared>>
        tpu.enqueue_indirect_dma source(%arg11 : memref<128x64xf32, #tpu.memory_space<vmem>>) target(%dma_start3A_172 : memref<10240x64xf32, #tpu.memory_space<vmem_shared>>) offsets(%dma_start3A_169 : memref<128xi32, #tpu.memory_space<vmem>>) semaphore(%run_scoped3A : memref<!tpu.dma_semaphore, #tpu.memory_space<semaphore_mem>>) {add = true}
        %dma_wait3A_173 = arith.constant 0 : i32
        %dma_wait3A_174 = tpu.memref_slice %arg10[%add3A_102, %dma_wait3A_173] : memref<40x128xi32, #tpu.memory_space<vmem>> -> memref<1x128xi32, #tpu.memory_space<vmem>>
        %dma_wait3A_175 = tpu.memref_squeeze %dma_wait3A_174 : memref<1x128xi32, #tpu.memory_space<vmem>> -> memref<128xi32, #tpu.memory_space<vmem>>
        %dma_wait3A_176 = arith.constant 0 : i32
        %dma_wait3A_177 = arith.constant 0 : i32
        %dma_wait3A_178 = tpu.memref_slice %arg7[%dma_wait3A_176, %dma_wait3A_177] : memref<10240x64xf32, #tpu.memory_space<vmem_shared>> -> memref<10240x64xf32, #tpu.memory_space<vmem_shared>>
        tpu.wait_indirect_dma semaphore(%run_scoped3A : memref<!tpu.dma_semaphore, #tpu.memory_space<semaphore_mem>>) src(%arg11 : memref<128x64xf32, #tpu.memory_space<vmem>>) dst(%dma_wait3A_178 : memref<10240x64xf32, #tpu.memory_space<vmem_shared>>)
        tpu.yield
      }) : () -> ()
      %add3A_103 = arith.constant 0 : i32
      %add3A_104 = arith.addi %mul3A_93, %add3A_103 : i32
      %add3A_105 = arith.constant 4 : i32
      %add3A_106 = arith.addi %add3A_104, %add3A_105 : i32
      %lt3A = arith.constant 40 : i32
      %lt3A_107 = arith.cmpi slt, %add3A_106, %lt3A : i32
      %convert_element_type3A = arith.extui %lt3A_107 : i1 to i32
      %cond3A = arith.constant 0 : i32
      %cond3A_108 = arith.cmpi ne, %convert_element_type3A, %cond3A : i32
      scf.if %cond3A_108 {
        %add3A_167 = arith.constant 0 : i32
        %add3A_168 = arith.addi %mul3A_93, %add3A_167 : i32
        %add3A_169 = arith.constant 4 : i32
        %add3A_170 = arith.addi %add3A_168, %add3A_169 : i32
        %dma_start3A_171 = arith.constant 0 : i32
        %dma_start3A_172 = tpu.memref_slice %arg9[%add3A_170, %dma_start3A_171] : memref<40x128xi32, #tpu.memory_space<vmem>> -> memref<1x128xi32, #tpu.memory_space<vmem>>
        %dma_start3A_173 = tpu.memref_squeeze %dma_start3A_172 : memref<1x128xi32, #tpu.memory_space<vmem>> -> memref<128xi32, #tpu.memory_space<vmem>>
        %dma_start3A_174 = arith.constant 0 : i32
        %dma_start3A_175 = arith.constant 0 : i32
        %dma_start3A_176 = tpu.memref_slice %arg8[%dma_start3A_174, %dma_start3A_175] : memref<10000x64xf32, #tpu.memory_space<vmem_shared>> -> memref<10000x64xf32, #tpu.memory_space<vmem_shared>>
        tpu.enqueue_indirect_dma source(%dma_start3A_176 : memref<10000x64xf32, #tpu.memory_space<vmem_shared>>) target(%arg11 : memref<128x64xf32, #tpu.memory_space<vmem>>) offsets(%dma_start3A_173 : memref<128xi32, #tpu.memory_space<vmem>>) semaphore(%arg15 : memref<!tpu.dma_semaphore, #tpu.memory_space<semaphore_mem>>)
      } else {
      }
      %add3A_109 = arith.constant 1 : i32
      %add3A_110 = arith.addi %mul3A_93, %add3A_109 : i32
      %dma_wait3A_111 = arith.constant 0 : i32
      %dma_wait3A_112 = tpu.memref_slice %arg9[%add3A_110, %dma_wait3A_111] : memref<40x128xi32, #tpu.memory_space<vmem>> -> memref<1x128xi32, #tpu.memory_space<vmem>>
      %dma_wait3A_113 = tpu.memref_squeeze %dma_wait3A_112 : memref<1x128xi32, #tpu.memory_space<vmem>> -> memref<128xi32, #tpu.memory_space<vmem>>
      %dma_wait3A_114 = arith.constant 0 : i32
      %dma_wait3A_115 = arith.constant 0 : i32
      %dma_wait3A_116 = tpu.memref_slice %arg8[%dma_wait3A_114, %dma_wait3A_115] : memref<10000x64xf32, #tpu.memory_space<vmem_shared>> -> memref<10000x64xf32, #tpu.memory_space<vmem_shared>>
      tpu.wait_indirect_dma semaphore(%arg16 : memref<!tpu.dma_semaphore, #tpu.memory_space<semaphore_mem>>) src(%dma_wait3A_116 : memref<10000x64xf32, #tpu.memory_space<vmem_shared>>) dst(%arg12 : memref<128x64xf32, #tpu.memory_space<vmem>>)
      %add3A_117 = arith.constant 1 : i32
      %add3A_118 = arith.addi %mul3A_93, %add3A_117 : i32
      "tpu.region"() ({
        %run_scoped3A = tpu.sem_alloc : memref<!tpu.dma_semaphore, #tpu.memory_space<semaphore_mem>>
        %dma_start3A_167 = arith.constant 0 : i32
        %dma_start3A_168 = tpu.memref_slice %arg10[%add3A_118, %dma_start3A_167] : memref<40x128xi32, #tpu.memory_space<vmem>> -> memref<1x128xi32, #tpu.memory_space<vmem>>
        %dma_start3A_169 = tpu.memref_squeeze %dma_start3A_168 : memref<1x128xi32, #tpu.memory_space<vmem>> -> memref<128xi32, #tpu.memory_space<vmem>>
        %dma_start3A_170 = arith.constant 0 : i32
        %dma_start3A_171 = arith.constant 0 : i32
        %dma_start3A_172 = tpu.memref_slice %arg7[%dma_start3A_170, %dma_start3A_171] : memref<10240x64xf32, #tpu.memory_space<vmem_shared>> -> memref<10240x64xf32, #tpu.memory_space<vmem_shared>>
        tpu.enqueue_indirect_dma source(%arg12 : memref<128x64xf32, #tpu.memory_space<vmem>>) target(%dma_start3A_172 : memref<10240x64xf32, #tpu.memory_space<vmem_shared>>) offsets(%dma_start3A_169 : memref<128xi32, #tpu.memory_space<vmem>>) semaphore(%run_scoped3A : memref<!tpu.dma_semaphore, #tpu.memory_space<semaphore_mem>>) {add = true}
        %dma_wait3A_173 = arith.constant 0 : i32
        %dma_wait3A_174 = tpu.memref_slice %arg10[%add3A_118, %dma_wait3A_173] : memref<40x128xi32, #tpu.memory_space<vmem>> -> memref<1x128xi32, #tpu.memory_space<vmem>>
        %dma_wait3A_175 = tpu.memref_squeeze %dma_wait3A_174 : memref<1x128xi32, #tpu.memory_space<vmem>> -> memref<128xi32, #tpu.memory_space<vmem>>
        %dma_wait3A_176 = arith.constant 0 : i32
        %dma_wait3A_177 = arith.constant 0 : i32
        %dma_wait3A_178 = tpu.memref_slice %arg7[%dma_wait3A_176, %dma_wait3A_177] : memref<10240x64xf32, #tpu.memory_space<vmem_shared>> -> memref<10240x64xf32, #tpu.memory_space<vmem_shared>>
        tpu.wait_indirect_dma semaphore(%run_scoped3A : memref<!tpu.dma_semaphore, #tpu.memory_space<semaphore_mem>>) src(%arg12 : memref<128x64xf32, #tpu.memory_space<vmem>>) dst(%dma_wait3A_178 : memref<10240x64xf32, #tpu.memory_space<vmem_shared>>)
        tpu.yield
      }) : () -> ()
      %add3A_119 = arith.constant 1 : i32
      %add3A_120 = arith.addi %mul3A_93, %add3A_119 : i32
      %add3A_121 = arith.constant 4 : i32
      %add3A_122 = arith.addi %add3A_120, %add3A_121 : i32
      %lt3A_123 = arith.constant 40 : i32
      %lt3A_124 = arith.cmpi slt, %add3A_122, %lt3A_123 : i32
      %convert_element_type3A_125 = arith.extui %lt3A_124 : i1 to i32
      %cond3A_126 = arith.constant 0 : i32
      %cond3A_127 = arith.cmpi ne, %convert_element_type3A_125, %cond3A_126 : i32
      scf.if %cond3A_127 {
        %add3A_167 = arith.constant 1 : i32
        %add3A_168 = arith.addi %mul3A_93, %add3A_167 : i32
        %add3A_169 = arith.constant 4 : i32
        %add3A_170 = arith.addi %add3A_168, %add3A_169 : i32
        %dma_start3A_171 = arith.constant 0 : i32
        %dma_start3A_172 = tpu.memref_slice %arg9[%add3A_170, %dma_start3A_171] : memref<40x128xi32, #tpu.memory_space<vmem>> -> memref<1x128xi32, #tpu.memory_space<vmem>>
        %dma_start3A_173 = tpu.memref_squeeze %dma_start3A_172 : memref<1x128xi32, #tpu.memory_space<vmem>> -> memref<128xi32, #tpu.memory_space<vmem>>
        %dma_start3A_174 = arith.constant 0 : i32
        %dma_start3A_175 = arith.constant 0 : i32
        %dma_start3A_176 = tpu.memref_slice %arg8[%dma_start3A_174, %dma_start3A_175] : memref<10000x64xf32, #tpu.memory_space<vmem_shared>> -> memref<10000x64xf32, #tpu.memory_space<vmem_shared>>
        tpu.enqueue_indirect_dma source(%dma_start3A_176 : memref<10000x64xf32, #tpu.memory_space<vmem_shared>>) target(%arg12 : memref<128x64xf32, #tpu.memory_space<vmem>>) offsets(%dma_start3A_173 : memref<128xi32, #tpu.memory_space<vmem>>) semaphore(%arg16 : memref<!tpu.dma_semaphore, #tpu.memory_space<semaphore_mem>>)
      } else {
      }
      %add3A_128 = arith.constant 2 : i32
      %add3A_129 = arith.addi %mul3A_93, %add3A_128 : i32
      %dma_wait3A_130 = arith.constant 0 : i32
      %dma_wait3A_131 = tpu.memref_slice %arg9[%add3A_129, %dma_wait3A_130] : memref<40x128xi32, #tpu.memory_space<vmem>> -> memref<1x128xi32, #tpu.memory_space<vmem>>
      %dma_wait3A_132 = tpu.memref_squeeze %dma_wait3A_131 : memref<1x128xi32, #tpu.memory_space<vmem>> -> memref<128xi32, #tpu.memory_space<vmem>>
      %dma_wait3A_133 = arith.constant 0 : i32
      %dma_wait3A_134 = arith.constant 0 : i32
      %dma_wait3A_135 = tpu.memref_slice %arg8[%dma_wait3A_133, %dma_wait3A_134] : memref<10000x64xf32, #tpu.memory_space<vmem_shared>> -> memref<10000x64xf32, #tpu.memory_space<vmem_shared>>
      tpu.wait_indirect_dma semaphore(%arg17 : memref<!tpu.dma_semaphore, #tpu.memory_space<semaphore_mem>>) src(%dma_wait3A_135 : memref<10000x64xf32, #tpu.memory_space<vmem_shared>>) dst(%arg13 : memref<128x64xf32, #tpu.memory_space<vmem>>)
      %add3A_136 = arith.constant 2 : i32
      %add3A_137 = arith.addi %mul3A_93, %add3A_136 : i32
      "tpu.region"() ({
        %run_scoped3A = tpu.sem_alloc : memref<!tpu.dma_semaphore, #tpu.memory_space<semaphore_mem>>
        %dma_start3A_167 = arith.constant 0 : i32
        %dma_start3A_168 = tpu.memref_slice %arg10[%add3A_137, %dma_start3A_167] : memref<40x128xi32, #tpu.memory_space<vmem>> -> memref<1x128xi32, #tpu.memory_space<vmem>>
        %dma_start3A_169 = tpu.memref_squeeze %dma_start3A_168 : memref<1x128xi32, #tpu.memory_space<vmem>> -> memref<128xi32, #tpu.memory_space<vmem>>
        %dma_start3A_170 = arith.constant 0 : i32
        %dma_start3A_171 = arith.constant 0 : i32
        %dma_start3A_172 = tpu.memref_slice %arg7[%dma_start3A_170, %dma_start3A_171] : memref<10240x64xf32, #tpu.memory_space<vmem_shared>> -> memref<10240x64xf32, #tpu.memory_space<vmem_shared>>
        tpu.enqueue_indirect_dma source(%arg13 : memref<128x64xf32, #tpu.memory_space<vmem>>) target(%dma_start3A_172 : memref<10240x64xf32, #tpu.memory_space<vmem_shared>>) offsets(%dma_start3A_169 : memref<128xi32, #tpu.memory_space<vmem>>) semaphore(%run_scoped3A : memref<!tpu.dma_semaphore, #tpu.memory_space<semaphore_mem>>) {add = true}
        %dma_wait3A_173 = arith.constant 0 : i32
        %dma_wait3A_174 = tpu.memref_slice %arg10[%add3A_137, %dma_wait3A_173] : memref<40x128xi32, #tpu.memory_space<vmem>> -> memref<1x128xi32, #tpu.memory_space<vmem>>
        %dma_wait3A_175 = tpu.memref_squeeze %dma_wait3A_174 : memref<1x128xi32, #tpu.memory_space<vmem>> -> memref<128xi32, #tpu.memory_space<vmem>>
        %dma_wait3A_176 = arith.constant 0 : i32
        %dma_wait3A_177 = arith.constant 0 : i32
        %dma_wait3A_178 = tpu.memref_slice %arg7[%dma_wait3A_176, %dma_wait3A_177] : memref<10240x64xf32, #tpu.memory_space<vmem_shared>> -> memref<10240x64xf32, #tpu.memory_space<vmem_shared>>
        tpu.wait_indirect_dma semaphore(%run_scoped3A : memref<!tpu.dma_semaphore, #tpu.memory_space<semaphore_mem>>) src(%arg13 : memref<128x64xf32, #tpu.memory_space<vmem>>) dst(%dma_wait3A_178 : memref<10240x64xf32, #tpu.memory_space<vmem_shared>>)
        tpu.yield
      }) : () -> ()
      %add3A_138 = arith.constant 2 : i32
      %add3A_139 = arith.addi %mul3A_93, %add3A_138 : i32
      %add3A_140 = arith.constant 4 : i32
      %add3A_141 = arith.addi %add3A_139, %add3A_140 : i32
      %lt3A_142 = arith.constant 40 : i32
      %lt3A_143 = arith.cmpi slt, %add3A_141, %lt3A_142 : i32
      %convert_element_type3A_144 = arith.extui %lt3A_143 : i1 to i32
      %cond3A_145 = arith.constant 0 : i32
      %cond3A_146 = arith.cmpi ne, %convert_element_type3A_144, %cond3A_145 : i32
      scf.if %cond3A_146 {
        %add3A_167 = arith.constant 2 : i32
        %add3A_168 = arith.addi %mul3A_93, %add3A_167 : i32
        %add3A_169 = arith.constant 4 : i32
        %add3A_170 = arith.addi %add3A_168, %add3A_169 : i32
        %dma_start3A_171 = arith.constant 0 : i32
        %dma_start3A_172 = tpu.memref_slice %arg9[%add3A_170, %dma_start3A_171] : memref<40x128xi32, #tpu.memory_space<vmem>> -> memref<1x128xi32, #tpu.memory_space<vmem>>
        %dma_start3A_173 = tpu.memref_squeeze %dma_start3A_172 : memref<1x128xi32, #tpu.memory_space<vmem>> -> memref<128xi32, #tpu.memory_space<vmem>>
        %dma_start3A_174 = arith.constant 0 : i32
        %dma_start3A_175 = arith.constant 0 : i32
        %dma_start3A_176 = tpu.memref_slice %arg8[%dma_start3A_174, %dma_start3A_175] : memref<10000x64xf32, #tpu.memory_space<vmem_shared>> -> memref<10000x64xf32, #tpu.memory_space<vmem_shared>>
        tpu.enqueue_indirect_dma source(%dma_start3A_176 : memref<10000x64xf32, #tpu.memory_space<vmem_shared>>) target(%arg13 : memref<128x64xf32, #tpu.memory_space<vmem>>) offsets(%dma_start3A_173 : memref<128xi32, #tpu.memory_space<vmem>>) semaphore(%arg17 : memref<!tpu.dma_semaphore, #tpu.memory_space<semaphore_mem>>)
      } else {
      }
      %add3A_147 = arith.constant 3 : i32
      %add3A_148 = arith.addi %mul3A_93, %add3A_147 : i32
      %dma_wait3A_149 = arith.constant 0 : i32
      %dma_wait3A_150 = tpu.memref_slice %arg9[%add3A_148, %dma_wait3A_149] : memref<40x128xi32, #tpu.memory_space<vmem>> -> memref<1x128xi32, #tpu.memory_space<vmem>>
      %dma_wait3A_151 = tpu.memref_squeeze %dma_wait3A_150 : memref<1x128xi32, #tpu.memory_space<vmem>> -> memref<128xi32, #tpu.memory_space<vmem>>
      %dma_wait3A_152 = arith.constant 0 : i32
      %dma_wait3A_153 = arith.constant 0 : i32
      %dma_wait3A_154 = tpu.memref_slice %arg8[%dma_wait3A_152, %dma_wait3A_153] : memref<10000x64xf32, #tpu.memory_space<vmem_shared>> -> memref<10000x64xf32, #tpu.memory_space<vmem_shared>>
      tpu.wait_indirect_dma semaphore(%arg18 : memref<!tpu.dma_semaphore, #tpu.memory_space<semaphore_mem>>) src(%dma_wait3A_154 : memref<10000x64xf32, #tpu.memory_space<vmem_shared>>) dst(%arg14 : memref<128x64xf32, #tpu.memory_space<vmem>>)
      %add3A_155 = arith.constant 3 : i32
      %add3A_156 = arith.addi %mul3A_93, %add3A_155 : i32
      "tpu.region"() ({
        %run_scoped3A = tpu.sem_alloc : memref<!tpu.dma_semaphore, #tpu.memory_space<semaphore_mem>>
        %dma_start3A_167 = arith.constant 0 : i32
        %dma_start3A_168 = tpu.memref_slice %arg10[%add3A_156, %dma_start3A_167] : memref<40x128xi32, #tpu.memory_space<vmem>> -> memref<1x128xi32, #tpu.memory_space<vmem>>
        %dma_start3A_169 = tpu.memref_squeeze %dma_start3A_168 : memref<1x128xi32, #tpu.memory_space<vmem>> -> memref<128xi32, #tpu.memory_space<vmem>>
        %dma_start3A_170 = arith.constant 0 : i32
        %dma_start3A_171 = arith.constant 0 : i32
        %dma_start3A_172 = tpu.memref_slice %arg7[%dma_start3A_170, %dma_start3A_171] : memref<10240x64xf32, #tpu.memory_space<vmem_shared>> -> memref<10240x64xf32, #tpu.memory_space<vmem_shared>>
        tpu.enqueue_indirect_dma source(%arg14 : memref<128x64xf32, #tpu.memory_space<vmem>>) target(%dma_start3A_172 : memref<10240x64xf32, #tpu.memory_space<vmem_shared>>) offsets(%dma_start3A_169 : memref<128xi32, #tpu.memory_space<vmem>>) semaphore(%run_scoped3A : memref<!tpu.dma_semaphore, #tpu.memory_space<semaphore_mem>>) {add = true}
        %dma_wait3A_173 = arith.constant 0 : i32
        %dma_wait3A_174 = tpu.memref_slice %arg10[%add3A_156, %dma_wait3A_173] : memref<40x128xi32, #tpu.memory_space<vmem>> -> memref<1x128xi32, #tpu.memory_space<vmem>>
        %dma_wait3A_175 = tpu.memref_squeeze %dma_wait3A_174 : memref<1x128xi32, #tpu.memory_space<vmem>> -> memref<128xi32, #tpu.memory_space<vmem>>
        %dma_wait3A_176 = arith.constant 0 : i32
        %dma_wait3A_177 = arith.constant 0 : i32
        %dma_wait3A_178 = tpu.memref_slice %arg7[%dma_wait3A_176, %dma_wait3A_177] : memref<10240x64xf32, #tpu.memory_space<vmem_shared>> -> memref<10240x64xf32, #tpu.memory_space<vmem_shared>>
        tpu.wait_indirect_dma semaphore(%run_scoped3A : memref<!tpu.dma_semaphore, #tpu.memory_space<semaphore_mem>>) src(%arg14 : memref<128x64xf32, #tpu.memory_space<vmem>>) dst(%dma_wait3A_178 : memref<10240x64xf32, #tpu.memory_space<vmem_shared>>)
        tpu.yield
      }) : () -> ()
      %add3A_157 = arith.constant 3 : i32
      %add3A_158 = arith.addi %mul3A_93, %add3A_157 : i32
      %add3A_159 = arith.constant 4 : i32
      %add3A_160 = arith.addi %add3A_158, %add3A_159 : i32
      %lt3A_161 = arith.constant 40 : i32
      %lt3A_162 = arith.cmpi slt, %add3A_160, %lt3A_161 : i32
      %convert_element_type3A_163 = arith.extui %lt3A_162 : i1 to i32
      %cond3A_164 = arith.constant 0 : i32
      %cond3A_165 = arith.cmpi ne, %convert_element_type3A_163, %cond3A_164 : i32
      scf.if %cond3A_165 {
        %add3A_167 = arith.constant 3 : i32
        %add3A_168 = arith.addi %mul3A_93, %add3A_167 : i32
        %add3A_169 = arith.constant 4 : i32
        %add3A_170 = arith.addi %add3A_168, %add3A_169 : i32
        %dma_start3A_171 = arith.constant 0 : i32
        %dma_start3A_172 = tpu.memref_slice %arg9[%add3A_170, %dma_start3A_171] : memref<40x128xi32, #tpu.memory_space<vmem>> -> memref<1x128xi32, #tpu.memory_space<vmem>>
        %dma_start3A_173 = tpu.memref_squeeze %dma_start3A_172 : memref<1x128xi32, #tpu.memory_space<vmem>> -> memref<128xi32, #tpu.memory_space<vmem>>
        %dma_start3A_174 = arith.constant 0 : i32
        %dma_start3A_175 = arith.constant 0 : i32
        %dma_start3A_176 = tpu.memref_slice %arg8[%dma_start3A_174, %dma_start3A_175] : memref<10000x64xf32, #tpu.memory_space<vmem_shared>> -> memref<10000x64xf32, #tpu.memory_space<vmem_shared>>
        tpu.enqueue_indirect_dma source(%dma_start3A_176 : memref<10000x64xf32, #tpu.memory_space<vmem_shared>>) target(%arg14 : memref<128x64xf32, #tpu.memory_space<vmem>>) offsets(%dma_start3A_173 : memref<128xi32, #tpu.memory_space<vmem>>) semaphore(%arg18 : memref<!tpu.dma_semaphore, #tpu.memory_space<semaphore_mem>>)
      } else {
      }
      %scan3A_166 = arith.constant 0 : i32
      scf.yield %scan3A_166 : i32
    }
    %scan3A_45 = arith.constant 10 : i32
    %mul3A_46 = arith.constant 80 : i32
    %mul3A_47 = arith.muli %add3A, %mul3A_46 : i32
    %add3A_48 = arith.constant 40 : i32
    %add3A_49 = arith.addi %mul3A_47, %add3A_48 : i32
    "tpu.region"() ({
      %run_scoped3A = tpu.sem_alloc : memref<!tpu.dma_semaphore, #tpu.memory_space<semaphore_mem>>
      %dma_start3A_90 = arith.constant 0 : i32
      %dma_start3A_91 = tpu.memref_slice %arg3[%add3A_49, %dma_start3A_90] : memref<2560x128xi32, #tpu.memory_space<hbm>> -> memref<40x128xi32, #tpu.memory_space<hbm>>
      %dma_start3A_92 = arith.constant 0 : i32
      %dma_start3A_93 = tpu.memref_slice %arg3[%add3A_49, %dma_start3A_92] : memref<2560x128xi32, #tpu.memory_space<hbm>> -> memref<40x128xi32, #tpu.memory_space<hbm>>
      tpu.enqueue_dma source(%dma_start3A_93 : memref<40x128xi32, #tpu.memory_space<hbm>>) target(%arg9 : memref<40x128xi32, #tpu.memory_space<vmem>>) target_semaphore(%run_scoped3A : memref<!tpu.dma_semaphore, #tpu.memory_space<semaphore_mem>>)
      %dma_wait3A = arith.constant 0 : i32
      %dma_wait3A_94 = tpu.memref_slice %arg3[%add3A_49, %dma_wait3A] : memref<2560x128xi32, #tpu.memory_space<hbm>> -> memref<40x128xi32, #tpu.memory_space<hbm>>
      %dma_wait3A_95 = arith.constant 0 : i32
      %dma_wait3A_96 = tpu.memref_slice %arg3[%add3A_49, %dma_wait3A_95] : memref<2560x128xi32, #tpu.memory_space<hbm>> -> memref<40x128xi32, #tpu.memory_space<hbm>>
      tpu.wait_dma2 semaphore(%run_scoped3A : memref<!tpu.dma_semaphore, #tpu.memory_space<semaphore_mem>>) src(%dma_wait3A_96 : memref<40x128xi32, #tpu.memory_space<hbm>>) dst(%arg9 : memref<40x128xi32, #tpu.memory_space<vmem>>)
      tpu.yield
    }) : () -> ()
    %mul3A_50 = arith.constant 80 : i32
    %mul3A_51 = arith.muli %add3A, %mul3A_50 : i32
    %add3A_52 = arith.constant 40 : i32
    %add3A_53 = arith.addi %mul3A_51, %add3A_52 : i32
    "tpu.region"() ({
      %run_scoped3A = tpu.sem_alloc : memref<!tpu.dma_semaphore, #tpu.memory_space<semaphore_mem>>
      %dma_start3A_90 = arith.constant 0 : i32
      %dma_start3A_91 = tpu.memref_slice %arg4[%add3A_53, %dma_start3A_90] : memref<2560x128xi32, #tpu.memory_space<hbm>> -> memref<40x128xi32, #tpu.memory_space<hbm>>
      %dma_start3A_92 = arith.constant 0 : i32
      %dma_start3A_93 = tpu.memref_slice %arg4[%add3A_53, %dma_start3A_92] : memref<2560x128xi32, #tpu.memory_space<hbm>> -> memref<40x128xi32, #tpu.memory_space<hbm>>
      tpu.enqueue_dma source(%dma_start3A_93 : memref<40x128xi32, #tpu.memory_space<hbm>>) target(%arg10 : memref<40x128xi32, #tpu.memory_space<vmem>>) target_semaphore(%run_scoped3A : memref<!tpu.dma_semaphore, #tpu.memory_space<semaphore_mem>>)
      %dma_wait3A = arith.constant 0 : i32
      %dma_wait3A_94 = tpu.memref_slice %arg4[%add3A_53, %dma_wait3A] : memref<2560x128xi32, #tpu.memory_space<hbm>> -> memref<40x128xi32, #tpu.memory_space<hbm>>
      %dma_wait3A_95 = arith.constant 0 : i32
      %dma_wait3A_96 = tpu.memref_slice %arg4[%add3A_53, %dma_wait3A_95] : memref<2560x128xi32, #tpu.memory_space<hbm>> -> memref<40x128xi32, #tpu.memory_space<hbm>>
      tpu.wait_dma2 semaphore(%run_scoped3A : memref<!tpu.dma_semaphore, #tpu.memory_space<semaphore_mem>>) src(%dma_wait3A_96 : memref<40x128xi32, #tpu.memory_space<hbm>>) dst(%arg10 : memref<40x128xi32, #tpu.memory_space<vmem>>)
      tpu.yield
    }) : () -> ()
    %dma_start3A_54 = arith.constant 0 : i32
    %dma_start3A_55 = arith.constant 0 : i32
    %dma_start3A_56 = tpu.memref_slice %arg9[%dma_start3A_54, %dma_start3A_55] : memref<40x128xi32, #tpu.memory_space<vmem>> -> memref<1x128xi32, #tpu.memory_space<vmem>>
    %dma_start3A_57 = tpu.memref_squeeze %dma_start3A_56 : memref<1x128xi32, #tpu.memory_space<vmem>> -> memref<128xi32, #tpu.memory_space<vmem>>
    %dma_start3A_58 = arith.constant 0 : i32
    %dma_start3A_59 = arith.constant 0 : i32
    %dma_start3A_60 = tpu.memref_slice %arg8[%dma_start3A_58, %dma_start3A_59] : memref<10000x64xf32, #tpu.memory_space<vmem_shared>> -> memref<10000x64xf32, #tpu.memory_space<vmem_shared>>
    tpu.enqueue_indirect_dma source(%dma_start3A_60 : memref<10000x64xf32, #tpu.memory_space<vmem_shared>>) target(%arg11 : memref<128x64xf32, #tpu.memory_space<vmem>>) offsets(%dma_start3A_57 : memref<128xi32, #tpu.memory_space<vmem>>) semaphore(%arg15 : memref<!tpu.dma_semaphore, #tpu.memory_space<semaphore_mem>>)
    %dma_start3A_61 = arith.constant 1 : i32
    %dma_start3A_62 = arith.constant 0 : i32
    %dma_start3A_63 = tpu.memref_slice %arg9[%dma_start3A_61, %dma_start3A_62] : memref<40x128xi32, #tpu.memory_space<vmem>> -> memref<1x128xi32, #tpu.memory_space<vmem>>
    %dma_start3A_64 = tpu.memref_squeeze %dma_start3A_63 : memref<1x128xi32, #tpu.memory_space<vmem>> -> memref<128xi32, #tpu.memory_space<vmem>>
    %dma_start3A_65 = arith.constant 0 : i32
    %dma_start3A_66 = arith.constant 0 : i32
    %dma_start3A_67 = tpu.memref_slice %arg8[%dma_start3A_65, %dma_start3A_66] : memref<10000x64xf32, #tpu.memory_space<vmem_shared>> -> memref<10000x64xf32, #tpu.memory_space<vmem_shared>>
    tpu.enqueue_indirect_dma source(%dma_start3A_67 : memref<10000x64xf32, #tpu.memory_space<vmem_shared>>) target(%arg12 : memref<128x64xf32, #tpu.memory_space<vmem>>) offsets(%dma_start3A_64 : memref<128xi32, #tpu.memory_space<vmem>>) semaphore(%arg16 : memref<!tpu.dma_semaphore, #tpu.memory_space<semaphore_mem>>)
    %dma_start3A_68 = arith.constant 2 : i32
    %dma_start3A_69 = arith.constant 0 : i32
    %dma_start3A_70 = tpu.memref_slice %arg9[%dma_start3A_68, %dma_start3A_69] : memref<40x128xi32, #tpu.memory_space<vmem>> -> memref<1x128xi32, #tpu.memory_space<vmem>>
    %dma_start3A_71 = tpu.memref_squeeze %dma_start3A_70 : memref<1x128xi32, #tpu.memory_space<vmem>> -> memref<128xi32, #tpu.memory_space<vmem>>
    %dma_start3A_72 = arith.constant 0 : i32
    %dma_start3A_73 = arith.constant 0 : i32
    %dma_start3A_74 = tpu.memref_slice %arg8[%dma_start3A_72, %dma_start3A_73] : memref<10000x64xf32, #tpu.memory_space<vmem_shared>> -> memref<10000x64xf32, #tpu.memory_space<vmem_shared>>
    tpu.enqueue_indirect_dma source(%dma_start3A_74 : memref<10000x64xf32, #tpu.memory_space<vmem_shared>>) target(%arg13 : memref<128x64xf32, #tpu.memory_space<vmem>>) offsets(%dma_start3A_71 : memref<128xi32, #tpu.memory_space<vmem>>) semaphore(%arg17 : memref<!tpu.dma_semaphore, #tpu.memory_space<semaphore_mem>>)
    %dma_start3A_75 = arith.constant 3 : i32
    %dma_start3A_76 = arith.constant 0 : i32
    %dma_start3A_77 = tpu.memref_slice %arg9[%dma_start3A_75, %dma_start3A_76] : memref<40x128xi32, #tpu.memory_space<vmem>> -> memref<1x128xi32, #tpu.memory_space<vmem>>
    %dma_start3A_78 = tpu.memref_squeeze %dma_start3A_77 : memref<1x128xi32, #tpu.memory_space<vmem>> -> memref<128xi32, #tpu.memory_space<vmem>>
    %dma_start3A_79 = arith.constant 0 : i32
    %dma_start3A_80 = arith.constant 0 : i32
    %dma_start3A_81 = tpu.memref_slice %arg8[%dma_start3A_79, %dma_start3A_80] : memref<10000x64xf32, #tpu.memory_space<vmem_shared>> -> memref<10000x64xf32, #tpu.memory_space<vmem_shared>>
    tpu.enqueue_indirect_dma source(%dma_start3A_81 : memref<10000x64xf32, #tpu.memory_space<vmem_shared>>) target(%arg14 : memref<128x64xf32, #tpu.memory_space<vmem>>) offsets(%dma_start3A_78 : memref<128xi32, #tpu.memory_space<vmem>>) semaphore(%arg18 : memref<!tpu.dma_semaphore, #tpu.memory_space<semaphore_mem>>)
    %scan3A_82 = arith.constant 0 : i32
    %scan3A_83 = arith.constant 0 : i32
    %scan3A_84 = arith.constant 10 : i32
    %scan3A_85 = arith.addi %scan3A_83, %scan3A_84 : i32
    %scan3A_86 = arith.constant 1 : i32
    %scan3A_87 = scf.for %scan3A_90 = %scan3A_83 to %scan3A_85 step %scan3A_86 iter_args(%scan3A_91 = %scan3A_82) -> (i32)  : i32 {
      %mul3A_92 = arith.constant 4 : i32
      %mul3A_93 = arith.muli %mul3A_92, %scan3A_90 : i32
      %add3A_94 = arith.constant 0 : i32
      %add3A_95 = arith.addi %mul3A_93, %add3A_94 : i32
      %dma_wait3A = arith.constant 0 : i32
      %dma_wait3A_96 = tpu.memref_slice %arg9[%add3A_95, %dma_wait3A] : memref<40x128xi32, #tpu.memory_space<vmem>> -> memref<1x128xi32, #tpu.memory_space<vmem>>
      %dma_wait3A_97 = tpu.memref_squeeze %dma_wait3A_96 : memref<1x128xi32, #tpu.memory_space<vmem>> -> memref<128xi32, #tpu.memory_space<vmem>>
      %dma_wait3A_98 = arith.constant 0 : i32
      %dma_wait3A_99 = arith.constant 0 : i32
      %dma_wait3A_100 = tpu.memref_slice %arg8[%dma_wait3A_98, %dma_wait3A_99] : memref<10000x64xf32, #tpu.memory_space<vmem_shared>> -> memref<10000x64xf32, #tpu.memory_space<vmem_shared>>
      tpu.wait_indirect_dma semaphore(%arg15 : memref<!tpu.dma_semaphore, #tpu.memory_space<semaphore_mem>>) src(%dma_wait3A_100 : memref<10000x64xf32, #tpu.memory_space<vmem_shared>>) dst(%arg11 : memref<128x64xf32, #tpu.memory_space<vmem>>)
      %add3A_101 = arith.constant 0 : i32
      %add3A_102 = arith.addi %mul3A_93, %add3A_101 : i32
      "tpu.region"() ({
        %run_scoped3A = tpu.sem_alloc : memref<!tpu.dma_semaphore, #tpu.memory_space<semaphore_mem>>
        %dma_start3A_167 = arith.constant 0 : i32
        %dma_start3A_168 = tpu.memref_slice %arg10[%add3A_102, %dma_start3A_167] : memref<40x128xi32, #tpu.memory_space<vmem>> -> memref<1x128xi32, #tpu.memory_space<vmem>>
        %dma_start3A_169 = tpu.memref_squeeze %dma_start3A_168 : memref<1x128xi32, #tpu.memory_space<vmem>> -> memref<128xi32, #tpu.memory_space<vmem>>
        %dma_start3A_170 = arith.constant 0 : i32
        %dma_start3A_171 = arith.constant 0 : i32
        %dma_start3A_172 = tpu.memref_slice %arg7[%dma_start3A_170, %dma_start3A_171] : memref<10240x64xf32, #tpu.memory_space<vmem_shared>> -> memref<10240x64xf32, #tpu.memory_space<vmem_shared>>
        tpu.enqueue_indirect_dma source(%arg11 : memref<128x64xf32, #tpu.memory_space<vmem>>) target(%dma_start3A_172 : memref<10240x64xf32, #tpu.memory_space<vmem_shared>>) offsets(%dma_start3A_169 : memref<128xi32, #tpu.memory_space<vmem>>) semaphore(%run_scoped3A : memref<!tpu.dma_semaphore, #tpu.memory_space<semaphore_mem>>) {add = true}
        %dma_wait3A_173 = arith.constant 0 : i32
        %dma_wait3A_174 = tpu.memref_slice %arg10[%add3A_102, %dma_wait3A_173] : memref<40x128xi32, #tpu.memory_space<vmem>> -> memref<1x128xi32, #tpu.memory_space<vmem>>
        %dma_wait3A_175 = tpu.memref_squeeze %dma_wait3A_174 : memref<1x128xi32, #tpu.memory_space<vmem>> -> memref<128xi32, #tpu.memory_space<vmem>>
        %dma_wait3A_176 = arith.constant 0 : i32
        %dma_wait3A_177 = arith.constant 0 : i32
        %dma_wait3A_178 = tpu.memref_slice %arg7[%dma_wait3A_176, %dma_wait3A_177] : memref<10240x64xf32, #tpu.memory_space<vmem_shared>> -> memref<10240x64xf32, #tpu.memory_space<vmem_shared>>
        tpu.wait_indirect_dma semaphore(%run_scoped3A : memref<!tpu.dma_semaphore, #tpu.memory_space<semaphore_mem>>) src(%arg11 : memref<128x64xf32, #tpu.memory_space<vmem>>) dst(%dma_wait3A_178 : memref<10240x64xf32, #tpu.memory_space<vmem_shared>>)
        tpu.yield
      }) : () -> ()
      %add3A_103 = arith.constant 0 : i32
      %add3A_104 = arith.addi %mul3A_93, %add3A_103 : i32
      %add3A_105 = arith.constant 4 : i32
      %add3A_106 = arith.addi %add3A_104, %add3A_105 : i32
      %lt3A = arith.constant 40 : i32
      %lt3A_107 = arith.cmpi slt, %add3A_106, %lt3A : i32
      %convert_element_type3A = arith.extui %lt3A_107 : i1 to i32
      %cond3A = arith.constant 0 : i32
      %cond3A_108 = arith.cmpi ne, %convert_element_type3A, %cond3A : i32
      scf.if %cond3A_108 {
        %add3A_167 = arith.constant 0 : i32
        %add3A_168 = arith.addi %mul3A_93, %add3A_167 : i32
        %add3A_169 = arith.constant 4 : i32
        %add3A_170 = arith.addi %add3A_168, %add3A_169 : i32
        %dma_start3A_171 = arith.constant 0 : i32
        %dma_start3A_172 = tpu.memref_slice %arg9[%add3A_170, %dma_start3A_171] : memref<40x128xi32, #tpu.memory_space<vmem>> -> memref<1x128xi32, #tpu.memory_space<vmem>>
        %dma_start3A_173 = tpu.memref_squeeze %dma_start3A_172 : memref<1x128xi32, #tpu.memory_space<vmem>> -> memref<128xi32, #tpu.memory_space<vmem>>
        %dma_start3A_174 = arith.constant 0 : i32
        %dma_start3A_175 = arith.constant 0 : i32
        %dma_start3A_176 = tpu.memref_slice %arg8[%dma_start3A_174, %dma_start3A_175] : memref<10000x64xf32, #tpu.memory_space<vmem_shared>> -> memref<10000x64xf32, #tpu.memory_space<vmem_shared>>
        tpu.enqueue_indirect_dma source(%dma_start3A_176 : memref<10000x64xf32, #tpu.memory_space<vmem_shared>>) target(%arg11 : memref<128x64xf32, #tpu.memory_space<vmem>>) offsets(%dma_start3A_173 : memref<128xi32, #tpu.memory_space<vmem>>) semaphore(%arg15 : memref<!tpu.dma_semaphore, #tpu.memory_space<semaphore_mem>>)
      } else {
      }
      %add3A_109 = arith.constant 1 : i32
      %add3A_110 = arith.addi %mul3A_93, %add3A_109 : i32
      %dma_wait3A_111 = arith.constant 0 : i32
      %dma_wait3A_112 = tpu.memref_slice %arg9[%add3A_110, %dma_wait3A_111] : memref<40x128xi32, #tpu.memory_space<vmem>> -> memref<1x128xi32, #tpu.memory_space<vmem>>
      %dma_wait3A_113 = tpu.memref_squeeze %dma_wait3A_112 : memref<1x128xi32, #tpu.memory_space<vmem>> -> memref<128xi32, #tpu.memory_space<vmem>>
      %dma_wait3A_114 = arith.constant 0 : i32
      %dma_wait3A_115 = arith.constant 0 : i32
      %dma_wait3A_116 = tpu.memref_slice %arg8[%dma_wait3A_114, %dma_wait3A_115] : memref<10000x64xf32, #tpu.memory_space<vmem_shared>> -> memref<10000x64xf32, #tpu.memory_space<vmem_shared>>
      tpu.wait_indirect_dma semaphore(%arg16 : memref<!tpu.dma_semaphore, #tpu.memory_space<semaphore_mem>>) src(%dma_wait3A_116 : memref<10000x64xf32, #tpu.memory_space<vmem_shared>>) dst(%arg12 : memref<128x64xf32, #tpu.memory_space<vmem>>)
      %add3A_117 = arith.constant 1 : i32
      %add3A_118 = arith.addi %mul3A_93, %add3A_117 : i32
      "tpu.region"() ({
        %run_scoped3A = tpu.sem_alloc : memref<!tpu.dma_semaphore, #tpu.memory_space<semaphore_mem>>
        %dma_start3A_167 = arith.constant 0 : i32
        %dma_start3A_168 = tpu.memref_slice %arg10[%add3A_118, %dma_start3A_167] : memref<40x128xi32, #tpu.memory_space<vmem>> -> memref<1x128xi32, #tpu.memory_space<vmem>>
        %dma_start3A_169 = tpu.memref_squeeze %dma_start3A_168 : memref<1x128xi32, #tpu.memory_space<vmem>> -> memref<128xi32, #tpu.memory_space<vmem>>
        %dma_start3A_170 = arith.constant 0 : i32
        %dma_start3A_171 = arith.constant 0 : i32
        %dma_start3A_172 = tpu.memref_slice %arg7[%dma_start3A_170, %dma_start3A_171] : memref<10240x64xf32, #tpu.memory_space<vmem_shared>> -> memref<10240x64xf32, #tpu.memory_space<vmem_shared>>
        tpu.enqueue_indirect_dma source(%arg12 : memref<128x64xf32, #tpu.memory_space<vmem>>) target(%dma_start3A_172 : memref<10240x64xf32, #tpu.memory_space<vmem_shared>>) offsets(%dma_start3A_169 : memref<128xi32, #tpu.memory_space<vmem>>) semaphore(%run_scoped3A : memref<!tpu.dma_semaphore, #tpu.memory_space<semaphore_mem>>) {add = true}
        %dma_wait3A_173 = arith.constant 0 : i32
        %dma_wait3A_174 = tpu.memref_slice %arg10[%add3A_118, %dma_wait3A_173] : memref<40x128xi32, #tpu.memory_space<vmem>> -> memref<1x128xi32, #tpu.memory_space<vmem>>
        %dma_wait3A_175 = tpu.memref_squeeze %dma_wait3A_174 : memref<1x128xi32, #tpu.memory_space<vmem>> -> memref<128xi32, #tpu.memory_space<vmem>>
        %dma_wait3A_176 = arith.constant 0 : i32
        %dma_wait3A_177 = arith.constant 0 : i32
        %dma_wait3A_178 = tpu.memref_slice %arg7[%dma_wait3A_176, %dma_wait3A_177] : memref<10240x64xf32, #tpu.memory_space<vmem_shared>> -> memref<10240x64xf32, #tpu.memory_space<vmem_shared>>
        tpu.wait_indirect_dma semaphore(%run_scoped3A : memref<!tpu.dma_semaphore, #tpu.memory_space<semaphore_mem>>) src(%arg12 : memref<128x64xf32, #tpu.memory_space<vmem>>) dst(%dma_wait3A_178 : memref<10240x64xf32, #tpu.memory_space<vmem_shared>>)
        tpu.yield
      }) : () -> ()
      %add3A_119 = arith.constant 1 : i32
      %add3A_120 = arith.addi %mul3A_93, %add3A_119 : i32
      %add3A_121 = arith.constant 4 : i32
      %add3A_122 = arith.addi %add3A_120, %add3A_121 : i32
      %lt3A_123 = arith.constant 40 : i32
      %lt3A_124 = arith.cmpi slt, %add3A_122, %lt3A_123 : i32
      %convert_element_type3A_125 = arith.extui %lt3A_124 : i1 to i32
      %cond3A_126 = arith.constant 0 : i32
      %cond3A_127 = arith.cmpi ne, %convert_element_type3A_125, %cond3A_126 : i32
      scf.if %cond3A_127 {
        %add3A_167 = arith.constant 1 : i32
        %add3A_168 = arith.addi %mul3A_93, %add3A_167 : i32
        %add3A_169 = arith.constant 4 : i32
        %add3A_170 = arith.addi %add3A_168, %add3A_169 : i32
        %dma_start3A_171 = arith.constant 0 : i32
        %dma_start3A_172 = tpu.memref_slice %arg9[%add3A_170, %dma_start3A_171] : memref<40x128xi32, #tpu.memory_space<vmem>> -> memref<1x128xi32, #tpu.memory_space<vmem>>
        %dma_start3A_173 = tpu.memref_squeeze %dma_start3A_172 : memref<1x128xi32, #tpu.memory_space<vmem>> -> memref<128xi32, #tpu.memory_space<vmem>>
        %dma_start3A_174 = arith.constant 0 : i32
        %dma_start3A_175 = arith.constant 0 : i32
        %dma_start3A_176 = tpu.memref_slice %arg8[%dma_start3A_174, %dma_start3A_175] : memref<10000x64xf32, #tpu.memory_space<vmem_shared>> -> memref<10000x64xf32, #tpu.memory_space<vmem_shared>>
        tpu.enqueue_indirect_dma source(%dma_start3A_176 : memref<10000x64xf32, #tpu.memory_space<vmem_shared>>) target(%arg12 : memref<128x64xf32, #tpu.memory_space<vmem>>) offsets(%dma_start3A_173 : memref<128xi32, #tpu.memory_space<vmem>>) semaphore(%arg16 : memref<!tpu.dma_semaphore, #tpu.memory_space<semaphore_mem>>)
      } else {
      }
      %add3A_128 = arith.constant 2 : i32
      %add3A_129 = arith.addi %mul3A_93, %add3A_128 : i32
      %dma_wait3A_130 = arith.constant 0 : i32
      %dma_wait3A_131 = tpu.memref_slice %arg9[%add3A_129, %dma_wait3A_130] : memref<40x128xi32, #tpu.memory_space<vmem>> -> memref<1x128xi32, #tpu.memory_space<vmem>>
      %dma_wait3A_132 = tpu.memref_squeeze %dma_wait3A_131 : memref<1x128xi32, #tpu.memory_space<vmem>> -> memref<128xi32, #tpu.memory_space<vmem>>
      %dma_wait3A_133 = arith.constant 0 : i32
      %dma_wait3A_134 = arith.constant 0 : i32
      %dma_wait3A_135 = tpu.memref_slice %arg8[%dma_wait3A_133, %dma_wait3A_134] : memref<10000x64xf32, #tpu.memory_space<vmem_shared>> -> memref<10000x64xf32, #tpu.memory_space<vmem_shared>>
      tpu.wait_indirect_dma semaphore(%arg17 : memref<!tpu.dma_semaphore, #tpu.memory_space<semaphore_mem>>) src(%dma_wait3A_135 : memref<10000x64xf32, #tpu.memory_space<vmem_shared>>) dst(%arg13 : memref<128x64xf32, #tpu.memory_space<vmem>>)
      %add3A_136 = arith.constant 2 : i32
      %add3A_137 = arith.addi %mul3A_93, %add3A_136 : i32
      "tpu.region"() ({
        %run_scoped3A = tpu.sem_alloc : memref<!tpu.dma_semaphore, #tpu.memory_space<semaphore_mem>>
        %dma_start3A_167 = arith.constant 0 : i32
        %dma_start3A_168 = tpu.memref_slice %arg10[%add3A_137, %dma_start3A_167] : memref<40x128xi32, #tpu.memory_space<vmem>> -> memref<1x128xi32, #tpu.memory_space<vmem>>
        %dma_start3A_169 = tpu.memref_squeeze %dma_start3A_168 : memref<1x128xi32, #tpu.memory_space<vmem>> -> memref<128xi32, #tpu.memory_space<vmem>>
        %dma_start3A_170 = arith.constant 0 : i32
        %dma_start3A_171 = arith.constant 0 : i32
        %dma_start3A_172 = tpu.memref_slice %arg7[%dma_start3A_170, %dma_start3A_171] : memref<10240x64xf32, #tpu.memory_space<vmem_shared>> -> memref<10240x64xf32, #tpu.memory_space<vmem_shared>>
        tpu.enqueue_indirect_dma source(%arg13 : memref<128x64xf32, #tpu.memory_space<vmem>>) target(%dma_start3A_172 : memref<10240x64xf32, #tpu.memory_space<vmem_shared>>) offsets(%dma_start3A_169 : memref<128xi32, #tpu.memory_space<vmem>>) semaphore(%run_scoped3A : memref<!tpu.dma_semaphore, #tpu.memory_space<semaphore_mem>>) {add = true}
        %dma_wait3A_173 = arith.constant 0 : i32
        %dma_wait3A_174 = tpu.memref_slice %arg10[%add3A_137, %dma_wait3A_173] : memref<40x128xi32, #tpu.memory_space<vmem>> -> memref<1x128xi32, #tpu.memory_space<vmem>>
        %dma_wait3A_175 = tpu.memref_squeeze %dma_wait3A_174 : memref<1x128xi32, #tpu.memory_space<vmem>> -> memref<128xi32, #tpu.memory_space<vmem>>
        %dma_wait3A_176 = arith.constant 0 : i32
        %dma_wait3A_177 = arith.constant 0 : i32
        %dma_wait3A_178 = tpu.memref_slice %arg7[%dma_wait3A_176, %dma_wait3A_177] : memref<10240x64xf32, #tpu.memory_space<vmem_shared>> -> memref<10240x64xf32, #tpu.memory_space<vmem_shared>>
        tpu.wait_indirect_dma semaphore(%run_scoped3A : memref<!tpu.dma_semaphore, #tpu.memory_space<semaphore_mem>>) src(%arg13 : memref<128x64xf32, #tpu.memory_space<vmem>>) dst(%dma_wait3A_178 : memref<10240x64xf32, #tpu.memory_space<vmem_shared>>)
        tpu.yield
      }) : () -> ()
      %add3A_138 = arith.constant 2 : i32
      %add3A_139 = arith.addi %mul3A_93, %add3A_138 : i32
      %add3A_140 = arith.constant 4 : i32
      %add3A_141 = arith.addi %add3A_139, %add3A_140 : i32
      %lt3A_142 = arith.constant 40 : i32
      %lt3A_143 = arith.cmpi slt, %add3A_141, %lt3A_142 : i32
      %convert_element_type3A_144 = arith.extui %lt3A_143 : i1 to i32
      %cond3A_145 = arith.constant 0 : i32
      %cond3A_146 = arith.cmpi ne, %convert_element_type3A_144, %cond3A_145 : i32
      scf.if %cond3A_146 {
        %add3A_167 = arith.constant 2 : i32
        %add3A_168 = arith.addi %mul3A_93, %add3A_167 : i32
        %add3A_169 = arith.constant 4 : i32
        %add3A_170 = arith.addi %add3A_168, %add3A_169 : i32
        %dma_start3A_171 = arith.constant 0 : i32
        %dma_start3A_172 = tpu.memref_slice %arg9[%add3A_170, %dma_start3A_171] : memref<40x128xi32, #tpu.memory_space<vmem>> -> memref<1x128xi32, #tpu.memory_space<vmem>>
        %dma_start3A_173 = tpu.memref_squeeze %dma_start3A_172 : memref<1x128xi32, #tpu.memory_space<vmem>> -> memref<128xi32, #tpu.memory_space<vmem>>
        %dma_start3A_174 = arith.constant 0 : i32
        %dma_start3A_175 = arith.constant 0 : i32
        %dma_start3A_176 = tpu.memref_slice %arg8[%dma_start3A_174, %dma_start3A_175] : memref<10000x64xf32, #tpu.memory_space<vmem_shared>> -> memref<10000x64xf32, #tpu.memory_space<vmem_shared>>
        tpu.enqueue_indirect_dma source(%dma_start3A_176 : memref<10000x64xf32, #tpu.memory_space<vmem_shared>>) target(%arg13 : memref<128x64xf32, #tpu.memory_space<vmem>>) offsets(%dma_start3A_173 : memref<128xi32, #tpu.memory_space<vmem>>) semaphore(%arg17 : memref<!tpu.dma_semaphore, #tpu.memory_space<semaphore_mem>>)
      } else {
      }
      %add3A_147 = arith.constant 3 : i32
      %add3A_148 = arith.addi %mul3A_93, %add3A_147 : i32
      %dma_wait3A_149 = arith.constant 0 : i32
      %dma_wait3A_150 = tpu.memref_slice %arg9[%add3A_148, %dma_wait3A_149] : memref<40x128xi32, #tpu.memory_space<vmem>> -> memref<1x128xi32, #tpu.memory_space<vmem>>
      %dma_wait3A_151 = tpu.memref_squeeze %dma_wait3A_150 : memref<1x128xi32, #tpu.memory_space<vmem>> -> memref<128xi32, #tpu.memory_space<vmem>>
      %dma_wait3A_152 = arith.constant 0 : i32
      %dma_wait3A_153 = arith.constant 0 : i32
      %dma_wait3A_154 = tpu.memref_slice %arg8[%dma_wait3A_152, %dma_wait3A_153] : memref<10000x64xf32, #tpu.memory_space<vmem_shared>> -> memref<10000x64xf32, #tpu.memory_space<vmem_shared>>
      tpu.wait_indirect_dma semaphore(%arg18 : memref<!tpu.dma_semaphore, #tpu.memory_space<semaphore_mem>>) src(%dma_wait3A_154 : memref<10000x64xf32, #tpu.memory_space<vmem_shared>>) dst(%arg14 : memref<128x64xf32, #tpu.memory_space<vmem>>)
      %add3A_155 = arith.constant 3 : i32
      %add3A_156 = arith.addi %mul3A_93, %add3A_155 : i32
      "tpu.region"() ({
        %run_scoped3A = tpu.sem_alloc : memref<!tpu.dma_semaphore, #tpu.memory_space<semaphore_mem>>
        %dma_start3A_167 = arith.constant 0 : i32
        %dma_start3A_168 = tpu.memref_slice %arg10[%add3A_156, %dma_start3A_167] : memref<40x128xi32, #tpu.memory_space<vmem>> -> memref<1x128xi32, #tpu.memory_space<vmem>>
        %dma_start3A_169 = tpu.memref_squeeze %dma_start3A_168 : memref<1x128xi32, #tpu.memory_space<vmem>> -> memref<128xi32, #tpu.memory_space<vmem>>
        %dma_start3A_170 = arith.constant 0 : i32
        %dma_start3A_171 = arith.constant 0 : i32
        %dma_start3A_172 = tpu.memref_slice %arg7[%dma_start3A_170, %dma_start3A_171] : memref<10240x64xf32, #tpu.memory_space<vmem_shared>> -> memref<10240x64xf32, #tpu.memory_space<vmem_shared>>
        tpu.enqueue_indirect_dma source(%arg14 : memref<128x64xf32, #tpu.memory_space<vmem>>) target(%dma_start3A_172 : memref<10240x64xf32, #tpu.memory_space<vmem_shared>>) offsets(%dma_start3A_169 : memref<128xi32, #tpu.memory_space<vmem>>) semaphore(%run_scoped3A : memref<!tpu.dma_semaphore, #tpu.memory_space<semaphore_mem>>) {add = true}
        %dma_wait3A_173 = arith.constant 0 : i32
        %dma_wait3A_174 = tpu.memref_slice %arg10[%add3A_156, %dma_wait3A_173] : memref<40x128xi32, #tpu.memory_space<vmem>> -> memref<1x128xi32, #tpu.memory_space<vmem>>
        %dma_wait3A_175 = tpu.memref_squeeze %dma_wait3A_174 : memref<1x128xi32, #tpu.memory_space<vmem>> -> memref<128xi32, #tpu.memory_space<vmem>>
        %dma_wait3A_176 = arith.constant 0 : i32
        %dma_wait3A_177 = arith.constant 0 : i32
        %dma_wait3A_178 = tpu.memref_slice %arg7[%dma_wait3A_176, %dma_wait3A_177] : memref<10240x64xf32, #tpu.memory_space<vmem_shared>> -> memref<10240x64xf32, #tpu.memory_space<vmem_shared>>
        tpu.wait_indirect_dma semaphore(%run_scoped3A : memref<!tpu.dma_semaphore, #tpu.memory_space<semaphore_mem>>) src(%arg14 : memref<128x64xf32, #tpu.memory_space<vmem>>) dst(%dma_wait3A_178 : memref<10240x64xf32, #tpu.memory_space<vmem_shared>>)
        tpu.yield
      }) : () -> ()
      %add3A_157 = arith.constant 3 : i32
      %add3A_158 = arith.addi %mul3A_93, %add3A_157 : i32
      %add3A_159 = arith.constant 4 : i32
      %add3A_160 = arith.addi %add3A_158, %add3A_159 : i32
      %lt3A_161 = arith.constant 40 : i32
      %lt3A_162 = arith.cmpi slt, %add3A_160, %lt3A_161 : i32
      %convert_element_type3A_163 = arith.extui %lt3A_162 : i1 to i32
      %cond3A_164 = arith.constant 0 : i32
      %cond3A_165 = arith.cmpi ne, %convert_element_type3A_163, %cond3A_164 : i32
      scf.if %cond3A_165 {
        %add3A_167 = arith.constant 3 : i32
        %add3A_168 = arith.addi %mul3A_93, %add3A_167 : i32
        %add3A_169 = arith.constant 4 : i32
        %add3A_170 = arith.addi %add3A_168, %add3A_169 : i32
        %dma_start3A_171 = arith.constant 0 : i32
        %dma_start3A_172 = tpu.memref_slice %arg9[%add3A_170, %dma_start3A_171] : memref<40x128xi32, #tpu.memory_space<vmem>> -> memref<1x128xi32, #tpu.memory_space<vmem>>
        %dma_start3A_173 = tpu.memref_squeeze %dma_start3A_172 : memref<1x128xi32, #tpu.memory_space<vmem>> -> memref<128xi32, #tpu.memory_space<vmem>>
        %dma_start3A_174 = arith.constant 0 : i32
        %dma_start3A_175 = arith.constant 0 : i32
        %dma_start3A_176 = tpu.memref_slice %arg8[%dma_start3A_174, %dma_start3A_175] : memref<10000x64xf32, #tpu.memory_space<vmem_shared>> -> memref<10000x64xf32, #tpu.memory_space<vmem_shared>>
        tpu.enqueue_indirect_dma source(%dma_start3A_176 : memref<10000x64xf32, #tpu.memory_space<vmem_shared>>) target(%arg14 : memref<128x64xf32, #tpu.memory_space<vmem>>) offsets(%dma_start3A_173 : memref<128xi32, #tpu.memory_space<vmem>>) semaphore(%arg18 : memref<!tpu.dma_semaphore, #tpu.memory_space<semaphore_mem>>)
      } else {
      }
      %scan3A_166 = arith.constant 0 : i32
      scf.yield %scan3A_166 : i32
    }
    %scan3A_88 = arith.constant 10 : i32
    %barrier3A_89 = arith.constant 0 : index
    tpu.barrier barrier_id(%barrier3A_89)
    "tpu.region"() ({
      %run_scoped3A = tpu.sem_alloc : memref<!tpu.dma_semaphore, #tpu.memory_space<semaphore_mem>>
      %dma_start3A_90 = arith.constant 0 : i32
      %dma_start3A_91 = tpu.memref_slice %arg6[%arg0, %mul3A_2, %dma_start3A_90] : memref<2x10240x64xf32, #tpu.memory_space<hbm>> -> memref<1x640x64xf32, #tpu.memory_space<hbm>>
      %dma_start3A_92 = tpu.memref_squeeze %dma_start3A_91 : memref<1x640x64xf32, #tpu.memory_space<hbm>> -> memref<640x64xf32, #tpu.memory_space<hbm>>
      %dma_start3A_93 = arith.constant 0 : i32
      %dma_start3A_94 = tpu.memref_slice %arg7[%mul3A_2, %dma_start3A_93] : memref<10240x64xf32, #tpu.memory_space<vmem_shared>> -> memref<640x64xf32, #tpu.memory_space<vmem_shared>>
      tpu.enqueue_dma source(%dma_start3A_94 : memref<640x64xf32, #tpu.memory_space<vmem_shared>>) target(%dma_start3A_92 : memref<640x64xf32, #tpu.memory_space<hbm>>) target_semaphore(%run_scoped3A : memref<!tpu.dma_semaphore, #tpu.memory_space<semaphore_mem>>)
      %dma_wait3A = arith.constant 0 : i32
      %dma_wait3A_95 = tpu.memref_slice %arg6[%arg0, %mul3A_2, %dma_wait3A] : memref<2x10240x64xf32, #tpu.memory_space<hbm>> -> memref<1x640x64xf32, #tpu.memory_space<hbm>>
      %dma_wait3A_96 = tpu.memref_squeeze %dma_wait3A_95 : memref<1x640x64xf32, #tpu.memory_space<hbm>> -> memref<640x64xf32, #tpu.memory_space<hbm>>
      %dma_wait3A_97 = arith.constant 0 : i32
      %dma_wait3A_98 = tpu.memref_slice %arg7[%mul3A_2, %dma_wait3A_97] : memref<10240x64xf32, #tpu.memory_space<vmem_shared>> -> memref<640x64xf32, #tpu.memory_space<vmem_shared>>
      tpu.wait_dma2 semaphore(%run_scoped3A : memref<!tpu.dma_semaphore, #tpu.memory_space<semaphore_mem>>) src(%dma_wait3A_98 : memref<640x64xf32, #tpu.memory_space<vmem_shared>>) dst(%dma_wait3A_96 : memref<640x64xf32, #tpu.memory_space<hbm>>)
      tpu.yield
    }) : () -> ()
    return
  }
}

#map = affine_map<(d0, d1) -> (0, 0)>
#map1 = affine_map<(d0, d1) -> (0, 0, 0)>
module attributes {stable_mosaic.version = 14 : i64} {
  func.func @_deg_body(%arg0: i32, %arg1: i32, %arg2: memref<2560x128xi32, #tpu.memory_space<hbm>>, %arg3: memref<128x16xf32, #tpu.memory_space<hbm>>, %arg4: memref<10240x16xf32, #tpu.memory_space<hbm>>, %arg5: memref<2x10240x16xf32, #tpu.memory_space<hbm>>, %arg6: memref<10240x16xf32, #tpu.memory_space<vmem_shared>>, %arg7: memref<128x16xf32, #tpu.memory_space<vmem>>, %arg8: memref<80x128xi32, #tpu.memory_space<vmem>>, %arg9: memref<!tpu.dma_semaphore, #tpu.memory_space<semaphore_mem>>) attributes {dimension_semantics = [#tpu.dimension_semantics<core_parallel>, #tpu.dimension_semantics<subcore_parallel>], iteration_bounds = array<i64: 2, 16>, scalar_prefetch = 0 : i64, scratch_operands = 4 : i64, tpu.core_type = #tpu.core_type<sc_vector_subcore>, window_params = [{transform_indices = #map}, {transform_indices = #map}, {transform_indices = #map}, {transform_indices = #map1}]} {
    %mul3A = arith.constant 2 : i32
    %mul3A_0 = arith.muli %arg1, %mul3A : i32
    %add3A = arith.addi %mul3A_0, %arg0 : i32
    %mul3A_1 = arith.constant 640 : i32
    %mul3A_2 = arith.muli %arg1, %mul3A_1 : i32
    "tpu.region"() ({
      %run_scoped3A = tpu.sem_alloc : memref<!tpu.dma_semaphore, #tpu.memory_space<semaphore_mem>>
      %dma_start3A = arith.constant 0 : i32
      %dma_start3A_19 = tpu.memref_slice %arg6[%mul3A_2, %dma_start3A] : memref<10240x16xf32, #tpu.memory_space<vmem_shared>> -> memref<640x16xf32, #tpu.memory_space<vmem_shared>>
      %dma_start3A_20 = arith.constant 0 : i32
      %dma_start3A_21 = tpu.memref_slice %arg4[%mul3A_2, %dma_start3A_20] : memref<10240x16xf32, #tpu.memory_space<hbm>> -> memref<640x16xf32, #tpu.memory_space<hbm>>
      tpu.enqueue_dma source(%dma_start3A_21 : memref<640x16xf32, #tpu.memory_space<hbm>>) target(%dma_start3A_19 : memref<640x16xf32, #tpu.memory_space<vmem_shared>>) target_semaphore(%run_scoped3A : memref<!tpu.dma_semaphore, #tpu.memory_space<semaphore_mem>>)
      %dma_wait3A = arith.constant 0 : i32
      %dma_wait3A_22 = tpu.memref_slice %arg6[%mul3A_2, %dma_wait3A] : memref<10240x16xf32, #tpu.memory_space<vmem_shared>> -> memref<640x16xf32, #tpu.memory_space<vmem_shared>>
      %dma_wait3A_23 = arith.constant 0 : i32
      %dma_wait3A_24 = tpu.memref_slice %arg4[%mul3A_2, %dma_wait3A_23] : memref<10240x16xf32, #tpu.memory_space<hbm>> -> memref<640x16xf32, #tpu.memory_space<hbm>>
      tpu.wait_dma2 semaphore(%run_scoped3A : memref<!tpu.dma_semaphore, #tpu.memory_space<semaphore_mem>>) src(%dma_wait3A_24 : memref<640x16xf32, #tpu.memory_space<hbm>>) dst(%dma_wait3A_22 : memref<640x16xf32, #tpu.memory_space<vmem_shared>>)
      tpu.yield
    }) : () -> ()
    "tpu.region"() ({
      %run_scoped3A = tpu.sem_alloc : memref<!tpu.dma_semaphore, #tpu.memory_space<semaphore_mem>>
      tpu.enqueue_dma source(%arg3 : memref<128x16xf32, #tpu.memory_space<hbm>>) target(%arg7 : memref<128x16xf32, #tpu.memory_space<vmem>>) target_semaphore(%run_scoped3A : memref<!tpu.dma_semaphore, #tpu.memory_space<semaphore_mem>>)
      tpu.wait_dma2 semaphore(%run_scoped3A : memref<!tpu.dma_semaphore, #tpu.memory_space<semaphore_mem>>) src(%arg3 : memref<128x16xf32, #tpu.memory_space<hbm>>) dst(%arg7 : memref<128x16xf32, #tpu.memory_space<vmem>>)
      tpu.yield
    }) : () -> ()
    %mul3A_3 = arith.constant 80 : i32
    %mul3A_4 = arith.muli %add3A, %mul3A_3 : i32
    "tpu.region"() ({
      %run_scoped3A = tpu.sem_alloc : memref<!tpu.dma_semaphore, #tpu.memory_space<semaphore_mem>>
      %dma_start3A = arith.constant 0 : i32
      %dma_start3A_19 = tpu.memref_slice %arg2[%mul3A_4, %dma_start3A] : memref<2560x128xi32, #tpu.memory_space<hbm>> -> memref<80x128xi32, #tpu.memory_space<hbm>>
      %dma_start3A_20 = arith.constant 0 : i32
      %dma_start3A_21 = tpu.memref_slice %arg2[%mul3A_4, %dma_start3A_20] : memref<2560x128xi32, #tpu.memory_space<hbm>> -> memref<80x128xi32, #tpu.memory_space<hbm>>
      tpu.enqueue_dma source(%dma_start3A_21 : memref<80x128xi32, #tpu.memory_space<hbm>>) target(%arg8 : memref<80x128xi32, #tpu.memory_space<vmem>>) target_semaphore(%run_scoped3A : memref<!tpu.dma_semaphore, #tpu.memory_space<semaphore_mem>>)
      %dma_wait3A = arith.constant 0 : i32
      %dma_wait3A_22 = tpu.memref_slice %arg2[%mul3A_4, %dma_wait3A] : memref<2560x128xi32, #tpu.memory_space<hbm>> -> memref<80x128xi32, #tpu.memory_space<hbm>>
      %dma_wait3A_23 = arith.constant 0 : i32
      %dma_wait3A_24 = tpu.memref_slice %arg2[%mul3A_4, %dma_wait3A_23] : memref<2560x128xi32, #tpu.memory_space<hbm>> -> memref<80x128xi32, #tpu.memory_space<hbm>>
      tpu.wait_dma2 semaphore(%run_scoped3A : memref<!tpu.dma_semaphore, #tpu.memory_space<semaphore_mem>>) src(%dma_wait3A_24 : memref<80x128xi32, #tpu.memory_space<hbm>>) dst(%arg8 : memref<80x128xi32, #tpu.memory_space<vmem>>)
      tpu.yield
    }) : () -> ()
    %barrier3A = arith.constant 0 : index
    tpu.barrier barrier_id(%barrier3A)
    %scan3A = arith.constant 0 : i32
    %scan3A_5 = arith.constant 0 : i32
    %scan3A_6 = arith.constant 80 : i32
    %scan3A_7 = arith.addi %scan3A_5, %scan3A_6 : i32
    %scan3A_8 = arith.constant 1 : i32
    %scan3A_9 = scf.for %scan3A_19 = %scan3A_5 to %scan3A_7 step %scan3A_8 iter_args(%scan3A_20 = %scan3A) -> (i32)  : i32 {
      %dma_start3A = arith.constant 0 : i32
      %dma_start3A_21 = tpu.memref_slice %arg8[%scan3A_19, %dma_start3A] : memref<80x128xi32, #tpu.memory_space<vmem>> -> memref<1x128xi32, #tpu.memory_space<vmem>>
      %dma_start3A_22 = tpu.memref_squeeze %dma_start3A_21 : memref<1x128xi32, #tpu.memory_space<vmem>> -> memref<128xi32, #tpu.memory_space<vmem>>
      %dma_start3A_23 = arith.constant 0 : i32
      %dma_start3A_24 = arith.constant 0 : i32
      %dma_start3A_25 = tpu.memref_slice %arg6[%dma_start3A_23, %dma_start3A_24] : memref<10240x16xf32, #tpu.memory_space<vmem_shared>> -> memref<10240x16xf32, #tpu.memory_space<vmem_shared>>
      tpu.enqueue_indirect_dma source(%arg7 : memref<128x16xf32, #tpu.memory_space<vmem>>) target(%dma_start3A_25 : memref<10240x16xf32, #tpu.memory_space<vmem_shared>>) offsets(%dma_start3A_22 : memref<128xi32, #tpu.memory_space<vmem>>) semaphore(%arg9 : memref<!tpu.dma_semaphore, #tpu.memory_space<semaphore_mem>>) {add = true}
      %scan3A_26 = arith.constant 0 : i32
      scf.yield %scan3A_26 : i32
    }
    %scan3A_10 = arith.constant 80 : i32
    %scan3A_11 = arith.constant 0 : i32
    %scan3A_12 = arith.constant 0 : i32
    %scan3A_13 = arith.constant 80 : i32
    %scan3A_14 = arith.addi %scan3A_12, %scan3A_13 : i32
    %scan3A_15 = arith.constant 1 : i32
    %scan3A_16 = scf.for %scan3A_19 = %scan3A_12 to %scan3A_14 step %scan3A_15 iter_args(%scan3A_20 = %scan3A_11) -> (i32)  : i32 {
      %dma_wait3A = arith.constant 0 : i32
      %dma_wait3A_21 = tpu.memref_slice %arg8[%scan3A_19, %dma_wait3A] : memref<80x128xi32, #tpu.memory_space<vmem>> -> memref<1x128xi32, #tpu.memory_space<vmem>>
      %dma_wait3A_22 = tpu.memref_squeeze %dma_wait3A_21 : memref<1x128xi32, #tpu.memory_space<vmem>> -> memref<128xi32, #tpu.memory_space<vmem>>
      %dma_wait3A_23 = arith.constant 0 : i32
      %dma_wait3A_24 = arith.constant 0 : i32
      %dma_wait3A_25 = tpu.memref_slice %arg6[%dma_wait3A_23, %dma_wait3A_24] : memref<10240x16xf32, #tpu.memory_space<vmem_shared>> -> memref<10240x16xf32, #tpu.memory_space<vmem_shared>>
      tpu.wait_indirect_dma semaphore(%arg9 : memref<!tpu.dma_semaphore, #tpu.memory_space<semaphore_mem>>) src(%arg7 : memref<128x16xf32, #tpu.memory_space<vmem>>) dst(%dma_wait3A_25 : memref<10240x16xf32, #tpu.memory_space<vmem_shared>>)
      %scan3A_26 = arith.constant 0 : i32
      scf.yield %scan3A_26 : i32
    }
    %scan3A_17 = arith.constant 80 : i32
    %barrier3A_18 = arith.constant 0 : index
    tpu.barrier barrier_id(%barrier3A_18)
    "tpu.region"() ({
      %run_scoped3A = tpu.sem_alloc : memref<!tpu.dma_semaphore, #tpu.memory_space<semaphore_mem>>
      %dma_start3A = arith.constant 0 : i32
      %dma_start3A_19 = tpu.memref_slice %arg5[%arg0, %mul3A_2, %dma_start3A] : memref<2x10240x16xf32, #tpu.memory_space<hbm>> -> memref<1x640x16xf32, #tpu.memory_space<hbm>>
      %dma_start3A_20 = tpu.memref_squeeze %dma_start3A_19 : memref<1x640x16xf32, #tpu.memory_space<hbm>> -> memref<640x16xf32, #tpu.memory_space<hbm>>
      %dma_start3A_21 = arith.constant 0 : i32
      %dma_start3A_22 = tpu.memref_slice %arg6[%mul3A_2, %dma_start3A_21] : memref<10240x16xf32, #tpu.memory_space<vmem_shared>> -> memref<640x16xf32, #tpu.memory_space<vmem_shared>>
      tpu.enqueue_dma source(%dma_start3A_22 : memref<640x16xf32, #tpu.memory_space<vmem_shared>>) target(%dma_start3A_20 : memref<640x16xf32, #tpu.memory_space<hbm>>) target_semaphore(%run_scoped3A : memref<!tpu.dma_semaphore, #tpu.memory_space<semaphore_mem>>)
      %dma_wait3A = arith.constant 0 : i32
      %dma_wait3A_23 = tpu.memref_slice %arg5[%arg0, %mul3A_2, %dma_wait3A] : memref<2x10240x16xf32, #tpu.memory_space<hbm>> -> memref<1x640x16xf32, #tpu.memory_space<hbm>>
      %dma_wait3A_24 = tpu.memref_squeeze %dma_wait3A_23 : memref<1x640x16xf32, #tpu.memory_space<hbm>> -> memref<640x16xf32, #tpu.memory_space<hbm>>
      %dma_wait3A_25 = arith.constant 0 : i32
      %dma_wait3A_26 = tpu.memref_slice %arg6[%mul3A_2, %dma_wait3A_25] : memref<10240x16xf32, #tpu.memory_space<vmem_shared>> -> memref<640x16xf32, #tpu.memory_space<vmem_shared>>
      tpu.wait_dma2 semaphore(%run_scoped3A : memref<!tpu.dma_semaphore, #tpu.memory_space<semaphore_mem>>) src(%dma_wait3A_26 : memref<640x16xf32, #tpu.memory_space<vmem_shared>>) dst(%dma_wait3A_24 : memref<640x16xf32, #tpu.memory_space<hbm>>)
      tpu.yield
    }) : () -> ()
    return
  }
}

#map = affine_map<(d0, d1) -> (0, 0)>
#map1 = affine_map<(d0, d1) -> (0)>
module attributes {stable_mosaic.version = 14 : i64} {
  func.func @_decode_body(%arg0: i32, %arg1: i32, %arg2: memref<10000x64xbf16, #tpu.memory_space<hbm>>, %arg3: memref<1600x128xi32, #tpu.memory_space<hbm>>, %arg4: memref<1600x128xi32, #tpu.memory_space<hbm>>, %arg5: memref<204800xf32, #tpu.memory_space<hbm>>, %arg6: memref<10000x64xbf16, #tpu.memory_space<vmem_shared>>, %arg7: memref<50x128xi32, #tpu.memory_space<vmem>>, %arg8: memref<50x128xi32, #tpu.memory_space<vmem>>, %arg9: memref<128x64xbf16, #tpu.memory_space<vmem>>, %arg10: memref<128x64xbf16, #tpu.memory_space<vmem>>, %arg11: memref<128x64xbf16, #tpu.memory_space<vmem>>, %arg12: memref<128x64xbf16, #tpu.memory_space<vmem>>, %arg13: memref<128xf32, #tpu.memory_space<vmem>>, %arg14: memref<128xf32, #tpu.memory_space<vmem>>, %arg15: memref<16x17xf32, #tpu.memory_space<vmem>>, %arg16: memref<!tpu.dma_semaphore, #tpu.memory_space<semaphore_mem>>, %arg17: memref<!tpu.dma_semaphore, #tpu.memory_space<semaphore_mem>>, %arg18: memref<!tpu.dma_semaphore, #tpu.memory_space<semaphore_mem>>, %arg19: memref<!tpu.dma_semaphore, #tpu.memory_space<semaphore_mem>>, %arg20: memref<!tpu.dma_semaphore, #tpu.memory_space<semaphore_mem>>, %arg21: memref<!tpu.dma_semaphore, #tpu.memory_space<semaphore_mem>>) attributes {dimension_semantics = [#tpu.dimension_semantics<core_parallel>, #tpu.dimension_semantics<subcore_parallel>], iteration_bounds = array<i64: 2, 16>, scalar_prefetch = 0 : i64, scratch_operands = 16 : i64, tpu.core_type = #tpu.core_type<sc_vector_subcore>, window_params = [{transform_indices = #map}, {transform_indices = #map}, {transform_indices = #map}, {transform_indices = #map1}]} {
    %mul3A = arith.constant 2 : i32
    %mul3A_0 = arith.muli %arg1, %mul3A : i32
    %add3A = arith.addi %mul3A_0, %arg0 : i32
    %mul3A_1 = arith.constant 625 : i32
    %mul3A_2 = arith.muli %arg1, %mul3A_1 : i32
    "tpu.region"() ({
      %run_scoped3A = tpu.sem_alloc : memref<!tpu.dma_semaphore, #tpu.memory_space<semaphore_mem>>
      %dma_start3A_47 = arith.constant 0 : i32
      %dma_start3A_48 = tpu.memref_slice %arg6[%mul3A_2, %dma_start3A_47] : memref<10000x64xbf16, #tpu.memory_space<vmem_shared>> -> memref<625x64xbf16, #tpu.memory_space<vmem_shared>>
      %dma_start3A_49 = arith.constant 0 : i32
      %dma_start3A_50 = tpu.memref_slice %arg2[%mul3A_2, %dma_start3A_49] : memref<10000x64xbf16, #tpu.memory_space<hbm>> -> memref<625x64xbf16, #tpu.memory_space<hbm>>
      tpu.enqueue_dma source(%dma_start3A_50 : memref<625x64xbf16, #tpu.memory_space<hbm>>) target(%dma_start3A_48 : memref<625x64xbf16, #tpu.memory_space<vmem_shared>>) target_semaphore(%run_scoped3A : memref<!tpu.dma_semaphore, #tpu.memory_space<semaphore_mem>>)
      %dma_wait3A_51 = arith.constant 0 : i32
      %dma_wait3A_52 = tpu.memref_slice %arg6[%mul3A_2, %dma_wait3A_51] : memref<10000x64xbf16, #tpu.memory_space<vmem_shared>> -> memref<625x64xbf16, #tpu.memory_space<vmem_shared>>
      %dma_wait3A_53 = arith.constant 0 : i32
      %dma_wait3A_54 = tpu.memref_slice %arg2[%mul3A_2, %dma_wait3A_53] : memref<10000x64xbf16, #tpu.memory_space<hbm>> -> memref<625x64xbf16, #tpu.memory_space<hbm>>
      tpu.wait_dma2 semaphore(%run_scoped3A : memref<!tpu.dma_semaphore, #tpu.memory_space<semaphore_mem>>) src(%dma_wait3A_54 : memref<625x64xbf16, #tpu.memory_space<hbm>>) dst(%dma_wait3A_52 : memref<625x64xbf16, #tpu.memory_space<vmem_shared>>)
      tpu.yield
    }) : () -> ()
    %mul3A_3 = arith.constant 50 : i32
    %mul3A_4 = arith.muli %add3A, %mul3A_3 : i32
    "tpu.region"() ({
      %run_scoped3A = tpu.sem_alloc : memref<!tpu.dma_semaphore, #tpu.memory_space<semaphore_mem>>
      %dma_start3A_47 = arith.constant 0 : i32
      %dma_start3A_48 = tpu.memref_slice %arg3[%mul3A_4, %dma_start3A_47] : memref<1600x128xi32, #tpu.memory_space<hbm>> -> memref<50x128xi32, #tpu.memory_space<hbm>>
      %dma_start3A_49 = arith.constant 0 : i32
      %dma_start3A_50 = tpu.memref_slice %arg3[%mul3A_4, %dma_start3A_49] : memref<1600x128xi32, #tpu.memory_space<hbm>> -> memref<50x128xi32, #tpu.memory_space<hbm>>
      tpu.enqueue_dma source(%dma_start3A_50 : memref<50x128xi32, #tpu.memory_space<hbm>>) target(%arg7 : memref<50x128xi32, #tpu.memory_space<vmem>>) target_semaphore(%run_scoped3A : memref<!tpu.dma_semaphore, #tpu.memory_space<semaphore_mem>>)
      %dma_wait3A_51 = arith.constant 0 : i32
      %dma_wait3A_52 = tpu.memref_slice %arg3[%mul3A_4, %dma_wait3A_51] : memref<1600x128xi32, #tpu.memory_space<hbm>> -> memref<50x128xi32, #tpu.memory_space<hbm>>
      %dma_wait3A_53 = arith.constant 0 : i32
      %dma_wait3A_54 = tpu.memref_slice %arg3[%mul3A_4, %dma_wait3A_53] : memref<1600x128xi32, #tpu.memory_space<hbm>> -> memref<50x128xi32, #tpu.memory_space<hbm>>
      tpu.wait_dma2 semaphore(%run_scoped3A : memref<!tpu.dma_semaphore, #tpu.memory_space<semaphore_mem>>) src(%dma_wait3A_54 : memref<50x128xi32, #tpu.memory_space<hbm>>) dst(%arg7 : memref<50x128xi32, #tpu.memory_space<vmem>>)
      tpu.yield
    }) : () -> ()
    %mul3A_5 = arith.constant 50 : i32
    %mul3A_6 = arith.muli %add3A, %mul3A_5 : i32
    "tpu.region"() ({
      %run_scoped3A = tpu.sem_alloc : memref<!tpu.dma_semaphore, #tpu.memory_space<semaphore_mem>>
      %dma_start3A_47 = arith.constant 0 : i32
      %dma_start3A_48 = tpu.memref_slice %arg4[%mul3A_6, %dma_start3A_47] : memref<1600x128xi32, #tpu.memory_space<hbm>> -> memref<50x128xi32, #tpu.memory_space<hbm>>
      %dma_start3A_49 = arith.constant 0 : i32
      %dma_start3A_50 = tpu.memref_slice %arg4[%mul3A_6, %dma_start3A_49] : memref<1600x128xi32, #tpu.memory_space<hbm>> -> memref<50x128xi32, #tpu.memory_space<hbm>>
      tpu.enqueue_dma source(%dma_start3A_50 : memref<50x128xi32, #tpu.memory_space<hbm>>) target(%arg8 : memref<50x128xi32, #tpu.memory_space<vmem>>) target_semaphore(%run_scoped3A : memref<!tpu.dma_semaphore, #tpu.memory_space<semaphore_mem>>)
      %dma_wait3A_51 = arith.constant 0 : i32
      %dma_wait3A_52 = tpu.memref_slice %arg4[%mul3A_6, %dma_wait3A_51] : memref<1600x128xi32, #tpu.memory_space<hbm>> -> memref<50x128xi32, #tpu.memory_space<hbm>>
      %dma_wait3A_53 = arith.constant 0 : i32
      %dma_wait3A_54 = tpu.memref_slice %arg4[%mul3A_6, %dma_wait3A_53] : memref<1600x128xi32, #tpu.memory_space<hbm>> -> memref<50x128xi32, #tpu.memory_space<hbm>>
      tpu.wait_dma2 semaphore(%run_scoped3A : memref<!tpu.dma_semaphore, #tpu.memory_space<semaphore_mem>>) src(%dma_wait3A_54 : memref<50x128xi32, #tpu.memory_space<hbm>>) dst(%arg8 : memref<50x128xi32, #tpu.memory_space<vmem>>)
      tpu.yield
    }) : () -> ()
    %barrier3A = arith.constant 0 : index
    tpu.barrier barrier_id(%barrier3A)
    %dma_start3A = arith.constant 0 : i32
    %dma_start3A_7 = arith.constant 0 : i32
    %dma_start3A_8 = tpu.memref_slice %arg7[%dma_start3A, %dma_start3A_7] : memref<50x128xi32, #tpu.memory_space<vmem>> -> memref<1x128xi32, #tpu.memory_space<vmem>>
    %dma_start3A_9 = tpu.memref_squeeze %dma_start3A_8 : memref<1x128xi32, #tpu.memory_space<vmem>> -> memref<128xi32, #tpu.memory_space<vmem>>
    %dma_start3A_10 = arith.constant 0 : i32
    %dma_start3A_11 = arith.constant 0 : i32
    %dma_start3A_12 = tpu.memref_slice %arg6[%dma_start3A_10, %dma_start3A_11] : memref<10000x64xbf16, #tpu.memory_space<vmem_shared>> -> memref<10000x64xbf16, #tpu.memory_space<vmem_shared>>
    tpu.enqueue_indirect_dma source(%dma_start3A_12 : memref<10000x64xbf16, #tpu.memory_space<vmem_shared>>) target(%arg9 : memref<128x64xbf16, #tpu.memory_space<vmem>>) offsets(%dma_start3A_9 : memref<128xi32, #tpu.memory_space<vmem>>) semaphore(%arg16 : memref<!tpu.dma_semaphore, #tpu.memory_space<semaphore_mem>>)
    %dma_start3A_13 = arith.constant 0 : i32
    %dma_start3A_14 = arith.constant 0 : i32
    %dma_start3A_15 = tpu.memref_slice %arg8[%dma_start3A_13, %dma_start3A_14] : memref<50x128xi32, #tpu.memory_space<vmem>> -> memref<1x128xi32, #tpu.memory_space<vmem>>
    %dma_start3A_16 = tpu.memref_squeeze %dma_start3A_15 : memref<1x128xi32, #tpu.memory_space<vmem>> -> memref<128xi32, #tpu.memory_space<vmem>>
    %dma_start3A_17 = arith.constant 0 : i32
    %dma_start3A_18 = arith.constant 0 : i32
    %dma_start3A_19 = tpu.memref_slice %arg6[%dma_start3A_17, %dma_start3A_18] : memref<10000x64xbf16, #tpu.memory_space<vmem_shared>> -> memref<10000x64xbf16, #tpu.memory_space<vmem_shared>>
    tpu.enqueue_indirect_dma source(%dma_start3A_19 : memref<10000x64xbf16, #tpu.memory_space<vmem_shared>>) target(%arg10 : memref<128x64xbf16, #tpu.memory_space<vmem>>) offsets(%dma_start3A_16 : memref<128xi32, #tpu.memory_space<vmem>>) semaphore(%arg17 : memref<!tpu.dma_semaphore, #tpu.memory_space<semaphore_mem>>)
    %dma_start3A_20 = arith.constant 1 : i32
    %dma_start3A_21 = arith.constant 0 : i32
    %dma_start3A_22 = tpu.memref_slice %arg7[%dma_start3A_20, %dma_start3A_21] : memref<50x128xi32, #tpu.memory_space<vmem>> -> memref<1x128xi32, #tpu.memory_space<vmem>>
    %dma_start3A_23 = tpu.memref_squeeze %dma_start3A_22 : memref<1x128xi32, #tpu.memory_space<vmem>> -> memref<128xi32, #tpu.memory_space<vmem>>
    %dma_start3A_24 = arith.constant 0 : i32
    %dma_start3A_25 = arith.constant 0 : i32
    %dma_start3A_26 = tpu.memref_slice %arg6[%dma_start3A_24, %dma_start3A_25] : memref<10000x64xbf16, #tpu.memory_space<vmem_shared>> -> memref<10000x64xbf16, #tpu.memory_space<vmem_shared>>
    tpu.enqueue_indirect_dma source(%dma_start3A_26 : memref<10000x64xbf16, #tpu.memory_space<vmem_shared>>) target(%arg11 : memref<128x64xbf16, #tpu.memory_space<vmem>>) offsets(%dma_start3A_23 : memref<128xi32, #tpu.memory_space<vmem>>) semaphore(%arg18 : memref<!tpu.dma_semaphore, #tpu.memory_space<semaphore_mem>>)
    %dma_start3A_27 = arith.constant 1 : i32
    %dma_start3A_28 = arith.constant 0 : i32
    %dma_start3A_29 = tpu.memref_slice %arg8[%dma_start3A_27, %dma_start3A_28] : memref<50x128xi32, #tpu.memory_space<vmem>> -> memref<1x128xi32, #tpu.memory_space<vmem>>
    %dma_start3A_30 = tpu.memref_squeeze %dma_start3A_29 : memref<1x128xi32, #tpu.memory_space<vmem>> -> memref<128xi32, #tpu.memory_space<vmem>>
    %dma_start3A_31 = arith.constant 0 : i32
    %dma_start3A_32 = arith.constant 0 : i32
    %dma_start3A_33 = tpu.memref_slice %arg6[%dma_start3A_31, %dma_start3A_32] : memref<10000x64xbf16, #tpu.memory_space<vmem_shared>> -> memref<10000x64xbf16, #tpu.memory_space<vmem_shared>>
    tpu.enqueue_indirect_dma source(%dma_start3A_33 : memref<10000x64xbf16, #tpu.memory_space<vmem_shared>>) target(%arg12 : memref<128x64xbf16, #tpu.memory_space<vmem>>) offsets(%dma_start3A_30 : memref<128xi32, #tpu.memory_space<vmem>>) semaphore(%arg19 : memref<!tpu.dma_semaphore, #tpu.memory_space<semaphore_mem>>)
    %iota3A = tpu.iota {dimensions = array<i32: 0>} : vector<16xi32>
    %scan3A = arith.constant 0 : i32
    %scan3A_34 = arith.constant 0 : i32
    %scan3A_35 = arith.constant 25 : i32
    %scan3A_36 = arith.addi %scan3A_34, %scan3A_35 : i32
    %scan3A_37 = arith.constant 1 : i32
    %scan3A_38 = scf.for %scan3A_47 = %scan3A_34 to %scan3A_36 step %scan3A_37 iter_args(%scan3A_48 = %scan3A) -> (i32)  : i32 {
      %mul3A_49 = arith.constant 2 : i32
      %mul3A_50 = arith.muli %mul3A_49, %scan3A_47 : i32
      %dma_wait3A_51 = arith.constant 0 : i32
      %dma_wait3A_52 = tpu.memref_slice %arg7[%mul3A_50, %dma_wait3A_51] : memref<50x128xi32, #tpu.memory_space<vmem>> -> memref<1x128xi32, #tpu.memory_space<vmem>>
      %dma_wait3A_53 = tpu.memref_squeeze %dma_wait3A_52 : memref<1x128xi32, #tpu.memory_space<vmem>> -> memref<128xi32, #tpu.memory_space<vmem>>
      %dma_wait3A_54 = arith.constant 0 : i32
      %dma_wait3A_55 = arith.constant 0 : i32
      %dma_wait3A_56 = tpu.memref_slice %arg6[%dma_wait3A_54, %dma_wait3A_55] : memref<10000x64xbf16, #tpu.memory_space<vmem_shared>> -> memref<10000x64xbf16, #tpu.memory_space<vmem_shared>>
      tpu.wait_indirect_dma semaphore(%arg16 : memref<!tpu.dma_semaphore, #tpu.memory_space<semaphore_mem>>) src(%dma_wait3A_56 : memref<10000x64xbf16, #tpu.memory_space<vmem_shared>>) dst(%arg9 : memref<128x64xbf16, #tpu.memory_space<vmem>>)
      %dma_wait3A_57 = arith.constant 0 : i32
      %dma_wait3A_58 = tpu.memref_slice %arg8[%mul3A_50, %dma_wait3A_57] : memref<50x128xi32, #tpu.memory_space<vmem>> -> memref<1x128xi32, #tpu.memory_space<vmem>>
      %dma_wait3A_59 = tpu.memref_squeeze %dma_wait3A_58 : memref<1x128xi32, #tpu.memory_space<vmem>> -> memref<128xi32, #tpu.memory_space<vmem>>
      %dma_wait3A_60 = arith.constant 0 : i32
      %dma_wait3A_61 = arith.constant 0 : i32
      %dma_wait3A_62 = tpu.memref_slice %arg6[%dma_wait3A_60, %dma_wait3A_61] : memref<10000x64xbf16, #tpu.memory_space<vmem_shared>> -> memref<10000x64xbf16, #tpu.memory_space<vmem_shared>>
      tpu.wait_indirect_dma semaphore(%arg17 : memref<!tpu.dma_semaphore, #tpu.memory_space<semaphore_mem>>) src(%dma_wait3A_62 : memref<10000x64xbf16, #tpu.memory_space<vmem_shared>>) dst(%arg10 : memref<128x64xbf16, #tpu.memory_space<vmem>>)
      %ge3A = arith.constant 2 : i32
      %ge3A_63 = arith.cmpi sge, %mul3A_50, %ge3A : i32
      %convert_element_type3A = arith.extui %ge3A_63 : i1 to i32
      %cond3A = arith.constant 0 : i32
      %cond3A_64 = arith.cmpi ne, %convert_element_type3A, %cond3A : i32
      scf.if %cond3A_64 {
        %mul3A_130 = arith.constant 6400 : i32
        %mul3A_131 = arith.muli %add3A, %mul3A_130 : i32
        %dma_wait3A_132 = tpu.memref_slice %arg5[%mul3A_131] : memref<204800xf32, #tpu.memory_space<hbm>> -> memref<128xf32, #tpu.memory_space<hbm>>
        %dma_wait3A_133 = tpu.memref_slice %arg5[%mul3A_131] : memref<204800xf32, #tpu.memory_space<hbm>> -> memref<128xf32, #tpu.memory_space<hbm>>
        tpu.wait_dma2 semaphore(%arg20 : memref<!tpu.dma_semaphore, #tpu.memory_space<semaphore_mem>>) src(%arg13 : memref<128xf32, #tpu.memory_space<vmem>>) dst(%dma_wait3A_133 : memref<128xf32, #tpu.memory_space<hbm>>)
      } else {
      }
      %scan3A_65 = arith.constant 0 : i32
      %scan3A_66 = arith.constant 0 : i32
      %scan3A_67 = arith.constant 8 : i32
      %scan3A_68 = arith.addi %scan3A_66, %scan3A_67 : i32
      %scan3A_69 = arith.constant 1 : i32
      %scan3A_70 = scf.for %scan3A_130 = %scan3A_66 to %scan3A_68 step %scan3A_69 iter_args(%scan3A_131 = %scan3A_65) -> (i32)  : i32 {
        %mul3A_132 = arith.constant 16 : i32
        %mul3A_133 = arith.muli %scan3A_130, %mul3A_132 : i32
        %add3A_134 = arith.constant 0 : i32
        %add3A_135 = arith.addi %mul3A_133, %add3A_134 : i32
        %get3A = arith.index_cast %add3A_135 : i32 to index
        %get3A_136 = arith.constant 0 : index
        %get3A_137 = tpu.vector_load %arg9[%get3A, %get3A_136] {strides = array<i32>} : memref<128x64xbf16, #tpu.memory_space<vmem>>, vector<32xbf16>,
        %get3A_138 = arith.index_cast %add3A_135 : i32 to index
        %get3A_139 = arith.constant 0 : index
        %get3A_140 = tpu.vector_load %arg10[%get3A_138, %get3A_139] {strides = array<i32>} : memref<128x64xbf16, #tpu.memory_space<vmem>>, vector<32xbf16>,
        %mul3A_141 = arith.mulf %get3A_137, %get3A_140 : vector<32xbf16>
        %unpack3A = tpu.unpack_subelements %mul3A_141, 0 {pack_format = #tpu.pack_format<interleaved>} : vector<32xbf16> -> vector<16xf32>
        %unpack3A_142 = tpu.unpack_subelements %mul3A_141, 1 {pack_format = #tpu.pack_format<interleaved>} : vector<32xbf16> -> vector<16xf32>
        %add3A_143 = arith.addf %unpack3A, %unpack3A_142 : vector<16xf32>
        %get3A_144 = arith.index_cast %add3A_135 : i32 to index
        %get3A_145 = arith.constant 32 : index
        %get3A_146 = tpu.vector_load %arg9[%get3A_144, %get3A_145] {strides = array<i32>} : memref<128x64xbf16, #tpu.memory_space<vmem>>, vector<32xbf16>,
        %get3A_147 = arith.index_cast %add3A_135 : i32 to index
        %get3A_148 = arith.constant 32 : index
        %get3A_149 = tpu.vector_load %arg10[%get3A_147, %get3A_148] {strides = array<i32>} : memref<128x64xbf16, #tpu.memory_space<vmem>>, vector<32xbf16>,
        %mul3A_150 = arith.mulf %get3A_146, %get3A_149 : vector<32xbf16>
        %unpack3A_151 = tpu.unpack_subelements %mul3A_150, 0 {pack_format = #tpu.pack_format<interleaved>} : vector<32xbf16> -> vector<16xf32>
        %unpack3A_152 = tpu.unpack_subelements %mul3A_150, 1 {pack_format = #tpu.pack_format<interleaved>} : vector<32xbf16> -> vector<16xf32>
        %add3A_153 = arith.addf %unpack3A_151, %unpack3A_152 : vector<16xf32>
        %add3A_154 = arith.addf %add3A_143, %add3A_153 : vector<16xf32>
        %swap3A = arith.constant 0 : i32
        %swap3A_155 = arith.index_cast %swap3A : i32 to index
        %swap3A_156 = arith.constant 0 : index
        %swap3A_157 = tpu.vector_load %arg15[%swap3A_155, %swap3A_156] {strides = array<i32>} : memref<16x17xf32, #tpu.memory_space<vmem>>, vector<16xf32>,
        tpu.vector_store %arg15[%swap3A_155, %swap3A_156], %add3A_154 {strides = array<i32>} : memref<16x17xf32, #tpu.memory_space<vmem>>, vector<16xf32>,
        %mul3A_158 = arith.constant 16 : i32
        %mul3A_159 = arith.muli %scan3A_130, %mul3A_158 : i32
        %add3A_160 = arith.constant 1 : i32
        %add3A_161 = arith.addi %mul3A_159, %add3A_160 : i32
        %get3A_162 = arith.index_cast %add3A_161 : i32 to index
        %get3A_163 = arith.constant 0 : index
        %get3A_164 = tpu.vector_load %arg9[%get3A_162, %get3A_163] {strides = array<i32>} : memref<128x64xbf16, #tpu.memory_space<vmem>>, vector<32xbf16>,
        %get3A_165 = arith.index_cast %add3A_161 : i32 to index
        %get3A_166 = arith.constant 0 : index
        %get3A_167 = tpu.vector_load %arg10[%get3A_165, %get3A_166] {strides = array<i32>} : memref<128x64xbf16, #tpu.memory_space<vmem>>, vector<32xbf16>,
        %mul3A_168 = arith.mulf %get3A_164, %get3A_167 : vector<32xbf16>
        %unpack3A_169 = tpu.unpack_subelements %mul3A_168, 0 {pack_format = #tpu.pack_format<interleaved>} : vector<32xbf16> -> vector<16xf32>
        %unpack3A_170 = tpu.unpack_subelements %mul3A_168, 1 {pack_format = #tpu.pack_format<interleaved>} : vector<32xbf16> -> vector<16xf32>
        %add3A_171 = arith.addf %unpack3A_169, %unpack3A_170 : vector<16xf32>
        %get3A_172 = arith.index_cast %add3A_161 : i32 to index
        %get3A_173 = arith.constant 32 : index
        %get3A_174 = tpu.vector_load %arg9[%get3A_172, %get3A_173] {strides = array<i32>} : memref<128x64xbf16, #tpu.memory_space<vmem>>, vector<32xbf16>,
        %get3A_175 = arith.index_cast %add3A_161 : i32 to index
        %get3A_176 = arith.constant 32 : index
        %get3A_177 = tpu.vector_load %arg10[%get3A_175, %get3A_176] {strides = array<i32>} : memref<128x64xbf16, #tpu.memory_space<vmem>>, vector<32xbf16>,
        %mul3A_178 = arith.mulf %get3A_174, %get3A_177 : vector<32xbf16>
        %unpack3A_179 = tpu.unpack_subelements %mul3A_178, 0 {pack_format = #tpu.pack_format<interleaved>} : vector<32xbf16> -> vector<16xf32>
        %unpack3A_180 = tpu.unpack_subelements %mul3A_178, 1 {pack_format = #tpu.pack_format<interleaved>} : vector<32xbf16> -> vector<16xf32>
        %add3A_181 = arith.addf %unpack3A_179, %unpack3A_180 : vector<16xf32>
        %add3A_182 = arith.addf %add3A_171, %add3A_181 : vector<16xf32>
        %swap3A_183 = arith.constant 1 : i32
        %swap3A_184 = arith.index_cast %swap3A_183 : i32 to index
        %swap3A_185 = arith.constant 0 : index
        %swap3A_186 = tpu.vector_load %arg15[%swap3A_184, %swap3A_185] {strides = array<i32>} : memref<16x17xf32, #tpu.memory_space<vmem>>, vector<16xf32>,
        tpu.vector_store %arg15[%swap3A_184, %swap3A_185], %add3A_182 {strides = array<i32>} : memref<16x17xf32, #tpu.memory_space<vmem>>, vector<16xf32>,
        %mul3A_187 = arith.constant 16 : i32
        %mul3A_188 = arith.muli %scan3A_130, %mul3A_187 : i32
        %add3A_189 = arith.constant 2 : i32
        %add3A_190 = arith.addi %mul3A_188, %add3A_189 : i32
        %get3A_191 = arith.index_cast %add3A_190 : i32 to index
        %get3A_192 = arith.constant 0 : index
        %get3A_193 = tpu.vector_load %arg9[%get3A_191, %get3A_192] {strides = array<i32>} : memref<128x64xbf16, #tpu.memory_space<vmem>>, vector<32xbf16>,
        %get3A_194 = arith.index_cast %add3A_190 : i32 to index
        %get3A_195 = arith.constant 0 : index
        %get3A_196 = tpu.vector_load %arg10[%get3A_194, %get3A_195] {strides = array<i32>} : memref<128x64xbf16, #tpu.memory_space<vmem>>, vector<32xbf16>,
        %mul3A_197 = arith.mulf %get3A_193, %get3A_196 : vector<32xbf16>
        %unpack3A_198 = tpu.unpack_subelements %mul3A_197, 0 {pack_format = #tpu.pack_format<interleaved>} : vector<32xbf16> -> vector<16xf32>
        %unpack3A_199 = tpu.unpack_subelements %mul3A_197, 1 {pack_format = #tpu.pack_format<interleaved>} : vector<32xbf16> -> vector<16xf32>
        %add3A_200 = arith.addf %unpack3A_198, %unpack3A_199 : vector<16xf32>
        %get3A_201 = arith.index_cast %add3A_190 : i32 to index
        %get3A_202 = arith.constant 32 : index
        %get3A_203 = tpu.vector_load %arg9[%get3A_201, %get3A_202] {strides = array<i32>} : memref<128x64xbf16, #tpu.memory_space<vmem>>, vector<32xbf16>,
        %get3A_204 = arith.index_cast %add3A_190 : i32 to index
        %get3A_205 = arith.constant 32 : index
        %get3A_206 = tpu.vector_load %arg10[%get3A_204, %get3A_205] {strides = array<i32>} : memref<128x64xbf16, #tpu.memory_space<vmem>>, vector<32xbf16>,
        %mul3A_207 = arith.mulf %get3A_203, %get3A_206 : vector<32xbf16>
        %unpack3A_208 = tpu.unpack_subelements %mul3A_207, 0 {pack_format = #tpu.pack_format<interleaved>} : vector<32xbf16> -> vector<16xf32>
        %unpack3A_209 = tpu.unpack_subelements %mul3A_207, 1 {pack_format = #tpu.pack_format<interleaved>} : vector<32xbf16> -> vector<16xf32>
        %add3A_210 = arith.addf %unpack3A_208, %unpack3A_209 : vector<16xf32>
        %add3A_211 = arith.addf %add3A_200, %add3A_210 : vector<16xf32>
        %swap3A_212 = arith.constant 2 : i32
        %swap3A_213 = arith.index_cast %swap3A_212 : i32 to index
        %swap3A_214 = arith.constant 0 : index
        %swap3A_215 = tpu.vector_load %arg15[%swap3A_213, %swap3A_214] {strides = array<i32>} : memref<16x17xf32, #tpu.memory_space<vmem>>, vector<16xf32>,
        tpu.vector_store %arg15[%swap3A_213, %swap3A_214], %add3A_211 {strides = array<i32>} : memref<16x17xf32, #tpu.memory_space<vmem>>, vector<16xf32>,
        %mul3A_216 = arith.constant 16 : i32
        %mul3A_217 = arith.muli %scan3A_130, %mul3A_216 : i32
        %add3A_218 = arith.constant 3 : i32
        %add3A_219 = arith.addi %mul3A_217, %add3A_218 : i32
        %get3A_220 = arith.index_cast %add3A_219 : i32 to index
        %get3A_221 = arith.constant 0 : index
        %get3A_222 = tpu.vector_load %arg9[%get3A_220, %get3A_221] {strides = array<i32>} : memref<128x64xbf16, #tpu.memory_space<vmem>>, vector<32xbf16>,
        %get3A_223 = arith.index_cast %add3A_219 : i32 to index
        %get3A_224 = arith.constant 0 : index
        %get3A_225 = tpu.vector_load %arg10[%get3A_223, %get3A_224] {strides = array<i32>} : memref<128x64xbf16, #tpu.memory_space<vmem>>, vector<32xbf16>,
        %mul3A_226 = arith.mulf %get3A_222, %get3A_225 : vector<32xbf16>
        %unpack3A_227 = tpu.unpack_subelements %mul3A_226, 0 {pack_format = #tpu.pack_format<interleaved>} : vector<32xbf16> -> vector<16xf32>
        %unpack3A_228 = tpu.unpack_subelements %mul3A_226, 1 {pack_format = #tpu.pack_format<interleaved>} : vector<32xbf16> -> vector<16xf32>
        %add3A_229 = arith.addf %unpack3A_227, %unpack3A_228 : vector<16xf32>
        %get3A_230 = arith.index_cast %add3A_219 : i32 to index
        %get3A_231 = arith.constant 32 : index
        %get3A_232 = tpu.vector_load %arg9[%get3A_230, %get3A_231] {strides = array<i32>} : memref<128x64xbf16, #tpu.memory_space<vmem>>, vector<32xbf16>,
        %get3A_233 = arith.index_cast %add3A_219 : i32 to index
        %get3A_234 = arith.constant 32 : index
        %get3A_235 = tpu.vector_load %arg10[%get3A_233, %get3A_234] {strides = array<i32>} : memref<128x64xbf16, #tpu.memory_space<vmem>>, vector<32xbf16>,
        %mul3A_236 = arith.mulf %get3A_232, %get3A_235 : vector<32xbf16>
        %unpack3A_237 = tpu.unpack_subelements %mul3A_236, 0 {pack_format = #tpu.pack_format<interleaved>} : vector<32xbf16> -> vector<16xf32>
        %unpack3A_238 = tpu.unpack_subelements %mul3A_236, 1 {pack_format = #tpu.pack_format<interleaved>} : vector<32xbf16> -> vector<16xf32>
        %add3A_239 = arith.addf %unpack3A_237, %unpack3A_238 : vector<16xf32>
        %add3A_240 = arith.addf %add3A_229, %add3A_239 : vector<16xf32>
        %swap3A_241 = arith.constant 3 : i32
        %swap3A_242 = arith.index_cast %swap3A_241 : i32 to index
        %swap3A_243 = arith.constant 0 : index
        %swap3A_244 = tpu.vector_load %arg15[%swap3A_242, %swap3A_243] {strides = array<i32>} : memref<16x17xf32, #tpu.memory_space<vmem>>, vector<16xf32>,
        tpu.vector_store %arg15[%swap3A_242, %swap3A_243], %add3A_240 {strides = array<i32>} : memref<16x17xf32, #tpu.memory_space<vmem>>, vector<16xf32>,
        %mul3A_245 = arith.constant 16 : i32
        %mul3A_246 = arith.muli %scan3A_130, %mul3A_245 : i32
        %add3A_247 = arith.constant 4 : i32
        %add3A_248 = arith.addi %mul3A_246, %add3A_247 : i32
        %get3A_249 = arith.index_cast %add3A_248 : i32 to index
        %get3A_250 = arith.constant 0 : index
        %get3A_251 = tpu.vector_load %arg9[%get3A_249, %get3A_250] {strides = array<i32>} : memref<128x64xbf16, #tpu.memory_space<vmem>>, vector<32xbf16>,
        %get3A_252 = arith.index_cast %add3A_248 : i32 to index
        %get3A_253 = arith.constant 0 : index
        %get3A_254 = tpu.vector_load %arg10[%get3A_252, %get3A_253] {strides = array<i32>} : memref<128x64xbf16, #tpu.memory_space<vmem>>, vector<32xbf16>,
        %mul3A_255 = arith.mulf %get3A_251, %get3A_254 : vector<32xbf16>
        %unpack3A_256 = tpu.unpack_subelements %mul3A_255, 0 {pack_format = #tpu.pack_format<interleaved>} : vector<32xbf16> -> vector<16xf32>
        %unpack3A_257 = tpu.unpack_subelements %mul3A_255, 1 {pack_format = #tpu.pack_format<interleaved>} : vector<32xbf16> -> vector<16xf32>
        %add3A_258 = arith.addf %unpack3A_256, %unpack3A_257 : vector<16xf32>
        %get3A_259 = arith.index_cast %add3A_248 : i32 to index
        %get3A_260 = arith.constant 32 : index
        %get3A_261 = tpu.vector_load %arg9[%get3A_259, %get3A_260] {strides = array<i32>} : memref<128x64xbf16, #tpu.memory_space<vmem>>, vector<32xbf16>,
        %get3A_262 = arith.index_cast %add3A_248 : i32 to index
        %get3A_263 = arith.constant 32 : index
        %get3A_264 = tpu.vector_load %arg10[%get3A_262, %get3A_263] {strides = array<i32>} : memref<128x64xbf16, #tpu.memory_space<vmem>>, vector<32xbf16>,
        %mul3A_265 = arith.mulf %get3A_261, %get3A_264 : vector<32xbf16>
        %unpack3A_266 = tpu.unpack_subelements %mul3A_265, 0 {pack_format = #tpu.pack_format<interleaved>} : vector<32xbf16> -> vector<16xf32>
        %unpack3A_267 = tpu.unpack_subelements %mul3A_265, 1 {pack_format = #tpu.pack_format<interleaved>} : vector<32xbf16> -> vector<16xf32>
        %add3A_268 = arith.addf %unpack3A_266, %unpack3A_267 : vector<16xf32>
        %add3A_269 = arith.addf %add3A_258, %add3A_268 : vector<16xf32>
        %swap3A_270 = arith.constant 4 : i32
        %swap3A_271 = arith.index_cast %swap3A_270 : i32 to index
        %swap3A_272 = arith.constant 0 : index
        %swap3A_273 = tpu.vector_load %arg15[%swap3A_271, %swap3A_272] {strides = array<i32>} : memref<16x17xf32, #tpu.memory_space<vmem>>, vector<16xf32>,
        tpu.vector_store %arg15[%swap3A_271, %swap3A_272], %add3A_269 {strides = array<i32>} : memref<16x17xf32, #tpu.memory_space<vmem>>, vector<16xf32>,
        %mul3A_274 = arith.constant 16 : i32
        %mul3A_275 = arith.muli %scan3A_130, %mul3A_274 : i32
        %add3A_276 = arith.constant 5 : i32
        %add3A_277 = arith.addi %mul3A_275, %add3A_276 : i32
        %get3A_278 = arith.index_cast %add3A_277 : i32 to index
        %get3A_279 = arith.constant 0 : index
        %get3A_280 = tpu.vector_load %arg9[%get3A_278, %get3A_279] {strides = array<i32>} : memref<128x64xbf16, #tpu.memory_space<vmem>>, vector<32xbf16>,
        %get3A_281 = arith.index_cast %add3A_277 : i32 to index
        %get3A_282 = arith.constant 0 : index
        %get3A_283 = tpu.vector_load %arg10[%get3A_281, %get3A_282] {strides = array<i32>} : memref<128x64xbf16, #tpu.memory_space<vmem>>, vector<32xbf16>,
        %mul3A_284 = arith.mulf %get3A_280, %get3A_283 : vector<32xbf16>
        %unpack3A_285 = tpu.unpack_subelements %mul3A_284, 0 {pack_format = #tpu.pack_format<interleaved>} : vector<32xbf16> -> vector<16xf32>
        %unpack3A_286 = tpu.unpack_subelements %mul3A_284, 1 {pack_format = #tpu.pack_format<interleaved>} : vector<32xbf16> -> vector<16xf32>
        %add3A_287 = arith.addf %unpack3A_285, %unpack3A_286 : vector<16xf32>
        %get3A_288 = arith.index_cast %add3A_277 : i32 to index
        %get3A_289 = arith.constant 32 : index
        %get3A_290 = tpu.vector_load %arg9[%get3A_288, %get3A_289] {strides = array<i32>} : memref<128x64xbf16, #tpu.memory_space<vmem>>, vector<32xbf16>,
        %get3A_291 = arith.index_cast %add3A_277 : i32 to index
        %get3A_292 = arith.constant 32 : index
        %get3A_293 = tpu.vector_load %arg10[%get3A_291, %get3A_292] {strides = array<i32>} : memref<128x64xbf16, #tpu.memory_space<vmem>>, vector<32xbf16>,
        %mul3A_294 = arith.mulf %get3A_290, %get3A_293 : vector<32xbf16>
        %unpack3A_295 = tpu.unpack_subelements %mul3A_294, 0 {pack_format = #tpu.pack_format<interleaved>} : vector<32xbf16> -> vector<16xf32>
        %unpack3A_296 = tpu.unpack_subelements %mul3A_294, 1 {pack_format = #tpu.pack_format<interleaved>} : vector<32xbf16> -> vector<16xf32>
        %add3A_297 = arith.addf %unpack3A_295, %unpack3A_296 : vector<16xf32>
        %add3A_298 = arith.addf %add3A_287, %add3A_297 : vector<16xf32>
        %swap3A_299 = arith.constant 5 : i32
        %swap3A_300 = arith.index_cast %swap3A_299 : i32 to index
        %swap3A_301 = arith.constant 0 : index
        %swap3A_302 = tpu.vector_load %arg15[%swap3A_300, %swap3A_301] {strides = array<i32>} : memref<16x17xf32, #tpu.memory_space<vmem>>, vector<16xf32>,
        tpu.vector_store %arg15[%swap3A_300, %swap3A_301], %add3A_298 {strides = array<i32>} : memref<16x17xf32, #tpu.memory_space<vmem>>, vector<16xf32>,
        %mul3A_303 = arith.constant 16 : i32
        %mul3A_304 = arith.muli %scan3A_130, %mul3A_303 : i32
        %add3A_305 = arith.constant 6 : i32
        %add3A_306 = arith.addi %mul3A_304, %add3A_305 : i32
        %get3A_307 = arith.index_cast %add3A_306 : i32 to index
        %get3A_308 = arith.constant 0 : index
        %get3A_309 = tpu.vector_load %arg9[%get3A_307, %get3A_308] {strides = array<i32>} : memref<128x64xbf16, #tpu.memory_space<vmem>>, vector<32xbf16>,
        %get3A_310 = arith.index_cast %add3A_306 : i32 to index
        %get3A_311 = arith.constant 0 : index
        %get3A_312 = tpu.vector_load %arg10[%get3A_310, %get3A_311] {strides = array<i32>} : memref<128x64xbf16, #tpu.memory_space<vmem>>, vector<32xbf16>,
        %mul3A_313 = arith.mulf %get3A_309, %get3A_312 : vector<32xbf16>
        %unpack3A_314 = tpu.unpack_subelements %mul3A_313, 0 {pack_format = #tpu.pack_format<interleaved>} : vector<32xbf16> -> vector<16xf32>
        %unpack3A_315 = tpu.unpack_subelements %mul3A_313, 1 {pack_format = #tpu.pack_format<interleaved>} : vector<32xbf16> -> vector<16xf32>
        %add3A_316 = arith.addf %unpack3A_314, %unpack3A_315 : vector<16xf32>
        %get3A_317 = arith.index_cast %add3A_306 : i32 to index
        %get3A_318 = arith.constant 32 : index
        %get3A_319 = tpu.vector_load %arg9[%get3A_317, %get3A_318] {strides = array<i32>} : memref<128x64xbf16, #tpu.memory_space<vmem>>, vector<32xbf16>,
        %get3A_320 = arith.index_cast %add3A_306 : i32 to index
        %get3A_321 = arith.constant 32 : index
        %get3A_322 = tpu.vector_load %arg10[%get3A_320, %get3A_321] {strides = array<i32>} : memref<128x64xbf16, #tpu.memory_space<vmem>>, vector<32xbf16>,
        %mul3A_323 = arith.mulf %get3A_319, %get3A_322 : vector<32xbf16>
        %unpack3A_324 = tpu.unpack_subelements %mul3A_323, 0 {pack_format = #tpu.pack_format<interleaved>} : vector<32xbf16> -> vector<16xf32>
        %unpack3A_325 = tpu.unpack_subelements %mul3A_323, 1 {pack_format = #tpu.pack_format<interleaved>} : vector<32xbf16> -> vector<16xf32>
        %add3A_326 = arith.addf %unpack3A_324, %unpack3A_325 : vector<16xf32>
        %add3A_327 = arith.addf %add3A_316, %add3A_326 : vector<16xf32>
        %swap3A_328 = arith.constant 6 : i32
        %swap3A_329 = arith.index_cast %swap3A_328 : i32 to index
        %swap3A_330 = arith.constant 0 : index
        %swap3A_331 = tpu.vector_load %arg15[%swap3A_329, %swap3A_330] {strides = array<i32>} : memref<16x17xf32, #tpu.memory_space<vmem>>, vector<16xf32>,
        tpu.vector_store %arg15[%swap3A_329, %swap3A_330], %add3A_327 {strides = array<i32>} : memref<16x17xf32, #tpu.memory_space<vmem>>, vector<16xf32>,
        %mul3A_332 = arith.constant 16 : i32
        %mul3A_333 = arith.muli %scan3A_130, %mul3A_332 : i32
        %add3A_334 = arith.constant 7 : i32
        %add3A_335 = arith.addi %mul3A_333, %add3A_334 : i32
        %get3A_336 = arith.index_cast %add3A_335 : i32 to index
        %get3A_337 = arith.constant 0 : index
        %get3A_338 = tpu.vector_load %arg9[%get3A_336, %get3A_337] {strides = array<i32>} : memref<128x64xbf16, #tpu.memory_space<vmem>>, vector<32xbf16>,
        %get3A_339 = arith.index_cast %add3A_335 : i32 to index
        %get3A_340 = arith.constant 0 : index
        %get3A_341 = tpu.vector_load %arg10[%get3A_339, %get3A_340] {strides = array<i32>} : memref<128x64xbf16, #tpu.memory_space<vmem>>, vector<32xbf16>,
        %mul3A_342 = arith.mulf %get3A_338, %get3A_341 : vector<32xbf16>
        %unpack3A_343 = tpu.unpack_subelements %mul3A_342, 0 {pack_format = #tpu.pack_format<interleaved>} : vector<32xbf16> -> vector<16xf32>
        %unpack3A_344 = tpu.unpack_subelements %mul3A_342, 1 {pack_format = #tpu.pack_format<interleaved>} : vector<32xbf16> -> vector<16xf32>
        %add3A_345 = arith.addf %unpack3A_343, %unpack3A_344 : vector<16xf32>
        %get3A_346 = arith.index_cast %add3A_335 : i32 to index
        %get3A_347 = arith.constant 32 : index
        %get3A_348 = tpu.vector_load %arg9[%get3A_346, %get3A_347] {strides = array<i32>} : memref<128x64xbf16, #tpu.memory_space<vmem>>, vector<32xbf16>,
        %get3A_349 = arith.index_cast %add3A_335 : i32 to index
        %get3A_350 = arith.constant 32 : index
        %get3A_351 = tpu.vector_load %arg10[%get3A_349, %get3A_350] {strides = array<i32>} : memref<128x64xbf16, #tpu.memory_space<vmem>>, vector<32xbf16>,
        %mul3A_352 = arith.mulf %get3A_348, %get3A_351 : vector<32xbf16>
        %unpack3A_353 = tpu.unpack_subelements %mul3A_352, 0 {pack_format = #tpu.pack_format<interleaved>} : vector<32xbf16> -> vector<16xf32>
        %unpack3A_354 = tpu.unpack_subelements %mul3A_352, 1 {pack_format = #tpu.pack_format<interleaved>} : vector<32xbf16> -> vector<16xf32>
        %add3A_355 = arith.addf %unpack3A_353, %unpack3A_354 : vector<16xf32>
        %add3A_356 = arith.addf %add3A_345, %add3A_355 : vector<16xf32>
        %swap3A_357 = arith.constant 7 : i32
        %swap3A_358 = arith.index_cast %swap3A_357 : i32 to index
        %swap3A_359 = arith.constant 0 : index
        %swap3A_360 = tpu.vector_load %arg15[%swap3A_358, %swap3A_359] {strides = array<i32>} : memref<16x17xf32, #tpu.memory_space<vmem>>, vector<16xf32>,
        tpu.vector_store %arg15[%swap3A_358, %swap3A_359], %add3A_356 {strides = array<i32>} : memref<16x17xf32, #tpu.memory_space<vmem>>, vector<16xf32>,
        %mul3A_361 = arith.constant 16 : i32
        %mul3A_362 = arith.muli %scan3A_130, %mul3A_361 : i32
        %add3A_363 = arith.constant 8 : i32
        %add3A_364 = arith.addi %mul3A_362, %add3A_363 : i32
        %get3A_365 = arith.index_cast %add3A_364 : i32 to index
        %get3A_366 = arith.constant 0 : index
        %get3A_367 = tpu.vector_load %arg9[%get3A_365, %get3A_366] {strides = array<i32>} : memref<128x64xbf16, #tpu.memory_space<vmem>>, vector<32xbf16>,
        %get3A_368 = arith.index_cast %add3A_364 : i32 to index
        %get3A_369 = arith.constant 0 : index
        %get3A_370 = tpu.vector_load %arg10[%get3A_368, %get3A_369] {strides = array<i32>} : memref<128x64xbf16, #tpu.memory_space<vmem>>, vector<32xbf16>,
        %mul3A_371 = arith.mulf %get3A_367, %get3A_370 : vector<32xbf16>
        %unpack3A_372 = tpu.unpack_subelements %mul3A_371, 0 {pack_format = #tpu.pack_format<interleaved>} : vector<32xbf16> -> vector<16xf32>
        %unpack3A_373 = tpu.unpack_subelements %mul3A_371, 1 {pack_format = #tpu.pack_format<interleaved>} : vector<32xbf16> -> vector<16xf32>
        %add3A_374 = arith.addf %unpack3A_372, %unpack3A_373 : vector<16xf32>
        %get3A_375 = arith.index_cast %add3A_364 : i32 to index
        %get3A_376 = arith.constant 32 : index
        %get3A_377 = tpu.vector_load %arg9[%get3A_375, %get3A_376] {strides = array<i32>} : memref<128x64xbf16, #tpu.memory_space<vmem>>, vector<32xbf16>,
        %get3A_378 = arith.index_cast %add3A_364 : i32 to index
        %get3A_379 = arith.constant 32 : index
        %get3A_380 = tpu.vector_load %arg10[%get3A_378, %get3A_379] {strides = array<i32>} : memref<128x64xbf16, #tpu.memory_space<vmem>>, vector<32xbf16>,
        %mul3A_381 = arith.mulf %get3A_377, %get3A_380 : vector<32xbf16>
        %unpack3A_382 = tpu.unpack_subelements %mul3A_381, 0 {pack_format = #tpu.pack_format<interleaved>} : vector<32xbf16> -> vector<16xf32>
        %unpack3A_383 = tpu.unpack_subelements %mul3A_381, 1 {pack_format = #tpu.pack_format<interleaved>} : vector<32xbf16> -> vector<16xf32>
        %add3A_384 = arith.addf %unpack3A_382, %unpack3A_383 : vector<16xf32>
        %add3A_385 = arith.addf %add3A_374, %add3A_384 : vector<16xf32>
        %swap3A_386 = arith.constant 8 : i32
        %swap3A_387 = arith.index_cast %swap3A_386 : i32 to index
        %swap3A_388 = arith.constant 0 : index
        %swap3A_389 = tpu.vector_load %arg15[%swap3A_387, %swap3A_388] {strides = array<i32>} : memref<16x17xf32, #tpu.memory_space<vmem>>, vector<16xf32>,
        tpu.vector_store %arg15[%swap3A_387, %swap3A_388], %add3A_385 {strides = array<i32>} : memref<16x17xf32, #tpu.memory_space<vmem>>, vector<16xf32>,
        %mul3A_390 = arith.constant 16 : i32
        %mul3A_391 = arith.muli %scan3A_130, %mul3A_390 : i32
        %add3A_392 = arith.constant 9 : i32
        %add3A_393 = arith.addi %mul3A_391, %add3A_392 : i32
        %get3A_394 = arith.index_cast %add3A_393 : i32 to index
        %get3A_395 = arith.constant 0 : index
        %get3A_396 = tpu.vector_load %arg9[%get3A_394, %get3A_395] {strides = array<i32>} : memref<128x64xbf16, #tpu.memory_space<vmem>>, vector<32xbf16>,
        %get3A_397 = arith.index_cast %add3A_393 : i32 to index
        %get3A_398 = arith.constant 0 : index
        %get3A_399 = tpu.vector_load %arg10[%get3A_397, %get3A_398] {strides = array<i32>} : memref<128x64xbf16, #tpu.memory_space<vmem>>, vector<32xbf16>,
        %mul3A_400 = arith.mulf %get3A_396, %get3A_399 : vector<32xbf16>
        %unpack3A_401 = tpu.unpack_subelements %mul3A_400, 0 {pack_format = #tpu.pack_format<interleaved>} : vector<32xbf16> -> vector<16xf32>
        %unpack3A_402 = tpu.unpack_subelements %mul3A_400, 1 {pack_format = #tpu.pack_format<interleaved>} : vector<32xbf16> -> vector<16xf32>
        %add3A_403 = arith.addf %unpack3A_401, %unpack3A_402 : vector<16xf32>
        %get3A_404 = arith.index_cast %add3A_393 : i32 to index
        %get3A_405 = arith.constant 32 : index
        %get3A_406 = tpu.vector_load %arg9[%get3A_404, %get3A_405] {strides = array<i32>} : memref<128x64xbf16, #tpu.memory_space<vmem>>, vector<32xbf16>,
        %get3A_407 = arith.index_cast %add3A_393 : i32 to index
        %get3A_408 = arith.constant 32 : index
        %get3A_409 = tpu.vector_load %arg10[%get3A_407, %get3A_408] {strides = array<i32>} : memref<128x64xbf16, #tpu.memory_space<vmem>>, vector<32xbf16>,
        %mul3A_410 = arith.mulf %get3A_406, %get3A_409 : vector<32xbf16>
        %unpack3A_411 = tpu.unpack_subelements %mul3A_410, 0 {pack_format = #tpu.pack_format<interleaved>} : vector<32xbf16> -> vector<16xf32>
        %unpack3A_412 = tpu.unpack_subelements %mul3A_410, 1 {pack_format = #tpu.pack_format<interleaved>} : vector<32xbf16> -> vector<16xf32>
        %add3A_413 = arith.addf %unpack3A_411, %unpack3A_412 : vector<16xf32>
        %add3A_414 = arith.addf %add3A_403, %add3A_413 : vector<16xf32>
        %swap3A_415 = arith.constant 9 : i32
        %swap3A_416 = arith.index_cast %swap3A_415 : i32 to index
        %swap3A_417 = arith.constant 0 : index
        %swap3A_418 = tpu.vector_load %arg15[%swap3A_416, %swap3A_417] {strides = array<i32>} : memref<16x17xf32, #tpu.memory_space<vmem>>, vector<16xf32>,
        tpu.vector_store %arg15[%swap3A_416, %swap3A_417], %add3A_414 {strides = array<i32>} : memref<16x17xf32, #tpu.memory_space<vmem>>, vector<16xf32>,
        %mul3A_419 = arith.constant 16 : i32
        %mul3A_420 = arith.muli %scan3A_130, %mul3A_419 : i32
        %add3A_421 = arith.constant 10 : i32
        %add3A_422 = arith.addi %mul3A_420, %add3A_421 : i32
        %get3A_423 = arith.index_cast %add3A_422 : i32 to index
        %get3A_424 = arith.constant 0 : index
        %get3A_425 = tpu.vector_load %arg9[%get3A_423, %get3A_424] {strides = array<i32>} : memref<128x64xbf16, #tpu.memory_space<vmem>>, vector<32xbf16>,
        %get3A_426 = arith.index_cast %add3A_422 : i32 to index
        %get3A_427 = arith.constant 0 : index
        %get3A_428 = tpu.vector_load %arg10[%get3A_426, %get3A_427] {strides = array<i32>} : memref<128x64xbf16, #tpu.memory_space<vmem>>, vector<32xbf16>,
        %mul3A_429 = arith.mulf %get3A_425, %get3A_428 : vector<32xbf16>
        %unpack3A_430 = tpu.unpack_subelements %mul3A_429, 0 {pack_format = #tpu.pack_format<interleaved>} : vector<32xbf16> -> vector<16xf32>
        %unpack3A_431 = tpu.unpack_subelements %mul3A_429, 1 {pack_format = #tpu.pack_format<interleaved>} : vector<32xbf16> -> vector<16xf32>
        %add3A_432 = arith.addf %unpack3A_430, %unpack3A_431 : vector<16xf32>
        %get3A_433 = arith.index_cast %add3A_422 : i32 to index
        %get3A_434 = arith.constant 32 : index
        %get3A_435 = tpu.vector_load %arg9[%get3A_433, %get3A_434] {strides = array<i32>} : memref<128x64xbf16, #tpu.memory_space<vmem>>, vector<32xbf16>,
        %get3A_436 = arith.index_cast %add3A_422 : i32 to index
        %get3A_437 = arith.constant 32 : index
        %get3A_438 = tpu.vector_load %arg10[%get3A_436, %get3A_437] {strides = array<i32>} : memref<128x64xbf16, #tpu.memory_space<vmem>>, vector<32xbf16>,
        %mul3A_439 = arith.mulf %get3A_435, %get3A_438 : vector<32xbf16>
        %unpack3A_440 = tpu.unpack_subelements %mul3A_439, 0 {pack_format = #tpu.pack_format<interleaved>} : vector<32xbf16> -> vector<16xf32>
        %unpack3A_441 = tpu.unpack_subelements %mul3A_439, 1 {pack_format = #tpu.pack_format<interleaved>} : vector<32xbf16> -> vector<16xf32>
        %add3A_442 = arith.addf %unpack3A_440, %unpack3A_441 : vector<16xf32>
        %add3A_443 = arith.addf %add3A_432, %add3A_442 : vector<16xf32>
        %swap3A_444 = arith.constant 10 : i32
        %swap3A_445 = arith.index_cast %swap3A_444 : i32 to index
        %swap3A_446 = arith.constant 0 : index
        %swap3A_447 = tpu.vector_load %arg15[%swap3A_445, %swap3A_446] {strides = array<i32>} : memref<16x17xf32, #tpu.memory_space<vmem>>, vector<16xf32>,
        tpu.vector_store %arg15[%swap3A_445, %swap3A_446], %add3A_443 {strides = array<i32>} : memref<16x17xf32, #tpu.memory_space<vmem>>, vector<16xf32>,
        %mul3A_448 = arith.constant 16 : i32
        %mul3A_449 = arith.muli %scan3A_130, %mul3A_448 : i32
        %add3A_450 = arith.constant 11 : i32
        %add3A_451 = arith.addi %mul3A_449, %add3A_450 : i32
        %get3A_452 = arith.index_cast %add3A_451 : i32 to index
        %get3A_453 = arith.constant 0 : index
        %get3A_454 = tpu.vector_load %arg9[%get3A_452, %get3A_453] {strides = array<i32>} : memref<128x64xbf16, #tpu.memory_space<vmem>>, vector<32xbf16>,
        %get3A_455 = arith.index_cast %add3A_451 : i32 to index
        %get3A_456 = arith.constant 0 : index
        %get3A_457 = tpu.vector_load %arg10[%get3A_455, %get3A_456] {strides = array<i32>} : memref<128x64xbf16, #tpu.memory_space<vmem>>, vector<32xbf16>,
        %mul3A_458 = arith.mulf %get3A_454, %get3A_457 : vector<32xbf16>
        %unpack3A_459 = tpu.unpack_subelements %mul3A_458, 0 {pack_format = #tpu.pack_format<interleaved>} : vector<32xbf16> -> vector<16xf32>
        %unpack3A_460 = tpu.unpack_subelements %mul3A_458, 1 {pack_format = #tpu.pack_format<interleaved>} : vector<32xbf16> -> vector<16xf32>
        %add3A_461 = arith.addf %unpack3A_459, %unpack3A_460 : vector<16xf32>
        %get3A_462 = arith.index_cast %add3A_451 : i32 to index
        %get3A_463 = arith.constant 32 : index
        %get3A_464 = tpu.vector_load %arg9[%get3A_462, %get3A_463] {strides = array<i32>} : memref<128x64xbf16, #tpu.memory_space<vmem>>, vector<32xbf16>,
        %get3A_465 = arith.index_cast %add3A_451 : i32 to index
        %get3A_466 = arith.constant 32 : index
        %get3A_467 = tpu.vector_load %arg10[%get3A_465, %get3A_466] {strides = array<i32>} : memref<128x64xbf16, #tpu.memory_space<vmem>>, vector<32xbf16>,
        %mul3A_468 = arith.mulf %get3A_464, %get3A_467 : vector<32xbf16>
        %unpack3A_469 = tpu.unpack_subelements %mul3A_468, 0 {pack_format = #tpu.pack_format<interleaved>} : vector<32xbf16> -> vector<16xf32>
        %unpack3A_470 = tpu.unpack_subelements %mul3A_468, 1 {pack_format = #tpu.pack_format<interleaved>} : vector<32xbf16> -> vector<16xf32>
        %add3A_471 = arith.addf %unpack3A_469, %unpack3A_470 : vector<16xf32>
        %add3A_472 = arith.addf %add3A_461, %add3A_471 : vector<16xf32>
        %swap3A_473 = arith.constant 11 : i32
        %swap3A_474 = arith.index_cast %swap3A_473 : i32 to index
        %swap3A_475 = arith.constant 0 : index
        %swap3A_476 = tpu.vector_load %arg15[%swap3A_474, %swap3A_475] {strides = array<i32>} : memref<16x17xf32, #tpu.memory_space<vmem>>, vector<16xf32>,
        tpu.vector_store %arg15[%swap3A_474, %swap3A_475], %add3A_472 {strides = array<i32>} : memref<16x17xf32, #tpu.memory_space<vmem>>, vector<16xf32>,
        %mul3A_477 = arith.constant 16 : i32
        %mul3A_478 = arith.muli %scan3A_130, %mul3A_477 : i32
        %add3A_479 = arith.constant 12 : i32
        %add3A_480 = arith.addi %mul3A_478, %add3A_479 : i32
        %get3A_481 = arith.index_cast %add3A_480 : i32 to index
        %get3A_482 = arith.constant 0 : index
        %get3A_483 = tpu.vector_load %arg9[%get3A_481, %get3A_482] {strides = array<i32>} : memref<128x64xbf16, #tpu.memory_space<vmem>>, vector<32xbf16>,
        %get3A_484 = arith.index_cast %add3A_480 : i32 to index
        %get3A_485 = arith.constant 0 : index
        %get3A_486 = tpu.vector_load %arg10[%get3A_484, %get3A_485] {strides = array<i32>} : memref<128x64xbf16, #tpu.memory_space<vmem>>, vector<32xbf16>,
        %mul3A_487 = arith.mulf %get3A_483, %get3A_486 : vector<32xbf16>
        %unpack3A_488 = tpu.unpack_subelements %mul3A_487, 0 {pack_format = #tpu.pack_format<interleaved>} : vector<32xbf16> -> vector<16xf32>
        %unpack3A_489 = tpu.unpack_subelements %mul3A_487, 1 {pack_format = #tpu.pack_format<interleaved>} : vector<32xbf16> -> vector<16xf32>
        %add3A_490 = arith.addf %unpack3A_488, %unpack3A_489 : vector<16xf32>
        %get3A_491 = arith.index_cast %add3A_480 : i32 to index
        %get3A_492 = arith.constant 32 : index
        %get3A_493 = tpu.vector_load %arg9[%get3A_491, %get3A_492] {strides = array<i32>} : memref<128x64xbf16, #tpu.memory_space<vmem>>, vector<32xbf16>,
        %get3A_494 = arith.index_cast %add3A_480 : i32 to index
        %get3A_495 = arith.constant 32 : index
        %get3A_496 = tpu.vector_load %arg10[%get3A_494, %get3A_495] {strides = array<i32>} : memref<128x64xbf16, #tpu.memory_space<vmem>>, vector<32xbf16>,
        %mul3A_497 = arith.mulf %get3A_493, %get3A_496 : vector<32xbf16>
        %unpack3A_498 = tpu.unpack_subelements %mul3A_497, 0 {pack_format = #tpu.pack_format<interleaved>} : vector<32xbf16> -> vector<16xf32>
        %unpack3A_499 = tpu.unpack_subelements %mul3A_497, 1 {pack_format = #tpu.pack_format<interleaved>} : vector<32xbf16> -> vector<16xf32>
        %add3A_500 = arith.addf %unpack3A_498, %unpack3A_499 : vector<16xf32>
        %add3A_501 = arith.addf %add3A_490, %add3A_500 : vector<16xf32>
        %swap3A_502 = arith.constant 12 : i32
        %swap3A_503 = arith.index_cast %swap3A_502 : i32 to index
        %swap3A_504 = arith.constant 0 : index
        %swap3A_505 = tpu.vector_load %arg15[%swap3A_503, %swap3A_504] {strides = array<i32>} : memref<16x17xf32, #tpu.memory_space<vmem>>, vector<16xf32>,
        tpu.vector_store %arg15[%swap3A_503, %swap3A_504], %add3A_501 {strides = array<i32>} : memref<16x17xf32, #tpu.memory_space<vmem>>, vector<16xf32>,
        %mul3A_506 = arith.constant 16 : i32
        %mul3A_507 = arith.muli %scan3A_130, %mul3A_506 : i32
        %add3A_508 = arith.constant 13 : i32
        %add3A_509 = arith.addi %mul3A_507, %add3A_508 : i32
        %get3A_510 = arith.index_cast %add3A_509 : i32 to index
        %get3A_511 = arith.constant 0 : index
        %get3A_512 = tpu.vector_load %arg9[%get3A_510, %get3A_511] {strides = array<i32>} : memref<128x64xbf16, #tpu.memory_space<vmem>>, vector<32xbf16>,
        %get3A_513 = arith.index_cast %add3A_509 : i32 to index
        %get3A_514 = arith.constant 0 : index
        %get3A_515 = tpu.vector_load %arg10[%get3A_513, %get3A_514] {strides = array<i32>} : memref<128x64xbf16, #tpu.memory_space<vmem>>, vector<32xbf16>,
        %mul3A_516 = arith.mulf %get3A_512, %get3A_515 : vector<32xbf16>
        %unpack3A_517 = tpu.unpack_subelements %mul3A_516, 0 {pack_format = #tpu.pack_format<interleaved>} : vector<32xbf16> -> vector<16xf32>
        %unpack3A_518 = tpu.unpack_subelements %mul3A_516, 1 {pack_format = #tpu.pack_format<interleaved>} : vector<32xbf16> -> vector<16xf32>
        %add3A_519 = arith.addf %unpack3A_517, %unpack3A_518 : vector<16xf32>
        %get3A_520 = arith.index_cast %add3A_509 : i32 to index
        %get3A_521 = arith.constant 32 : index
        %get3A_522 = tpu.vector_load %arg9[%get3A_520, %get3A_521] {strides = array<i32>} : memref<128x64xbf16, #tpu.memory_space<vmem>>, vector<32xbf16>,
        %get3A_523 = arith.index_cast %add3A_509 : i32 to index
        %get3A_524 = arith.constant 32 : index
        %get3A_525 = tpu.vector_load %arg10[%get3A_523, %get3A_524] {strides = array<i32>} : memref<128x64xbf16, #tpu.memory_space<vmem>>, vector<32xbf16>,
        %mul3A_526 = arith.mulf %get3A_522, %get3A_525 : vector<32xbf16>
        %unpack3A_527 = tpu.unpack_subelements %mul3A_526, 0 {pack_format = #tpu.pack_format<interleaved>} : vector<32xbf16> -> vector<16xf32>
        %unpack3A_528 = tpu.unpack_subelements %mul3A_526, 1 {pack_format = #tpu.pack_format<interleaved>} : vector<32xbf16> -> vector<16xf32>
        %add3A_529 = arith.addf %unpack3A_527, %unpack3A_528 : vector<16xf32>
        %add3A_530 = arith.addf %add3A_519, %add3A_529 : vector<16xf32>
        %swap3A_531 = arith.constant 13 : i32
        %swap3A_532 = arith.index_cast %swap3A_531 : i32 to index
        %swap3A_533 = arith.constant 0 : index
        %swap3A_534 = tpu.vector_load %arg15[%swap3A_532, %swap3A_533] {strides = array<i32>} : memref<16x17xf32, #tpu.memory_space<vmem>>, vector<16xf32>,
        tpu.vector_store %arg15[%swap3A_532, %swap3A_533], %add3A_530 {strides = array<i32>} : memref<16x17xf32, #tpu.memory_space<vmem>>, vector<16xf32>,
        %mul3A_535 = arith.constant 16 : i32
        %mul3A_536 = arith.muli %scan3A_130, %mul3A_535 : i32
        %add3A_537 = arith.constant 14 : i32
        %add3A_538 = arith.addi %mul3A_536, %add3A_537 : i32
        %get3A_539 = arith.index_cast %add3A_538 : i32 to index
        %get3A_540 = arith.constant 0 : index
        %get3A_541 = tpu.vector_load %arg9[%get3A_539, %get3A_540] {strides = array<i32>} : memref<128x64xbf16, #tpu.memory_space<vmem>>, vector<32xbf16>,
        %get3A_542 = arith.index_cast %add3A_538 : i32 to index
        %get3A_543 = arith.constant 0 : index
        %get3A_544 = tpu.vector_load %arg10[%get3A_542, %get3A_543] {strides = array<i32>} : memref<128x64xbf16, #tpu.memory_space<vmem>>, vector<32xbf16>,
        %mul3A_545 = arith.mulf %get3A_541, %get3A_544 : vector<32xbf16>
        %unpack3A_546 = tpu.unpack_subelements %mul3A_545, 0 {pack_format = #tpu.pack_format<interleaved>} : vector<32xbf16> -> vector<16xf32>
        %unpack3A_547 = tpu.unpack_subelements %mul3A_545, 1 {pack_format = #tpu.pack_format<interleaved>} : vector<32xbf16> -> vector<16xf32>
        %add3A_548 = arith.addf %unpack3A_546, %unpack3A_547 : vector<16xf32>
        %get3A_549 = arith.index_cast %add3A_538 : i32 to index
        %get3A_550 = arith.constant 32 : index
        %get3A_551 = tpu.vector_load %arg9[%get3A_549, %get3A_550] {strides = array<i32>} : memref<128x64xbf16, #tpu.memory_space<vmem>>, vector<32xbf16>,
        %get3A_552 = arith.index_cast %add3A_538 : i32 to index
        %get3A_553 = arith.constant 32 : index
        %get3A_554 = tpu.vector_load %arg10[%get3A_552, %get3A_553] {strides = array<i32>} : memref<128x64xbf16, #tpu.memory_space<vmem>>, vector<32xbf16>,
        %mul3A_555 = arith.mulf %get3A_551, %get3A_554 : vector<32xbf16>
        %unpack3A_556 = tpu.unpack_subelements %mul3A_555, 0 {pack_format = #tpu.pack_format<interleaved>} : vector<32xbf16> -> vector<16xf32>
        %unpack3A_557 = tpu.unpack_subelements %mul3A_555, 1 {pack_format = #tpu.pack_format<interleaved>} : vector<32xbf16> -> vector<16xf32>
        %add3A_558 = arith.addf %unpack3A_556, %unpack3A_557 : vector<16xf32>
        %add3A_559 = arith.addf %add3A_548, %add3A_558 : vector<16xf32>
        %swap3A_560 = arith.constant 14 : i32
        %swap3A_561 = arith.index_cast %swap3A_560 : i32 to index
        %swap3A_562 = arith.constant 0 : index
        %swap3A_563 = tpu.vector_load %arg15[%swap3A_561, %swap3A_562] {strides = array<i32>} : memref<16x17xf32, #tpu.memory_space<vmem>>, vector<16xf32>,
        tpu.vector_store %arg15[%swap3A_561, %swap3A_562], %add3A_559 {strides = array<i32>} : memref<16x17xf32, #tpu.memory_space<vmem>>, vector<16xf32>,
        %mul3A_564 = arith.constant 16 : i32
        %mul3A_565 = arith.muli %scan3A_130, %mul3A_564 : i32
        %add3A_566 = arith.constant 15 : i32
        %add3A_567 = arith.addi %mul3A_565, %add3A_566 : i32
        %get3A_568 = arith.index_cast %add3A_567 : i32 to index
        %get3A_569 = arith.constant 0 : index
        %get3A_570 = tpu.vector_load %arg9[%get3A_568, %get3A_569] {strides = array<i32>} : memref<128x64xbf16, #tpu.memory_space<vmem>>, vector<32xbf16>,
        %get3A_571 = arith.index_cast %add3A_567 : i32 to index
        %get3A_572 = arith.constant 0 : index
        %get3A_573 = tpu.vector_load %arg10[%get3A_571, %get3A_572] {strides = array<i32>} : memref<128x64xbf16, #tpu.memory_space<vmem>>, vector<32xbf16>,
        %mul3A_574 = arith.mulf %get3A_570, %get3A_573 : vector<32xbf16>
        %unpack3A_575 = tpu.unpack_subelements %mul3A_574, 0 {pack_format = #tpu.pack_format<interleaved>} : vector<32xbf16> -> vector<16xf32>
        %unpack3A_576 = tpu.unpack_subelements %mul3A_574, 1 {pack_format = #tpu.pack_format<interleaved>} : vector<32xbf16> -> vector<16xf32>
        %add3A_577 = arith.addf %unpack3A_575, %unpack3A_576 : vector<16xf32>
        %get3A_578 = arith.index_cast %add3A_567 : i32 to index
        %get3A_579 = arith.constant 32 : index
        %get3A_580 = tpu.vector_load %arg9[%get3A_578, %get3A_579] {strides = array<i32>} : memref<128x64xbf16, #tpu.memory_space<vmem>>, vector<32xbf16>,
        %get3A_581 = arith.index_cast %add3A_567 : i32 to index
        %get3A_582 = arith.constant 32 : index
        %get3A_583 = tpu.vector_load %arg10[%get3A_581, %get3A_582] {strides = array<i32>} : memref<128x64xbf16, #tpu.memory_space<vmem>>, vector<32xbf16>,
        %mul3A_584 = arith.mulf %get3A_580, %get3A_583 : vector<32xbf16>
        %unpack3A_585 = tpu.unpack_subelements %mul3A_584, 0 {pack_format = #tpu.pack_format<interleaved>} : vector<32xbf16> -> vector<16xf32>
        %unpack3A_586 = tpu.unpack_subelements %mul3A_584, 1 {pack_format = #tpu.pack_format<interleaved>} : vector<32xbf16> -> vector<16xf32>
        %add3A_587 = arith.addf %unpack3A_585, %unpack3A_586 : vector<16xf32>
        %add3A_588 = arith.addf %add3A_577, %add3A_587 : vector<16xf32>
        %swap3A_589 = arith.constant 15 : i32
        %swap3A_590 = arith.index_cast %swap3A_589 : i32 to index
        %swap3A_591 = arith.constant 0 : index
        %swap3A_592 = tpu.vector_load %arg15[%swap3A_590, %swap3A_591] {strides = array<i32>} : memref<16x17xf32, #tpu.memory_space<vmem>>, vector<16xf32>,
        tpu.vector_store %arg15[%swap3A_590, %swap3A_591], %add3A_588 {strides = array<i32>} : memref<16x17xf32, #tpu.memory_space<vmem>>, vector<16xf32>,
        %broadcast_in_dim3A = arith.constant 0.000000e+00 : f32
        %broadcast_in_dim3A_593 = vector.broadcast %broadcast_in_dim3A : f32 to vector<16xf32>
        %broadcast_in_dim3A_594 = arith.constant 0.000000e+00 : f32
        %broadcast_in_dim3A_595 = vector.broadcast %broadcast_in_dim3A_594 : f32 to vector<16xf32>
        %broadcast_in_dim3A_596 = arith.constant 0.000000e+00 : f32
        %broadcast_in_dim3A_597 = vector.broadcast %broadcast_in_dim3A_596 : f32 to vector<16xf32>
        %broadcast_in_dim3A_598 = arith.constant 0.000000e+00 : f32
        %broadcast_in_dim3A_599 = vector.broadcast %broadcast_in_dim3A_598 : f32 to vector<16xf32>
        %broadcast_in_dim3A_600 = arith.constant 0 : i32
        %broadcast_in_dim3A_601 = vector.broadcast %broadcast_in_dim3A_600 : i32 to vector<16xi32>
        %gather3A = tpu.vector_load_idx %arg15[%iota3A, %broadcast_in_dim3A_601] : memref<16x17xf32, #tpu.memory_space<vmem>>[vector<16xi32>, vector<16xi32>], vector<16xf32>,
        %add3A_602 = arith.addf %broadcast_in_dim3A_593, %gather3A : vector<16xf32>
        %broadcast_in_dim3A_603 = arith.constant 1 : i32
        %broadcast_in_dim3A_604 = vector.broadcast %broadcast_in_dim3A_603 : i32 to vector<16xi32>
        %gather3A_605 = tpu.vector_load_idx %arg15[%iota3A, %broadcast_in_dim3A_604] : memref<16x17xf32, #tpu.memory_space<vmem>>[vector<16xi32>, vector<16xi32>], vector<16xf32>,
        %add3A_606 = arith.addf %broadcast_in_dim3A_595, %gather3A_605 : vector<16xf32>
        %broadcast_in_dim3A_607 = arith.constant 2 : i32
        %broadcast_in_dim3A_608 = vector.broadcast %broadcast_in_dim3A_607 : i32 to vector<16xi32>
        %gather3A_609 = tpu.vector_load_idx %arg15[%iota3A, %broadcast_in_dim3A_608] : memref<16x17xf32, #tpu.memory_space<vmem>>[vector<16xi32>, vector<16xi32>], vector<16xf32>,
        %add3A_610 = arith.addf %broadcast_in_dim3A_597, %gather3A_609 : vector<16xf32>
        %broadcast_in_dim3A_611 = arith.constant 3 : i32
        %broadcast_in_dim3A_612 = vector.broadcast %broadcast_in_dim3A_611 : i32 to vector<16xi32>
        %gather3A_613 = tpu.vector_load_idx %arg15[%iota3A, %broadcast_in_dim3A_612] : memref<16x17xf32, #tpu.memory_space<vmem>>[vector<16xi32>, vector<16xi32>], vector<16xf32>,
        %add3A_614 = arith.addf %broadcast_in_dim3A_599, %gather3A_613 : vector<16xf32>
        %broadcast_in_dim3A_615 = arith.constant 4 : i32
        %broadcast_in_dim3A_616 = vector.broadcast %broadcast_in_dim3A_615 : i32 to vector<16xi32>
        %gather3A_617 = tpu.vector_load_idx %arg15[%iota3A, %broadcast_in_dim3A_616] : memref<16x17xf32, #tpu.memory_space<vmem>>[vector<16xi32>, vector<16xi32>], vector<16xf32>,
        %add3A_618 = arith.addf %add3A_602, %gather3A_617 : vector<16xf32>
        %broadcast_in_dim3A_619 = arith.constant 5 : i32
        %broadcast_in_dim3A_620 = vector.broadcast %broadcast_in_dim3A_619 : i32 to vector<16xi32>
        %gather3A_621 = tpu.vector_load_idx %arg15[%iota3A, %broadcast_in_dim3A_620] : memref<16x17xf32, #tpu.memory_space<vmem>>[vector<16xi32>, vector<16xi32>], vector<16xf32>,
        %add3A_622 = arith.addf %add3A_606, %gather3A_621 : vector<16xf32>
        %broadcast_in_dim3A_623 = arith.constant 6 : i32
        %broadcast_in_dim3A_624 = vector.broadcast %broadcast_in_dim3A_623 : i32 to vector<16xi32>
        %gather3A_625 = tpu.vector_load_idx %arg15[%iota3A, %broadcast_in_dim3A_624] : memref<16x17xf32, #tpu.memory_space<vmem>>[vector<16xi32>, vector<16xi32>], vector<16xf32>,
        %add3A_626 = arith.addf %add3A_610, %gather3A_625 : vector<16xf32>
        %broadcast_in_dim3A_627 = arith.constant 7 : i32
        %broadcast_in_dim3A_628 = vector.broadcast %broadcast_in_dim3A_627 : i32 to vector<16xi32>
        %gather3A_629 = tpu.vector_load_idx %arg15[%iota3A, %broadcast_in_dim3A_628] : memref<16x17xf32, #tpu.memory_space<vmem>>[vector<16xi32>, vector<16xi32>], vector<16xf32>,
        %add3A_630 = arith.addf %add3A_614, %gather3A_629 : vector<16xf32>
        %broadcast_in_dim3A_631 = arith.constant 8 : i32
        %broadcast_in_dim3A_632 = vector.broadcast %broadcast_in_dim3A_631 : i32 to vector<16xi32>
        %gather3A_633 = tpu.vector_load_idx %arg15[%iota3A, %broadcast_in_dim3A_632] : memref<16x17xf32, #tpu.memory_space<vmem>>[vector<16xi32>, vector<16xi32>], vector<16xf32>,
        %add3A_634 = arith.addf %add3A_618, %gather3A_633 : vector<16xf32>
        %broadcast_in_dim3A_635 = arith.constant 9 : i32
        %broadcast_in_dim3A_636 = vector.broadcast %broadcast_in_dim3A_635 : i32 to vector<16xi32>
        %gather3A_637 = tpu.vector_load_idx %arg15[%iota3A, %broadcast_in_dim3A_636] : memref<16x17xf32, #tpu.memory_space<vmem>>[vector<16xi32>, vector<16xi32>], vector<16xf32>,
        %add3A_638 = arith.addf %add3A_622, %gather3A_637 : vector<16xf32>
        %broadcast_in_dim3A_639 = arith.constant 10 : i32
        %broadcast_in_dim3A_640 = vector.broadcast %broadcast_in_dim3A_639 : i32 to vector<16xi32>
        %gather3A_641 = tpu.vector_load_idx %arg15[%iota3A, %broadcast_in_dim3A_640] : memref<16x17xf32, #tpu.memory_space<vmem>>[vector<16xi32>, vector<16xi32>], vector<16xf32>,
        %add3A_642 = arith.addf %add3A_626, %gather3A_641 : vector<16xf32>
        %broadcast_in_dim3A_643 = arith.constant 11 : i32
        %broadcast_in_dim3A_644 = vector.broadcast %broadcast_in_dim3A_643 : i32 to vector<16xi32>
        %gather3A_645 = tpu.vector_load_idx %arg15[%iota3A, %broadcast_in_dim3A_644] : memref<16x17xf32, #tpu.memory_space<vmem>>[vector<16xi32>, vector<16xi32>], vector<16xf32>,
        %add3A_646 = arith.addf %add3A_630, %gather3A_645 : vector<16xf32>
        %broadcast_in_dim3A_647 = arith.constant 12 : i32
        %broadcast_in_dim3A_648 = vector.broadcast %broadcast_in_dim3A_647 : i32 to vector<16xi32>
        %gather3A_649 = tpu.vector_load_idx %arg15[%iota3A, %broadcast_in_dim3A_648] : memref<16x17xf32, #tpu.memory_space<vmem>>[vector<16xi32>, vector<16xi32>], vector<16xf32>,
        %add3A_650 = arith.addf %add3A_634, %gather3A_649 : vector<16xf32>
        %broadcast_in_dim3A_651 = arith.constant 13 : i32
        %broadcast_in_dim3A_652 = vector.broadcast %broadcast_in_dim3A_651 : i32 to vector<16xi32>
        %gather3A_653 = tpu.vector_load_idx %arg15[%iota3A, %broadcast_in_dim3A_652] : memref<16x17xf32, #tpu.memory_space<vmem>>[vector<16xi32>, vector<16xi32>], vector<16xf32>,
        %add3A_654 = arith.addf %add3A_638, %gather3A_653 : vector<16xf32>
        %broadcast_in_dim3A_655 = arith.constant 14 : i32
        %broadcast_in_dim3A_656 = vector.broadcast %broadcast_in_dim3A_655 : i32 to vector<16xi32>
        %gather3A_657 = tpu.vector_load_idx %arg15[%iota3A, %broadcast_in_dim3A_656] : memref<16x17xf32, #tpu.memory_space<vmem>>[vector<16xi32>, vector<16xi32>], vector<16xf32>,
        %add3A_658 = arith.addf %add3A_642, %gather3A_657 : vector<16xf32>
        %broadcast_in_dim3A_659 = arith.constant 15 : i32
        %broadcast_in_dim3A_660 = vector.broadcast %broadcast_in_dim3A_659 : i32 to vector<16xi32>
        %gather3A_661 = tpu.vector_load_idx %arg15[%iota3A, %broadcast_in_dim3A_660] : memref<16x17xf32, #tpu.memory_space<vmem>>[vector<16xi32>, vector<16xi32>], vector<16xf32>,
        %add3A_662 = arith.addf %add3A_646, %gather3A_661 : vector<16xf32>
        %add3A_663 = arith.addf %add3A_650, %add3A_654 : vector<16xf32>
        %add3A_664 = arith.addf %add3A_658, %add3A_662 : vector<16xf32>
        %add3A_665 = arith.addf %add3A_663, %add3A_664 : vector<16xf32>
        %mul3A_666 = arith.constant 16 : i32
        %mul3A_667 = arith.muli %scan3A_130, %mul3A_666 : i32
        %swap3A_668 = arith.index_cast %mul3A_667 : i32 to index
        %swap3A_669 = tpu.vector_load %arg13[%swap3A_668] {strides = array<i32>} : memref<128xf32, #tpu.memory_space<vmem>>, vector<16xf32>,
        tpu.vector_store %arg13[%swap3A_668], %add3A_665 {strides = array<i32>} : memref<128xf32, #tpu.memory_space<vmem>>, vector<16xf32>,
        %scan3A_670 = arith.constant 0 : i32
        scf.yield %scan3A_670 : i32
      }
      %scan3A_71 = arith.constant 8 : i32
      %mul3A_72 = arith.constant 6400 : i32
      %mul3A_73 = arith.muli %add3A, %mul3A_72 : i32
      %mul3A_74 = arith.constant 128 : i32
      %mul3A_75 = arith.muli %mul3A_50, %mul3A_74 : i32
      %add3A_76 = arith.addi %mul3A_73, %mul3A_75 : i32
      %dma_start3A_77 = tpu.memref_slice %arg5[%add3A_76] : memref<204800xf32, #tpu.memory_space<hbm>> -> memref<128xf32, #tpu.memory_space<hbm>>
      %dma_start3A_78 = tpu.memref_slice %arg5[%add3A_76] : memref<204800xf32, #tpu.memory_space<hbm>> -> memref<128xf32, #tpu.memory_space<hbm>>
      tpu.enqueue_dma source(%arg13 : memref<128xf32, #tpu.memory_space<vmem>>) target(%dma_start3A_78 : memref<128xf32, #tpu.memory_space<hbm>>) target_semaphore(%arg20 : memref<!tpu.dma_semaphore, #tpu.memory_space<semaphore_mem>>)
      %add3A_79 = arith.constant 2 : i32
      %add3A_80 = arith.addi %mul3A_50, %add3A_79 : i32
      %lt3A = arith.constant 50 : i32
      %lt3A_81 = arith.cmpi slt, %add3A_80, %lt3A : i32
      %convert_element_type3A_82 = arith.extui %lt3A_81 : i1 to i32
      %cond3A_83 = arith.constant 0 : i32
      %cond3A_84 = arith.cmpi ne, %convert_element_type3A_82, %cond3A_83 : i32
      scf.if %cond3A_84 {
        %add3A_130 = arith.constant 2 : i32
        %add3A_131 = arith.addi %mul3A_50, %add3A_130 : i32
        %dma_start3A_132 = arith.constant 0 : i32
        %dma_start3A_133 = tpu.memref_slice %arg7[%add3A_131, %dma_start3A_132] : memref<50x128xi32, #tpu.memory_space<vmem>> -> memref<1x128xi32, #tpu.memory_space<vmem>>
        %dma_start3A_134 = tpu.memref_squeeze %dma_start3A_133 : memref<1x128xi32, #tpu.memory_space<vmem>> -> memref<128xi32, #tpu.memory_space<vmem>>
        %dma_start3A_135 = arith.constant 0 : i32
        %dma_start3A_136 = arith.constant 0 : i32
        %dma_start3A_137 = tpu.memref_slice %arg6[%dma_start3A_135, %dma_start3A_136] : memref<10000x64xbf16, #tpu.memory_space<vmem_shared>> -> memref<10000x64xbf16, #tpu.memory_space<vmem_shared>>
        tpu.enqueue_indirect_dma source(%dma_start3A_137 : memref<10000x64xbf16, #tpu.memory_space<vmem_shared>>) target(%arg9 : memref<128x64xbf16, #tpu.memory_space<vmem>>) offsets(%dma_start3A_134 : memref<128xi32, #tpu.memory_space<vmem>>) semaphore(%arg16 : memref<!tpu.dma_semaphore, #tpu.memory_space<semaphore_mem>>)
        %add3A_138 = arith.constant 2 : i32
        %add3A_139 = arith.addi %mul3A_50, %add3A_138 : i32
        %dma_start3A_140 = arith.constant 0 : i32
        %dma_start3A_141 = tpu.memref_slice %arg8[%add3A_139, %dma_start3A_140] : memref<50x128xi32, #tpu.memory_space<vmem>> -> memref<1x128xi32, #tpu.memory_space<vmem>>
        %dma_start3A_142 = tpu.memref_squeeze %dma_start3A_141 : memref<1x128xi32, #tpu.memory_space<vmem>> -> memref<128xi32, #tpu.memory_space<vmem>>
        %dma_start3A_143 = arith.constant 0 : i32
        %dma_start3A_144 = arith.constant 0 : i32
        %dma_start3A_145 = tpu.memref_slice %arg6[%dma_start3A_143, %dma_start3A_144] : memref<10000x64xbf16, #tpu.memory_space<vmem_shared>> -> memref<10000x64xbf16, #tpu.memory_space<vmem_shared>>
        tpu.enqueue_indirect_dma source(%dma_start3A_145 : memref<10000x64xbf16, #tpu.memory_space<vmem_shared>>) target(%arg10 : memref<128x64xbf16, #tpu.memory_space<vmem>>) offsets(%dma_start3A_142 : memref<128xi32, #tpu.memory_space<vmem>>) semaphore(%arg17 : memref<!tpu.dma_semaphore, #tpu.memory_space<semaphore_mem>>)
      } else {
      }
      %add3A_85 = arith.constant 1 : i32
      %add3A_86 = arith.addi %mul3A_50, %add3A_85 : i32
      %dma_wait3A_87 = arith.constant 0 : i32
      %dma_wait3A_88 = tpu.memref_slice %arg7[%add3A_86, %dma_wait3A_87] : memref<50x128xi32, #tpu.memory_space<vmem>> -> memref<1x128xi32, #tpu.memory_space<vmem>>
      %dma_wait3A_89 = tpu.memref_squeeze %dma_wait3A_88 : memref<1x128xi32, #tpu.memory_space<vmem>> -> memref<128xi32, #tpu.memory_space<vmem>>
      %dma_wait3A_90 = arith.constant 0 : i32
      %dma_wait3A_91 = arith.constant 0 : i32
      %dma_wait3A_92 = tpu.memref_slice %arg6[%dma_wait3A_90, %dma_wait3A_91] : memref<10000x64xbf16, #tpu.memory_space<vmem_shared>> -> memref<10000x64xbf16, #tpu.memory_space<vmem_shared>>
      tpu.wait_indirect_dma semaphore(%arg18 : memref<!tpu.dma_semaphore, #tpu.memory_space<semaphore_mem>>) src(%dma_wait3A_92 : memref<10000x64xbf16, #tpu.memory_space<vmem_shared>>) dst(%arg11 : memref<128x64xbf16, #tpu.memory_space<vmem>>)
      %add3A_93 = arith.constant 1 : i32
      %add3A_94 = arith.addi %mul3A_50, %add3A_93 : i32
      %dma_wait3A_95 = arith.constant 0 : i32
      %dma_wait3A_96 = tpu.memref_slice %arg8[%add3A_94, %dma_wait3A_95] : memref<50x128xi32, #tpu.memory_space<vmem>> -> memref<1x128xi32, #tpu.memory_space<vmem>>
      %dma_wait3A_97 = tpu.memref_squeeze %dma_wait3A_96 : memref<1x128xi32, #tpu.memory_space<vmem>> -> memref<128xi32, #tpu.memory_space<vmem>>
      %dma_wait3A_98 = arith.constant 0 : i32
      %dma_wait3A_99 = arith.constant 0 : i32
      %dma_wait3A_100 = tpu.memref_slice %arg6[%dma_wait3A_98, %dma_wait3A_99] : memref<10000x64xbf16, #tpu.memory_space<vmem_shared>> -> memref<10000x64xbf16, #tpu.memory_space<vmem_shared>>
      tpu.wait_indirect_dma semaphore(%arg19 : memref<!tpu.dma_semaphore, #tpu.memory_space<semaphore_mem>>) src(%dma_wait3A_100 : memref<10000x64xbf16, #tpu.memory_space<vmem_shared>>) dst(%arg12 : memref<128x64xbf16, #tpu.memory_space<vmem>>)
      %ge3A_101 = arith.constant 2 : i32
      %ge3A_102 = arith.cmpi sge, %mul3A_50, %ge3A_101 : i32
      %convert_element_type3A_103 = arith.extui %ge3A_102 : i1 to i32
      %cond3A_104 = arith.constant 0 : i32
      %cond3A_105 = arith.cmpi ne, %convert_element_type3A_103, %cond3A_104 : i32
      scf.if %cond3A_105 {
        %mul3A_130 = arith.constant 6400 : i32
        %mul3A_131 = arith.muli %add3A, %mul3A_130 : i32
        %dma_wait3A_132 = tpu.memref_slice %arg5[%mul3A_131] : memref<204800xf32, #tpu.memory_space<hbm>> -> memref<128xf32, #tpu.memory_space<hbm>>
        %dma_wait3A_133 = tpu.memref_slice %arg5[%mul3A_131] : memref<204800xf32, #tpu.memory_space<hbm>> -> memref<128xf32, #tpu.memory_space<hbm>>
        tpu.wait_dma2 semaphore(%arg21 : memref<!tpu.dma_semaphore, #tpu.memory_space<semaphore_mem>>) src(%arg14 : memref<128xf32, #tpu.memory_space<vmem>>) dst(%dma_wait3A_133 : memref<128xf32, #tpu.memory_space<hbm>>)
      } else {
      }
      %scan3A_106 = arith.constant 0 : i32
      %scan3A_107 = arith.constant 0 : i32
      %scan3A_108 = arith.constant 8 : i32
      %scan3A_109 = arith.addi %scan3A_107, %scan3A_108 : i32
      %scan3A_110 = arith.constant 1 : i32
      %scan3A_111 = scf.for %scan3A_130 = %scan3A_107 to %scan3A_109 step %scan3A_110 iter_args(%scan3A_131 = %scan3A_106) -> (i32)  : i32 {
        %mul3A_132 = arith.constant 16 : i32
        %mul3A_133 = arith.muli %scan3A_130, %mul3A_132 : i32
        %add3A_134 = arith.constant 0 : i32
        %add3A_135 = arith.addi %mul3A_133, %add3A_134 : i32
        %get3A = arith.index_cast %add3A_135 : i32 to index
        %get3A_136 = arith.constant 0 : index
        %get3A_137 = tpu.vector_load %arg11[%get3A, %get3A_136] {strides = array<i32>} : memref<128x64xbf16, #tpu.memory_space<vmem>>, vector<32xbf16>,
        %get3A_138 = arith.index_cast %add3A_135 : i32 to index
        %get3A_139 = arith.constant 0 : index
        %get3A_140 = tpu.vector_load %arg12[%get3A_138, %get3A_139] {strides = array<i32>} : memref<128x64xbf16, #tpu.memory_space<vmem>>, vector<32xbf16>,
        %mul3A_141 = arith.mulf %get3A_137, %get3A_140 : vector<32xbf16>
        %unpack3A = tpu.unpack_subelements %mul3A_141, 0 {pack_format = #tpu.pack_format<interleaved>} : vector<32xbf16> -> vector<16xf32>
        %unpack3A_142 = tpu.unpack_subelements %mul3A_141, 1 {pack_format = #tpu.pack_format<interleaved>} : vector<32xbf16> -> vector<16xf32>
        %add3A_143 = arith.addf %unpack3A, %unpack3A_142 : vector<16xf32>
        %get3A_144 = arith.index_cast %add3A_135 : i32 to index
        %get3A_145 = arith.constant 32 : index
        %get3A_146 = tpu.vector_load %arg11[%get3A_144, %get3A_145] {strides = array<i32>} : memref<128x64xbf16, #tpu.memory_space<vmem>>, vector<32xbf16>,
        %get3A_147 = arith.index_cast %add3A_135 : i32 to index
        %get3A_148 = arith.constant 32 : index
        %get3A_149 = tpu.vector_load %arg12[%get3A_147, %get3A_148] {strides = array<i32>} : memref<128x64xbf16, #tpu.memory_space<vmem>>, vector<32xbf16>,
        %mul3A_150 = arith.mulf %get3A_146, %get3A_149 : vector<32xbf16>
        %unpack3A_151 = tpu.unpack_subelements %mul3A_150, 0 {pack_format = #tpu.pack_format<interleaved>} : vector<32xbf16> -> vector<16xf32>
        %unpack3A_152 = tpu.unpack_subelements %mul3A_150, 1 {pack_format = #tpu.pack_format<interleaved>} : vector<32xbf16> -> vector<16xf32>
        %add3A_153 = arith.addf %unpack3A_151, %unpack3A_152 : vector<16xf32>
        %add3A_154 = arith.addf %add3A_143, %add3A_153 : vector<16xf32>
        %swap3A = arith.constant 0 : i32
        %swap3A_155 = arith.index_cast %swap3A : i32 to index
        %swap3A_156 = arith.constant 0 : index
        %swap3A_157 = tpu.vector_load %arg15[%swap3A_155, %swap3A_156] {strides = array<i32>} : memref<16x17xf32, #tpu.memory_space<vmem>>, vector<16xf32>,
        tpu.vector_store %arg15[%swap3A_155, %swap3A_156], %add3A_154 {strides = array<i32>} : memref<16x17xf32, #tpu.memory_space<vmem>>, vector<16xf32>,
        %mul3A_158 = arith.constant 16 : i32
        %mul3A_159 = arith.muli %scan3A_130, %mul3A_158 : i32
        %add3A_160 = arith.constant 1 : i32
        %add3A_161 = arith.addi %mul3A_159, %add3A_160 : i32
        %get3A_162 = arith.index_cast %add3A_161 : i32 to index
        %get3A_163 = arith.constant 0 : index
        %get3A_164 = tpu.vector_load %arg11[%get3A_162, %get3A_163] {strides = array<i32>} : memref<128x64xbf16, #tpu.memory_space<vmem>>, vector<32xbf16>,
        %get3A_165 = arith.index_cast %add3A_161 : i32 to index
        %get3A_166 = arith.constant 0 : index
        %get3A_167 = tpu.vector_load %arg12[%get3A_165, %get3A_166] {strides = array<i32>} : memref<128x64xbf16, #tpu.memory_space<vmem>>, vector<32xbf16>,
        %mul3A_168 = arith.mulf %get3A_164, %get3A_167 : vector<32xbf16>
        %unpack3A_169 = tpu.unpack_subelements %mul3A_168, 0 {pack_format = #tpu.pack_format<interleaved>} : vector<32xbf16> -> vector<16xf32>
        %unpack3A_170 = tpu.unpack_subelements %mul3A_168, 1 {pack_format = #tpu.pack_format<interleaved>} : vector<32xbf16> -> vector<16xf32>
        %add3A_171 = arith.addf %unpack3A_169, %unpack3A_170 : vector<16xf32>
        %get3A_172 = arith.index_cast %add3A_161 : i32 to index
        %get3A_173 = arith.constant 32 : index
        %get3A_174 = tpu.vector_load %arg11[%get3A_172, %get3A_173] {strides = array<i32>} : memref<128x64xbf16, #tpu.memory_space<vmem>>, vector<32xbf16>,
        %get3A_175 = arith.index_cast %add3A_161 : i32 to index
        %get3A_176 = arith.constant 32 : index
        %get3A_177 = tpu.vector_load %arg12[%get3A_175, %get3A_176] {strides = array<i32>} : memref<128x64xbf16, #tpu.memory_space<vmem>>, vector<32xbf16>,
        %mul3A_178 = arith.mulf %get3A_174, %get3A_177 : vector<32xbf16>
        %unpack3A_179 = tpu.unpack_subelements %mul3A_178, 0 {pack_format = #tpu.pack_format<interleaved>} : vector<32xbf16> -> vector<16xf32>
        %unpack3A_180 = tpu.unpack_subelements %mul3A_178, 1 {pack_format = #tpu.pack_format<interleaved>} : vector<32xbf16> -> vector<16xf32>
        %add3A_181 = arith.addf %unpack3A_179, %unpack3A_180 : vector<16xf32>
        %add3A_182 = arith.addf %add3A_171, %add3A_181 : vector<16xf32>
        %swap3A_183 = arith.constant 1 : i32
        %swap3A_184 = arith.index_cast %swap3A_183 : i32 to index
        %swap3A_185 = arith.constant 0 : index
        %swap3A_186 = tpu.vector_load %arg15[%swap3A_184, %swap3A_185] {strides = array<i32>} : memref<16x17xf32, #tpu.memory_space<vmem>>, vector<16xf32>,
        tpu.vector_store %arg15[%swap3A_184, %swap3A_185], %add3A_182 {strides = array<i32>} : memref<16x17xf32, #tpu.memory_space<vmem>>, vector<16xf32>,
        %mul3A_187 = arith.constant 16 : i32
        %mul3A_188 = arith.muli %scan3A_130, %mul3A_187 : i32
        %add3A_189 = arith.constant 2 : i32
        %add3A_190 = arith.addi %mul3A_188, %add3A_189 : i32
        %get3A_191 = arith.index_cast %add3A_190 : i32 to index
        %get3A_192 = arith.constant 0 : index
        %get3A_193 = tpu.vector_load %arg11[%get3A_191, %get3A_192] {strides = array<i32>} : memref<128x64xbf16, #tpu.memory_space<vmem>>, vector<32xbf16>,
        %get3A_194 = arith.index_cast %add3A_190 : i32 to index
        %get3A_195 = arith.constant 0 : index
        %get3A_196 = tpu.vector_load %arg12[%get3A_194, %get3A_195] {strides = array<i32>} : memref<128x64xbf16, #tpu.memory_space<vmem>>, vector<32xbf16>,
        %mul3A_197 = arith.mulf %get3A_193, %get3A_196 : vector<32xbf16>
        %unpack3A_198 = tpu.unpack_subelements %mul3A_197, 0 {pack_format = #tpu.pack_format<interleaved>} : vector<32xbf16> -> vector<16xf32>
        %unpack3A_199 = tpu.unpack_subelements %mul3A_197, 1 {pack_format = #tpu.pack_format<interleaved>} : vector<32xbf16> -> vector<16xf32>
        %add3A_200 = arith.addf %unpack3A_198, %unpack3A_199 : vector<16xf32>
        %get3A_201 = arith.index_cast %add3A_190 : i32 to index
        %get3A_202 = arith.constant 32 : index
        %get3A_203 = tpu.vector_load %arg11[%get3A_201, %get3A_202] {strides = array<i32>} : memref<128x64xbf16, #tpu.memory_space<vmem>>, vector<32xbf16>,
        %get3A_204 = arith.index_cast %add3A_190 : i32 to index
        %get3A_205 = arith.constant 32 : index
        %get3A_206 = tpu.vector_load %arg12[%get3A_204, %get3A_205] {strides = array<i32>} : memref<128x64xbf16, #tpu.memory_space<vmem>>, vector<32xbf16>,
        %mul3A_207 = arith.mulf %get3A_203, %get3A_206 : vector<32xbf16>
        %unpack3A_208 = tpu.unpack_subelements %mul3A_207, 0 {pack_format = #tpu.pack_format<interleaved>} : vector<32xbf16> -> vector<16xf32>
        %unpack3A_209 = tpu.unpack_subelements %mul3A_207, 1 {pack_format = #tpu.pack_format<interleaved>} : vector<32xbf16> -> vector<16xf32>
        %add3A_210 = arith.addf %unpack3A_208, %unpack3A_209 : vector<16xf32>
        %add3A_211 = arith.addf %add3A_200, %add3A_210 : vector<16xf32>
        %swap3A_212 = arith.constant 2 : i32
        %swap3A_213 = arith.index_cast %swap3A_212 : i32 to index
        %swap3A_214 = arith.constant 0 : index
        %swap3A_215 = tpu.vector_load %arg15[%swap3A_213, %swap3A_214] {strides = array<i32>} : memref<16x17xf32, #tpu.memory_space<vmem>>, vector<16xf32>,
        tpu.vector_store %arg15[%swap3A_213, %swap3A_214], %add3A_211 {strides = array<i32>} : memref<16x17xf32, #tpu.memory_space<vmem>>, vector<16xf32>,
        %mul3A_216 = arith.constant 16 : i32
        %mul3A_217 = arith.muli %scan3A_130, %mul3A_216 : i32
        %add3A_218 = arith.constant 3 : i32
        %add3A_219 = arith.addi %mul3A_217, %add3A_218 : i32
        %get3A_220 = arith.index_cast %add3A_219 : i32 to index
        %get3A_221 = arith.constant 0 : index
        %get3A_222 = tpu.vector_load %arg11[%get3A_220, %get3A_221] {strides = array<i32>} : memref<128x64xbf16, #tpu.memory_space<vmem>>, vector<32xbf16>,
        %get3A_223 = arith.index_cast %add3A_219 : i32 to index
        %get3A_224 = arith.constant 0 : index
        %get3A_225 = tpu.vector_load %arg12[%get3A_223, %get3A_224] {strides = array<i32>} : memref<128x64xbf16, #tpu.memory_space<vmem>>, vector<32xbf16>,
        %mul3A_226 = arith.mulf %get3A_222, %get3A_225 : vector<32xbf16>
        %unpack3A_227 = tpu.unpack_subelements %mul3A_226, 0 {pack_format = #tpu.pack_format<interleaved>} : vector<32xbf16> -> vector<16xf32>
        %unpack3A_228 = tpu.unpack_subelements %mul3A_226, 1 {pack_format = #tpu.pack_format<interleaved>} : vector<32xbf16> -> vector<16xf32>
        %add3A_229 = arith.addf %unpack3A_227, %unpack3A_228 : vector<16xf32>
        %get3A_230 = arith.index_cast %add3A_219 : i32 to index
        %get3A_231 = arith.constant 32 : index
        %get3A_232 = tpu.vector_load %arg11[%get3A_230, %get3A_231] {strides = array<i32>} : memref<128x64xbf16, #tpu.memory_space<vmem>>, vector<32xbf16>,
        %get3A_233 = arith.index_cast %add3A_219 : i32 to index
        %get3A_234 = arith.constant 32 : index
        %get3A_235 = tpu.vector_load %arg12[%get3A_233, %get3A_234] {strides = array<i32>} : memref<128x64xbf16, #tpu.memory_space<vmem>>, vector<32xbf16>,
        %mul3A_236 = arith.mulf %get3A_232, %get3A_235 : vector<32xbf16>
        %unpack3A_237 = tpu.unpack_subelements %mul3A_236, 0 {pack_format = #tpu.pack_format<interleaved>} : vector<32xbf16> -> vector<16xf32>
        %unpack3A_238 = tpu.unpack_subelements %mul3A_236, 1 {pack_format = #tpu.pack_format<interleaved>} : vector<32xbf16> -> vector<16xf32>
        %add3A_239 = arith.addf %unpack3A_237, %unpack3A_238 : vector<16xf32>
        %add3A_240 = arith.addf %add3A_229, %add3A_239 : vector<16xf32>
        %swap3A_241 = arith.constant 3 : i32
        %swap3A_242 = arith.index_cast %swap3A_241 : i32 to index
        %swap3A_243 = arith.constant 0 : index
        %swap3A_244 = tpu.vector_load %arg15[%swap3A_242, %swap3A_243] {strides = array<i32>} : memref<16x17xf32, #tpu.memory_space<vmem>>, vector<16xf32>,
        tpu.vector_store %arg15[%swap3A_242, %swap3A_243], %add3A_240 {strides = array<i32>} : memref<16x17xf32, #tpu.memory_space<vmem>>, vector<16xf32>,
        %mul3A_245 = arith.constant 16 : i32
        %mul3A_246 = arith.muli %scan3A_130, %mul3A_245 : i32
        %add3A_247 = arith.constant 4 : i32
        %add3A_248 = arith.addi %mul3A_246, %add3A_247 : i32
        %get3A_249 = arith.index_cast %add3A_248 : i32 to index
        %get3A_250 = arith.constant 0 : index
        %get3A_251 = tpu.vector_load %arg11[%get3A_249, %get3A_250] {strides = array<i32>} : memref<128x64xbf16, #tpu.memory_space<vmem>>, vector<32xbf16>,
        %get3A_252 = arith.index_cast %add3A_248 : i32 to index
        %get3A_253 = arith.constant 0 : index
        %get3A_254 = tpu.vector_load %arg12[%get3A_252, %get3A_253] {strides = array<i32>} : memref<128x64xbf16, #tpu.memory_space<vmem>>, vector<32xbf16>,
        %mul3A_255 = arith.mulf %get3A_251, %get3A_254 : vector<32xbf16>
        %unpack3A_256 = tpu.unpack_subelements %mul3A_255, 0 {pack_format = #tpu.pack_format<interleaved>} : vector<32xbf16> -> vector<16xf32>
        %unpack3A_257 = tpu.unpack_subelements %mul3A_255, 1 {pack_format = #tpu.pack_format<interleaved>} : vector<32xbf16> -> vector<16xf32>
        %add3A_258 = arith.addf %unpack3A_256, %unpack3A_257 : vector<16xf32>
        %get3A_259 = arith.index_cast %add3A_248 : i32 to index
        %get3A_260 = arith.constant 32 : index
        %get3A_261 = tpu.vector_load %arg11[%get3A_259, %get3A_260] {strides = array<i32>} : memref<128x64xbf16, #tpu.memory_space<vmem>>, vector<32xbf16>,
        %get3A_262 = arith.index_cast %add3A_248 : i32 to index
        %get3A_263 = arith.constant 32 : index
        %get3A_264 = tpu.vector_load %arg12[%get3A_262, %get3A_263] {strides = array<i32>} : memref<128x64xbf16, #tpu.memory_space<vmem>>, vector<32xbf16>,
        %mul3A_265 = arith.mulf %get3A_261, %get3A_264 : vector<32xbf16>
        %unpack3A_266 = tpu.unpack_subelements %mul3A_265, 0 {pack_format = #tpu.pack_format<interleaved>} : vector<32xbf16> -> vector<16xf32>
        %unpack3A_267 = tpu.unpack_subelements %mul3A_265, 1 {pack_format = #tpu.pack_format<interleaved>} : vector<32xbf16> -> vector<16xf32>
        %add3A_268 = arith.addf %unpack3A_266, %unpack3A_267 : vector<16xf32>
        %add3A_269 = arith.addf %add3A_258, %add3A_268 : vector<16xf32>
        %swap3A_270 = arith.constant 4 : i32
        %swap3A_271 = arith.index_cast %swap3A_270 : i32 to index
        %swap3A_272 = arith.constant 0 : index
        %swap3A_273 = tpu.vector_load %arg15[%swap3A_271, %swap3A_272] {strides = array<i32>} : memref<16x17xf32, #tpu.memory_space<vmem>>, vector<16xf32>,
        tpu.vector_store %arg15[%swap3A_271, %swap3A_272], %add3A_269 {strides = array<i32>} : memref<16x17xf32, #tpu.memory_space<vmem>>, vector<16xf32>,
        %mul3A_274 = arith.constant 16 : i32
        %mul3A_275 = arith.muli %scan3A_130, %mul3A_274 : i32
        %add3A_276 = arith.constant 5 : i32
        %add3A_277 = arith.addi %mul3A_275, %add3A_276 : i32
        %get3A_278 = arith.index_cast %add3A_277 : i32 to index
        %get3A_279 = arith.constant 0 : index
        %get3A_280 = tpu.vector_load %arg11[%get3A_278, %get3A_279] {strides = array<i32>} : memref<128x64xbf16, #tpu.memory_space<vmem>>, vector<32xbf16>,
        %get3A_281 = arith.index_cast %add3A_277 : i32 to index
        %get3A_282 = arith.constant 0 : index
        %get3A_283 = tpu.vector_load %arg12[%get3A_281, %get3A_282] {strides = array<i32>} : memref<128x64xbf16, #tpu.memory_space<vmem>>, vector<32xbf16>,
        %mul3A_284 = arith.mulf %get3A_280, %get3A_283 : vector<32xbf16>
        %unpack3A_285 = tpu.unpack_subelements %mul3A_284, 0 {pack_format = #tpu.pack_format<interleaved>} : vector<32xbf16> -> vector<16xf32>
        %unpack3A_286 = tpu.unpack_subelements %mul3A_284, 1 {pack_format = #tpu.pack_format<interleaved>} : vector<32xbf16> -> vector<16xf32>
        %add3A_287 = arith.addf %unpack3A_285, %unpack3A_286 : vector<16xf32>
        %get3A_288 = arith.index_cast %add3A_277 : i32 to index
        %get3A_289 = arith.constant 32 : index
        %get3A_290 = tpu.vector_load %arg11[%get3A_288, %get3A_289] {strides = array<i32>} : memref<128x64xbf16, #tpu.memory_space<vmem>>, vector<32xbf16>,
        %get3A_291 = arith.index_cast %add3A_277 : i32 to index
        %get3A_292 = arith.constant 32 : index
        %get3A_293 = tpu.vector_load %arg12[%get3A_291, %get3A_292] {strides = array<i32>} : memref<128x64xbf16, #tpu.memory_space<vmem>>, vector<32xbf16>,
        %mul3A_294 = arith.mulf %get3A_290, %get3A_293 : vector<32xbf16>
        %unpack3A_295 = tpu.unpack_subelements %mul3A_294, 0 {pack_format = #tpu.pack_format<interleaved>} : vector<32xbf16> -> vector<16xf32>
        %unpack3A_296 = tpu.unpack_subelements %mul3A_294, 1 {pack_format = #tpu.pack_format<interleaved>} : vector<32xbf16> -> vector<16xf32>
        %add3A_297 = arith.addf %unpack3A_295, %unpack3A_296 : vector<16xf32>
        %add3A_298 = arith.addf %add3A_287, %add3A_297 : vector<16xf32>
        %swap3A_299 = arith.constant 5 : i32
        %swap3A_300 = arith.index_cast %swap3A_299 : i32 to index
        %swap3A_301 = arith.constant 0 : index
        %swap3A_302 = tpu.vector_load %arg15[%swap3A_300, %swap3A_301] {strides = array<i32>} : memref<16x17xf32, #tpu.memory_space<vmem>>, vector<16xf32>,
        tpu.vector_store %arg15[%swap3A_300, %swap3A_301], %add3A_298 {strides = array<i32>} : memref<16x17xf32, #tpu.memory_space<vmem>>, vector<16xf32>,
        %mul3A_303 = arith.constant 16 : i32
        %mul3A_304 = arith.muli %scan3A_130, %mul3A_303 : i32
        %add3A_305 = arith.constant 6 : i32
        %add3A_306 = arith.addi %mul3A_304, %add3A_305 : i32
        %get3A_307 = arith.index_cast %add3A_306 : i32 to index
        %get3A_308 = arith.constant 0 : index
        %get3A_309 = tpu.vector_load %arg11[%get3A_307, %get3A_308] {strides = array<i32>} : memref<128x64xbf16, #tpu.memory_space<vmem>>, vector<32xbf16>,
        %get3A_310 = arith.index_cast %add3A_306 : i32 to index
        %get3A_311 = arith.constant 0 : index
        %get3A_312 = tpu.vector_load %arg12[%get3A_310, %get3A_311] {strides = array<i32>} : memref<128x64xbf16, #tpu.memory_space<vmem>>, vector<32xbf16>,
        %mul3A_313 = arith.mulf %get3A_309, %get3A_312 : vector<32xbf16>
        %unpack3A_314 = tpu.unpack_subelements %mul3A_313, 0 {pack_format = #tpu.pack_format<interleaved>} : vector<32xbf16> -> vector<16xf32>
        %unpack3A_315 = tpu.unpack_subelements %mul3A_313, 1 {pack_format = #tpu.pack_format<interleaved>} : vector<32xbf16> -> vector<16xf32>
        %add3A_316 = arith.addf %unpack3A_314, %unpack3A_315 : vector<16xf32>
        %get3A_317 = arith.index_cast %add3A_306 : i32 to index
        %get3A_318 = arith.constant 32 : index
        %get3A_319 = tpu.vector_load %arg11[%get3A_317, %get3A_318] {strides = array<i32>} : memref<128x64xbf16, #tpu.memory_space<vmem>>, vector<32xbf16>,
        %get3A_320 = arith.index_cast %add3A_306 : i32 to index
        %get3A_321 = arith.constant 32 : index
        %get3A_322 = tpu.vector_load %arg12[%get3A_320, %get3A_321] {strides = array<i32>} : memref<128x64xbf16, #tpu.memory_space<vmem>>, vector<32xbf16>,
        %mul3A_323 = arith.mulf %get3A_319, %get3A_322 : vector<32xbf16>
        %unpack3A_324 = tpu.unpack_subelements %mul3A_323, 0 {pack_format = #tpu.pack_format<interleaved>} : vector<32xbf16> -> vector<16xf32>
        %unpack3A_325 = tpu.unpack_subelements %mul3A_323, 1 {pack_format = #tpu.pack_format<interleaved>} : vector<32xbf16> -> vector<16xf32>
        %add3A_326 = arith.addf %unpack3A_324, %unpack3A_325 : vector<16xf32>
        %add3A_327 = arith.addf %add3A_316, %add3A_326 : vector<16xf32>
        %swap3A_328 = arith.constant 6 : i32
        %swap3A_329 = arith.index_cast %swap3A_328 : i32 to index
        %swap3A_330 = arith.constant 0 : index
        %swap3A_331 = tpu.vector_load %arg15[%swap3A_329, %swap3A_330] {strides = array<i32>} : memref<16x17xf32, #tpu.memory_space<vmem>>, vector<16xf32>,
        tpu.vector_store %arg15[%swap3A_329, %swap3A_330], %add3A_327 {strides = array<i32>} : memref<16x17xf32, #tpu.memory_space<vmem>>, vector<16xf32>,
        %mul3A_332 = arith.constant 16 : i32
        %mul3A_333 = arith.muli %scan3A_130, %mul3A_332 : i32
        %add3A_334 = arith.constant 7 : i32
        %add3A_335 = arith.addi %mul3A_333, %add3A_334 : i32
        %get3A_336 = arith.index_cast %add3A_335 : i32 to index
        %get3A_337 = arith.constant 0 : index
        %get3A_338 = tpu.vector_load %arg11[%get3A_336, %get3A_337] {strides = array<i32>} : memref<128x64xbf16, #tpu.memory_space<vmem>>, vector<32xbf16>,
        %get3A_339 = arith.index_cast %add3A_335 : i32 to index
        %get3A_340 = arith.constant 0 : index
        %get3A_341 = tpu.vector_load %arg12[%get3A_339, %get3A_340] {strides = array<i32>} : memref<128x64xbf16, #tpu.memory_space<vmem>>, vector<32xbf16>,
        %mul3A_342 = arith.mulf %get3A_338, %get3A_341 : vector<32xbf16>
        %unpack3A_343 = tpu.unpack_subelements %mul3A_342, 0 {pack_format = #tpu.pack_format<interleaved>} : vector<32xbf16> -> vector<16xf32>
        %unpack3A_344 = tpu.unpack_subelements %mul3A_342, 1 {pack_format = #tpu.pack_format<interleaved>} : vector<32xbf16> -> vector<16xf32>
        %add3A_345 = arith.addf %unpack3A_343, %unpack3A_344 : vector<16xf32>
        %get3A_346 = arith.index_cast %add3A_335 : i32 to index
        %get3A_347 = arith.constant 32 : index
        %get3A_348 = tpu.vector_load %arg11[%get3A_346, %get3A_347] {strides = array<i32>} : memref<128x64xbf16, #tpu.memory_space<vmem>>, vector<32xbf16>,
        %get3A_349 = arith.index_cast %add3A_335 : i32 to index
        %get3A_350 = arith.constant 32 : index
        %get3A_351 = tpu.vector_load %arg12[%get3A_349, %get3A_350] {strides = array<i32>} : memref<128x64xbf16, #tpu.memory_space<vmem>>, vector<32xbf16>,
        %mul3A_352 = arith.mulf %get3A_348, %get3A_351 : vector<32xbf16>
        %unpack3A_353 = tpu.unpack_subelements %mul3A_352, 0 {pack_format = #tpu.pack_format<interleaved>} : vector<32xbf16> -> vector<16xf32>
        %unpack3A_354 = tpu.unpack_subelements %mul3A_352, 1 {pack_format = #tpu.pack_format<interleaved>} : vector<32xbf16> -> vector<16xf32>
        %add3A_355 = arith.addf %unpack3A_353, %unpack3A_354 : vector<16xf32>
        %add3A_356 = arith.addf %add3A_345, %add3A_355 : vector<16xf32>
        %swap3A_357 = arith.constant 7 : i32
        %swap3A_358 = arith.index_cast %swap3A_357 : i32 to index
        %swap3A_359 = arith.constant 0 : index
        %swap3A_360 = tpu.vector_load %arg15[%swap3A_358, %swap3A_359] {strides = array<i32>} : memref<16x17xf32, #tpu.memory_space<vmem>>, vector<16xf32>,
        tpu.vector_store %arg15[%swap3A_358, %swap3A_359], %add3A_356 {strides = array<i32>} : memref<16x17xf32, #tpu.memory_space<vmem>>, vector<16xf32>,
        %mul3A_361 = arith.constant 16 : i32
        %mul3A_362 = arith.muli %scan3A_130, %mul3A_361 : i32
        %add3A_363 = arith.constant 8 : i32
        %add3A_364 = arith.addi %mul3A_362, %add3A_363 : i32
        %get3A_365 = arith.index_cast %add3A_364 : i32 to index
        %get3A_366 = arith.constant 0 : index
        %get3A_367 = tpu.vector_load %arg11[%get3A_365, %get3A_366] {strides = array<i32>} : memref<128x64xbf16, #tpu.memory_space<vmem>>, vector<32xbf16>,
        %get3A_368 = arith.index_cast %add3A_364 : i32 to index
        %get3A_369 = arith.constant 0 : index
        %get3A_370 = tpu.vector_load %arg12[%get3A_368, %get3A_369] {strides = array<i32>} : memref<128x64xbf16, #tpu.memory_space<vmem>>, vector<32xbf16>,
        %mul3A_371 = arith.mulf %get3A_367, %get3A_370 : vector<32xbf16>
        %unpack3A_372 = tpu.unpack_subelements %mul3A_371, 0 {pack_format = #tpu.pack_format<interleaved>} : vector<32xbf16> -> vector<16xf32>
        %unpack3A_373 = tpu.unpack_subelements %mul3A_371, 1 {pack_format = #tpu.pack_format<interleaved>} : vector<32xbf16> -> vector<16xf32>
        %add3A_374 = arith.addf %unpack3A_372, %unpack3A_373 : vector<16xf32>
        %get3A_375 = arith.index_cast %add3A_364 : i32 to index
        %get3A_376 = arith.constant 32 : index
        %get3A_377 = tpu.vector_load %arg11[%get3A_375, %get3A_376] {strides = array<i32>} : memref<128x64xbf16, #tpu.memory_space<vmem>>, vector<32xbf16>,
        %get3A_378 = arith.index_cast %add3A_364 : i32 to index
        %get3A_379 = arith.constant 32 : index
        %get3A_380 = tpu.vector_load %arg12[%get3A_378, %get3A_379] {strides = array<i32>} : memref<128x64xbf16, #tpu.memory_space<vmem>>, vector<32xbf16>,
        %mul3A_381 = arith.mulf %get3A_377, %get3A_380 : vector<32xbf16>
        %unpack3A_382 = tpu.unpack_subelements %mul3A_381, 0 {pack_format = #tpu.pack_format<interleaved>} : vector<32xbf16> -> vector<16xf32>
        %unpack3A_383 = tpu.unpack_subelements %mul3A_381, 1 {pack_format = #tpu.pack_format<interleaved>} : vector<32xbf16> -> vector<16xf32>
        %add3A_384 = arith.addf %unpack3A_382, %unpack3A_383 : vector<16xf32>
        %add3A_385 = arith.addf %add3A_374, %add3A_384 : vector<16xf32>
        %swap3A_386 = arith.constant 8 : i32
        %swap3A_387 = arith.index_cast %swap3A_386 : i32 to index
        %swap3A_388 = arith.constant 0 : index
        %swap3A_389 = tpu.vector_load %arg15[%swap3A_387, %swap3A_388] {strides = array<i32>} : memref<16x17xf32, #tpu.memory_space<vmem>>, vector<16xf32>,
        tpu.vector_store %arg15[%swap3A_387, %swap3A_388], %add3A_385 {strides = array<i32>} : memref<16x17xf32, #tpu.memory_space<vmem>>, vector<16xf32>,
        %mul3A_390 = arith.constant 16 : i32
        %mul3A_391 = arith.muli %scan3A_130, %mul3A_390 : i32
        %add3A_392 = arith.constant 9 : i32
        %add3A_393 = arith.addi %mul3A_391, %add3A_392 : i32
        %get3A_394 = arith.index_cast %add3A_393 : i32 to index
        %get3A_395 = arith.constant 0 : index
        %get3A_396 = tpu.vector_load %arg11[%get3A_394, %get3A_395] {strides = array<i32>} : memref<128x64xbf16, #tpu.memory_space<vmem>>, vector<32xbf16>,
        %get3A_397 = arith.index_cast %add3A_393 : i32 to index
        %get3A_398 = arith.constant 0 : index
        %get3A_399 = tpu.vector_load %arg12[%get3A_397, %get3A_398] {strides = array<i32>} : memref<128x64xbf16, #tpu.memory_space<vmem>>, vector<32xbf16>,
        %mul3A_400 = arith.mulf %get3A_396, %get3A_399 : vector<32xbf16>
        %unpack3A_401 = tpu.unpack_subelements %mul3A_400, 0 {pack_format = #tpu.pack_format<interleaved>} : vector<32xbf16> -> vector<16xf32>
        %unpack3A_402 = tpu.unpack_subelements %mul3A_400, 1 {pack_format = #tpu.pack_format<interleaved>} : vector<32xbf16> -> vector<16xf32>
        %add3A_403 = arith.addf %unpack3A_401, %unpack3A_402 : vector<16xf32>
        %get3A_404 = arith.index_cast %add3A_393 : i32 to index
        %get3A_405 = arith.constant 32 : index
        %get3A_406 = tpu.vector_load %arg11[%get3A_404, %get3A_405] {strides = array<i32>} : memref<128x64xbf16, #tpu.memory_space<vmem>>, vector<32xbf16>,
        %get3A_407 = arith.index_cast %add3A_393 : i32 to index
        %get3A_408 = arith.constant 32 : index
        %get3A_409 = tpu.vector_load %arg12[%get3A_407, %get3A_408] {strides = array<i32>} : memref<128x64xbf16, #tpu.memory_space<vmem>>, vector<32xbf16>,
        %mul3A_410 = arith.mulf %get3A_406, %get3A_409 : vector<32xbf16>
        %unpack3A_411 = tpu.unpack_subelements %mul3A_410, 0 {pack_format = #tpu.pack_format<interleaved>} : vector<32xbf16> -> vector<16xf32>
        %unpack3A_412 = tpu.unpack_subelements %mul3A_410, 1 {pack_format = #tpu.pack_format<interleaved>} : vector<32xbf16> -> vector<16xf32>
        %add3A_413 = arith.addf %unpack3A_411, %unpack3A_412 : vector<16xf32>
        %add3A_414 = arith.addf %add3A_403, %add3A_413 : vector<16xf32>
        %swap3A_415 = arith.constant 9 : i32
        %swap3A_416 = arith.index_cast %swap3A_415 : i32 to index
        %swap3A_417 = arith.constant 0 : index
        %swap3A_418 = tpu.vector_load %arg15[%swap3A_416, %swap3A_417] {strides = array<i32>} : memref<16x17xf32, #tpu.memory_space<vmem>>, vector<16xf32>,
        tpu.vector_store %arg15[%swap3A_416, %swap3A_417], %add3A_414 {strides = array<i32>} : memref<16x17xf32, #tpu.memory_space<vmem>>, vector<16xf32>,
        %mul3A_419 = arith.constant 16 : i32
        %mul3A_420 = arith.muli %scan3A_130, %mul3A_419 : i32
        %add3A_421 = arith.constant 10 : i32
        %add3A_422 = arith.addi %mul3A_420, %add3A_421 : i32
        %get3A_423 = arith.index_cast %add3A_422 : i32 to index
        %get3A_424 = arith.constant 0 : index
        %get3A_425 = tpu.vector_load %arg11[%get3A_423, %get3A_424] {strides = array<i32>} : memref<128x64xbf16, #tpu.memory_space<vmem>>, vector<32xbf16>,
        %get3A_426 = arith.index_cast %add3A_422 : i32 to index
        %get3A_427 = arith.constant 0 : index
        %get3A_428 = tpu.vector_load %arg12[%get3A_426, %get3A_427] {strides = array<i32>} : memref<128x64xbf16, #tpu.memory_space<vmem>>, vector<32xbf16>,
        %mul3A_429 = arith.mulf %get3A_425, %get3A_428 : vector<32xbf16>
        %unpack3A_430 = tpu.unpack_subelements %mul3A_429, 0 {pack_format = #tpu.pack_format<interleaved>} : vector<32xbf16> -> vector<16xf32>
        %unpack3A_431 = tpu.unpack_subelements %mul3A_429, 1 {pack_format = #tpu.pack_format<interleaved>} : vector<32xbf16> -> vector<16xf32>
        %add3A_432 = arith.addf %unpack3A_430, %unpack3A_431 : vector<16xf32>
        %get3A_433 = arith.index_cast %add3A_422 : i32 to index
        %get3A_434 = arith.constant 32 : index
        %get3A_435 = tpu.vector_load %arg11[%get3A_433, %get3A_434] {strides = array<i32>} : memref<128x64xbf16, #tpu.memory_space<vmem>>, vector<32xbf16>,
        %get3A_436 = arith.index_cast %add3A_422 : i32 to index
        %get3A_437 = arith.constant 32 : index
        %get3A_438 = tpu.vector_load %arg12[%get3A_436, %get3A_437] {strides = array<i32>} : memref<128x64xbf16, #tpu.memory_space<vmem>>, vector<32xbf16>,
        %mul3A_439 = arith.mulf %get3A_435, %get3A_438 : vector<32xbf16>
        %unpack3A_440 = tpu.unpack_subelements %mul3A_439, 0 {pack_format = #tpu.pack_format<interleaved>} : vector<32xbf16> -> vector<16xf32>
        %unpack3A_441 = tpu.unpack_subelements %mul3A_439, 1 {pack_format = #tpu.pack_format<interleaved>} : vector<32xbf16> -> vector<16xf32>
        %add3A_442 = arith.addf %unpack3A_440, %unpack3A_441 : vector<16xf32>
        %add3A_443 = arith.addf %add3A_432, %add3A_442 : vector<16xf32>
        %swap3A_444 = arith.constant 10 : i32
        %swap3A_445 = arith.index_cast %swap3A_444 : i32 to index
        %swap3A_446 = arith.constant 0 : index
        %swap3A_447 = tpu.vector_load %arg15[%swap3A_445, %swap3A_446] {strides = array<i32>} : memref<16x17xf32, #tpu.memory_space<vmem>>, vector<16xf32>,
        tpu.vector_store %arg15[%swap3A_445, %swap3A_446], %add3A_443 {strides = array<i32>} : memref<16x17xf32, #tpu.memory_space<vmem>>, vector<16xf32>,
        %mul3A_448 = arith.constant 16 : i32
        %mul3A_449 = arith.muli %scan3A_130, %mul3A_448 : i32
        %add3A_450 = arith.constant 11 : i32
        %add3A_451 = arith.addi %mul3A_449, %add3A_450 : i32
        %get3A_452 = arith.index_cast %add3A_451 : i32 to index
        %get3A_453 = arith.constant 0 : index
        %get3A_454 = tpu.vector_load %arg11[%get3A_452, %get3A_453] {strides = array<i32>} : memref<128x64xbf16, #tpu.memory_space<vmem>>, vector<32xbf16>,
        %get3A_455 = arith.index_cast %add3A_451 : i32 to index
        %get3A_456 = arith.constant 0 : index
        %get3A_457 = tpu.vector_load %arg12[%get3A_455, %get3A_456] {strides = array<i32>} : memref<128x64xbf16, #tpu.memory_space<vmem>>, vector<32xbf16>,
        %mul3A_458 = arith.mulf %get3A_454, %get3A_457 : vector<32xbf16>
        %unpack3A_459 = tpu.unpack_subelements %mul3A_458, 0 {pack_format = #tpu.pack_format<interleaved>} : vector<32xbf16> -> vector<16xf32>
        %unpack3A_460 = tpu.unpack_subelements %mul3A_458, 1 {pack_format = #tpu.pack_format<interleaved>} : vector<32xbf16> -> vector<16xf32>
        %add3A_461 = arith.addf %unpack3A_459, %unpack3A_460 : vector<16xf32>
        %get3A_462 = arith.index_cast %add3A_451 : i32 to index
        %get3A_463 = arith.constant 32 : index
        %get3A_464 = tpu.vector_load %arg11[%get3A_462, %get3A_463] {strides = array<i32>} : memref<128x64xbf16, #tpu.memory_space<vmem>>, vector<32xbf16>,
        %get3A_465 = arith.index_cast %add3A_451 : i32 to index
        %get3A_466 = arith.constant 32 : index
        %get3A_467 = tpu.vector_load %arg12[%get3A_465, %get3A_466] {strides = array<i32>} : memref<128x64xbf16, #tpu.memory_space<vmem>>, vector<32xbf16>,
        %mul3A_468 = arith.mulf %get3A_464, %get3A_467 : vector<32xbf16>
        %unpack3A_469 = tpu.unpack_subelements %mul3A_468, 0 {pack_format = #tpu.pack_format<interleaved>} : vector<32xbf16> -> vector<16xf32>
        %unpack3A_470 = tpu.unpack_subelements %mul3A_468, 1 {pack_format = #tpu.pack_format<interleaved>} : vector<32xbf16> -> vector<16xf32>
        %add3A_471 = arith.addf %unpack3A_469, %unpack3A_470 : vector<16xf32>
        %add3A_472 = arith.addf %add3A_461, %add3A_471 : vector<16xf32>
        %swap3A_473 = arith.constant 11 : i32
        %swap3A_474 = arith.index_cast %swap3A_473 : i32 to index
        %swap3A_475 = arith.constant 0 : index
        %swap3A_476 = tpu.vector_load %arg15[%swap3A_474, %swap3A_475] {strides = array<i32>} : memref<16x17xf32, #tpu.memory_space<vmem>>, vector<16xf32>,
        tpu.vector_store %arg15[%swap3A_474, %swap3A_475], %add3A_472 {strides = array<i32>} : memref<16x17xf32, #tpu.memory_space<vmem>>, vector<16xf32>,
        %mul3A_477 = arith.constant 16 : i32
        %mul3A_478 = arith.muli %scan3A_130, %mul3A_477 : i32
        %add3A_479 = arith.constant 12 : i32
        %add3A_480 = arith.addi %mul3A_478, %add3A_479 : i32
        %get3A_481 = arith.index_cast %add3A_480 : i32 to index
        %get3A_482 = arith.constant 0 : index
        %get3A_483 = tpu.vector_load %arg11[%get3A_481, %get3A_482] {strides = array<i32>} : memref<128x64xbf16, #tpu.memory_space<vmem>>, vector<32xbf16>,
        %get3A_484 = arith.index_cast %add3A_480 : i32 to index
        %get3A_485 = arith.constant 0 : index
        %get3A_486 = tpu.vector_load %arg12[%get3A_484, %get3A_485] {strides = array<i32>} : memref<128x64xbf16, #tpu.memory_space<vmem>>, vector<32xbf16>,
        %mul3A_487 = arith.mulf %get3A_483, %get3A_486 : vector<32xbf16>
        %unpack3A_488 = tpu.unpack_subelements %mul3A_487, 0 {pack_format = #tpu.pack_format<interleaved>} : vector<32xbf16> -> vector<16xf32>
        %unpack3A_489 = tpu.unpack_subelements %mul3A_487, 1 {pack_format = #tpu.pack_format<interleaved>} : vector<32xbf16> -> vector<16xf32>
        %add3A_490 = arith.addf %unpack3A_488, %unpack3A_489 : vector<16xf32>
        %get3A_491 = arith.index_cast %add3A_480 : i32 to index
        %get3A_492 = arith.constant 32 : index
        %get3A_493 = tpu.vector_load %arg11[%get3A_491, %get3A_492] {strides = array<i32>} : memref<128x64xbf16, #tpu.memory_space<vmem>>, vector<32xbf16>,
        %get3A_494 = arith.index_cast %add3A_480 : i32 to index
        %get3A_495 = arith.constant 32 : index
        %get3A_496 = tpu.vector_load %arg12[%get3A_494, %get3A_495] {strides = array<i32>} : memref<128x64xbf16, #tpu.memory_space<vmem>>, vector<32xbf16>,
        %mul3A_497 = arith.mulf %get3A_493, %get3A_496 : vector<32xbf16>
        %unpack3A_498 = tpu.unpack_subelements %mul3A_497, 0 {pack_format = #tpu.pack_format<interleaved>} : vector<32xbf16> -> vector<16xf32>
        %unpack3A_499 = tpu.unpack_subelements %mul3A_497, 1 {pack_format = #tpu.pack_format<interleaved>} : vector<32xbf16> -> vector<16xf32>
        %add3A_500 = arith.addf %unpack3A_498, %unpack3A_499 : vector<16xf32>
        %add3A_501 = arith.addf %add3A_490, %add3A_500 : vector<16xf32>
        %swap3A_502 = arith.constant 12 : i32
        %swap3A_503 = arith.index_cast %swap3A_502 : i32 to index
        %swap3A_504 = arith.constant 0 : index
        %swap3A_505 = tpu.vector_load %arg15[%swap3A_503, %swap3A_504] {strides = array<i32>} : memref<16x17xf32, #tpu.memory_space<vmem>>, vector<16xf32>,
        tpu.vector_store %arg15[%swap3A_503, %swap3A_504], %add3A_501 {strides = array<i32>} : memref<16x17xf32, #tpu.memory_space<vmem>>, vector<16xf32>,
        %mul3A_506 = arith.constant 16 : i32
        %mul3A_507 = arith.muli %scan3A_130, %mul3A_506 : i32
        %add3A_508 = arith.constant 13 : i32
        %add3A_509 = arith.addi %mul3A_507, %add3A_508 : i32
        %get3A_510 = arith.index_cast %add3A_509 : i32 to index
        %get3A_511 = arith.constant 0 : index
        %get3A_512 = tpu.vector_load %arg11[%get3A_510, %get3A_511] {strides = array<i32>} : memref<128x64xbf16, #tpu.memory_space<vmem>>, vector<32xbf16>,
        %get3A_513 = arith.index_cast %add3A_509 : i32 to index
        %get3A_514 = arith.constant 0 : index
        %get3A_515 = tpu.vector_load %arg12[%get3A_513, %get3A_514] {strides = array<i32>} : memref<128x64xbf16, #tpu.memory_space<vmem>>, vector<32xbf16>,
        %mul3A_516 = arith.mulf %get3A_512, %get3A_515 : vector<32xbf16>
        %unpack3A_517 = tpu.unpack_subelements %mul3A_516, 0 {pack_format = #tpu.pack_format<interleaved>} : vector<32xbf16> -> vector<16xf32>
        %unpack3A_518 = tpu.unpack_subelements %mul3A_516, 1 {pack_format = #tpu.pack_format<interleaved>} : vector<32xbf16> -> vector<16xf32>
        %add3A_519 = arith.addf %unpack3A_517, %unpack3A_518 : vector<16xf32>
        %get3A_520 = arith.index_cast %add3A_509 : i32 to index
        %get3A_521 = arith.constant 32 : index
        %get3A_522 = tpu.vector_load %arg11[%get3A_520, %get3A_521] {strides = array<i32>} : memref<128x64xbf16, #tpu.memory_space<vmem>>, vector<32xbf16>,
        %get3A_523 = arith.index_cast %add3A_509 : i32 to index
        %get3A_524 = arith.constant 32 : index
        %get3A_525 = tpu.vector_load %arg12[%get3A_523, %get3A_524] {strides = array<i32>} : memref<128x64xbf16, #tpu.memory_space<vmem>>, vector<32xbf16>,
        %mul3A_526 = arith.mulf %get3A_522, %get3A_525 : vector<32xbf16>
        %unpack3A_527 = tpu.unpack_subelements %mul3A_526, 0 {pack_format = #tpu.pack_format<interleaved>} : vector<32xbf16> -> vector<16xf32>
        %unpack3A_528 = tpu.unpack_subelements %mul3A_526, 1 {pack_format = #tpu.pack_format<interleaved>} : vector<32xbf16> -> vector<16xf32>
        %add3A_529 = arith.addf %unpack3A_527, %unpack3A_528 : vector<16xf32>
        %add3A_530 = arith.addf %add3A_519, %add3A_529 : vector<16xf32>
        %swap3A_531 = arith.constant 13 : i32
        %swap3A_532 = arith.index_cast %swap3A_531 : i32 to index
        %swap3A_533 = arith.constant 0 : index
        %swap3A_534 = tpu.vector_load %arg15[%swap3A_532, %swap3A_533] {strides = array<i32>} : memref<16x17xf32, #tpu.memory_space<vmem>>, vector<16xf32>,
        tpu.vector_store %arg15[%swap3A_532, %swap3A_533], %add3A_530 {strides = array<i32>} : memref<16x17xf32, #tpu.memory_space<vmem>>, vector<16xf32>,
        %mul3A_535 = arith.constant 16 : i32
        %mul3A_536 = arith.muli %scan3A_130, %mul3A_535 : i32
        %add3A_537 = arith.constant 14 : i32
        %add3A_538 = arith.addi %mul3A_536, %add3A_537 : i32
        %get3A_539 = arith.index_cast %add3A_538 : i32 to index
        %get3A_540 = arith.constant 0 : index
        %get3A_541 = tpu.vector_load %arg11[%get3A_539, %get3A_540] {strides = array<i32>} : memref<128x64xbf16, #tpu.memory_space<vmem>>, vector<32xbf16>,
        %get3A_542 = arith.index_cast %add3A_538 : i32 to index
        %get3A_543 = arith.constant 0 : index
        %get3A_544 = tpu.vector_load %arg12[%get3A_542, %get3A_543] {strides = array<i32>} : memref<128x64xbf16, #tpu.memory_space<vmem>>, vector<32xbf16>,
        %mul3A_545 = arith.mulf %get3A_541, %get3A_544 : vector<32xbf16>
        %unpack3A_546 = tpu.unpack_subelements %mul3A_545, 0 {pack_format = #tpu.pack_format<interleaved>} : vector<32xbf16> -> vector<16xf32>
        %unpack3A_547 = tpu.unpack_subelements %mul3A_545, 1 {pack_format = #tpu.pack_format<interleaved>} : vector<32xbf16> -> vector<16xf32>
        %add3A_548 = arith.addf %unpack3A_546, %unpack3A_547 : vector<16xf32>
        %get3A_549 = arith.index_cast %add3A_538 : i32 to index
        %get3A_550 = arith.constant 32 : index
        %get3A_551 = tpu.vector_load %arg11[%get3A_549, %get3A_550] {strides = array<i32>} : memref<128x64xbf16, #tpu.memory_space<vmem>>, vector<32xbf16>,
        %get3A_552 = arith.index_cast %add3A_538 : i32 to index
        %get3A_553 = arith.constant 32 : index
        %get3A_554 = tpu.vector_load %arg12[%get3A_552, %get3A_553] {strides = array<i32>} : memref<128x64xbf16, #tpu.memory_space<vmem>>, vector<32xbf16>,
        %mul3A_555 = arith.mulf %get3A_551, %get3A_554 : vector<32xbf16>
        %unpack3A_556 = tpu.unpack_subelements %mul3A_555, 0 {pack_format = #tpu.pack_format<interleaved>} : vector<32xbf16> -> vector<16xf32>
        %unpack3A_557 = tpu.unpack_subelements %mul3A_555, 1 {pack_format = #tpu.pack_format<interleaved>} : vector<32xbf16> -> vector<16xf32>
        %add3A_558 = arith.addf %unpack3A_556, %unpack3A_557 : vector<16xf32>
        %add3A_559 = arith.addf %add3A_548, %add3A_558 : vector<16xf32>
        %swap3A_560 = arith.constant 14 : i32
        %swap3A_561 = arith.index_cast %swap3A_560 : i32 to index
        %swap3A_562 = arith.constant 0 : index
        %swap3A_563 = tpu.vector_load %arg15[%swap3A_561, %swap3A_562] {strides = array<i32>} : memref<16x17xf32, #tpu.memory_space<vmem>>, vector<16xf32>,
        tpu.vector_store %arg15[%swap3A_561, %swap3A_562], %add3A_559 {strides = array<i32>} : memref<16x17xf32, #tpu.memory_space<vmem>>, vector<16xf32>,
        %mul3A_564 = arith.constant 16 : i32
        %mul3A_565 = arith.muli %scan3A_130, %mul3A_564 : i32
        %add3A_566 = arith.constant 15 : i32
        %add3A_567 = arith.addi %mul3A_565, %add3A_566 : i32
        %get3A_568 = arith.index_cast %add3A_567 : i32 to index
        %get3A_569 = arith.constant 0 : index
        %get3A_570 = tpu.vector_load %arg11[%get3A_568, %get3A_569] {strides = array<i32>} : memref<128x64xbf16, #tpu.memory_space<vmem>>, vector<32xbf16>,
        %get3A_571 = arith.index_cast %add3A_567 : i32 to index
        %get3A_572 = arith.constant 0 : index
        %get3A_573 = tpu.vector_load %arg12[%get3A_571, %get3A_572] {strides = array<i32>} : memref<128x64xbf16, #tpu.memory_space<vmem>>, vector<32xbf16>,
        %mul3A_574 = arith.mulf %get3A_570, %get3A_573 : vector<32xbf16>
        %unpack3A_575 = tpu.unpack_subelements %mul3A_574, 0 {pack_format = #tpu.pack_format<interleaved>} : vector<32xbf16> -> vector<16xf32>
        %unpack3A_576 = tpu.unpack_subelements %mul3A_574, 1 {pack_format = #tpu.pack_format<interleaved>} : vector<32xbf16> -> vector<16xf32>
        %add3A_577 = arith.addf %unpack3A_575, %unpack3A_576 : vector<16xf32>
        %get3A_578 = arith.index_cast %add3A_567 : i32 to index
        %get3A_579 = arith.constant 32 : index
        %get3A_580 = tpu.vector_load %arg11[%get3A_578, %get3A_579] {strides = array<i32>} : memref<128x64xbf16, #tpu.memory_space<vmem>>, vector<32xbf16>,
        %get3A_581 = arith.index_cast %add3A_567 : i32 to index
        %get3A_582 = arith.constant 32 : index
        %get3A_583 = tpu.vector_load %arg12[%get3A_581, %get3A_582] {strides = array<i32>} : memref<128x64xbf16, #tpu.memory_space<vmem>>, vector<32xbf16>,
        %mul3A_584 = arith.mulf %get3A_580, %get3A_583 : vector<32xbf16>
        %unpack3A_585 = tpu.unpack_subelements %mul3A_584, 0 {pack_format = #tpu.pack_format<interleaved>} : vector<32xbf16> -> vector<16xf32>
        %unpack3A_586 = tpu.unpack_subelements %mul3A_584, 1 {pack_format = #tpu.pack_format<interleaved>} : vector<32xbf16> -> vector<16xf32>
        %add3A_587 = arith.addf %unpack3A_585, %unpack3A_586 : vector<16xf32>
        %add3A_588 = arith.addf %add3A_577, %add3A_587 : vector<16xf32>
        %swap3A_589 = arith.constant 15 : i32
        %swap3A_590 = arith.index_cast %swap3A_589 : i32 to index
        %swap3A_591 = arith.constant 0 : index
        %swap3A_592 = tpu.vector_load %arg15[%swap3A_590, %swap3A_591] {strides = array<i32>} : memref<16x17xf32, #tpu.memory_space<vmem>>, vector<16xf32>,
        tpu.vector_store %arg15[%swap3A_590, %swap3A_591], %add3A_588 {strides = array<i32>} : memref<16x17xf32, #tpu.memory_space<vmem>>, vector<16xf32>,
        %broadcast_in_dim3A = arith.constant 0.000000e+00 : f32
        %broadcast_in_dim3A_593 = vector.broadcast %broadcast_in_dim3A : f32 to vector<16xf32>
        %broadcast_in_dim3A_594 = arith.constant 0.000000e+00 : f32
        %broadcast_in_dim3A_595 = vector.broadcast %broadcast_in_dim3A_594 : f32 to vector<16xf32>
        %broadcast_in_dim3A_596 = arith.constant 0.000000e+00 : f32
        %broadcast_in_dim3A_597 = vector.broadcast %broadcast_in_dim3A_596 : f32 to vector<16xf32>
        %broadcast_in_dim3A_598 = arith.constant 0.000000e+00 : f32
        %broadcast_in_dim3A_599 = vector.broadcast %broadcast_in_dim3A_598 : f32 to vector<16xf32>
        %broadcast_in_dim3A_600 = arith.constant 0 : i32
        %broadcast_in_dim3A_601 = vector.broadcast %broadcast_in_dim3A_600 : i32 to vector<16xi32>
        %gather3A = tpu.vector_load_idx %arg15[%iota3A, %broadcast_in_dim3A_601] : memref<16x17xf32, #tpu.memory_space<vmem>>[vector<16xi32>, vector<16xi32>], vector<16xf32>,
        %add3A_602 = arith.addf %broadcast_in_dim3A_593, %gather3A : vector<16xf32>
        %broadcast_in_dim3A_603 = arith.constant 1 : i32
        %broadcast_in_dim3A_604 = vector.broadcast %broadcast_in_dim3A_603 : i32 to vector<16xi32>
        %gather3A_605 = tpu.vector_load_idx %arg15[%iota3A, %broadcast_in_dim3A_604] : memref<16x17xf32, #tpu.memory_space<vmem>>[vector<16xi32>, vector<16xi32>], vector<16xf32>,
        %add3A_606 = arith.addf %broadcast_in_dim3A_595, %gather3A_605 : vector<16xf32>
        %broadcast_in_dim3A_607 = arith.constant 2 : i32
        %broadcast_in_dim3A_608 = vector.broadcast %broadcast_in_dim3A_607 : i32 to vector<16xi32>
        %gather3A_609 = tpu.vector_load_idx %arg15[%iota3A, %broadcast_in_dim3A_608] : memref<16x17xf32, #tpu.memory_space<vmem>>[vector<16xi32>, vector<16xi32>], vector<16xf32>,
        %add3A_610 = arith.addf %broadcast_in_dim3A_597, %gather3A_609 : vector<16xf32>
        %broadcast_in_dim3A_611 = arith.constant 3 : i32
        %broadcast_in_dim3A_612 = vector.broadcast %broadcast_in_dim3A_611 : i32 to vector<16xi32>
        %gather3A_613 = tpu.vector_load_idx %arg15[%iota3A, %broadcast_in_dim3A_612] : memref<16x17xf32, #tpu.memory_space<vmem>>[vector<16xi32>, vector<16xi32>], vector<16xf32>,
        %add3A_614 = arith.addf %broadcast_in_dim3A_599, %gather3A_613 : vector<16xf32>
        %broadcast_in_dim3A_615 = arith.constant 4 : i32
        %broadcast_in_dim3A_616 = vector.broadcast %broadcast_in_dim3A_615 : i32 to vector<16xi32>
        %gather3A_617 = tpu.vector_load_idx %arg15[%iota3A, %broadcast_in_dim3A_616] : memref<16x17xf32, #tpu.memory_space<vmem>>[vector<16xi32>, vector<16xi32>], vector<16xf32>,
        %add3A_618 = arith.addf %add3A_602, %gather3A_617 : vector<16xf32>
        %broadcast_in_dim3A_619 = arith.constant 5 : i32
        %broadcast_in_dim3A_620 = vector.broadcast %broadcast_in_dim3A_619 : i32 to vector<16xi32>
        %gather3A_621 = tpu.vector_load_idx %arg15[%iota3A, %broadcast_in_dim3A_620] : memref<16x17xf32, #tpu.memory_space<vmem>>[vector<16xi32>, vector<16xi32>], vector<16xf32>,
        %add3A_622 = arith.addf %add3A_606, %gather3A_621 : vector<16xf32>
        %broadcast_in_dim3A_623 = arith.constant 6 : i32
        %broadcast_in_dim3A_624 = vector.broadcast %broadcast_in_dim3A_623 : i32 to vector<16xi32>
        %gather3A_625 = tpu.vector_load_idx %arg15[%iota3A, %broadcast_in_dim3A_624] : memref<16x17xf32, #tpu.memory_space<vmem>>[vector<16xi32>, vector<16xi32>], vector<16xf32>,
        %add3A_626 = arith.addf %add3A_610, %gather3A_625 : vector<16xf32>
        %broadcast_in_dim3A_627 = arith.constant 7 : i32
        %broadcast_in_dim3A_628 = vector.broadcast %broadcast_in_dim3A_627 : i32 to vector<16xi32>
        %gather3A_629 = tpu.vector_load_idx %arg15[%iota3A, %broadcast_in_dim3A_628] : memref<16x17xf32, #tpu.memory_space<vmem>>[vector<16xi32>, vector<16xi32>], vector<16xf32>,
        %add3A_630 = arith.addf %add3A_614, %gather3A_629 : vector<16xf32>
        %broadcast_in_dim3A_631 = arith.constant 8 : i32
        %broadcast_in_dim3A_632 = vector.broadcast %broadcast_in_dim3A_631 : i32 to vector<16xi32>
        %gather3A_633 = tpu.vector_load_idx %arg15[%iota3A, %broadcast_in_dim3A_632] : memref<16x17xf32, #tpu.memory_space<vmem>>[vector<16xi32>, vector<16xi32>], vector<16xf32>,
        %add3A_634 = arith.addf %add3A_618, %gather3A_633 : vector<16xf32>
        %broadcast_in_dim3A_635 = arith.constant 9 : i32
        %broadcast_in_dim3A_636 = vector.broadcast %broadcast_in_dim3A_635 : i32 to vector<16xi32>
        %gather3A_637 = tpu.vector_load_idx %arg15[%iota3A, %broadcast_in_dim3A_636] : memref<16x17xf32, #tpu.memory_space<vmem>>[vector<16xi32>, vector<16xi32>], vector<16xf32>,
        %add3A_638 = arith.addf %add3A_622, %gather3A_637 : vector<16xf32>
        %broadcast_in_dim3A_639 = arith.constant 10 : i32
        %broadcast_in_dim3A_640 = vector.broadcast %broadcast_in_dim3A_639 : i32 to vector<16xi32>
        %gather3A_641 = tpu.vector_load_idx %arg15[%iota3A, %broadcast_in_dim3A_640] : memref<16x17xf32, #tpu.memory_space<vmem>>[vector<16xi32>, vector<16xi32>], vector<16xf32>,
        %add3A_642 = arith.addf %add3A_626, %gather3A_641 : vector<16xf32>
        %broadcast_in_dim3A_643 = arith.constant 11 : i32
        %broadcast_in_dim3A_644 = vector.broadcast %broadcast_in_dim3A_643 : i32 to vector<16xi32>
        %gather3A_645 = tpu.vector_load_idx %arg15[%iota3A, %broadcast_in_dim3A_644] : memref<16x17xf32, #tpu.memory_space<vmem>>[vector<16xi32>, vector<16xi32>], vector<16xf32>,
        %add3A_646 = arith.addf %add3A_630, %gather3A_645 : vector<16xf32>
        %broadcast_in_dim3A_647 = arith.constant 12 : i32
        %broadcast_in_dim3A_648 = vector.broadcast %broadcast_in_dim3A_647 : i32 to vector<16xi32>
        %gather3A_649 = tpu.vector_load_idx %arg15[%iota3A, %broadcast_in_dim3A_648] : memref<16x17xf32, #tpu.memory_space<vmem>>[vector<16xi32>, vector<16xi32>], vector<16xf32>,
        %add3A_650 = arith.addf %add3A_634, %gather3A_649 : vector<16xf32>
        %broadcast_in_dim3A_651 = arith.constant 13 : i32
        %broadcast_in_dim3A_652 = vector.broadcast %broadcast_in_dim3A_651 : i32 to vector<16xi32>
        %gather3A_653 = tpu.vector_load_idx %arg15[%iota3A, %broadcast_in_dim3A_652] : memref<16x17xf32, #tpu.memory_space<vmem>>[vector<16xi32>, vector<16xi32>], vector<16xf32>,
        %add3A_654 = arith.addf %add3A_638, %gather3A_653 : vector<16xf32>
        %broadcast_in_dim3A_655 = arith.constant 14 : i32
        %broadcast_in_dim3A_656 = vector.broadcast %broadcast_in_dim3A_655 : i32 to vector<16xi32>
        %gather3A_657 = tpu.vector_load_idx %arg15[%iota3A, %broadcast_in_dim3A_656] : memref<16x17xf32, #tpu.memory_space<vmem>>[vector<16xi32>, vector<16xi32>], vector<16xf32>,
        %add3A_658 = arith.addf %add3A_642, %gather3A_657 : vector<16xf32>
        %broadcast_in_dim3A_659 = arith.constant 15 : i32
        %broadcast_in_dim3A_660 = vector.broadcast %broadcast_in_dim3A_659 : i32 to vector<16xi32>
        %gather3A_661 = tpu.vector_load_idx %arg15[%iota3A, %broadcast_in_dim3A_660] : memref<16x17xf32, #tpu.memory_space<vmem>>[vector<16xi32>, vector<16xi32>], vector<16xf32>,
        %add3A_662 = arith.addf %add3A_646, %gather3A_661 : vector<16xf32>
        %add3A_663 = arith.addf %add3A_650, %add3A_654 : vector<16xf32>
        %add3A_664 = arith.addf %add3A_658, %add3A_662 : vector<16xf32>
        %add3A_665 = arith.addf %add3A_663, %add3A_664 : vector<16xf32>
        %mul3A_666 = arith.constant 16 : i32
        %mul3A_667 = arith.muli %scan3A_130, %mul3A_666 : i32
        %swap3A_668 = arith.index_cast %mul3A_667 : i32 to index
        %swap3A_669 = tpu.vector_load %arg14[%swap3A_668] {strides = array<i32>} : memref<128xf32, #tpu.memory_space<vmem>>, vector<16xf32>,
        tpu.vector_store %arg14[%swap3A_668], %add3A_665 {strides = array<i32>} : memref<128xf32, #tpu.memory_space<vmem>>, vector<16xf32>,
        %scan3A_670 = arith.constant 0 : i32
        scf.yield %scan3A_670 : i32
      }
      %scan3A_112 = arith.constant 8 : i32
      %mul3A_113 = arith.constant 6400 : i32
      %mul3A_114 = arith.muli %add3A, %mul3A_113 : i32
      %add3A_115 = arith.constant 1 : i32
      %add3A_116 = arith.addi %mul3A_50, %add3A_115 : i32
      %mul3A_117 = arith.constant 128 : i32
      %mul3A_118 = arith.muli %add3A_116, %mul3A_117 : i32
      %add3A_119 = arith.addi %mul3A_114, %mul3A_118 : i32
      %dma_start3A_120 = tpu.memref_slice %arg5[%add3A_119] : memref<204800xf32, #tpu.memory_space<hbm>> -> memref<128xf32, #tpu.memory_space<hbm>>
      %dma_start3A_121 = tpu.memref_slice %arg5[%add3A_119] : memref<204800xf32, #tpu.memory_space<hbm>> -> memref<128xf32, #tpu.memory_space<hbm>>
      tpu.enqueue_dma source(%arg14 : memref<128xf32, #tpu.memory_space<vmem>>) target(%dma_start3A_121 : memref<128xf32, #tpu.memory_space<hbm>>) target_semaphore(%arg21 : memref<!tpu.dma_semaphore, #tpu.memory_space<semaphore_mem>>)
      %add3A_122 = arith.constant 3 : i32
      %add3A_123 = arith.addi %mul3A_50, %add3A_122 : i32
      %lt3A_124 = arith.constant 50 : i32
      %lt3A_125 = arith.cmpi slt, %add3A_123, %lt3A_124 : i32
      %convert_element_type3A_126 = arith.extui %lt3A_125 : i1 to i32
      %cond3A_127 = arith.constant 0 : i32
      %cond3A_128 = arith.cmpi ne, %convert_element_type3A_126, %cond3A_127 : i32
      scf.if %cond3A_128 {
        %add3A_130 = arith.constant 3 : i32
        %add3A_131 = arith.addi %mul3A_50, %add3A_130 : i32
        %dma_start3A_132 = arith.constant 0 : i32
        %dma_start3A_133 = tpu.memref_slice %arg7[%add3A_131, %dma_start3A_132] : memref<50x128xi32, #tpu.memory_space<vmem>> -> memref<1x128xi32, #tpu.memory_space<vmem>>
        %dma_start3A_134 = tpu.memref_squeeze %dma_start3A_133 : memref<1x128xi32, #tpu.memory_space<vmem>> -> memref<128xi32, #tpu.memory_space<vmem>>
        %dma_start3A_135 = arith.constant 0 : i32
        %dma_start3A_136 = arith.constant 0 : i32
        %dma_start3A_137 = tpu.memref_slice %arg6[%dma_start3A_135, %dma_start3A_136] : memref<10000x64xbf16, #tpu.memory_space<vmem_shared>> -> memref<10000x64xbf16, #tpu.memory_space<vmem_shared>>
        tpu.enqueue_indirect_dma source(%dma_start3A_137 : memref<10000x64xbf16, #tpu.memory_space<vmem_shared>>) target(%arg11 : memref<128x64xbf16, #tpu.memory_space<vmem>>) offsets(%dma_start3A_134 : memref<128xi32, #tpu.memory_space<vmem>>) semaphore(%arg18 : memref<!tpu.dma_semaphore, #tpu.memory_space<semaphore_mem>>)
        %add3A_138 = arith.constant 3 : i32
        %add3A_139 = arith.addi %mul3A_50, %add3A_138 : i32
        %dma_start3A_140 = arith.constant 0 : i32
        %dma_start3A_141 = tpu.memref_slice %arg8[%add3A_139, %dma_start3A_140] : memref<50x128xi32, #tpu.memory_space<vmem>> -> memref<1x128xi32, #tpu.memory_space<vmem>>
        %dma_start3A_142 = tpu.memref_squeeze %dma_start3A_141 : memref<1x128xi32, #tpu.memory_space<vmem>> -> memref<128xi32, #tpu.memory_space<vmem>>
        %dma_start3A_143 = arith.constant 0 : i32
        %dma_start3A_144 = arith.constant 0 : i32
        %dma_start3A_145 = tpu.memref_slice %arg6[%dma_start3A_143, %dma_start3A_144] : memref<10000x64xbf16, #tpu.memory_space<vmem_shared>> -> memref<10000x64xbf16, #tpu.memory_space<vmem_shared>>
        tpu.enqueue_indirect_dma source(%dma_start3A_145 : memref<10000x64xbf16, #tpu.memory_space<vmem_shared>>) target(%arg12 : memref<128x64xbf16, #tpu.memory_space<vmem>>) offsets(%dma_start3A_142 : memref<128xi32, #tpu.memory_space<vmem>>) semaphore(%arg19 : memref<!tpu.dma_semaphore, #tpu.memory_space<semaphore_mem>>)
      } else {
      }
      %scan3A_129 = arith.constant 0 : i32
      scf.yield %scan3A_129 : i32
    }
    %scan3A_39 = arith.constant 25 : i32
    %mul3A_40 = arith.constant 6400 : i32
    %mul3A_41 = arith.muli %add3A, %mul3A_40 : i32
    %dma_wait3A = tpu.memref_slice %arg5[%mul3A_41] : memref<204800xf32, #tpu.memory_space<hbm>> -> memref<128xf32, #tpu.memory_space<hbm>>
    %dma_wait3A_42 = tpu.memref_slice %arg5[%mul3A_41] : memref<204800xf32, #tpu.memory_space<hbm>> -> memref<128xf32, #tpu.memory_space<hbm>>
    tpu.wait_dma2 semaphore(%arg20 : memref<!tpu.dma_semaphore, #tpu.memory_space<semaphore_mem>>) src(%arg13 : memref<128xf32, #tpu.memory_space<vmem>>) dst(%dma_wait3A_42 : memref<128xf32, #tpu.memory_space<hbm>>)
    %mul3A_43 = arith.constant 6400 : i32
    %mul3A_44 = arith.muli %add3A, %mul3A_43 : i32
    %dma_wait3A_45 = tpu.memref_slice %arg5[%mul3A_44] : memref<204800xf32, #tpu.memory_space<hbm>> -> memref<128xf32, #tpu.memory_space<hbm>>
    %dma_wait3A_46 = tpu.memref_slice %arg5[%mul3A_44] : memref<204800xf32, #tpu.memory_space<hbm>> -> memref<128xf32, #tpu.memory_space<hbm>>
    tpu.wait_dma2 semaphore(%arg21 : memref<!tpu.dma_semaphore, #tpu.memory_space<semaphore_mem>>) src(%arg14 : memref<128xf32, #tpu.memory_space<vmem>>) dst(%dma_wait3A_46 : memref<128xf32, #tpu.memory_space<hbm>>)
    return
  }
}

module attributes {stable_mosaic.version = 14 : i64} {
  func.func @_t1_body(%arg0: i32, %arg1: memref<2x1000x16xf32, #tpu.memory_space<vmem>>, %arg2: memref<1000x128xf32, #tpu.memory_space<vmem>>, %arg3: memref<128x128xf32, #tpu.memory_space<vmem>>, %arg4: memref<1000x64xf32, #tpu.memory_space<vmem>>, %arg5: memref<1000x64xf32, #tpu.memory_space<vmem>>, %arg6: memref<1000x16xf32, #tpu.memory_space<vmem>>) attributes {dimension_semantics = [#tpu.dimension_semantics<arbitrary>], iteration_bounds = array<i64: 10>, scalar_prefetch = 0 : i64, scratch_operands = 0 : i64, tpu.core_type = #tpu.core_type<tc>, window_params = [{transform_indices = @transform_0, window_bounds = array<i64: 2, 1000, 16>}, {transform_indices = @transform_1, window_bounds = array<i64: 1000, 128>}, {pipeline_mode = #tpu.pipeline_mode<synchronous>, transform_indices = @transform_2, window_bounds = array<i64: 128, 128>}, {transform_indices = @transform_3, window_bounds = array<i64: 1000, 64>}, {transform_indices = @transform_4, window_bounds = array<i64: 1000, 64>}, {transform_indices = @transform_5, window_bounds = array<i64: 1000, 16>}]} {
    %get3A = arith.constant 0 : index
    %get3A_0 = arith.constant 0 : index
    %get3A_1 = arith.constant 0 : index
    %get3A_2 = vector.load %arg1[%get3A, %get3A_0, %get3A_1] : memref<2x1000x16xf32, #tpu.memory_space<vmem>>, vector<1x1000x1xf32>
    %get3A_3 = vector.shape_cast %get3A_2 : vector<1x1000x1xf32> to vector<1000x1xf32>
    %get3A_4 = arith.constant 1 : index
    %get3A_5 = arith.constant 0 : index
    %get3A_6 = arith.constant 0 : index
    %get3A_7 = vector.load %arg1[%get3A_4, %get3A_5, %get3A_6] : memref<2x1000x16xf32, #tpu.memory_space<vmem>>, vector<1x1000x1xf32>
    %get3A_8 = vector.shape_cast %get3A_7 : vector<1x1000x1xf32> to vector<1000x1xf32>
    %add3A = arith.addf %get3A_3, %get3A_8 : vector<1000x1xf32>
    %add3A_9 = arith.constant 1.000000e+00 : f32
    %add3A_10 = vector.broadcast %add3A_9 : f32 to vector<1000x1xf32>
    %add3A_11 = arith.addf %add3A, %add3A_10 : vector<1000x1xf32>
    %rsqrt3A = math.rsqrt %add3A_11 : vector<1000x1xf32>
    %get3A_12 = arith.constant 0 : index
    %get3A_13 = arith.constant 0 : index
    %get3A_14 = vector.load %arg2[%get3A_12, %get3A_13] : memref<1000x128xf32, #tpu.memory_space<vmem>>, vector<1000x128xf32>
    %get3A_15 = arith.constant 0 : index
    %get3A_16 = arith.constant 0 : index
    %get3A_17 = vector.load %arg3[%get3A_15, %get3A_16] : memref<128x128xf32, #tpu.memory_space<vmem>>, vector<128x128xf32>
    %dot_general3A = arith.constant dense<0.000000e+00> : vector<1000x128xf32>
    %dot_general3A_18 = tpu.matmul %get3A_14, %get3A_17, %dot_general3A {dimension_numbers = #tpu.dot_dimension_numbers<[1], [0], [0], [1], [0, 0, 1, 1], [], []>, transpose_lhs_hint = false} : vector<1000x128xf32>, vector<128x128xf32>, vector<1000x128xf32> -> vector<1000x128xf32>
    %mul3A = vector.broadcast %rsqrt3A : vector<1000x1xf32> to vector<1000x128xf32>
    %mul3A_19 = arith.mulf %dot_general3A_18, %mul3A : vector<1000x128xf32>
    %slice3A = vector.extract_strided_slice %mul3A_19 {offsets = [0, 0], sizes = [1000, 64], strides = [1, 1]} : vector<1000x128xf32> to vector<1000x64xf32>
    %swap3A = arith.constant 0 : index
    %swap3A_20 = arith.constant 0 : index
    %swap3A_21 = vector.load %arg4[%swap3A, %swap3A_20] : memref<1000x64xf32, #tpu.memory_space<vmem>>, vector<1000x64xf32>
    tpu.vector_store %arg4[%swap3A, %swap3A_20], %slice3A {strides = array<i32>} : memref<1000x64xf32, #tpu.memory_space<vmem>>, vector<1000x64xf32>,
    %slice3A_22 = vector.extract_strided_slice %mul3A_19 {offsets = [0, 64], sizes = [1000, 64], strides = [1, 1]} : vector<1000x128xf32> to vector<1000x64xf32>
    %swap3A_23 = arith.constant 0 : index
    %swap3A_24 = arith.constant 0 : index
    %swap3A_25 = vector.load %arg5[%swap3A_23, %swap3A_24] : memref<1000x64xf32, #tpu.memory_space<vmem>>, vector<1000x64xf32>
    tpu.vector_store %arg5[%swap3A_23, %swap3A_24], %slice3A_22 {strides = array<i32>} : memref<1000x64xf32, #tpu.memory_space<vmem>>, vector<1000x64xf32>,
    %broadcast_in_dim3A = vector.shape_cast %rsqrt3A : vector<1000x1xf32> to vector<1000x1xf32>
    %broadcast_in_dim3A_26 = vector.broadcast %broadcast_in_dim3A : vector<1000x1xf32> to vector<1000x16xf32>
    %swap3A_27 = arith.constant 0 : index
    %swap3A_28 = arith.constant 0 : index
    %swap3A_29 = vector.load %arg6[%swap3A_27, %swap3A_28] : memref<1000x16xf32, #tpu.memory_space<vmem>>, vector<1000x16xf32>
    tpu.vector_store %arg6[%swap3A_27, %swap3A_28], %broadcast_in_dim3A_26 {strides = array<i32>} : memref<1000x16xf32, #tpu.memory_space<vmem>>, vector<1000x16xf32>,
    return
  }
  func.func @transform_0(%arg0: i32) -> (i32, i32, i32) {
    %c0_i32 = arith.constant 0 : i32
    %c0_i32_0 = arith.constant 0 : i32
    %c0_i32_1 = arith.constant 0 : i32
    return %c0_i32, %arg0, %c0_i32_0 : i32, i32, i32
  }
  func.func @transform_1(%arg0: i32) -> (i32, i32) {
    %c0_i32 = arith.constant 0 : i32
    %c0_i32_0 = arith.constant 0 : i32
    return %arg0, %c0_i32 : i32, i32
  }
  func.func @transform_2(%arg0: i32) -> (i32, i32) {
    %c0_i32 = arith.constant 0 : i32
    %c0_i32_0 = arith.constant 0 : i32
    %c0_i32_1 = arith.constant 0 : i32
    return %c0_i32, %c0_i32_0 : i32, i32
  }
  func.func @transform_3(%arg0: i32) -> (i32, i32) {
    %c0_i32 = arith.constant 0 : i32
    %c0_i32_0 = arith.constant 0 : i32
    return %arg0, %c0_i32 : i32, i32
  }
  func.func @transform_4(%arg0: i32) -> (i32, i32) {
    %c0_i32 = arith.constant 0 : i32
    %c0_i32_0 = arith.constant 0 : i32
    return %arg0, %c0_i32 : i32, i32
  }
  func.func @transform_5(%arg0: i32) -> (i32, i32) {
    %c0_i32 = arith.constant 0 : i32
    %c0_i32_0 = arith.constant 0 : i32
    return %arg0, %c0_i32 : i32, i32
  }
}

module attributes {stable_mosaic.version = 14 : i64} {
  func.func @_t2_body(%arg0: i32, %arg1: memref<2x2x1000x64xf32, #tpu.memory_space<vmem>>, %arg2: memref<1000x64xf32, #tpu.memory_space<vmem>>, %arg3: memref<1000x64xf32, #tpu.memory_space<vmem>>, %arg4: memref<1000x16xf32, #tpu.memory_space<vmem>>, %arg5: memref<1x128xf32, #tpu.memory_space<vmem>>, %arg6: memref<128x64xf32, #tpu.memory_space<vmem>>, %arg7: memref<1000x64xf32, #tpu.memory_space<vmem>>) attributes {dimension_semantics = [#tpu.dimension_semantics<arbitrary>], iteration_bounds = array<i64: 10>, scalar_prefetch = 0 : i64, scratch_operands = 0 : i64, tpu.core_type = #tpu.core_type<tc>, window_params = [{transform_indices = @transform_0, window_bounds = array<i64: 2, 2, 1000, 64>}, {transform_indices = @transform_1, window_bounds = array<i64: 1000, 64>}, {transform_indices = @transform_2, window_bounds = array<i64: 1000, 64>}, {transform_indices = @transform_3, window_bounds = array<i64: 1000, 16>}, {pipeline_mode = #tpu.pipeline_mode<synchronous>, transform_indices = @transform_4, window_bounds = array<i64: 1, 128>}, {pipeline_mode = #tpu.pipeline_mode<synchronous>, transform_indices = @transform_5, window_bounds = array<i64: 128, 64>}, {transform_indices = @transform_6, window_bounds = array<i64: 1000, 64>}]} {
    %get3A = arith.constant 0 : index
    %get3A_0 = arith.constant 0 : index
    %get3A_1 = vector.load %arg4[%get3A, %get3A_0] : memref<1000x16xf32, #tpu.memory_space<vmem>>, vector<1000x1xf32>
    %get3A_2 = arith.constant 0 : index
    %get3A_3 = arith.constant 0 : index
    %get3A_4 = arith.constant 0 : index
    %get3A_5 = arith.constant 0 : index
    %get3A_6 = vector.load %arg1[%get3A_2, %get3A_3, %get3A_4, %get3A_5] : memref<2x2x1000x64xf32, #tpu.memory_space<vmem>>, vector<1x1x1000x64xf32>
    %get3A_7 = vector.shape_cast %get3A_6 : vector<1x1x1000x64xf32> to vector<1000x64xf32>
    %get3A_8 = arith.constant 0 : index
    %get3A_9 = arith.constant 1 : index
    %get3A_10 = arith.constant 0 : index
    %get3A_11 = arith.constant 0 : index
    %get3A_12 = vector.load %arg1[%get3A_8, %get3A_9, %get3A_10, %get3A_11] : memref<2x2x1000x64xf32, #tpu.memory_space<vmem>>, vector<1x1x1000x64xf32>
    %get3A_13 = vector.shape_cast %get3A_12 : vector<1x1x1000x64xf32> to vector<1000x64xf32>
    %add3A = arith.addf %get3A_7, %get3A_13 : vector<1000x64xf32>
    %get3A_14 = arith.constant 0 : index
    %get3A_15 = arith.constant 0 : index
    %get3A_16 = vector.load %arg2[%get3A_14, %get3A_15] : memref<1000x64xf32, #tpu.memory_space<vmem>>, vector<1000x64xf32>
    %add3A_17 = arith.addf %add3A, %get3A_16 : vector<1000x64xf32>
    %get3A_18 = arith.constant 1 : index
    %get3A_19 = arith.constant 0 : index
    %get3A_20 = arith.constant 0 : index
    %get3A_21 = arith.constant 0 : index
    %get3A_22 = vector.load %arg1[%get3A_18, %get3A_19, %get3A_20, %get3A_21] : memref<2x2x1000x64xf32, #tpu.memory_space<vmem>>, vector<1x1x1000x64xf32>
    %get3A_23 = vector.shape_cast %get3A_22 : vector<1x1x1000x64xf32> to vector<1000x64xf32>
    %get3A_24 = arith.constant 1 : index
    %get3A_25 = arith.constant 1 : index
    %get3A_26 = arith.constant 0 : index
    %get3A_27 = arith.constant 0 : index
    %get3A_28 = vector.load %arg1[%get3A_24, %get3A_25, %get3A_26, %get3A_27] : memref<2x2x1000x64xf32, #tpu.memory_space<vmem>>, vector<1x1x1000x64xf32>
    %get3A_29 = vector.shape_cast %get3A_28 : vector<1x1x1000x64xf32> to vector<1000x64xf32>
    %add3A_30 = arith.addf %get3A_23, %get3A_29 : vector<1000x64xf32>
    %get3A_31 = arith.constant 0 : index
    %get3A_32 = arith.constant 0 : index
    %get3A_33 = vector.load %arg3[%get3A_31, %get3A_32] : memref<1000x64xf32, #tpu.memory_space<vmem>>, vector<1000x64xf32>
    %add3A_34 = arith.addf %add3A_30, %get3A_33 : vector<1000x64xf32>
    %concatenate3A = tpu.concatenate %add3A_17, %add3A_34 in 1 : vector<1000x64xf32>, vector<1000x64xf32> -> vector<1000x128xf32>
    %mul3A = vector.broadcast %get3A_1 : vector<1000x1xf32> to vector<1000x128xf32>
    %mul3A_35 = arith.mulf %concatenate3A, %mul3A : vector<1000x128xf32>
    %get3A_36 = arith.constant 0 : index
    %get3A_37 = arith.constant 0 : index
    %get3A_38 = vector.load %arg5[%get3A_36, %get3A_37] : memref<1x128xf32, #tpu.memory_space<vmem>>, vector<1x128xf32>
    %add3A_39 = vector.broadcast %get3A_38 : vector<1x128xf32> to vector<1000x128xf32>
    %add3A_40 = arith.addf %mul3A_35, %add3A_39 : vector<1000x128xf32>
    %max3A = arith.constant 0.000000e+00 : f32
    %max3A_41 = vector.broadcast %max3A : f32 to vector<1000x128xf32>
    %max3A_42 = arith.maximumf %add3A_40, %max3A_41 : vector<1000x128xf32>
    %get3A_43 = arith.constant 0 : index
    %get3A_44 = arith.constant 0 : index
    %get3A_45 = vector.load %arg6[%get3A_43, %get3A_44] : memref<128x64xf32, #tpu.memory_space<vmem>>, vector<128x64xf32>
    %dot_general3A = arith.constant dense<0.000000e+00> : vector<1000x64xf32>
    %dot_general3A_46 = tpu.matmul %max3A_42, %get3A_45, %dot_general3A {dimension_numbers = #tpu.dot_dimension_numbers<[1], [0], [0], [1], [0, 0, 1, 1], [], []>, transpose_lhs_hint = false} : vector<1000x128xf32>, vector<128x64xf32>, vector<1000x64xf32> -> vector<1000x64xf32>
    %mul3A_47 = vector.broadcast %get3A_1 : vector<1000x1xf32> to vector<1000x64xf32>
    %mul3A_48 = arith.mulf %dot_general3A_46, %mul3A_47 : vector<1000x64xf32>
    %swap3A = arith.constant 0 : index
    %swap3A_49 = arith.constant 0 : index
    %swap3A_50 = vector.load %arg7[%swap3A, %swap3A_49] : memref<1000x64xf32, #tpu.memory_space<vmem>>, vector<1000x64xf32>
    tpu.vector_store %arg7[%swap3A, %swap3A_49], %mul3A_48 {strides = array<i32>} : memref<1000x64xf32, #tpu.memory_space<vmem>>, vector<1000x64xf32>,
    return
  }
  func.func @transform_0(%arg0: i32) -> (i32, i32, i32, i32) {
    %c0_i32 = arith.constant 0 : i32
    %c0_i32_0 = arith.constant 0 : i32
    %c0_i32_1 = arith.constant 0 : i32
    %c0_i32_2 = arith.constant 0 : i32
    return %c0_i32, %c0_i32_0, %arg0, %c0_i32_1 : i32, i32, i32, i32
  }
  func.func @transform_1(%arg0: i32) -> (i32, i32) {
    %c0_i32 = arith.constant 0 : i32
    %c0_i32_0 = arith.constant 0 : i32
    return %arg0, %c0_i32 : i32, i32
  }
  func.func @transform_2(%arg0: i32) -> (i32, i32) {
    %c0_i32 = arith.constant 0 : i32
    %c0_i32_0 = arith.constant 0 : i32
    return %arg0, %c0_i32 : i32, i32
  }
  func.func @transform_3(%arg0: i32) -> (i32, i32) {
    %c0_i32 = arith.constant 0 : i32
    %c0_i32_0 = arith.constant 0 : i32
    return %arg0, %c0_i32 : i32, i32
  }
  func.func @transform_4(%arg0: i32) -> (i32, i32) {
    %c0_i32 = arith.constant 0 : i32
    %c0_i32_0 = arith.constant 0 : i32
    %c0_i32_1 = arith.constant 0 : i32
    return %c0_i32, %c0_i32_0 : i32, i32
  }
  func.func @transform_5(%arg0: i32) -> (i32, i32) {
    %c0_i32 = arith.constant 0 : i32
    %c0_i32_0 = arith.constant 0 : i32
    %c0_i32_1 = arith.constant 0 : i32
    return %c0_i32, %c0_i32_0 : i32, i32
  }
  func.func @transform_6(%arg0: i32) -> (i32, i32) {
    %c0_i32 = arith.constant 0 : i32
    %c0_i32_0 = arith.constant 0 : i32
    return %arg0, %c0_i32 : i32, i32
  }
}

module attributes {stable_mosaic.version = 14 : i64} {
  func.func @_t3_body(%arg0: i32, %arg1: memref<2x1000x64xf32, #tpu.memory_space<vmem>>, %arg2: memref<1000x64xf32, #tpu.memory_space<vmem>>, %arg3: memref<1000x16xf32, #tpu.memory_space<vmem>>, %arg4: memref<1x64xf32, #tpu.memory_space<vmem>>, %arg5: memref<1000x64xbf16, #tpu.memory_space<vmem>>) attributes {dimension_semantics = [#tpu.dimension_semantics<arbitrary>], iteration_bounds = array<i64: 10>, scalar_prefetch = 0 : i64, scratch_operands = 0 : i64, tpu.core_type = #tpu.core_type<tc>, window_params = [{transform_indices = @transform_0, window_bounds = array<i64: 2, 1000, 64>}, {transform_indices = @transform_1, window_bounds = array<i64: 1000, 64>}, {transform_indices = @transform_2, window_bounds = array<i64: 1000, 16>}, {pipeline_mode = #tpu.pipeline_mode<synchronous>, transform_indices = @transform_3, window_bounds = array<i64: 1, 64>}, {transform_indices = @transform_4, window_bounds = array<i64: 1000, 64>}]} {
    %get3A = arith.constant 0 : index
    %get3A_0 = arith.constant 0 : index
    %get3A_1 = vector.load %arg3[%get3A, %get3A_0] : memref<1000x16xf32, #tpu.memory_space<vmem>>, vector<1000x1xf32>
    %get3A_2 = arith.constant 0 : index
    %get3A_3 = arith.constant 0 : index
    %get3A_4 = arith.constant 0 : index
    %get3A_5 = vector.load %arg1[%get3A_2, %get3A_3, %get3A_4] : memref<2x1000x64xf32, #tpu.memory_space<vmem>>, vector<1x1000x64xf32>
    %get3A_6 = vector.shape_cast %get3A_5 : vector<1x1000x64xf32> to vector<1000x64xf32>
    %get3A_7 = arith.constant 1 : index
    %get3A_8 = arith.constant 0 : index
    %get3A_9 = arith.constant 0 : index
    %get3A_10 = vector.load %arg1[%get3A_7, %get3A_8, %get3A_9] : memref<2x1000x64xf32, #tpu.memory_space<vmem>>, vector<1x1000x64xf32>
    %get3A_11 = vector.shape_cast %get3A_10 : vector<1x1000x64xf32> to vector<1000x64xf32>
    %add3A = arith.addf %get3A_6, %get3A_11 : vector<1000x64xf32>
    %get3A_12 = arith.constant 0 : index
    %get3A_13 = arith.constant 0 : index
    %get3A_14 = vector.load %arg2[%get3A_12, %get3A_13] : memref<1000x64xf32, #tpu.memory_space<vmem>>, vector<1000x64xf32>
    %add3A_15 = arith.addf %add3A, %get3A_14 : vector<1000x64xf32>
    %mul3A = vector.broadcast %get3A_1 : vector<1000x1xf32> to vector<1000x64xf32>
    %mul3A_16 = arith.mulf %add3A_15, %mul3A : vector<1000x64xf32>
    %get3A_17 = arith.constant 0 : index
    %get3A_18 = arith.constant 0 : index
    %get3A_19 = vector.load %arg4[%get3A_17, %get3A_18] : memref<1x64xf32, #tpu.memory_space<vmem>>, vector<1x64xf32>
    %add3A_20 = vector.broadcast %get3A_19 : vector<1x64xf32> to vector<1000x64xf32>
    %add3A_21 = arith.addf %mul3A_16, %add3A_20 : vector<1000x64xf32>
    %convert_element_type3A = arith.truncf %add3A_21 : vector<1000x64xf32> to vector<1000x64xbf16>
    %swap3A = arith.constant 0 : index
    %swap3A_22 = arith.constant 0 : index
    %swap3A_23 = vector.load %arg5[%swap3A, %swap3A_22] : memref<1000x64xbf16, #tpu.memory_space<vmem>>, vector<1000x64xbf16>
    tpu.vector_store %arg5[%swap3A, %swap3A_22], %convert_element_type3A {strides = array<i32>} : memref<1000x64xbf16, #tpu.memory_space<vmem>>, vector<1000x64xbf16>,
    return
  }
  func.func @transform_0(%arg0: i32) -> (i32, i32, i32) {
    %c0_i32 = arith.constant 0 : i32
    %c0_i32_0 = arith.constant 0 : i32
    %c0_i32_1 = arith.constant 0 : i32
    return %c0_i32, %arg0, %c0_i32_0 : i32, i32, i32
  }
  func.func @transform_1(%arg0: i32) -> (i32, i32) {
    %c0_i32 = arith.constant 0 : i32
    %c0_i32_0 = arith.constant 0 : i32
    return %arg0, %c0_i32 : i32, i32
  }
  func.func @transform_2(%arg0: i32) -> (i32, i32) {
    %c0_i32 = arith.constant 0 : i32
    %c0_i32_0 = arith.constant 0 : i32
    return %arg0, %c0_i32 : i32, i32
  }
  func.func @transform_3(%arg0: i32) -> (i32, i32) {
    %c0_i32 = arith.constant 0 : i32
    %c0_i32_0 = arith.constant 0 : i32
    %c0_i32_1 = arith.constant 0 : i32
    return %c0_i32, %c0_i32_0 : i32, i32
  }
  func.func @transform_4(%arg0: i32) -> (i32, i32) {
    %c0_i32 = arith.constant 0 : i32
    %c0_i32_0 = arith.constant 0 : i32
    return %arg0, %c0_i32 : i32, i32
  }
}

</mosaic_0001>

<sc_bundles>
// kernel: kernel.12.cloned.1.call-start
scs
__scs_entry_jumppad:
0x0: {  	(pc) =	sbr.rel $0x88, $3  }
0x1: {  	(tag) =	ssettag $0x0;
	lr =	simm.s32 $0x1  }
0x2: {  	[smem:$0x3F9A] =	sst lr;
	_ =	strace $0xD0000000  }
0x3: {  	_ = 	snop  }
0x4: {  	_ = 	snop  }
0x5: {  	_ = 	snop  }
0x6: {  	_ = 	snop  }
0x7: {  	_ = 	snop  }
__scs_overlays_trampoline_lowered:
0x8: {  	[smem:$0x3FA9] =	sst s0  }
0x9: {  	[smem:$0x3FAA] =	sst s1  }
0xa: {  	[smem:$0x3FAB] =	sst s2  }
0xb: {  	[smem:$0x3FAC] =	sst s3  }
0xc: {  	[smem:$0x3FAD] =	sst s4  }
0xd: {  	[smem:$0x3FAE] =	sst s5  }
0xe: {  	[smem:$0x3FAF] =	sst s6  }
0xf: {  	[smem:$0x3FB0] =	sst s7  }
0x10: {  	[smem:$0x3FB1] =	sst s8  }
0x11: {  	[smem:$0x3FB2] =	sst s9;
	s0 =	simm.s32 @!p0 $0x0  }
0x12: {  	s1 =	sld [smem:$0x3F98];
	s0 =	simm.s32 @p0 $0x1  }
0x13: {  	[smem:$0x3FB3] =	sst s0;
	s0 =	simm.s32 @!p1 $0x0  }
0x14: {  	s2 =	sld [smem:$0x3F97];
	s0 =	simm.s32 @p1 $0x1  }
0x15: {  	[smem:$0x3FB4] =	sst s0;
	s0 =	simm.s32 @!p2 $0x0  }
0x16: {  	s3 =	sld [smem:$0x3FDB];
	s0 =	simm.s32 @p2 $0x1  }
0x17: {  	s4 =	simm.s32 $0x1BF5;
	[smem:$0x3FB6] =	sst s0  }
0x18: {  	s0 =	sld [smem:$0x3F99];
	_ =	swait.ge [sflag:s4], $0x0  }
0x19: {  	s7 =	sld [smem:$0x3F9A]  }
0x1a: {  	s8 =	sadd.s32 $0xFFFFE003, lr  }
0x1b: {  	s9 =	sadd.s32 $0xFFFFFEF7, lr;
	s5 =	simm.s32 $0xFFFFFFFF;
	p2 =	slt.u32 s8, $0xFFFFF086  }
0x1c: {  	p1 =	slt.u32 s9, $0xF7A;
	s5 =	simm.s32 @!p2 $0x0  }
0x1d: {  	s5 =	simm.s32 @p1 $0x1;
	p0 =	seq.s32 s7, s2  }
0x1e: {  	s7 =	smul.u32 @!p0 $0xF7A, s2;
	p2 =	seq.s32 @!p0 s5, $0x0  }
0x1f: {  	s9 =	smul.u32 $0xF7A, s1;
	s8 =	simm.s32 @!p0 $0x1BF5;
	p2 =	por !p2, p0  }
0x20: {  	[sflag:s8] =	ssyncset.s32 @!p0 $0xFFFFF086;
	s6 =	sadd.s32 @!p0 s3, s7;
	s7 =	simm.s32 @!p0 $0x108  }
0x21: {  	s3 =	sadd.s32 s3, s9;
	s6 =	sadd.s32 @!p0 $0x88, s6;
	s7 =	simm.s32 @p2 $0x1082  }
0x22: {  	[simem:s7], [sflag:s8] =	dma.local @!p0 [hbm:s6], $0xF7A  }
0x23: {  	s9 =	sor.u32 $0xD0000000, s2;
	s6 =	simm.s32 $0x108;
	_ =	swait.ge @!p0 [sflag:s8], $0x0  }
0x24: {  	s3 =	sadd.s32 $0x88, s3;
	s6 =	simm.s32 @!p1 $0x1082;
	[sflag:s4] =	ssyncset.s32 $0xFFFFF086  }
0x25: {  	[simem:s6], [sflag:s4] =	dma.local [hbm:s3], $0xF7A  }
0x26: {  	[smem:$0x3F9A] =	sst s1;
	(tag) =	ssettag s2;
	_ =	strace s9  }
0x27: {  	s1 =	sld [smem:$0x3FAA]  }
0x28: {  	s2 =	sld [smem:$0x3FAB]  }
0x29: {  	s4 =	sld [smem:$0x3FAD]  }
0x2a: {  	p0 =	seq.s32 s5, $0x0;
	s5 =	sld [smem:$0x3FAE]  }
0x2b: {  	s6 =	sld [smem:$0x3FAF]  }
0x2c: {  	s7 =	sld [smem:$0x3FB0]  }
0x2d: {  	s3 =	simm.s32 $0x108;
	s8 =	sld [smem:$0x3FB1]  }
0x2e: {  	s3 =	simm.s32 @!p0 $0x1082;
	s9 =	sld [smem:$0x3FB2]  }
0x2f: {  	lr =	sadd.s32 s0, s3;
	s0 =	sld [smem:$0x3FA9]  }
0x30: {  	s3 =	sld [smem:$0x3FAC]  }
0x31: {  	[smem:$0x3FB5] =	sst s10  }
0x32: {  	s10 =	sld [smem:$0x3FB3];
	_ =	sdelay $0x3  }
0x33: {  	p0 =	seq.s32 s10, $0x1;
	s10 =	sld [smem:$0x3FB5];
	_ =	sdelay $0x3  }
0x34: {  	[smem:$0x3FB5] =	sst s10  }
0x35: {  	s10 =	sld [smem:$0x3FB4];
	_ =	sdelay $0x3  }
0x36: {  	p1 =	seq.s32 s10, $0x1;
	s10 =	sld [smem:$0x3FB5];
	_ =	sdelay $0x3  }
0x37: {  	[smem:$0x3FB5] =	sst s10  }
0x38: {  	s10 =	sld [smem:$0x3FB6]  }
0x39: {  	_ = 	snop;
	(pc) =	sbr.ind lr, $3  }
0x3a: {  	_ = 	snop  }
0x3b: {  	_ = 	snop  }
0x3c: {  	p2 =	seq.s32 s10, $0x1;
	s10 =	sld [smem:$0x3FB5]  }
0x3d: {  	_ =	shalt  }
0x3e: {  	_ =	shalt  }
0x3f: {  	_ =	shalt  }
0x40: {  	_ =	shalt  }
0x41: {  	_ =	shalt  }
0x42: {  	_ =	shalt  }
0x43: {  	_ =	shalt  }
0x44: {  	_ =	shalt  }
0x45: {  	_ =	shalt  }
0x46: {  	_ =	shalt  }
0x47: {  	_ =	shalt  }
0x48: {  	_ =	shalt  }
0x49: {  	_ =	shalt  }
0x4a: {  	_ =	shalt  }
0x4b: {  	_ =	shalt  }
0x4c: {  	_ =	shalt  }
0x4d: {  	_ =	shalt  }
0x4e: {  	_ =	shalt  }
0x4f: {  	_ =	shalt  }
0x50: {  	_ =	shalt  }
0x51: {  	_ =	shalt  }
0x52: {  	_ =	shalt  }
0x53: {  	_ =	shalt  }
0x54: {  	_ =	shalt  }
0x55: {  	_ =	shalt  }
0x56: {  	_ =	shalt  }
0x57: {  	_ =	shalt  }
0x58: {  	_ =	shalt  }
0x59: {  	_ =	shalt  }
0x5a: {  	_ =	shalt  }
0x5b: {  	_ =	shalt  }
0x5c: {  	_ =	shalt  }
0x5d: {  	_ =	shalt  }
0x5e: {  	_ =	shalt  }
0x5f: {  	_ =	shalt  }
0x60: {  	_ =	shalt  }
0x61: {  	_ =	shalt  }
0x62: {  	_ =	shalt  }
0x63: {  	_ =	shalt  }
0x64: {  	_ =	shalt  }
0x65: {  	_ =	shalt  }
0x66: {  	_ =	shalt  }
0x67: {  	_ =	shalt  }
0x68: {  	_ =	shalt  }
0x69: {  	_ =	shalt  }
0x6a: {  	_ =	shalt  }
0x6b: {  	_ =	shalt  }
0x6c: {  	_ =	shalt  }
0x6d: {  	_ =	shalt  }
0x6e: {  	_ =	shalt  }
0x6f: {  	_ =	shalt  }
0x70: {  	_ =	shalt  }
0x71: {  	_ =	shalt  }
0x72: {  	_ =	shalt  }
0x73: {  	_ =	shalt  }
0x74: {  	_ =	shalt  }
0x75: {  	_ =	shalt  }
0x76: {  	_ =	shalt  }
0x77: {  	_ =	shalt  }
0x78: {  	_ =	shalt  }
0x79: {  	_ =	shalt  }
0x7a: {  	_ =	shalt  }
0x7b: {  	_ =	shalt  }
0x7c: {  	_ =	shalt  }
0x7d: {  	_ =	shalt  }
0x7e: {  	_ =	shalt  }
0x7f: {  	_ =	shalt  }
0x80: {  	_ =	shalt  }
0x81: {  	_ =	shalt  }
0x82: {  	_ =	shalt  }
0x83: {  	_ =	shalt  }
0x84: {  	_ =	shalt  }
0x85: {  	_ =	shalt  }
0x86: {  	_ =	shalt  }
0x87: {  	_ =	shalt  }
.Lfunc_end0:
.L_simem_size_0:
called_computation.1_lowered:
.L_overlay_start_0:
0x88: {  	s2 =	sld [smem:$0x3FD9]  }
0x89: {  	s3 =	sld [smem:$0x3FFE];
	_ =	sdelay $0x1  }
0x8a: {  	s1 =	srdreg.scid  }
0x8b: {  	s0 =	sand.u32 $0x1, s1  }
0x8c: {  	s16 =	sshll.u32 s0, $0xA;
	s2 =	sadd.s32 s3, s2  }
0x8d: {  	s2 =	sadd.s32 s2, s16  }
0x8e: {  	[smem:$0x3FC1] =	sst s2  }
0x8f: {  	_ = 	snop  }
0x90: {  	(tm) =	ssettm $0x1  }
0x91: {  	s17 =	sld [smem:$0x3FFB];
	_ =	sdelay $0x3  }
0x92: {  	_ =	strace s17  }
0x93: {  	s2 =	sld [smem:$0x3FFC];
	_ =	sdelay $0x3  }
0x94: {  	_ =	strace s2  }
0x95: {  	s2 =	sld [smem:$0x3FFD];
	_ =	sdelay $0x3  }
0x96: {  	_ =	strace s2  }
0x97: {  	_ =	strace $0x8FFFFFFF  }
0x98: {  	s18 =	sld [smem:$0x3FDB];
	_ =	sdelay $0x1  }
0x99: {  	s19 =	simm.s32 $_scs_section_size  }
0x9a: {  	s4 =	simm.s32 $_size__tile_overlayer_lowered;
	s5 =	simm.s32 $_tile_overlayer_lowered  }
0x9b: {  	s22 =	simm.s32 $0x1BFF;
	s21 =	sshll.u32 s5, $0x1;
	s2 =	sadd.s32 s19, s18  }
0x9c: {  	s6 =	simm.s32 $0x0;
	s20 =	sshll.u32 s4, $0x1;
	s4 =	sadd.s32 s21, s2  }
0x9d: {  	[timem:s6], [sflag:s22] =	dma.local [hbm:s4], s20  }
0x9e: {  	_ =	swait.ge [sflag:s22], s20  }
0x9f: {  	s3 =	ssub.s32 $0x0, s20;
	[sflag:s22] =	ssyncset.done $0x0  }
0xa0: {  	[sflag:s22] =	ssyncadd.s32 s3;
	_ =	sdelay $0x1  }
0xa1: {  	s23 =	simm.s32 $0x1B8B  }
0xa2: {  	_ =	swait.ge [sflag:s23], $0x1  }
0xa3: {  	[sflag:s23] =	ssyncset.done $0x0  }
0xa4: {  	s25 =	simm.s32 $0x1B8E;
	s24 =	sld [smem:$0x3FFE];
	[sflag:s23] =	ssyncadd.s32 $0xFFFFFFFF  }
0xa5: {  	s26 =	simm.s32 $execute0_lowered;
	[smem:$0x3FD2] =	sst s25  }
0xa6: {  	s4 =	sshll.u32 s26, $0x1;
	_ =	strace $0x80000049;
	[dreg:$0x1] =	wrdreg $0xFFFFFFFF  }
0xa7: {  	s28 =	simm.s32 $_size_execute0_lowered;
	s2 =	sadd.s32 s2, s4;
	[dreg:$0x0] =	wrdreg $0x0  }
0xa8: {  	s4 =	sshll.u32 s28, $0x1;
	[dreg:$0x2] =	wrdreg s2  }
0xa9: {  	[dreg:$0x3] =	wrdreg s4  }
0xaa: {  	[dreg:$0x4] =	wrdreg $0xC0  }
0xab: {  	_ =	task [dreg:s6], $0x5FFFF  }
0xac: {  	[dreg:$0x1] =	wrdreg $0xFFFFFFFF  }
0xad: {  	[dreg:$0x0] =	wrdreg $0x60  }
0xae: {  	[dreg:$0x2] =	wrdreg s24  }
0xaf: {  	[dreg:$0x3] =	wrdreg $0x0  }
0xb0: {  	[dreg:$0x4] =	wrdreg $0xA0000  }
0xb1: {  	[dreg:$0x5] =	wrdreg $0x9  }
0xb2: {  	_ =	task.clear_ibuf [dreg:s6], $0x6FFFF;
	_ =	strace $0x90000049  }
0xb3: {  	s29 =	simm.s32 $0x9;
	_ =	strace $0x8000004B  }
0xb4: {  	_ =	swait.ge [sflag:s29], $0x1  }
0xb5: {  	[sflag:s29] =	ssyncadd.s32 $0xFFFFFFFF  }
0xb6: {  	_ =	strace $0x9000004B  }
0xb7: {  	_ =	sfence  }
0xb8: {  	s30 =	sld [smem:$0x0];
	_ =	sdelay $0x2  }
0xb9: {  	s31 =	sshll.u32 s1, $0xD;
	s1 =	sshrl.u32 s1, $0x2  }
0xba: {  	s3 =	sand.u32 $0x4000, s31;
	s1 =	sadd.s32 s1, s30  }
0xbb: {  	s0 =	sor.u32 s3, s0;
	s1 =	sshll.u32 s1, $0x11  }
0xbc: {  	s0 =	sor.u32 s1, s0  }
0xbd: {  	s0 =	sadd.s32 $0x8F2B, s0  }
0xbe: {  	[sflag:s0] =	ssyncadd.remote.s32 $0x1  }
0xbf: {  	_ =	sfence.sel $0xFFFF  }
0xc0: {  	[dreg:$0x0] =	wrdreg $0xFFFFFFFF;
	(pc) =	sbr.abs _section_cstart, $3  }
0xc1: {  	[dreg:$0x1] =	wrdreg $0xFFFFFFFF  }
0xc2: {  	_ =	task.clear_ibuf [dreg:s6], $0x2FFFF;
	_ =	strace $0x9FFFFFFF  }
0xc3: {  	(tm) =	ssettm $0x7FFFFFFF  }
tec
execute0_lowered:
.L_overlay_start_1:
0x0: {  	(tag) =	ssettag $0x1  }
0x1: {  	s0 =	rddreg [dreg:$0x0]  }
0x2: {  	s2 =	rddreg [dreg:$0x1]  }
0x3: {  	s3 =	rddreg [dreg:$0x2];
	s14 =	stileid.u32  }
0x4: {  	s4 =	simm.s32 $0x0;
	s16 =	srdreg.scid;
	s28 =	simm.s32 $0x13DC0  }
0x5: {  	s29 =	simm.s32 $0x1C440;
	s30 =	simm.s32 $0x1;
	s1 =	smul.u32 $0x9C40, s14  }
0x6: {  	s31 =	simm.s32 $0x2;
	[smem:$0x7FF] =	sst s4;
	s6 =	smul.u32 $0xA000, s14  }
0x7: {  	s4 =	sand.u32 $0x1, s16;
	s8 =	sadd.s32 $0x15400, s0;
	s12 =	sadd.s32 $0x1200, s0  }
0x8: {  	s13 =	sshll.u32 s14, $0x1;
	s19 =	sshll.u32 s14, $0x6;
	s14 =	simm.s32 $0x0  }
0x9: {  	_ =	strace $0x8000004A;
	s7 =	smul.u32 $0xA0000, s4;
	s10 =	ssub.s32 $0x2, s4  }
0xa: {  	s4 =	sor.u32 s4, s13;
	s13 =	simm.s32 $0x163C0;
	s5 =	sshrl.u32 s1, $0x3  }
0xb: {  	s9 =	sshrl.u32 s6, $0x3;
	s11 =	sshrl.u32 s10, $0x1;
	s20 =	smul.u32 $0x2800, s4  }
0xc: {  	s18 =	sadd.s32 s6, s2;
	s4 =	smul.u32 $0x500, s4;
	s1 =	sadd.s32 s1, s3  }
0xd: {  	s5 =	sadd.s32 s5, s0;
	s9 =	sadd.s32 s9, s0;
	s7 =	sadd.s32 s6, s7  }
0xe: {  	s17 =	ssub.s32 s10, s11;
	s6 =	sor.u32 $0x1C05, s19;
	[dreg:$0x4] =	wrdreg s1  }
0xf: {  	s19 =	simm.s32 $0x13C40;
	s7 =	sshrl.u32 s7, $0x3;
	s16 =	sadd.s32 $0x46800, s9  }
0x10: {  	s21 =	sadd.s32 $0x32E00, s5;
	s22 =	sshrl.u32 s20, $0x3;
	s23 =	sadd.s32 s8, s4  }
0x11: {  	s4 =	sadd.s32 s12, s4;
	s25 =	sadd.s32 $0x1F400, s5;
	[dreg:$0x5] =	wrdreg s21  }
0x12: {  	s26 =	smax.u32 s17, $0x1;
	s17 =	sshrl.u32 s18, $0x3;
	[dreg:$0x6] =	wrdreg s23  }
0x13: {  	s18 =	simm.s32 $0x5;
	s20 =	simm.s32 $0x15040;
	[dreg:$0x7] =	wrdreg s4  }
0x14: {  	s0 =	sadd.s32 s7, s0;
	s1 =	sadd.s32 $0x280, s22;
	[dreg:$0x9] =	wrdreg s25  }
0x15: {  	[dreg:$0xb] =	wrdreg s26;
	s21 =	simm.s32 $0x80;
	s22 =	simm.s32 $0x16440  }
0x16: {  	s23 =	simm.s32 $0x13CC0;
	s25 =	simm.s32 $0x13D40;
	s26 =	simm.s32 $0x1A440  }
0x17: {  	s4 =	simm.s32 $0x16240;
	s7 =	simm.s32 $0x162C0;
	s11 =	sadd.s32 s8, s1  }
0x18: {  	s12 =	sadd.s32 s12, s1;
	s24 =	sadd.s32 $0x5A800, s0;
	s0 =	sadd.s32 $0x82800, s0  }
0x19: {  	s1 =	simm.s32 $0x4;
	s8 =	simm.s32 $0x16340;
	[dreg:$0x8] =	wrdreg s24  }
0x1a: {  	[dreg:$0xa] =	wrdreg s0;
	s24 =	simm.s32 $0x18440;
	s0 =	simm.s32 $0x3  }
.LBB2_1:
0x1b: {  	[spmem:s17], [sflag:s6] =	dma.local [hbm:s16], $0x1400  }
0x1c: {  	_ =	swait.ge [sflag:s18], $0x1400  }
0x1d: {  	[sflag:s18] =	ssyncset.done $0x0;
	s5 =	rddreg [dreg:$0x4]  }
0x1e: {  	s9 =	rddreg [dreg:$0x5];
	[sflag:s18] =	ssyncadd.s32 $0xFFFFEC00;
	s15 =	sshrl.u32 s5, $0x3  }
0x1f: {  	[spmem:s15], [sflag:s6] =	dma.local [hbm:s9], $0x1388  }
0x20: {  	_ =	swait.ge [sflag:s18], $0x1388  }
0x21: {  	[sflag:s18] =	ssyncset.done $0x0  }
0x22: {  	[sflag:s18] =	ssyncadd.s32 $0xFFFFEC78  }
0x23: {  	[bflag:$0x0] =	sbarrier.arrive $0xFFFF  }
0x24: {  	s5 =	simm.s32 $0x0;
	s9 =	rddreg [dreg:$0x6]  }
0x25: {  	[tilespmem:s19], [sflag:$0x5] =	stream.linear.gather [hbm4b:s9+s5], $0x1400, $0x38;
	[tilespmem:$0x1E440] =	vst v63  }
0x26: {  	_ =	swait.ge [sflag:s18], $0x1400  }
0x27: {  	[sflag:s18] =	ssyncset.done $0x0  }
0x28: {  	s10 =	smov.u32 s16;
	s16 =	rddreg [dreg:$0x7];
	[sflag:s18] =	ssyncadd.s32 $0xFFFFEC00  }
0x29: {  	[tilespmem:s20], [sflag:$0x5] =	stream.linear.gather [hbm4b:s16+s5], $0x1400, $0x38;
	[tilespmem:$0x1E440] =	vst v63  }
0x2a: {  	_ =	swait.ge [sflag:s18], $0x1400  }
0x2b: {  	[sflag:s18] =	ssyncset.done $0x0  }
0x2c: {  	[sflag:s18] =	ssyncadd.s32 $0xFFFFEC00  }
0x2d: {  	[tilespmem:s22], [sflag:$0x1] =	stream.indirect.gather [spmem:s3], $0x40, s19, s21, $0xb8;
	[tilespmem:$0x1E440] =	vst v63  }
0x2e: {  	_ = 	snop  }
0x2f: {  	[tilespmem:s24], [sflag:$0x2] =	stream.indirect.gather [spmem:s3], $0x40, s23, s21, $0xb8;
	[tilespmem:$0x1E440] =	vst v63  }
0x30: {  	_ = 	snop  }
0x31: {  	[tilespmem:s26], [sflag:$0x3] =	stream.indirect.gather [spmem:s3], $0x40, s25, s21, $0xb8;
	[tilespmem:$0x1E440] =	vst v63  }
0x32: {  	_ = 	snop  }
0x33: {  	[tilespmem:s29], [sflag:$0x4] =	stream.indirect.gather [spmem:s3], $0x40, s28, s21, $0xb8;
	[tilespmem:$0x1E440] =	vst v63  }
0x34: {  	_ =	swait.ge [sflag:s30], $0x2000  }
0x35: {  	[sflag:s30] =	ssyncset.done $0x0  }
0x36: {  	s16 =	simm.s32 $0x15040;
	[sflag:s30] =	ssyncadd.s32 $0xFFFFE000  }
0x37: {  	[spmem:s2] =	stream.indirect.scatter.add.f32 [tilespmem:s22], [sflag:$0x5], $0x40, s16, s21, $0xb8;
	[tilespmem:$0x1E440] =	vst v63  }
0x38: {  	_ =	swait.ge [sflag:s18], $0x2000  }
0x39: {  	[sflag:s18] =	ssyncset.done $0x0  }
0x3a: {  	s9 =	simm.s32 $0x13E40;
	[sflag:s18] =	ssyncadd.s32 $0xFFFFE000  }
0x3b: {  	[tilespmem:s22], [sflag:$0x1] =	stream.indirect.gather [spmem:s3], $0x40, s9, s21, $0xb8;
	[tilespmem:$0x1E440] =	vst v63  }
0x3c: {  	_ =	swait.ge [sflag:s31], $0x2000  }
0x3d: {  	[sflag:s31] =	ssyncset.done $0x0  }
0x3e: {  	s16 =	simm.s32 $0x150C0;
	[sflag:s31] =	ssyncadd.s32 $0xFFFFE000  }
0x3f: {  	[spmem:s2] =	stream.indirect.scatter.add.f32 [tilespmem:s24], [sflag:$0x5], $0x40, s16, s21, $0xb8;
	[tilespmem:$0x1E440] =	vst v63  }
0x40: {  	_ =	swait.ge [sflag:s18], $0x2000  }
0x41: {  	[sflag:s18] =	ssyncset.done $0x0  }
0x42: {  	s9 =	simm.s32 $0x13EC0;
	[sflag:s18] =	ssyncadd.s32 $0xFFFFE000  }
0x43: {  	[tilespmem:s24], [sflag:$0x2] =	stream.indirect.gather [spmem:s3], $0x40, s9, s21, $0xb8;
	[tilespmem:$0x1E440] =	vst v63  }
0x44: {  	_ =	swait.ge [sflag:s0], $0x2000  }
0x45: {  	[sflag:s0] =	ssyncset.done $0x0  }
0x46: {  	s16 =	simm.s32 $0x15140;
	[sflag:s0] =	ssyncadd.s32 $0xFFFFE000  }
0x47: {  	[spmem:s2] =	stream.indirect.scatter.add.f32 [tilespmem:s26], [sflag:$0x5], $0x40, s16, s21, $0xb8;
	[tilespmem:$0x1E440] =	vst v63  }
0x48: {  	_ =	swait.ge [sflag:s18], $0x2000  }
0x49: {  	[sflag:s18] =	ssyncset.done $0x0  }
0x4a: {  	s9 =	simm.s32 $0x13F40;
	[sflag:s18] =	ssyncadd.s32 $0xFFFFE000  }
0x4b: {  	[tilespmem:s26], [sflag:$0x3] =	stream.indirect.gather [spmem:s3], $0x40, s9, s21, $0xb8;
	[tilespmem:$0x1E440] =	vst v63  }
0x4c: {  	_ =	swait.ge [sflag:s1], $0x2000  }
0x4d: {  	[sflag:s1] =	ssyncset.done $0x0  }
0x4e: {  	s16 =	simm.s32 $0x151C0;
	[sflag:s1] =	ssyncadd.s32 $0xFFFFE000  }
0x4f: {  	[spmem:s2] =	stream.indirect.scatter.add.f32 [tilespmem:s29], [sflag:$0x5], $0x40, s16, s21, $0xb8;
	[tilespmem:$0x1E440] =	vst v63  }
0x50: {  	_ =	swait.ge [sflag:s18], $0x2000  }
0x51: {  	[sflag:s18] =	ssyncset.done $0x0  }
0x52: {  	s5 =	simm.s32 $0x13FC0;
	s16 =	simm.s32 $0x800;
	[sflag:s18] =	ssyncadd.s32 $0xFFFFE000  }
.LBB2_2:
0x53: {  	[tilespmem:s29], [sflag:$0x4] =	stream.indirect.gather [spmem:s3], $0x40, s5, s21, $0xb8;
	[tilespmem:$0x1E440] =	vst v63  }
0x54: {  	s5 =	smov.u32 s16  }
0x55: {  	p0 =	sne.s32 s16, $0x4000;
	s16 =	sadd.s32 $0x800, s16;
	_ =	swait.ge [sflag:s30], $0x2000  }
0x56: {  	s5 =	sshra.s32 s5, $0x2;
	[sflag:s30] =	ssyncset.done $0x0  }
0x57: {  	s9 =	sadd.s32 $0x15040, s5;
	[sflag:s30] =	ssyncadd.s32 $0xFFFFE000  }
0x58: {  	[spmem:s2] =	stream.indirect.scatter.add.f32 [tilespmem:s22], [sflag:$0x5], $0x40, s9, s21, $0xb8;
	[tilespmem:$0x1E440] =	vst v63  }
0x59: {  	_ =	swait.ge [sflag:s18], $0x2000  }
0x5a: {  	[sflag:s18] =	ssyncset.done $0x0  }
0x5b: {  	s9 =	sadd.s32 $0x13E40, s5;
	[sflag:s18] =	ssyncadd.s32 $0xFFFFE000  }
0x5c: {  	[tilespmem:s22], [sflag:$0x1] =	stream.indirect.gather [spmem:s3], $0x40, s9, s21, $0xb8;
	[tilespmem:$0x1E440] =	vst v63  }
0x5d: {  	_ =	swait.ge [sflag:s31], $0x2000  }
0x5e: {  	[sflag:s31] =	ssyncset.done $0x0  }
0x5f: {  	s9 =	sadd.s32 $0x150C0, s5;
	[sflag:s31] =	ssyncadd.s32 $0xFFFFE000  }
0x60: {  	[spmem:s2] =	stream.indirect.scatter.add.f32 [tilespmem:s24], [sflag:$0x5], $0x40, s9, s21, $0xb8;
	[tilespmem:$0x1E440] =	vst v63  }
0x61: {  	_ =	swait.ge [sflag:s18], $0x2000  }
0x62: {  	[sflag:s18] =	ssyncset.done $0x0  }
0x63: {  	s9 =	sadd.s32 $0x13EC0, s5;
	[sflag:s18] =	ssyncadd.s32 $0xFFFFE000  }
0x64: {  	[tilespmem:s24], [sflag:$0x2] =	stream.indirect.gather [spmem:s3], $0x40, s9, s21, $0xb8;
	[tilespmem:$0x1E440] =	vst v63  }
0x65: {  	_ =	swait.ge [sflag:s0], $0x2000  }
0x66: {  	[sflag:s0] =	ssyncset.done $0x0  }
0x67: {  	s9 =	sadd.s32 $0x15140, s5;
	[sflag:s0] =	ssyncadd.s32 $0xFFFFE000  }
0x68: {  	[spmem:s2] =	stream.indirect.scatter.add.f32 [tilespmem:s26], [sflag:$0x5], $0x40, s9, s21, $0xb8;
	[tilespmem:$0x1E440] =	vst v63  }
0x69: {  	_ =	swait.ge [sflag:s18], $0x2000  }
0x6a: {  	[sflag:s18] =	ssyncset.done $0x0  }
0x6b: {  	s9 =	sadd.s32 $0x13F40, s5;
	[sflag:s18] =	ssyncadd.s32 $0xFFFFE000  }
0x6c: {  	[tilespmem:s26], [sflag:$0x3] =	stream.indirect.gather [spmem:s3], $0x40, s9, s21, $0xb8;
	[tilespmem:$0x1E440] =	vst v63  }
0x6d: {  	_ =	swait.ge [sflag:s1], $0x2000  }
0x6e: {  	[sflag:s1] =	ssyncset.done $0x0  }
.Ltmp0:
0x6f: {  	s9 =	sadd.s32 $0x151C0, s5;
	[sflag:s1] =	ssyncadd.s32 $0xFFFFE000;
	(pc) =	sbr.rel @p0 .LBB2_2-.Ltmp0, $4  }
0x70: {  	[spmem:s2] =	stream.indirect.scatter.add.f32 [tilespmem:s29], [sflag:$0x5], $0x40, s9, s21, $0xb8;
	[tilespmem:$0x1E440] =	vst v63  }
0x71: {  	_ =	swait.ge [sflag:s18], $0x2000  }
0x72: {  	[sflag:s18] =	ssyncset.done $0x0  }
0x73: {  	s5 =	sadd.s32 $0x13FC0, s5;
	[sflag:s18] =	ssyncadd.s32 $0xFFFFE000  }
0x74: {  	[tilespmem:s29], [sflag:$0x4] =	stream.indirect.gather [spmem:s3], $0x40, s5, s21, $0xb8;
	[tilespmem:$0x1E440] =	vst v63  }
0x75: {  	_ =	swait.ge [sflag:s30], $0x2000  }
0x76: {  	[sflag:s30] =	ssyncset.done $0x0  }
0x77: {  	[sflag:s30] =	ssyncadd.s32 $0xFFFFE000  }
0x78: {  	[spmem:s2] =	stream.indirect.scatter.add.f32 [tilespmem:s22], [sflag:$0x5], $0x40, s4, s21, $0xb8;
	[tilespmem:$0x1E440] =	vst v63  }
0x79: {  	_ =	swait.ge [sflag:s18], $0x2000  }
0x7a: {  	[sflag:s18] =	ssyncset.done $0x0  }
0x7b: {  	[sflag:s18] =	ssyncadd.s32 $0xFFFFE000  }
0x7c: {  	_ =	swait.ge [sflag:s31], $0x2000  }
0x7d: {  	[sflag:s31] =	ssyncset.done $0x0  }
0x7e: {  	[sflag:s31] =	ssyncadd.s32 $0xFFFFE000  }
0x7f: {  	[spmem:s2] =	stream.indirect.scatter.add.f32 [tilespmem:s24], [sflag:$0x5], $0x40, s7, s21, $0xb8;
	[tilespmem:$0x1E440] =	vst v63  }
0x80: {  	_ =	swait.ge [sflag:s18], $0x2000  }
0x81: {  	[sflag:s18] =	ssyncset.done $0x0  }
0x82: {  	[sflag:s18] =	ssyncadd.s32 $0xFFFFE000  }
0x83: {  	_ =	swait.ge [sflag:s0], $0x2000  }
0x84: {  	[sflag:s0] =	ssyncset.done $0x0  }
0x85: {  	[sflag:s0] =	ssyncadd.s32 $0xFFFFE000  }
0x86: {  	[spmem:s2] =	stream.indirect.scatter.add.f32 [tilespmem:s26], [sflag:$0x5], $0x40, s8, s21, $0xb8;
	[tilespmem:$0x1E440] =	vst v63  }
0x87: {  	_ =	swait.ge [sflag:s18], $0x2000  }
0x88: {  	[sflag:s18] =	ssyncset.done $0x0  }
0x89: {  	[sflag:s18] =	ssyncadd.s32 $0xFFFFE000  }
0x8a: {  	_ =	swait.ge [sflag:s1], $0x2000  }
0x8b: {  	[sflag:s1] =	ssyncset.done $0x0  }
0x8c: {  	[sflag:s1] =	ssyncadd.s32 $0xFFFFE000  }
0x8d: {  	[spmem:s2] =	stream.indirect.scatter.add.f32 [tilespmem:s29], [sflag:$0x5], $0x40, s13, s21, $0xb8;
	[tilespmem:$0x1E440] =	vst v63  }
0x8e: {  	_ =	swait.ge [sflag:s18], $0x2000  }
0x8f: {  	[sflag:s18] =	ssyncset.done $0x0  }
0x90: {  	s9 =	simm.s32 $0x0;
	[sflag:s18] =	ssyncadd.s32 $0xFFFFE000  }
0x91: {  	[tilespmem:s19], [sflag:$0x5] =	stream.linear.gather [hbm4b:s11+s9], $0x1400, $0x38;
	[tilespmem:$0x1E440] =	vst v63  }
0x92: {  	_ =	swait.ge [sflag:s18], $0x1400  }
0x93: {  	[sflag:s18] =	ssyncset.done $0x0  }
0x94: {  	[sflag:s18] =	ssyncadd.s32 $0xFFFFEC00  }
0x95: {  	[tilespmem:s20], [sflag:$0x5] =	stream.linear.gather [hbm4b:s12+s9], $0x1400, $0x38;
	[tilespmem:$0x1E440] =	vst v63  }
0x96: {  	_ =	swait.ge [sflag:s18], $0x1400  }
0x97: {  	[sflag:s18] =	ssyncset.done $0x0  }
0x98: {  	[sflag:s18] =	ssyncadd.s32 $0xFFFFEC00  }
0x99: {  	[tilespmem:s22], [sflag:$0x1] =	stream.indirect.gather [spmem:s3], $0x40, s19, s21, $0xb8;
	[tilespmem:$0x1E440] =	vst v63  }
0x9a: {  	_ = 	snop  }
0x9b: {  	[tilespmem:s24], [sflag:$0x2] =	stream.indirect.gather [spmem:s3], $0x40, s23, s21, $0xb8;
	[tilespmem:$0x1E440] =	vst v63  }
0x9c: {  	_ = 	snop  }
0x9d: {  	[tilespmem:s26], [sflag:$0x3] =	stream.indirect.gather [spmem:s3], $0x40, s25, s21, $0xb8;
	[tilespmem:$0x1E440] =	vst v63  }
0x9e: {  	_ = 	snop  }
0x9f: {  	[tilespmem:s29], [sflag:$0x4] =	stream.indirect.gather [spmem:s3], $0x40, s28, s21, $0xb8;
	[tilespmem:$0x1E440] =	vst v63  }
0xa0: {  	_ =	swait.ge [sflag:s30], $0x2000  }
0xa1: {  	[sflag:s30] =	ssyncset.done $0x0  }
0xa2: {  	s16 =	simm.s32 $0x15040;
	[sflag:s30] =	ssyncadd.s32 $0xFFFFE000  }
0xa3: {  	[spmem:s2] =	stream.indirect.scatter.add.f32 [tilespmem:s22], [sflag:$0x5], $0x40, s16, s21, $0xb8;
	[tilespmem:$0x1E440] =	vst v63  }
0xa4: {  	_ =	swait.ge [sflag:s18], $0x2000  }
0xa5: {  	[sflag:s18] =	ssyncset.done $0x0  }
0xa6: {  	s9 =	simm.s32 $0x13E40;
	[sflag:s18] =	ssyncadd.s32 $0xFFFFE000  }
0xa7: {  	[tilespmem:s22], [sflag:$0x1] =	stream.indirect.gather [spmem:s3], $0x40, s9, s21, $0xb8;
	[tilespmem:$0x1E440] =	vst v63  }
0xa8: {  	_ =	swait.ge [sflag:s31], $0x2000  }
0xa9: {  	[sflag:s31] =	ssyncset.done $0x0  }
0xaa: {  	s16 =	simm.s32 $0x150C0;
	[sflag:s31] =	ssyncadd.s32 $0xFFFFE000  }
0xab: {  	[spmem:s2] =	stream.indirect.scatter.add.f32 [tilespmem:s24], [sflag:$0x5], $0x40, s16, s21, $0xb8;
	[tilespmem:$0x1E440] =	vst v63  }
0xac: {  	_ =	swait.ge [sflag:s18], $0x2000  }
0xad: {  	[sflag:s18] =	ssyncset.done $0x0  }
0xae: {  	s9 =	simm.s32 $0x13EC0;
	[sflag:s18] =	ssyncadd.s32 $0xFFFFE000  }
0xaf: {  	[tilespmem:s24], [sflag:$0x2] =	stream.indirect.gather [spmem:s3], $0x40, s9, s21, $0xb8;
	[tilespmem:$0x1E440] =	vst v63  }
0xb0: {  	_ =	swait.ge [sflag:s0], $0x2000  }
0xb1: {  	[sflag:s0] =	ssyncset.done $0x0  }
0xb2: {  	s16 =	simm.s32 $0x15140;
	[sflag:s0] =	ssyncadd.s32 $0xFFFFE000  }
0xb3: {  	[spmem:s2] =	stream.indirect.scatter.add.f32 [tilespmem:s26], [sflag:$0x5], $0x40, s16, s21, $0xb8;
	[tilespmem:$0x1E440] =	vst v63  }
0xb4: {  	_ =	swait.ge [sflag:s18], $0x2000  }
0xb5: {  	[sflag:s18] =	ssyncset.done $0x0  }
0xb6: {  	s9 =	simm.s32 $0x13F40;
	[sflag:s18] =	ssyncadd.s32 $0xFFFFE000  }
0xb7: {  	[tilespmem:s26], [sflag:$0x3] =	stream.indirect.gather [spmem:s3], $0x40, s9, s21, $0xb8;
	[tilespmem:$0x1E440] =	vst v63  }
0xb8: {  	_ =	swait.ge [sflag:s1], $0x2000  }
0xb9: {  	[sflag:s1] =	ssyncset.done $0x0  }
0xba: {  	s16 =	simm.s32 $0x151C0;
	[sflag:s1] =	ssyncadd.s32 $0xFFFFE000  }
0xbb: {  	[spmem:s2] =	stream.indirect.scatter.add.f32 [tilespmem:s29], [sflag:$0x5], $0x40, s16, s21, $0xb8;
	[tilespmem:$0x1E440] =	vst v63  }
0xbc: {  	_ =	swait.ge [sflag:s18], $0x2000  }
0xbd: {  	[sflag:s18] =	ssyncset.done $0x0  }
0xbe: {  	s5 =	simm.s32 $0x13FC0;
	s16 =	simm.s32 $0x800;
	[sflag:s18] =	ssyncadd.s32 $0xFFFFE000  }
.LBB2_4:
0xbf: {  	[tilespmem:s29], [sflag:$0x4] =	stream.indirect.gather [spmem:s3], $0x40, s5, s21, $0xb8;
	[tilespmem:$0x1E440] =	vst v63  }
0xc0: {  	s5 =	smov.u32 s16  }
0xc1: {  	p0 =	sne.s32 s16, $0x4000;
	s16 =	sadd.s32 $0x800, s16;
	_ =	swait.ge [sflag:s30], $0x2000  }
0xc2: {  	s5 =	sshra.s32 s5, $0x2;
	[sflag:s30] =	ssyncset.done $0x0  }
0xc3: {  	s9 =	sadd.s32 $0x15040, s5;
	[sflag:s30] =	ssyncadd.s32 $0xFFFFE000  }
0xc4: {  	[spmem:s2] =	stream.indirect.scatter.add.f32 [tilespmem:s22], [sflag:$0x5], $0x40, s9, s21, $0xb8;
	[tilespmem:$0x1E440] =	vst v63  }
0xc5: {  	_ =	swait.ge [sflag:s18], $0x2000  }
0xc6: {  	[sflag:s18] =	ssyncset.done $0x0  }
0xc7: {  	s9 =	sadd.s32 $0x13E40, s5;
	[sflag:s18] =	ssyncadd.s32 $0xFFFFE000  }
0xc8: {  	[tilespmem:s22], [sflag:$0x1] =	stream.indirect.gather [spmem:s3], $0x40, s9, s21, $0xb8;
	[tilespmem:$0x1E440] =	vst v63  }
0xc9: {  	_ =	swait.ge [sflag:s31], $0x2000  }
0xca: {  	[sflag:s31] =	ssyncset.done $0x0  }
0xcb: {  	s9 =	sadd.s32 $0x150C0, s5;
	[sflag:s31] =	ssyncadd.s32 $0xFFFFE000  }
0xcc: {  	[spmem:s2] =	stream.indirect.scatter.add.f32 [tilespmem:s24], [sflag:$0x5], $0x40, s9, s21, $0xb8;
	[tilespmem:$0x1E440] =	vst v63  }
0xcd: {  	_ =	swait.ge [sflag:s18], $0x2000  }
0xce: {  	[sflag:s18] =	ssyncset.done $0x0  }
0xcf: {  	s9 =	sadd.s32 $0x13EC0, s5;
	[sflag:s18] =	ssyncadd.s32 $0xFFFFE000  }
0xd0: {  	[tilespmem:s24], [sflag:$0x2] =	stream.indirect.gather [spmem:s3], $0x40, s9, s21, $0xb8;
	[tilespmem:$0x1E440] =	vst v63  }
0xd1: {  	_ =	swait.ge [sflag:s0], $0x2000  }
0xd2: {  	[sflag:s0] =	ssyncset.done $0x0  }
0xd3: {  	s9 =	sadd.s32 $0x15140, s5;
	[sflag:s0] =	ssyncadd.s32 $0xFFFFE000  }
0xd4: {  	[spmem:s2] =	stream.indirect.scatter.add.f32 [tilespmem:s26], [sflag:$0x5], $0x40, s9, s21, $0xb8;
	[tilespmem:$0x1E440] =	vst v63  }
0xd5: {  	_ =	swait.ge [sflag:s18], $0x2000  }
0xd6: {  	[sflag:s18] =	ssyncset.done $0x0  }
0xd7: {  	s9 =	sadd.s32 $0x13F40, s5;
	[sflag:s18] =	ssyncadd.s32 $0xFFFFE000  }
0xd8: {  	[tilespmem:s26], [sflag:$0x3] =	stream.indirect.gather [spmem:s3], $0x40, s9, s21, $0xb8;
	[tilespmem:$0x1E440] =	vst v63  }
0xd9: {  	_ =	swait.ge [sflag:s1], $0x2000  }
0xda: {  	[sflag:s1] =	ssyncset.done $0x0  }
.Ltmp1:
0xdb: {  	s9 =	sadd.s32 $0x151C0, s5;
	[sflag:s1] =	ssyncadd.s32 $0xFFFFE000;
	(pc) =	sbr.rel @p0 .LBB2_4-.Ltmp1, $4  }
0xdc: {  	[spmem:s2] =	stream.indirect.scatter.add.f32 [tilespmem:s29], [sflag:$0x5], $0x40, s9, s21, $0xb8;
	[tilespmem:$0x1E440] =	vst v63  }
0xdd: {  	_ =	swait.ge [sflag:s18], $0x2000  }
0xde: {  	[sflag:s18] =	ssyncset.done $0x0  }
0xdf: {  	s5 =	sadd.s32 $0x13FC0, s5;
	[sflag:s18] =	ssyncadd.s32 $0xFFFFE000  }
0xe0: {  	[tilespmem:s29], [sflag:$0x4] =	stream.indirect.gather [spmem:s3], $0x40, s5, s21, $0xb8;
	[tilespmem:$0x1E440] =	vst v63  }
0xe1: {  	_ =	swait.ge [sflag:s30], $0x2000  }
0xe2: {  	[sflag:s30] =	ssyncset.done $0x0  }
0xe3: {  	[sflag:s30] =	ssyncadd.s32 $0xFFFFE000  }
0xe4: {  	[spmem:s2] =	stream.indirect.scatter.add.f32 [tilespmem:s22], [sflag:$0x5], $0x40, s4, s21, $0xb8;
	[tilespmem:$0x1E440] =	vst v63  }
0xe5: {  	_ =	swait.ge [sflag:s18], $0x2000  }
0xe6: {  	[sflag:s18] =	ssyncset.done $0x0  }
0xe7: {  	[sflag:s18] =	ssyncadd.s32 $0xFFFFE000  }
0xe8: {  	_ =	swait.ge [sflag:s31], $0x2000  }
0xe9: {  	[sflag:s31] =	ssyncset.done $0x0  }
0xea: {  	[sflag:s31] =	ssyncadd.s32 $0xFFFFE000  }
0xeb: {  	[spmem:s2] =	stream.indirect.scatter.add.f32 [tilespmem:s24], [sflag:$0x5], $0x40, s7, s21, $0xb8;
	[tilespmem:$0x1E440] =	vst v63  }
0xec: {  	_ =	swait.ge [sflag:s18], $0x2000  }
0xed: {  	[sflag:s18] =	ssyncset.done $0x0  }
0xee: {  	[sflag:s18] =	ssyncadd.s32 $0xFFFFE000  }
0xef: {  	_ =	swait.ge [sflag:s0], $0x2000  }
0xf0: {  	[sflag:s0] =	ssyncset.done $0x0  }
0xf1: {  	[sflag:s0] =	ssyncadd.s32 $0xFFFFE000  }
0xf2: {  	[spmem:s2] =	stream.indirect.scatter.add.f32 [tilespmem:s26], [sflag:$0x5], $0x40, s8, s21, $0xb8;
	[tilespmem:$0x1E440] =	vst v63  }
0xf3: {  	_ =	swait.ge [sflag:s18], $0x2000  }
0xf4: {  	[sflag:s18] =	ssyncset.done $0x0  }
0xf5: {  	[sflag:s18] =	ssyncadd.s32 $0xFFFFE000  }
0xf6: {  	_ =	swait.ge [sflag:s1], $0x2000  }
0xf7: {  	[sflag:s1] =	ssyncset.done $0x0  }
0xf8: {  	[sflag:s1] =	ssyncadd.s32 $0xFFFFE000  }
0xf9: {  	[spmem:s2] =	stream.indirect.scatter.add.f32 [tilespmem:s29], [sflag:$0x5], $0x40, s13, s21, $0xb8;
	[tilespmem:$0x1E440] =	vst v63  }
0xfa: {  	_ =	swait.ge [sflag:s18], $0x2000  }
0xfb: {  	[sflag:s18] =	ssyncset.done $0x0  }
0xfc: {  	[sflag:s18] =	ssyncadd.s32 $0xFFFFE000  }
0xfd: {  	[bflag:$0x0] =	sbarrier.arrive $0xFFFF  }
0xfe: {  	s9 =	rddreg [dreg:$0x8]  }
0xff: {  	[hbm:s9], [sflag:s6] =	dma.local [spmem:s17], $0x1400  }
0x100: {  	_ =	swait.ge [sflag:s18], $0x1400  }
0x101: {  	[sflag:s18] =	ssyncset.done $0x0  }
0x102: {  	[sflag:s18] =	ssyncadd.s32 $0xFFFFEC00  }
0x103: {  	[bflag:$0x0] =	sbarrier.arrive $0xFFFF  }
0x104: {  	[spmem:s17], [sflag:s6] =	dma.local [hbm:s10], $0x1400  }
0x105: {  	_ =	swait.ge [sflag:s18], $0x1400  }
0x106: {  	[sflag:s18] =	ssyncset.done $0x0  }
0x107: {  	s16 =	smov.u32 s10;
	s10 =	rddreg [dreg:$0x9];
	[sflag:s18] =	ssyncadd.s32 $0xFFFFEC00  }
0x108: {  	[spmem:s15], [sflag:s6] =	dma.local [hbm:s10], $0x1388  }
0x109: {  	_ =	swait.ge [sflag:s18], $0x1388  }
0x10a: {  	[sflag:s18] =	ssyncset.done $0x0  }
0x10b: {  	[sflag:s18] =	ssyncadd.s32 $0xFFFFEC78  }
0x10c: {  	[bflag:$0x0] =	sbarrier.arrive $0xFFFF  }
0x10d: {  	s15 =	simm.s32 $0x0;
	s9 =	rddreg [dreg:$0x6]  }
0x10e: {  	[tilespmem:s19], [sflag:$0x5] =	stream.linear.gather [hbm4b:s9+s15], $0x1400, $0x38;
	[tilespmem:$0x1E440] =	vst v63  }
0x10f: {  	_ =	swait.ge [sflag:s18], $0x1400  }
0x110: {  	[sflag:s18] =	ssyncset.done $0x0  }
0x111: {  	s10 =	rddreg [dreg:$0x7];
	[sflag:s18] =	ssyncadd.s32 $0xFFFFEC00  }
0x112: {  	[tilespmem:s20], [sflag:$0x5] =	stream.linear.gather [hbm4b:s10+s15], $0x1400, $0x38;
	[tilespmem:$0x1E440] =	vst v63  }
0x113: {  	_ =	swait.ge [sflag:s18], $0x1400  }
0x114: {  	[sflag:s18] =	ssyncset.done $0x0  }
0x115: {  	[sflag:s18] =	ssyncadd.s32 $0xFFFFEC00  }
0x116: {  	[tilespmem:s22], [sflag:$0x1] =	stream.indirect.gather [spmem:s3], $0x40, s19, s21, $0xb8;
	[tilespmem:$0x1E440] =	vst v63  }
0x117: {  	_ = 	snop  }
0x118: {  	[tilespmem:s24], [sflag:$0x2] =	stream.indirect.gather [spmem:s3], $0x40, s23, s21, $0xb8;
	[tilespmem:$0x1E440] =	vst v63  }
0x119: {  	_ = 	snop  }
0x11a: {  	[tilespmem:s26], [sflag:$0x3] =	stream.indirect.gather [spmem:s3], $0x40, s25, s21, $0xb8;
	[tilespmem:$0x1E440] =	vst v63  }
0x11b: {  	_ = 	snop  }
0x11c: {  	[tilespmem:s29], [sflag:$0x4] =	stream.indirect.gather [spmem:s3], $0x40, s28, s21, $0xb8;
	[tilespmem:$0x1E440] =	vst v63  }
0x11d: {  	_ =	swait.ge [sflag:s30], $0x2000  }
0x11e: {  	[sflag:s30] =	ssyncset.done $0x0  }
0x11f: {  	s15 =	simm.s32 $0x15040;
	[sflag:s30] =	ssyncadd.s32 $0xFFFFE000  }
0x120: {  	[spmem:s2] =	stream.indirect.scatter.add.f32 [tilespmem:s22], [sflag:$0x5], $0x40, s15, s21, $0xb8;
	[tilespmem:$0x1E440] =	vst v63  }
0x121: {  	_ =	swait.ge [sflag:s18], $0x2000  }
0x122: {  	[sflag:s18] =	ssyncset.done $0x0  }
0x123: {  	s9 =	simm.s32 $0x13E40;
	[sflag:s18] =	ssyncadd.s32 $0xFFFFE000  }
0x124: {  	[tilespmem:s22], [sflag:$0x1] =	stream.indirect.gather [spmem:s3], $0x40, s9, s21, $0xb8;
	[tilespmem:$0x1E440] =	vst v63  }
0x125: {  	_ =	swait.ge [sflag:s31], $0x2000  }
0x126: {  	[sflag:s31] =	ssyncset.done $0x0  }
0x127: {  	s10 =	simm.s32 $0x150C0;
	[sflag:s31] =	ssyncadd.s32 $0xFFFFE000  }
0x128: {  	[spmem:s2] =	stream.indirect.scatter.add.f32 [tilespmem:s24], [sflag:$0x5], $0x40, s10, s21, $0xb8;
	[tilespmem:$0x1E440] =	vst v63  }
0x129: {  	_ =	swait.ge [sflag:s18], $0x2000  }
0x12a: {  	[sflag:s18] =	ssyncset.done $0x0  }
0x12b: {  	s15 =	simm.s32 $0x13EC0;
	[sflag:s18] =	ssyncadd.s32 $0xFFFFE000  }
0x12c: {  	[tilespmem:s24], [sflag:$0x2] =	stream.indirect.gather [spmem:s3], $0x40, s15, s21, $0xb8;
	[tilespmem:$0x1E440] =	vst v63  }
0x12d: {  	_ =	swait.ge [sflag:s0], $0x2000  }
0x12e: {  	[sflag:s0] =	ssyncset.done $0x0  }
0x12f: {  	s9 =	simm.s32 $0x15140;
	[sflag:s0] =	ssyncadd.s32 $0xFFFFE000  }
0x130: {  	[spmem:s2] =	stream.indirect.scatter.add.f32 [tilespmem:s26], [sflag:$0x5], $0x40, s9, s21, $0xb8;
	[tilespmem:$0x1E440] =	vst v63  }
0x131: {  	_ =	swait.ge [sflag:s18], $0x2000  }
0x132: {  	[sflag:s18] =	ssyncset.done $0x0  }
0x133: {  	s10 =	simm.s32 $0x13F40;
	[sflag:s18] =	ssyncadd.s32 $0xFFFFE000  }
0x134: {  	[tilespmem:s26], [sflag:$0x3] =	stream.indirect.gather [spmem:s3], $0x40, s10, s21, $0xb8;
	[tilespmem:$0x1E440] =	vst v63  }
0x135: {  	_ =	swait.ge [sflag:s1], $0x2000  }
0x136: {  	[sflag:s1] =	ssyncset.done $0x0  }
0x137: {  	s15 =	simm.s32 $0x151C0;
	[sflag:s1] =	ssyncadd.s32 $0xFFFFE000  }
0x138: {  	[spmem:s2] =	stream.indirect.scatter.add.f32 [tilespmem:s29], [sflag:$0x5], $0x40, s15, s21, $0xb8;
	[tilespmem:$0x1E440] =	vst v63  }
0x139: {  	_ =	swait.ge [sflag:s18], $0x2000  }
0x13a: {  	[sflag:s18] =	ssyncset.done $0x0  }
0x13b: {  	s5 =	simm.s32 $0x13FC0;
	s15 =	simm.s32 $0x800;
	[sflag:s18] =	ssyncadd.s32 $0xFFFFE000  }
.LBB2_6:
0x13c: {  	[tilespmem:s29], [sflag:$0x4] =	stream.indirect.gather [spmem:s3], $0x40, s5, s21, $0xb8;
	[tilespmem:$0x1E440] =	vst v63  }
0x13d: {  	s5 =	smov.u32 s15  }
0x13e: {  	p0 =	sne.s32 s15, $0x4000;
	s15 =	sadd.s32 $0x800, s15;
	_ =	swait.ge [sflag:s30], $0x2000  }
0x13f: {  	s5 =	sshra.s32 s5, $0x2;
	[sflag:s30] =	ssyncset.done $0x0  }
0x140: {  	s9 =	sadd.s32 $0x15040, s5;
	[sflag:s30] =	ssyncadd.s32 $0xFFFFE000  }
0x141: {  	[spmem:s2] =	stream.indirect.scatter.add.f32 [tilespmem:s22], [sflag:$0x5], $0x40, s9, s21, $0xb8;
	[tilespmem:$0x1E440] =	vst v63  }
0x142: {  	_ =	swait.ge [sflag:s18], $0x2000  }
0x143: {  	[sflag:s18] =	ssyncset.done $0x0  }
0x144: {  	s9 =	sadd.s32 $0x13E40, s5;
	[sflag:s18] =	ssyncadd.s32 $0xFFFFE000  }
0x145: {  	[tilespmem:s22], [sflag:$0x1] =	stream.indirect.gather [spmem:s3], $0x40, s9, s21, $0xb8;
	[tilespmem:$0x1E440] =	vst v63  }
0x146: {  	_ =	swait.ge [sflag:s31], $0x2000  }
0x147: {  	[sflag:s31] =	ssyncset.done $0x0  }
0x148: {  	s9 =	sadd.s32 $0x150C0, s5;
	[sflag:s31] =	ssyncadd.s32 $0xFFFFE000  }
0x149: {  	[spmem:s2] =	stream.indirect.scatter.add.f32 [tilespmem:s24], [sflag:$0x5], $0x40, s9, s21, $0xb8;
	[tilespmem:$0x1E440] =	vst v63  }
0x14a: {  	_ =	swait.ge [sflag:s18], $0x2000  }
0x14b: {  	[sflag:s18] =	ssyncset.done $0x0  }
0x14c: {  	s9 =	sadd.s32 $0x13EC0, s5;
	[sflag:s18] =	ssyncadd.s32 $0xFFFFE000  }
0x14d: {  	[tilespmem:s24], [sflag:$0x2] =	stream.indirect.gather [spmem:s3], $0x40, s9, s21, $0xb8;
	[tilespmem:$0x1E440] =	vst v63  }
0x14e: {  	_ =	swait.ge [sflag:s0], $0x2000  }
0x14f: {  	[sflag:s0] =	ssyncset.done $0x0  }
0x150: {  	s9 =	sadd.s32 $0x15140, s5;
	[sflag:s0] =	ssyncadd.s32 $0xFFFFE000  }
0x151: {  	[spmem:s2] =	stream.indirect.scatter.add.f32 [tilespmem:s26], [sflag:$0x5], $0x40, s9, s21, $0xb8;
	[tilespmem:$0x1E440] =	vst v63  }
0x152: {  	_ =	swait.ge [sflag:s18], $0x2000  }
0x153: {  	[sflag:s18] =	ssyncset.done $0x0  }
0x154: {  	s9 =	sadd.s32 $0x13F40, s5;
	[sflag:s18] =	ssyncadd.s32 $0xFFFFE000  }
0x155: {  	[tilespmem:s26], [sflag:$0x3] =	stream.indirect.gather [spmem:s3], $0x40, s9, s21, $0xb8;
	[tilespmem:$0x1E440] =	vst v63  }
0x156: {  	_ =	swait.ge [sflag:s1], $0x2000  }
0x157: {  	[sflag:s1] =	ssyncset.done $0x0  }
.Ltmp2:
0x158: {  	s9 =	sadd.s32 $0x151C0, s5;
	[sflag:s1] =	ssyncadd.s32 $0xFFFFE000;
	(pc) =	sbr.rel @p0 .LBB2_6-.Ltmp2, $4  }
0x159: {  	[spmem:s2] =	stream.indirect.scatter.add.f32 [tilespmem:s29], [sflag:$0x5], $0x40, s9, s21, $0xb8;
	[tilespmem:$0x1E440] =	vst v63  }
0x15a: {  	_ =	swait.ge [sflag:s18], $0x2000  }
0x15b: {  	[sflag:s18] =	ssyncset.done $0x0  }
0x15c: {  	s5 =	sadd.s32 $0x13FC0, s5;
	[sflag:s18] =	ssyncadd.s32 $0xFFFFE000  }
0x15d: {  	[tilespmem:s29], [sflag:$0x4] =	stream.indirect.gather [spmem:s3], $0x40, s5, s21, $0xb8;
	[tilespmem:$0x1E440] =	vst v63  }
0x15e: {  	_ =	swait.ge [sflag:s30], $0x2000  }
0x15f: {  	[sflag:s30] =	ssyncset.done $0x0  }
0x160: {  	[sflag:s30] =	ssyncadd.s32 $0xFFFFE000  }
0x161: {  	[spmem:s2] =	stream.indirect.scatter.add.f32 [tilespmem:s22], [sflag:$0x5], $0x40, s4, s21, $0xb8;
	[tilespmem:$0x1E440] =	vst v63  }
0x162: {  	_ =	swait.ge [sflag:s18], $0x2000  }
0x163: {  	[sflag:s18] =	ssyncset.done $0x0  }
0x164: {  	[sflag:s18] =	ssyncadd.s32 $0xFFFFE000  }
0x165: {  	_ =	swait.ge [sflag:s31], $0x2000  }
0x166: {  	[sflag:s31] =	ssyncset.done $0x0  }
0x167: {  	[sflag:s31] =	ssyncadd.s32 $0xFFFFE000  }
0x168: {  	[spmem:s2] =	stream.indirect.scatter.add.f32 [tilespmem:s24], [sflag:$0x5], $0x40, s7, s21, $0xb8;
	[tilespmem:$0x1E440] =	vst v63  }
0x169: {  	_ =	swait.ge [sflag:s18], $0x2000  }
0x16a: {  	[sflag:s18] =	ssyncset.done $0x0  }
0x16b: {  	[sflag:s18] =	ssyncadd.s32 $0xFFFFE000  }
0x16c: {  	_ =	swait.ge [sflag:s0], $0x2000  }
0x16d: {  	[sflag:s0] =	ssyncset.done $0x0  }
0x16e: {  	[sflag:s0] =	ssyncadd.s32 $0xFFFFE000  }
0x16f: {  	[spmem:s2] =	stream.indirect.scatter.add.f32 [tilespmem:s26], [sflag:$0x5], $0x40, s8, s21, $0xb8;
	[tilespmem:$0x1E440] =	vst v63  }
0x170: {  	_ =	swait.ge [sflag:s18], $0x2000  }
0x171: {  	[sflag:s18] =	ssyncset.done $0x0  }
0x172: {  	[sflag:s18] =	ssyncadd.s32 $0xFFFFE000  }
0x173: {  	_ =	swait.ge [sflag:s1], $0x2000  }
0x174: {  	[sflag:s1] =	ssyncset.done $0x0  }
0x175: {  	[sflag:s1] =	ssyncadd.s32 $0xFFFFE000  }
0x176: {  	[spmem:s2] =	stream.indirect.scatter.add.f32 [tilespmem:s29], [sflag:$0x5], $0x40, s13, s21, $0xb8;
	[tilespmem:$0x1E440] =	vst v63  }
0x177: {  	_ =	swait.ge [sflag:s18], $0x2000  }
0x178: {  	[sflag:s18] =	ssyncset.done $0x0  }
0x179: {  	s10 =	simm.s32 $0x0;
	[sflag:s18] =	ssyncadd.s32 $0xFFFFE000  }
0x17a: {  	[tilespmem:s19], [sflag:$0x5] =	stream.linear.gather [hbm4b:s11+s10], $0x1400, $0x38;
	[tilespmem:$0x1E440] =	vst v63  }
0x17b: {  	_ =	swait.ge [sflag:s18], $0x1400  }
0x17c: {  	[sflag:s18] =	ssyncset.done $0x0  }
0x17d: {  	[sflag:s18] =	ssyncadd.s32 $0xFFFFEC00  }
0x17e: {  	[tilespmem:s20], [sflag:$0x5] =	stream.linear.gather [hbm4b:s12+s10], $0x1400, $0x38;
	[tilespmem:$0x1E440] =	vst v63  }
0x17f: {  	_ =	swait.ge [sflag:s18], $0x1400  }
0x180: {  	[sflag:s18] =	ssyncset.done $0x0  }
0x181: {  	[sflag:s18] =	ssyncadd.s32 $0xFFFFEC00  }
0x182: {  	[tilespmem:s22], [sflag:$0x1] =	stream.indirect.gather [spmem:s3], $0x40, s19, s21, $0xb8;
	[tilespmem:$0x1E440] =	vst v63  }
0x183: {  	_ = 	snop  }
0x184: {  	[tilespmem:s24], [sflag:$0x2] =	stream.indirect.gather [spmem:s3], $0x40, s23, s21, $0xb8;
	[tilespmem:$0x1E440] =	vst v63  }
0x185: {  	_ = 	snop  }
0x186: {  	[tilespmem:s26], [sflag:$0x3] =	stream.indirect.gather [spmem:s3], $0x40, s25, s21, $0xb8;
	[tilespmem:$0x1E440] =	vst v63  }
0x187: {  	_ = 	snop  }
0x188: {  	[tilespmem:s29], [sflag:$0x4] =	stream.indirect.gather [spmem:s3], $0x40, s28, s21, $0xb8;
	[tilespmem:$0x1E440] =	vst v63  }
0x189: {  	_ =	swait.ge [sflag:s30], $0x2000  }
0x18a: {  	[sflag:s30] =	ssyncset.done $0x0  }
0x18b: {  	s15 =	simm.s32 $0x15040;
	[sflag:s30] =	ssyncadd.s32 $0xFFFFE000  }
0x18c: {  	[spmem:s2] =	stream.indirect.scatter.add.f32 [tilespmem:s22], [sflag:$0x5], $0x40, s15, s21, $0xb8;
	[tilespmem:$0x1E440] =	vst v63  }
0x18d: {  	_ =	swait.ge [sflag:s18], $0x2000  }
0x18e: {  	[sflag:s18] =	ssyncset.done $0x0  }
0x18f: {  	s9 =	simm.s32 $0x13E40;
	[sflag:s18] =	ssyncadd.s32 $0xFFFFE000  }
0x190: {  	[tilespmem:s22], [sflag:$0x1] =	stream.indirect.gather [spmem:s3], $0x40, s9, s21, $0xb8;
	[tilespmem:$0x1E440] =	vst v63  }
0x191: {  	_ =	swait.ge [sflag:s31], $0x2000  }
0x192: {  	[sflag:s31] =	ssyncset.done $0x0  }
0x193: {  	s10 =	simm.s32 $0x150C0;
	[sflag:s31] =	ssyncadd.s32 $0xFFFFE000  }
0x194: {  	[spmem:s2] =	stream.indirect.scatter.add.f32 [tilespmem:s24], [sflag:$0x5], $0x40, s10, s21, $0xb8;
	[tilespmem:$0x1E440] =	vst v63  }
0x195: {  	_ =	swait.ge [sflag:s18], $0x2000  }
0x196: {  	[sflag:s18] =	ssyncset.done $0x0  }
0x197: {  	s15 =	simm.s32 $0x13EC0;
	[sflag:s18] =	ssyncadd.s32 $0xFFFFE000  }
0x198: {  	[tilespmem:s24], [sflag:$0x2] =	stream.indirect.gather [spmem:s3], $0x40, s15, s21, $0xb8;
	[tilespmem:$0x1E440] =	vst v63  }
0x199: {  	_ =	swait.ge [sflag:s0], $0x2000  }
0x19a: {  	[sflag:s0] =	ssyncset.done $0x0  }
0x19b: {  	s9 =	simm.s32 $0x15140;
	[sflag:s0] =	ssyncadd.s32 $0xFFFFE000  }
0x19c: {  	[spmem:s2] =	stream.indirect.scatter.add.f32 [tilespmem:s26], [sflag:$0x5], $0x40, s9, s21, $0xb8;
	[tilespmem:$0x1E440] =	vst v63  }
0x19d: {  	_ =	swait.ge [sflag:s18], $0x2000  }
0x19e: {  	[sflag:s18] =	ssyncset.done $0x0  }
0x19f: {  	s10 =	simm.s32 $0x13F40;
	[sflag:s18] =	ssyncadd.s32 $0xFFFFE000  }
0x1a0: {  	[tilespmem:s26], [sflag:$0x3] =	stream.indirect.gather [spmem:s3], $0x40, s10, s21, $0xb8;
	[tilespmem:$0x1E440] =	vst v63  }
0x1a1: {  	_ =	swait.ge [sflag:s1], $0x2000  }
0x1a2: {  	[sflag:s1] =	ssyncset.done $0x0  }
0x1a3: {  	s15 =	simm.s32 $0x151C0;
	[sflag:s1] =	ssyncadd.s32 $0xFFFFE000  }
0x1a4: {  	[spmem:s2] =	stream.indirect.scatter.add.f32 [tilespmem:s29], [sflag:$0x5], $0x40, s15, s21, $0xb8;
	[tilespmem:$0x1E440] =	vst v63  }
0x1a5: {  	_ =	swait.ge [sflag:s18], $0x2000  }
0x1a6: {  	[sflag:s18] =	ssyncset.done $0x0  }
0x1a7: {  	s5 =	simm.s32 $0x13FC0;
	s15 =	simm.s32 $0x800;
	[sflag:s18] =	ssyncadd.s32 $0xFFFFE000  }
.LBB2_8:
0x1a8: {  	[tilespmem:s29], [sflag:$0x4] =	stream.indirect.gather [spmem:s3], $0x40, s5, s21, $0xb8;
	[tilespmem:$0x1E440] =	vst v63  }
0x1a9: {  	s5 =	smov.u32 s15  }
0x1aa: {  	p0 =	sne.s32 s15, $0x4000;
	s15 =	sadd.s32 $0x800, s15;
	_ =	swait.ge [sflag:s30], $0x2000  }
0x1ab: {  	s5 =	sshra.s32 s5, $0x2;
	[sflag:s30] =	ssyncset.done $0x0  }
0x1ac: {  	s9 =	sadd.s32 $0x15040, s5;
	[sflag:s30] =	ssyncadd.s32 $0xFFFFE000  }
0x1ad: {  	[spmem:s2] =	stream.indirect.scatter.add.f32 [tilespmem:s22], [sflag:$0x5], $0x40, s9, s21, $0xb8;
	[tilespmem:$0x1E440] =	vst v63  }
0x1ae: {  	_ =	swait.ge [sflag:s18], $0x2000  }
0x1af: {  	[sflag:s18] =	ssyncset.done $0x0  }
0x1b0: {  	s9 =	sadd.s32 $0x13E40, s5;
	[sflag:s18] =	ssyncadd.s32 $0xFFFFE000  }
0x1b1: {  	[tilespmem:s22], [sflag:$0x1] =	stream.indirect.gather [spmem:s3], $0x40, s9, s21, $0xb8;
	[tilespmem:$0x1E440] =	vst v63  }
0x1b2: {  	_ =	swait.ge [sflag:s31], $0x2000  }
0x1b3: {  	[sflag:s31] =	ssyncset.done $0x0  }
0x1b4: {  	s9 =	sadd.s32 $0x150C0, s5;
	[sflag:s31] =	ssyncadd.s32 $0xFFFFE000  }
0x1b5: {  	[spmem:s2] =	stream.indirect.scatter.add.f32 [tilespmem:s24], [sflag:$0x5], $0x40, s9, s21, $0xb8;
	[tilespmem:$0x1E440] =	vst v63  }
0x1b6: {  	_ =	swait.ge [sflag:s18], $0x2000  }
0x1b7: {  	[sflag:s18] =	ssyncset.done $0x0  }
0x1b8: {  	s9 =	sadd.s32 $0x13EC0, s5;
	[sflag:s18] =	ssyncadd.s32 $0xFFFFE000  }
0x1b9: {  	[tilespmem:s24], [sflag:$0x2] =	stream.indirect.gather [spmem:s3], $0x40, s9, s21, $0xb8;
	[tilespmem:$0x1E440] =	vst v63  }
0x1ba: {  	_ =	swait.ge [sflag:s0], $0x2000  }
0x1bb: {  	[sflag:s0] =	ssyncset.done $0x0  }
0x1bc: {  	s9 =	sadd.s32 $0x15140, s5;
	[sflag:s0] =	ssyncadd.s32 $0xFFFFE000  }
0x1bd: {  	[spmem:s2] =	stream.indirect.scatter.add.f32 [tilespmem:s26], [sflag:$0x5], $0x40, s9, s21, $0xb8;
	[tilespmem:$0x1E440] =	vst v63  }
0x1be: {  	_ =	swait.ge [sflag:s18], $0x2000  }
0x1bf: {  	[sflag:s18] =	ssyncset.done $0x0  }
0x1c0: {  	s9 =	sadd.s32 $0x13F40, s5;
	[sflag:s18] =	ssyncadd.s32 $0xFFFFE000  }
0x1c1: {  	[tilespmem:s26], [sflag:$0x3] =	stream.indirect.gather [spmem:s3], $0x40, s9, s21, $0xb8;
	[tilespmem:$0x1E440] =	vst v63  }
0x1c2: {  	_ =	swait.ge [sflag:s1], $0x2000  }
0x1c3: {  	[sflag:s1] =	ssyncset.done $0x0  }
.Ltmp3:
0x1c4: {  	s9 =	sadd.s32 $0x151C0, s5;
	[sflag:s1] =	ssyncadd.s32 $0xFFFFE000;
	(pc) =	sbr.rel @p0 .LBB2_8-.Ltmp3, $4  }
0x1c5: {  	[spmem:s2] =	stream.indirect.scatter.add.f32 [tilespmem:s29], [sflag:$0x5], $0x40, s9, s21, $0xb8;
	[tilespmem:$0x1E440] =	vst v63  }
0x1c6: {  	_ =	swait.ge [sflag:s18], $0x2000  }
0x1c7: {  	[sflag:s18] =	ssyncset.done $0x0  }
0x1c8: {  	s5 =	sadd.s32 $0x13FC0, s5;
	[sflag:s18] =	ssyncadd.s32 $0xFFFFE000  }
0x1c9: {  	[tilespmem:s29], [sflag:$0x4] =	stream.indirect.gather [spmem:s3], $0x40, s5, s21, $0xb8;
	[tilespmem:$0x1E440] =	vst v63  }
0x1ca: {  	_ =	swait.ge [sflag:s30], $0x2000  }
0x1cb: {  	[sflag:s30] =	ssyncset.done $0x0  }
0x1cc: {  	[sflag:s30] =	ssyncadd.s32 $0xFFFFE000  }
0x1cd: {  	[spmem:s2] =	stream.indirect.scatter.add.f32 [tilespmem:s22], [sflag:$0x5], $0x40, s4, s21, $0xb8;
	[tilespmem:$0x1E440] =	vst v63  }
0x1ce: {  	_ =	swait.ge [sflag:s18], $0x2000  }
0x1cf: {  	[sflag:s18] =	ssyncset.done $0x0  }
0x1d0: {  	[sflag:s18] =	ssyncadd.s32 $0xFFFFE000  }
0x1d1: {  	_ =	swait.ge [sflag:s31], $0x2000  }
0x1d2: {  	[sflag:s31] =	ssyncset.done $0x0  }
0x1d3: {  	[sflag:s31] =	ssyncadd.s32 $0xFFFFE000  }
0x1d4: {  	[spmem:s2] =	stream.indirect.scatter.add.f32 [tilespmem:s24], [sflag:$0x5], $0x40, s7, s21, $0xb8;
	[tilespmem:$0x1E440] =	vst v63  }
0x1d5: {  	_ =	swait.ge [sflag:s18], $0x2000  }
0x1d6: {  	[sflag:s18] =	ssyncset.done $0x0  }
0x1d7: {  	[sflag:s18] =	ssyncadd.s32 $0xFFFFE000  }
0x1d8: {  	_ =	swait.ge [sflag:s0], $0x2000  }
0x1d9: {  	[sflag:s0] =	ssyncset.done $0x0  }
0x1da: {  	[sflag:s0] =	ssyncadd.s32 $0xFFFFE000  }
0x1db: {  	[spmem:s2] =	stream.indirect.scatter.add.f32 [tilespmem:s26], [sflag:$0x5], $0x40, s8, s21, $0xb8;
	[tilespmem:$0x1E440] =	vst v63  }
0x1dc: {  	_ =	swait.ge [sflag:s18], $0x2000  }
0x1dd: {  	[sflag:s18] =	ssyncset.done $0x0  }
0x1de: {  	[sflag:s18] =	ssyncadd.s32 $0xFFFFE000  }
0x1df: {  	_ =	swait.ge [sflag:s1], $0x2000  }
0x1e0: {  	[sflag:s1] =	ssyncset.done $0x0  }
0x1e1: {  	[sflag:s1] =	ssyncadd.s32 $0xFFFFE000  }
0x1e2: {  	[spmem:s2] =	stream.indirect.scatter.add.f32 [tilespmem:s29], [sflag:$0x5], $0x40, s13, s21, $0xb8;
	[tilespmem:$0x1E440] =	vst v63  }
0x1e3: {  	_ =	swait.ge [sflag:s18], $0x2000  }
0x1e4: {  	[sflag:s18] =	ssyncset.done $0x0  }
0x1e5: {  	[sflag:s18] =	ssyncadd.s32 $0xFFFFE000  }
0x1e6: {  	[bflag:$0x0] =	sbarrier.arrive $0xFFFF  }
0x1e7: {  	s10 =	rddreg [dreg:$0xa]  }
0x1e8: {  	[hbm:s10], [sflag:s6] =	dma.local [spmem:s17], $0x1400  }
0x1e9: {  	_ =	swait.ge [sflag:s18], $0x1400  }
0x1ea: {  	s14 =	sadd.s32 $0x1, s14;
	s15 =	rddreg [dreg:$0xb]  }
0x1eb: {  	p0 =	sne.s32 s14, s15  }
.Ltmp4:
0x1ec: {  	_ = 	snop;
	(pc) =	sbr.rel @p0 .LBB2_1-.Ltmp4, $3  }
0x1ed: {  	_ =	sdelay $0x1  }
0x1ee: {  	[sflag:s18] =	ssyncset.done $0x0  }
0x1ef: {  	[sflag:s18] =	ssyncadd.s32 $0xFFFFEC00  }
0x1f0: {  	_ =	sfence.sel $0x180000  }
0x1f1: {  	[bflag:$0x0] =	sbarrier.arrive $0xFFFF  }
0x1f2: {  	_ =	strace $0x9000004A  }
0x1f3: {  	s0 =	stileid.u32;
	[bflag:$0x2] =	sbarrier.arrive $0xFFFF  }
0x1f4: {  	p0 =	sne.s32 s0, $0x0;
	s0 =	rddreg [dreg:$0x3]  }
0x1f5: {  	s0 =	sadd.s32 @!p0 $0x100000, s0  }
0x1f6: {  	[sflag:s0] =	ssyncadd.tile.s32 @!p0 $0x1;
	_ =	shalt  }
.Lfunc_end2:
_tile_overlayer_lowered:
.L_overlay_start_2:
0x1f7: {  	(tag) =	ssettag $0x2  }
0x1f8: {  	s0 =	rddreg [dreg:$0x0];
	s2 =	stileid.u32  }
0x1f9: {  	s1 =	rddreg [dreg:$0x1];
	p0 =	sne.s32 s2, $0x0  }
0x1fa: {  	s3 =	rddreg [dreg:$0x2];
	[bflag:$0x3] =	sbarrier.arrive $0xFFFF;
	s2 =	simm.s32 @!p0 $0x1C05  }
0x1fb: {  	[timem:s3], [sflag:s2] =	dma.local @!p0 [hbm:s0], s1  }
0x1fc: {  	s0 =	simm.s32 @!p0 $0x5  }
0x1fd: {  	_ =	swait.ge @!p0 [sflag:s0], s1  }
0x1fe: {  	s1 =	ssub.s32 @!p0 $0x0, s1;
	[sflag:s0] =	ssyncset.done @!p0 $0x0  }
0x1ff: {  	[sflag:s0] =	ssyncadd.s32 @!p0 s1  }
0x200: {  	[bflag:$0x3] =	sbarrier.arrive $0xFFFF  }
0x201: {  	_ =	shalt  }

// kernel: kernel.15.cloned.1.call-start
scs
__scs_entry_jumppad:
0x0: {  	(pc) =	sbr.rel $0x88, $3  }
0x1: {  	(tag) =	ssettag $0x0;
	lr =	simm.s32 $0x1  }
0x2: {  	[smem:$0x3F9A] =	sst lr;
	_ =	strace $0xD0000000  }
0x3: {  	_ = 	snop  }
0x4: {  	_ = 	snop  }
0x5: {  	_ = 	snop  }
0x6: {  	_ = 	snop  }
0x7: {  	_ = 	snop  }
__scs_overlays_trampoline_lowered:
0x8: {  	[smem:$0x3FA9] =	sst s0  }
0x9: {  	[smem:$0x3FAA] =	sst s1  }
0xa: {  	[smem:$0x3FAB] =	sst s2  }
0xb: {  	[smem:$0x3FAC] =	sst s3  }
0xc: {  	[smem:$0x3FAD] =	sst s4  }
0xd: {  	[smem:$0x3FAE] =	sst s5  }
0xe: {  	[smem:$0x3FAF] =	sst s6  }
0xf: {  	[smem:$0x3FB0] =	sst s7  }
0x10: {  	[smem:$0x3FB1] =	sst s8  }
0x11: {  	[smem:$0x3FB2] =	sst s9;
	s0 =	simm.s32 @!p0 $0x0  }
0x12: {  	s1 =	sld [smem:$0x3F98];
	s0 =	simm.s32 @p0 $0x1  }
0x13: {  	[smem:$0x3FB3] =	sst s0;
	s0 =	simm.s32 @!p1 $0x0  }
0x14: {  	s2 =	sld [smem:$0x3F97];
	s0 =	simm.s32 @p1 $0x1  }
0x15: {  	[smem:$0x3FB4] =	sst s0;
	s0 =	simm.s32 @!p2 $0x0  }
0x16: {  	s3 =	sld [smem:$0x3FDB];
	s0 =	simm.s32 @p2 $0x1  }
0x17: {  	s4 =	simm.s32 $0x1BF5;
	[smem:$0x3FB6] =	sst s0  }
0x18: {  	s0 =	sld [smem:$0x3F99];
	_ =	swait.ge [sflag:s4], $0x0  }
0x19: {  	s7 =	sld [smem:$0x3F9A]  }
0x1a: {  	s8 =	sadd.s32 $0xFFFFE003, lr  }
0x1b: {  	s9 =	sadd.s32 $0xFFFFFEF7, lr;
	s5 =	simm.s32 $0xFFFFFFFF;
	p2 =	slt.u32 s8, $0xFFFFF086  }
0x1c: {  	p1 =	slt.u32 s9, $0xF7A;
	s5 =	simm.s32 @!p2 $0x0  }
0x1d: {  	s5 =	simm.s32 @p1 $0x1;
	p0 =	seq.s32 s7, s2  }
0x1e: {  	s7 =	smul.u32 @!p0 $0xF7A, s2;
	p2 =	seq.s32 @!p0 s5, $0x0  }
0x1f: {  	s9 =	smul.u32 $0xF7A, s1;
	s8 =	simm.s32 @!p0 $0x1BF5;
	p2 =	por !p2, p0  }
0x20: {  	[sflag:s8] =	ssyncset.s32 @!p0 $0xFFFFF086;
	s6 =	sadd.s32 @!p0 s3, s7;
	s7 =	simm.s32 @!p0 $0x108  }
0x21: {  	s3 =	sadd.s32 s3, s9;
	s6 =	sadd.s32 @!p0 $0x88, s6;
	s7 =	simm.s32 @p2 $0x1082  }
0x22: {  	[simem:s7], [sflag:s8] =	dma.local @!p0 [hbm:s6], $0xF7A  }
0x23: {  	s9 =	sor.u32 $0xD0000000, s2;
	s6 =	simm.s32 $0x108;
	_ =	swait.ge @!p0 [sflag:s8], $0x0  }
0x24: {  	s3 =	sadd.s32 $0x88, s3;
	s6 =	simm.s32 @!p1 $0x1082;
	[sflag:s4] =	ssyncset.s32 $0xFFFFF086  }
0x25: {  	[simem:s6], [sflag:s4] =	dma.local [hbm:s3], $0xF7A  }
0x26: {  	[smem:$0x3F9A] =	sst s1;
	(tag) =	ssettag s2;
	_ =	strace s9  }
0x27: {  	s1 =	sld [smem:$0x3FAA]  }
0x28: {  	s2 =	sld [smem:$0x3FAB]  }
0x29: {  	s4 =	sld [smem:$0x3FAD]  }
0x2a: {  	p0 =	seq.s32 s5, $0x0;
	s5 =	sld [smem:$0x3FAE]  }
0x2b: {  	s6 =	sld [smem:$0x3FAF]  }
0x2c: {  	s7 =	sld [smem:$0x3FB0]  }
0x2d: {  	s3 =	simm.s32 $0x108;
	s8 =	sld [smem:$0x3FB1]  }
0x2e: {  	s3 =	simm.s32 @!p0 $0x1082;
	s9 =	sld [smem:$0x3FB2]  }
0x2f: {  	lr =	sadd.s32 s0, s3;
	s0 =	sld [smem:$0x3FA9]  }
0x30: {  	s3 =	sld [smem:$0x3FAC]  }
0x31: {  	[smem:$0x3FB5] =	sst s10  }
0x32: {  	s10 =	sld [smem:$0x3FB3];
	_ =	sdelay $0x3  }
0x33: {  	p0 =	seq.s32 s10, $0x1;
	s10 =	sld [smem:$0x3FB5];
	_ =	sdelay $0x3  }
0x34: {  	[smem:$0x3FB5] =	sst s10  }
0x35: {  	s10 =	sld [smem:$0x3FB4];
	_ =	sdelay $0x3  }
0x36: {  	p1 =	seq.s32 s10, $0x1;
	s10 =	sld [smem:$0x3FB5];
	_ =	sdelay $0x3  }
0x37: {  	[smem:$0x3FB5] =	sst s10  }
0x38: {  	s10 =	sld [smem:$0x3FB6]  }
0x39: {  	_ = 	snop;
	(pc) =	sbr.ind lr, $3  }
0x3a: {  	_ = 	snop  }
0x3b: {  	_ = 	snop  }
0x3c: {  	p2 =	seq.s32 s10, $0x1;
	s10 =	sld [smem:$0x3FB5]  }
0x3d: {  	_ =	shalt  }
0x3e: {  	_ =	shalt  }
0x3f: {  	_ =	shalt  }
0x40: {  	_ =	shalt  }
0x41: {  	_ =	shalt  }
0x42: {  	_ =	shalt  }
0x43: {  	_ =	shalt  }
0x44: {  	_ =	shalt  }
0x45: {  	_ =	shalt  }
0x46: {  	_ =	shalt  }
0x47: {  	_ =	shalt  }
0x48: {  	_ =	shalt  }
0x49: {  	_ =	shalt  }
0x4a: {  	_ =	shalt  }
0x4b: {  	_ =	shalt  }
0x4c: {  	_ =	shalt  }
0x4d: {  	_ =	shalt  }
0x4e: {  	_ =	shalt  }
0x4f: {  	_ =	shalt  }
0x50: {  	_ =	shalt  }
0x51: {  	_ =	shalt  }
0x52: {  	_ =	shalt  }
0x53: {  	_ =	shalt  }
0x54: {  	_ =	shalt  }
0x55: {  	_ =	shalt  }
0x56: {  	_ =	shalt  }
0x57: {  	_ =	shalt  }
0x58: {  	_ =	shalt  }
0x59: {  	_ =	shalt  }
0x5a: {  	_ =	shalt  }
0x5b: {  	_ =	shalt  }
0x5c: {  	_ =	shalt  }
0x5d: {  	_ =	shalt  }
0x5e: {  	_ =	shalt  }
0x5f: {  	_ =	shalt  }
0x60: {  	_ =	shalt  }
0x61: {  	_ =	shalt  }
0x62: {  	_ =	shalt  }
0x63: {  	_ =	shalt  }
0x64: {  	_ =	shalt  }
0x65: {  	_ =	shalt  }
0x66: {  	_ =	shalt  }
0x67: {  	_ =	shalt  }
0x68: {  	_ =	shalt  }
0x69: {  	_ =	shalt  }
0x6a: {  	_ =	shalt  }
0x6b: {  	_ =	shalt  }
0x6c: {  	_ =	shalt  }
0x6d: {  	_ =	shalt  }
0x6e: {  	_ =	shalt  }
0x6f: {  	_ =	shalt  }
0x70: {  	_ =	shalt  }
0x71: {  	_ =	shalt  }
0x72: {  	_ =	shalt  }
0x73: {  	_ =	shalt  }
0x74: {  	_ =	shalt  }
0x75: {  	_ =	shalt  }
0x76: {  	_ =	shalt  }
0x77: {  	_ =	shalt  }
0x78: {  	_ =	shalt  }
0x79: {  	_ =	shalt  }
0x7a: {  	_ =	shalt  }
0x7b: {  	_ =	shalt  }
0x7c: {  	_ =	shalt  }
0x7d: {  	_ =	shalt  }
0x7e: {  	_ =	shalt  }
0x7f: {  	_ =	shalt  }
0x80: {  	_ =	shalt  }
0x81: {  	_ =	shalt  }
0x82: {  	_ =	shalt  }
0x83: {  	_ =	shalt  }
0x84: {  	_ =	shalt  }
0x85: {  	_ =	shalt  }
0x86: {  	_ =	shalt  }
0x87: {  	_ =	shalt  }
.Lfunc_end0:
.L_simem_size_0:
called_computation.2_lowered:
.L_overlay_start_0:
0x88: {  	s2 =	sld [smem:$0x3FD9]  }
0x89: {  	s3 =	sld [smem:$0x3FFE];
	_ =	sdelay $0x1  }
0x8a: {  	s1 =	srdreg.scid  }
0x8b: {  	s0 =	sand.u32 $0x1, s1  }
0x8c: {  	s16 =	sshll.u32 s0, $0xA;
	s2 =	sadd.s32 s3, s2  }
0x8d: {  	s2 =	sadd.s32 s2, s16  }
0x8e: {  	[smem:$0x3FC1] =	sst s2  }
0x8f: {  	_ = 	snop  }
0x90: {  	(tm) =	ssettm $0x1  }
0x91: {  	s17 =	sld [smem:$0x3FFB];
	_ =	sdelay $0x3  }
0x92: {  	_ =	strace s17  }
0x93: {  	s2 =	sld [smem:$0x3FFC];
	_ =	sdelay $0x3  }
0x94: {  	_ =	strace s2  }
0x95: {  	s2 =	sld [smem:$0x3FFD];
	_ =	sdelay $0x3  }
0x96: {  	_ =	strace s2  }
0x97: {  	_ =	strace $0x8FFFFFFF  }
0x98: {  	s18 =	sld [smem:$0x3FDB];
	_ =	sdelay $0x1  }
0x99: {  	s19 =	simm.s32 $_scs_section_size  }
0x9a: {  	s4 =	simm.s32 $_size__tile_overlayer_lowered;
	s5 =	simm.s32 $_tile_overlayer_lowered  }
0x9b: {  	s22 =	simm.s32 $0x1BFF;
	s21 =	sshll.u32 s5, $0x1;
	s2 =	sadd.s32 s19, s18  }
0x9c: {  	s6 =	simm.s32 $0x0;
	s20 =	sshll.u32 s4, $0x1;
	s4 =	sadd.s32 s21, s2  }
0x9d: {  	[timem:s6], [sflag:s22] =	dma.local [hbm:s4], s20  }
0x9e: {  	_ =	swait.ge [sflag:s22], s20  }
0x9f: {  	s3 =	ssub.s32 $0x0, s20;
	[sflag:s22] =	ssyncset.done $0x0  }
0xa0: {  	[sflag:s22] =	ssyncadd.s32 s3;
	_ =	sdelay $0x1  }
0xa1: {  	s23 =	simm.s32 $0x1B8B  }
0xa2: {  	_ =	swait.ge [sflag:s23], $0x1  }
0xa3: {  	[sflag:s23] =	ssyncset.done $0x0  }
0xa4: {  	s25 =	simm.s32 $0x1B8E;
	s24 =	sld [smem:$0x3FFE];
	[sflag:s23] =	ssyncadd.s32 $0xFFFFFFFF  }
0xa5: {  	s26 =	simm.s32 $execute0_lowered;
	[smem:$0x3FD2] =	sst s25  }
0xa6: {  	s4 =	sshll.u32 s26, $0x1;
	_ =	strace $0x8000004C;
	[dreg:$0x1] =	wrdreg $0xFFFFFFFF  }
0xa7: {  	s28 =	simm.s32 $_size_execute0_lowered;
	s2 =	sadd.s32 s2, s4;
	[dreg:$0x0] =	wrdreg $0x0  }
0xa8: {  	s4 =	sshll.u32 s28, $0x1;
	[dreg:$0x2] =	wrdreg s2  }
0xa9: {  	[dreg:$0x3] =	wrdreg s4  }
0xaa: {  	[dreg:$0x4] =	wrdreg $0xC0  }
0xab: {  	_ =	task [dreg:s6], $0x5FFFF  }
0xac: {  	[dreg:$0x1] =	wrdreg $0xFFFFFFFF  }
0xad: {  	[dreg:$0x0] =	wrdreg $0x60  }
0xae: {  	[dreg:$0x2] =	wrdreg s24  }
0xaf: {  	[dreg:$0x3] =	wrdreg $0x0  }
0xb0: {  	[dreg:$0x4] =	wrdreg $0xA0000  }
0xb1: {  	[dreg:$0x5] =	wrdreg $0x9  }
0xb2: {  	_ =	task.clear_ibuf [dreg:s6], $0x6FFFF;
	_ =	strace $0x9000004C  }
0xb3: {  	s29 =	simm.s32 $0x9;
	_ =	strace $0x8000004E  }
0xb4: {  	_ =	swait.ge [sflag:s29], $0x1  }
0xb5: {  	[sflag:s29] =	ssyncadd.s32 $0xFFFFFFFF  }
0xb6: {  	_ =	strace $0x9000004E  }
0xb7: {  	_ =	sfence  }
0xb8: {  	s30 =	sld [smem:$0x0];
	_ =	sdelay $0x2  }
0xb9: {  	s31 =	sshll.u32 s1, $0xD;
	s1 =	sshrl.u32 s1, $0x2  }
0xba: {  	s3 =	sand.u32 $0x4000, s31;
	s1 =	sadd.s32 s1, s30  }
0xbb: {  	s0 =	sor.u32 s3, s0;
	s1 =	sshll.u32 s1, $0x11  }
0xbc: {  	s0 =	sor.u32 s1, s0  }
0xbd: {  	s0 =	sadd.s32 $0x8F2B, s0  }
0xbe: {  	[sflag:s0] =	ssyncadd.remote.s32 $0x1  }
0xbf: {  	_ =	sfence.sel $0xFFFF  }
0xc0: {  	[dreg:$0x0] =	wrdreg $0xFFFFFFFF;
	(pc) =	sbr.abs _section_cstart, $3  }
0xc1: {  	[dreg:$0x1] =	wrdreg $0xFFFFFFFF  }
0xc2: {  	_ =	task.clear_ibuf [dreg:s6], $0x2FFFF;
	_ =	strace $0x9FFFFFFF  }
0xc3: {  	(tm) =	ssettm $0x7FFFFFFF  }
tec
execute0_lowered:
.L_overlay_start_1:
0x0: {  	(tag) =	ssettag $0x1  }
0x1: {  	s0 =	rddreg [dreg:$0x0]  }
0x2: {  	s2 =	rddreg [dreg:$0x1]  }
0x3: {  	s3 =	rddreg [dreg:$0x2]  }
0x4: {  	s13 =	stileid.u32;
	s5 =	simm.s32 $0x0;
	s4 =	srdreg.scid  }
0x5: {  	s15 =	simm.s32 $0x5;
	s17 =	simm.s32 $0x13C40;
	s18 =	simm.s32 $0x15040  }
0x6: {  	s28 =	simm.s32 $0x1;
	s29 =	simm.s32 $0x2;
	s30 =	simm.s32 $0x3  }
0x7: {  	s31 =	simm.s32 $0x4;
	s1 =	smul.u32 $0x9C40, s13;
	[smem:$0x7FF] =	sst s5  }
0x8: {  	s19 =	smul.u32 $0xA000, s13;
	s4 =	sand.u32 $0x1, s4;
	s9 =	sadd.s32 $0x15400, s0  }
0x9: {  	s11 =	sadd.s32 $0x1200, s0;
	s12 =	sshll.u32 s13, $0x1;
	s23 =	sshll.u32 s13, $0x6  }
0xa: {  	_ =	strace $0x8000004D;
	s7 =	smul.u32 $0xA0000, s4;
	s10 =	ssub.s32 $0x2, s4  }
0xb: {  	s4 =	sor.u32 s4, s12;
	s6 =	sshrl.u32 s1, $0x3;
	s20 =	sshrl.u32 s19, $0x3  }
0xc: {  	s21 =	sshrl.u32 s10, $0x1;
	s5 =	sadd.s32 s19, s2;
	s22 =	smul.u32 $0x2800, s4  }
0xd: {  	s4 =	smul.u32 $0x500, s4;
	s1 =	sadd.s32 s1, s3;
	s8 =	sadd.s32 s6, s0  }
0xe: {  	s6 =	sadd.s32 s20, s0;
	s7 =	sadd.s32 s19, s7;
	s14 =	sshrl.u32 s5, $0x3  }
0xf: {  	s16 =	sshrl.u32 s1, $0x3;
	s19 =	simm.s32 $0x80;
	s20 =	simm.s32 $0x16440  }
0x10: {  	s1 =	simm.s32 $0x162C0;
	s5 =	simm.s32 $0x163C0;
	s6 =	sadd.s32 $0x46800, s6  }
0x11: {  	s7 =	sshrl.u32 s7, $0x3;
	s8 =	sadd.s32 $0x1F400, s8;
	[dreg:$0x4] =	wrdreg s6  }
0x12: {  	s24 =	sadd.s32 s9, s4;
	s4 =	sadd.s32 s11, s4;
	[dreg:$0x5] =	wrdreg s8  }
0x13: {  	s0 =	sadd.s32 s7, s0;
	s7 =	ssub.s32 s10, s21;
	[dreg:$0x6] =	wrdreg s24  }
0x14: {  	s6 =	sor.u32 $0x1C05, s23;
	s10 =	sshrl.u32 s22, $0x3;
	[dreg:$0x7] =	wrdreg s4  }
0x15: {  	s21 =	simm.s32 $0x13CC0;
	s22 =	simm.s32 $0x18440;
	s23 =	simm.s32 $0x13D40  }
0x16: {  	s24 =	simm.s32 $0x1A440;
	s4 =	simm.s32 $0x16340;
	s25 =	sadd.s32 $0x280, s10  }
0x17: {  	s12 =	sadd.s32 $0x5A800, s0;
	s13 =	smax.u32 s7, $0x1;
	s0 =	simm.s32 $0x16240  }
0x18: {  	s7 =	simm.s32 $0x0;
	s26 =	sadd.s32 s9, s25;
	s11 =	sadd.s32 s11, s25  }
0x19: {  	s25 =	simm.s32 $0x13DC0;
	[dreg:$0x8] =	wrdreg s26;
	s26 =	simm.s32 $0x1C440  }
.LBB2_1:
0x1a: {  	s8 =	rddreg [dreg:$0x4]  }
0x1b: {  	[spmem:s14], [sflag:s6] =	dma.local [hbm:s8], $0x1400  }
0x1c: {  	_ =	swait.ge [sflag:s15], $0x1400  }
0x1d: {  	[sflag:s15] =	ssyncset.done $0x0  }
0x1e: {  	s9 =	rddreg [dreg:$0x5];
	[sflag:s15] =	ssyncadd.s32 $0xFFFFEC00  }
0x1f: {  	[spmem:s16], [sflag:s6] =	dma.local [hbm:s9], $0x1388  }
0x20: {  	_ =	swait.ge [sflag:s15], $0x1388  }
0x21: {  	[sflag:s15] =	ssyncset.done $0x0  }
0x22: {  	[sflag:s15] =	ssyncadd.s32 $0xFFFFEC78  }
0x23: {  	[bflag:$0x0] =	sbarrier.arrive $0xFFFF  }
0x24: {  	s8 =	simm.s32 $0x0;
	s9 =	rddreg [dreg:$0x6]  }
0x25: {  	[tilespmem:s17], [sflag:$0x5] =	stream.linear.gather [hbm4b:s9+s8], $0x1400, $0x38;
	[tilespmem:$0x1E440] =	vst v63  }
0x26: {  	_ =	swait.ge [sflag:s15], $0x1400  }
0x27: {  	[sflag:s15] =	ssyncset.done $0x0  }
0x28: {  	s10 =	rddreg [dreg:$0x7];
	[sflag:s15] =	ssyncadd.s32 $0xFFFFEC00  }
0x29: {  	[tilespmem:s18], [sflag:$0x5] =	stream.linear.gather [hbm4b:s10+s8], $0x1400, $0x38;
	[tilespmem:$0x1E440] =	vst v63  }
0x2a: {  	_ =	swait.ge [sflag:s15], $0x1400  }
0x2b: {  	[sflag:s15] =	ssyncset.done $0x0  }
0x2c: {  	[sflag:s15] =	ssyncadd.s32 $0xFFFFEC00  }
0x2d: {  	[tilespmem:s20], [sflag:$0x1] =	stream.indirect.gather [spmem:s3], $0x40, s17, s19, $0xb8;
	[tilespmem:$0x1E440] =	vst v63  }
0x2e: {  	_ = 	snop  }
0x2f: {  	[tilespmem:s22], [sflag:$0x2] =	stream.indirect.gather [spmem:s3], $0x40, s21, s19, $0xb8;
	[tilespmem:$0x1E440] =	vst v63  }
0x30: {  	_ = 	snop  }
0x31: {  	[tilespmem:s24], [sflag:$0x3] =	stream.indirect.gather [spmem:s3], $0x40, s23, s19, $0xb8;
	[tilespmem:$0x1E440] =	vst v63  }
0x32: {  	_ = 	snop  }
0x33: {  	[tilespmem:s26], [sflag:$0x4] =	stream.indirect.gather [spmem:s3], $0x40, s25, s19, $0xb8;
	[tilespmem:$0x1E440] =	vst v63  }
0x34: {  	_ =	swait.ge [sflag:s28], $0x2000  }
0x35: {  	[sflag:s28] =	ssyncset.done $0x0  }
0x36: {  	s10 =	simm.s32 $0x15040;
	[sflag:s28] =	ssyncadd.s32 $0xFFFFE000  }
0x37: {  	[spmem:s2] =	stream.indirect.scatter.add.f32 [tilespmem:s20], [sflag:$0x5], $0x40, s10, s19, $0xb8;
	[tilespmem:$0x1E440] =	vst v63  }
0x38: {  	_ =	swait.ge [sflag:s15], $0x2000  }
0x39: {  	[sflag:s15] =	ssyncset.done $0x0  }
0x3a: {  	s9 =	simm.s32 $0x13E40;
	[sflag:s15] =	ssyncadd.s32 $0xFFFFE000  }
0x3b: {  	[tilespmem:s20], [sflag:$0x1] =	stream.indirect.gather [spmem:s3], $0x40, s9, s19, $0xb8;
	[tilespmem:$0x1E440] =	vst v63  }
0x3c: {  	_ =	swait.ge [sflag:s29], $0x2000  }
0x3d: {  	[sflag:s29] =	ssyncset.done $0x0  }
0x3e: {  	s10 =	simm.s32 $0x150C0;
	[sflag:s29] =	ssyncadd.s32 $0xFFFFE000  }
0x3f: {  	[spmem:s2] =	stream.indirect.scatter.add.f32 [tilespmem:s22], [sflag:$0x5], $0x40, s10, s19, $0xb8;
	[tilespmem:$0x1E440] =	vst v63  }
0x40: {  	_ =	swait.ge [sflag:s15], $0x2000  }
0x41: {  	[sflag:s15] =	ssyncset.done $0x0  }
0x42: {  	s9 =	simm.s32 $0x13EC0;
	[sflag:s15] =	ssyncadd.s32 $0xFFFFE000  }
0x43: {  	[tilespmem:s22], [sflag:$0x2] =	stream.indirect.gather [spmem:s3], $0x40, s9, s19, $0xb8;
	[tilespmem:$0x1E440] =	vst v63  }
0x44: {  	_ =	swait.ge [sflag:s30], $0x2000  }
0x45: {  	[sflag:s30] =	ssyncset.done $0x0  }
0x46: {  	s10 =	simm.s32 $0x15140;
	[sflag:s30] =	ssyncadd.s32 $0xFFFFE000  }
0x47: {  	[spmem:s2] =	stream.indirect.scatter.add.f32 [tilespmem:s24], [sflag:$0x5], $0x40, s10, s19, $0xb8;
	[tilespmem:$0x1E440] =	vst v63  }
0x48: {  	_ =	swait.ge [sflag:s15], $0x2000  }
0x49: {  	[sflag:s15] =	ssyncset.done $0x0  }
0x4a: {  	s9 =	simm.s32 $0x13F40;
	[sflag:s15] =	ssyncadd.s32 $0xFFFFE000  }
0x4b: {  	[tilespmem:s24], [sflag:$0x3] =	stream.indirect.gather [spmem:s3], $0x40, s9, s19, $0xb8;
	[tilespmem:$0x1E440] =	vst v63  }
0x4c: {  	_ =	swait.ge [sflag:s31], $0x2000  }
0x4d: {  	[sflag:s31] =	ssyncset.done $0x0  }
0x4e: {  	s10 =	simm.s32 $0x151C0;
	[sflag:s31] =	ssyncadd.s32 $0xFFFFE000  }
0x4f: {  	[spmem:s2] =	stream.indirect.scatter.add.f32 [tilespmem:s26], [sflag:$0x5], $0x40, s10, s19, $0xb8;
	[tilespmem:$0x1E440] =	vst v63  }
0x50: {  	_ =	swait.ge [sflag:s15], $0x2000  }
0x51: {  	[sflag:s15] =	ssyncset.done $0x0  }
0x52: {  	s8 =	simm.s32 $0x800;
	s9 =	simm.s32 $0x13FC0;
	[sflag:s15] =	ssyncadd.s32 $0xFFFFE000  }
.LBB2_2:
0x53: {  	[tilespmem:s26], [sflag:$0x4] =	stream.indirect.gather [spmem:s3], $0x40, s9, s19, $0xb8;
	[tilespmem:$0x1E440] =	vst v63  }
0x54: {  	s9 =	smov.u32 s8  }
0x55: {  	p0 =	sne.s32 s8, $0x4000;
	s8 =	sadd.s32 $0x800, s8;
	_ =	swait.ge [sflag:s28], $0x2000  }
0x56: {  	s9 =	sshra.s32 s9, $0x2;
	[sflag:s28] =	ssyncset.done $0x0  }
0x57: {  	s10 =	sadd.s32 $0x15040, s9;
	[sflag:s28] =	ssyncadd.s32 $0xFFFFE000  }
0x58: {  	[spmem:s2] =	stream.indirect.scatter.add.f32 [tilespmem:s20], [sflag:$0x5], $0x40, s10, s19, $0xb8;
	[tilespmem:$0x1E440] =	vst v63  }
0x59: {  	_ =	swait.ge [sflag:s15], $0x2000  }
0x5a: {  	[sflag:s15] =	ssyncset.done $0x0  }
0x5b: {  	s10 =	sadd.s32 $0x13E40, s9;
	[sflag:s15] =	ssyncadd.s32 $0xFFFFE000  }
0x5c: {  	[tilespmem:s20], [sflag:$0x1] =	stream.indirect.gather [spmem:s3], $0x40, s10, s19, $0xb8;
	[tilespmem:$0x1E440] =	vst v63  }
0x5d: {  	_ =	swait.ge [sflag:s29], $0x2000  }
0x5e: {  	[sflag:s29] =	ssyncset.done $0x0  }
0x5f: {  	s10 =	sadd.s32 $0x150C0, s9;
	[sflag:s29] =	ssyncadd.s32 $0xFFFFE000  }
0x60: {  	[spmem:s2] =	stream.indirect.scatter.add.f32 [tilespmem:s22], [sflag:$0x5], $0x40, s10, s19, $0xb8;
	[tilespmem:$0x1E440] =	vst v63  }
0x61: {  	_ =	swait.ge [sflag:s15], $0x2000  }
0x62: {  	[sflag:s15] =	ssyncset.done $0x0  }
0x63: {  	s10 =	sadd.s32 $0x13EC0, s9;
	[sflag:s15] =	ssyncadd.s32 $0xFFFFE000  }
0x64: {  	[tilespmem:s22], [sflag:$0x2] =	stream.indirect.gather [spmem:s3], $0x40, s10, s19, $0xb8;
	[tilespmem:$0x1E440] =	vst v63  }
0x65: {  	_ =	swait.ge [sflag:s30], $0x2000  }
0x66: {  	[sflag:s30] =	ssyncset.done $0x0  }
0x67: {  	s10 =	sadd.s32 $0x15140, s9;
	[sflag:s30] =	ssyncadd.s32 $0xFFFFE000  }
0x68: {  	[spmem:s2] =	stream.indirect.scatter.add.f32 [tilespmem:s24], [sflag:$0x5], $0x40, s10, s19, $0xb8;
	[tilespmem:$0x1E440] =	vst v63  }
0x69: {  	_ =	swait.ge [sflag:s15], $0x2000  }
0x6a: {  	[sflag:s15] =	ssyncset.done $0x0  }
0x6b: {  	s10 =	sadd.s32 $0x13F40, s9;
	[sflag:s15] =	ssyncadd.s32 $0xFFFFE000  }
0x6c: {  	[tilespmem:s24], [sflag:$0x3] =	stream.indirect.gather [spmem:s3], $0x40, s10, s19, $0xb8;
	[tilespmem:$0x1E440] =	vst v63  }
0x6d: {  	_ =	swait.ge [sflag:s31], $0x2000  }
0x6e: {  	[sflag:s31] =	ssyncset.done $0x0  }
.Ltmp0:
0x6f: {  	s10 =	sadd.s32 $0x151C0, s9;
	[sflag:s31] =	ssyncadd.s32 $0xFFFFE000;
	(pc) =	sbr.rel @p0 .LBB2_2-.Ltmp0, $4  }
0x70: {  	[spmem:s2] =	stream.indirect.scatter.add.f32 [tilespmem:s26], [sflag:$0x5], $0x40, s10, s19, $0xb8;
	[tilespmem:$0x1E440] =	vst v63  }
0x71: {  	_ =	swait.ge [sflag:s15], $0x2000  }
0x72: {  	[sflag:s15] =	ssyncset.done $0x0  }
0x73: {  	s9 =	sadd.s32 $0x13FC0, s9;
	[sflag:s15] =	ssyncadd.s32 $0xFFFFE000  }
0x74: {  	[tilespmem:s26], [sflag:$0x4] =	stream.indirect.gather [spmem:s3], $0x40, s9, s19, $0xb8;
	[tilespmem:$0x1E440] =	vst v63  }
0x75: {  	_ =	swait.ge [sflag:s28], $0x2000  }
0x76: {  	[sflag:s28] =	ssyncset.done $0x0  }
0x77: {  	[sflag:s28] =	ssyncadd.s32 $0xFFFFE000  }
0x78: {  	[spmem:s2] =	stream.indirect.scatter.add.f32 [tilespmem:s20], [sflag:$0x5], $0x40, s0, s19, $0xb8;
	[tilespmem:$0x1E440] =	vst v63  }
0x79: {  	_ =	swait.ge [sflag:s15], $0x2000  }
0x7a: {  	[sflag:s15] =	ssyncset.done $0x0  }
0x7b: {  	[sflag:s15] =	ssyncadd.s32 $0xFFFFE000  }
0x7c: {  	_ =	swait.ge [sflag:s29], $0x2000  }
0x7d: {  	[sflag:s29] =	ssyncset.done $0x0  }
0x7e: {  	[sflag:s29] =	ssyncadd.s32 $0xFFFFE000  }
0x7f: {  	[spmem:s2] =	stream.indirect.scatter.add.f32 [tilespmem:s22], [sflag:$0x5], $0x40, s1, s19, $0xb8;
	[tilespmem:$0x1E440] =	vst v63  }
0x80: {  	_ =	swait.ge [sflag:s15], $0x2000  }
0x81: {  	[sflag:s15] =	ssyncset.done $0x0  }
0x82: {  	[sflag:s15] =	ssyncadd.s32 $0xFFFFE000  }
0x83: {  	_ =	swait.ge [sflag:s30], $0x2000  }
0x84: {  	[sflag:s30] =	ssyncset.done $0x0  }
0x85: {  	[sflag:s30] =	ssyncadd.s32 $0xFFFFE000  }
0x86: {  	[spmem:s2] =	stream.indirect.scatter.add.f32 [tilespmem:s24], [sflag:$0x5], $0x40, s4, s19, $0xb8;
	[tilespmem:$0x1E440] =	vst v63  }
0x87: {  	_ =	swait.ge [sflag:s15], $0x2000  }
0x88: {  	[sflag:s15] =	ssyncset.done $0x0  }
0x89: {  	[sflag:s15] =	ssyncadd.s32 $0xFFFFE000  }
0x8a: {  	_ =	swait.ge [sflag:s31], $0x2000  }
0x8b: {  	[sflag:s31] =	ssyncset.done $0x0  }
0x8c: {  	[sflag:s31] =	ssyncadd.s32 $0xFFFFE000  }
0x8d: {  	[spmem:s2] =	stream.indirect.scatter.add.f32 [tilespmem:s26], [sflag:$0x5], $0x40, s5, s19, $0xb8;
	[tilespmem:$0x1E440] =	vst v63  }
0x8e: {  	_ =	swait.ge [sflag:s15], $0x2000  }
0x8f: {  	[sflag:s15] =	ssyncset.done $0x0  }
0x90: {  	s8 =	simm.s32 $0x0;
	s10 =	rddreg [dreg:$0x8];
	[sflag:s15] =	ssyncadd.s32 $0xFFFFE000  }
0x91: {  	[tilespmem:s17], [sflag:$0x5] =	stream.linear.gather [hbm4b:s10+s8], $0x1400, $0x38;
	[tilespmem:$0x1E440] =	vst v63  }
0x92: {  	_ =	swait.ge [sflag:s15], $0x1400  }
0x93: {  	[sflag:s15] =	ssyncset.done $0x0  }
0x94: {  	[sflag:s15] =	ssyncadd.s32 $0xFFFFEC00  }
0x95: {  	[tilespmem:s18], [sflag:$0x5] =	stream.linear.gather [hbm4b:s11+s8], $0x1400, $0x38;
	[tilespmem:$0x1E440] =	vst v63  }
0x96: {  	_ =	swait.ge [sflag:s15], $0x1400  }
0x97: {  	[sflag:s15] =	ssyncset.done $0x0  }
0x98: {  	[sflag:s15] =	ssyncadd.s32 $0xFFFFEC00  }
0x99: {  	[tilespmem:s20], [sflag:$0x1] =	stream.indirect.gather [spmem:s3], $0x40, s17, s19, $0xb8;
	[tilespmem:$0x1E440] =	vst v63  }
0x9a: {  	_ = 	snop  }
0x9b: {  	[tilespmem:s22], [sflag:$0x2] =	stream.indirect.gather [spmem:s3], $0x40, s21, s19, $0xb8;
	[tilespmem:$0x1E440] =	vst v63  }
0x9c: {  	_ = 	snop  }
0x9d: {  	[tilespmem:s24], [sflag:$0x3] =	stream.indirect.gather [spmem:s3], $0x40, s23, s19, $0xb8;
	[tilespmem:$0x1E440] =	vst v63  }
0x9e: {  	_ = 	snop  }
0x9f: {  	[tilespmem:s26], [sflag:$0x4] =	stream.indirect.gather [spmem:s3], $0x40, s25, s19, $0xb8;
	[tilespmem:$0x1E440] =	vst v63  }
0xa0: {  	_ =	swait.ge [sflag:s28], $0x2000  }
0xa1: {  	[sflag:s28] =	ssyncset.done $0x0  }
0xa2: {  	s10 =	simm.s32 $0x15040;
	[sflag:s28] =	ssyncadd.s32 $0xFFFFE000  }
0xa3: {  	[spmem:s2] =	stream.indirect.scatter.add.f32 [tilespmem:s20], [sflag:$0x5], $0x40, s10, s19, $0xb8;
	[tilespmem:$0x1E440] =	vst v63  }
0xa4: {  	_ =	swait.ge [sflag:s15], $0x2000  }
0xa5: {  	[sflag:s15] =	ssyncset.done $0x0  }
0xa6: {  	s9 =	simm.s32 $0x13E40;
	[sflag:s15] =	ssyncadd.s32 $0xFFFFE000  }
0xa7: {  	[tilespmem:s20], [sflag:$0x1] =	stream.indirect.gather [spmem:s3], $0x40, s9, s19, $0xb8;
	[tilespmem:$0x1E440] =	vst v63  }
0xa8: {  	_ =	swait.ge [sflag:s29], $0x2000  }
0xa9: {  	[sflag:s29] =	ssyncset.done $0x0  }
0xaa: {  	s10 =	simm.s32 $0x150C0;
	[sflag:s29] =	ssyncadd.s32 $0xFFFFE000  }
0xab: {  	[spmem:s2] =	stream.indirect.scatter.add.f32 [tilespmem:s22], [sflag:$0x5], $0x40, s10, s19, $0xb8;
	[tilespmem:$0x1E440] =	vst v63  }
0xac: {  	_ =	swait.ge [sflag:s15], $0x2000  }
0xad: {  	[sflag:s15] =	ssyncset.done $0x0  }
0xae: {  	s9 =	simm.s32 $0x13EC0;
	[sflag:s15] =	ssyncadd.s32 $0xFFFFE000  }
0xaf: {  	[tilespmem:s22], [sflag:$0x2] =	stream.indirect.gather [spmem:s3], $0x40, s9, s19, $0xb8;
	[tilespmem:$0x1E440] =	vst v63  }
0xb0: {  	_ =	swait.ge [sflag:s30], $0x2000  }
0xb1: {  	[sflag:s30] =	ssyncset.done $0x0  }
0xb2: {  	s10 =	simm.s32 $0x15140;
	[sflag:s30] =	ssyncadd.s32 $0xFFFFE000  }
0xb3: {  	[spmem:s2] =	stream.indirect.scatter.add.f32 [tilespmem:s24], [sflag:$0x5], $0x40, s10, s19, $0xb8;
	[tilespmem:$0x1E440] =	vst v63  }
0xb4: {  	_ =	swait.ge [sflag:s15], $0x2000  }
0xb5: {  	[sflag:s15] =	ssyncset.done $0x0  }
0xb6: {  	s9 =	simm.s32 $0x13F40;
	[sflag:s15] =	ssyncadd.s32 $0xFFFFE000  }
0xb7: {  	[tilespmem:s24], [sflag:$0x3] =	stream.indirect.gather [spmem:s3], $0x40, s9, s19, $0xb8;
	[tilespmem:$0x1E440] =	vst v63  }
0xb8: {  	_ =	swait.ge [sflag:s31], $0x2000  }
0xb9: {  	[sflag:s31] =	ssyncset.done $0x0  }
0xba: {  	s10 =	simm.s32 $0x151C0;
	[sflag:s31] =	ssyncadd.s32 $0xFFFFE000  }
0xbb: {  	[spmem:s2] =	stream.indirect.scatter.add.f32 [tilespmem:s26], [sflag:$0x5], $0x40, s10, s19, $0xb8;
	[tilespmem:$0x1E440] =	vst v63  }
0xbc: {  	_ =	swait.ge [sflag:s15], $0x2000  }
0xbd: {  	[sflag:s15] =	ssyncset.done $0x0  }
0xbe: {  	s8 =	simm.s32 $0x800;
	s9 =	simm.s32 $0x13FC0;
	[sflag:s15] =	ssyncadd.s32 $0xFFFFE000  }
.LBB2_4:
0xbf: {  	[tilespmem:s26], [sflag:$0x4] =	stream.indirect.gather [spmem:s3], $0x40, s9, s19, $0xb8;
	[tilespmem:$0x1E440] =	vst v63  }
0xc0: {  	s9 =	smov.u32 s8  }
0xc1: {  	p0 =	sne.s32 s8, $0x4000;
	s8 =	sadd.s32 $0x800, s8;
	_ =	swait.ge [sflag:s28], $0x2000  }
0xc2: {  	s9 =	sshra.s32 s9, $0x2;
	[sflag:s28] =	ssyncset.done $0x0  }
0xc3: {  	s10 =	sadd.s32 $0x15040, s9;
	[sflag:s28] =	ssyncadd.s32 $0xFFFFE000  }
0xc4: {  	[spmem:s2] =	stream.indirect.scatter.add.f32 [tilespmem:s20], [sflag:$0x5], $0x40, s10, s19, $0xb8;
	[tilespmem:$0x1E440] =	vst v63  }
0xc5: {  	_ =	swait.ge [sflag:s15], $0x2000  }
0xc6: {  	[sflag:s15] =	ssyncset.done $0x0  }
0xc7: {  	s10 =	sadd.s32 $0x13E40, s9;
	[sflag:s15] =	ssyncadd.s32 $0xFFFFE000  }
0xc8: {  	[tilespmem:s20], [sflag:$0x1] =	stream.indirect.gather [spmem:s3], $0x40, s10, s19, $0xb8;
	[tilespmem:$0x1E440] =	vst v63  }
0xc9: {  	_ =	swait.ge [sflag:s29], $0x2000  }
0xca: {  	[sflag:s29] =	ssyncset.done $0x0  }
0xcb: {  	s10 =	sadd.s32 $0x150C0, s9;
	[sflag:s29] =	ssyncadd.s32 $0xFFFFE000  }
0xcc: {  	[spmem:s2] =	stream.indirect.scatter.add.f32 [tilespmem:s22], [sflag:$0x5], $0x40, s10, s19, $0xb8;
	[tilespmem:$0x1E440] =	vst v63  }
0xcd: {  	_ =	swait.ge [sflag:s15], $0x2000  }
0xce: {  	[sflag:s15] =	ssyncset.done $0x0  }
0xcf: {  	s10 =	sadd.s32 $0x13EC0, s9;
	[sflag:s15] =	ssyncadd.s32 $0xFFFFE000  }
0xd0: {  	[tilespmem:s22], [sflag:$0x2] =	stream.indirect.gather [spmem:s3], $0x40, s10, s19, $0xb8;
	[tilespmem:$0x1E440] =	vst v63  }
0xd1: {  	_ =	swait.ge [sflag:s30], $0x2000  }
0xd2: {  	[sflag:s30] =	ssyncset.done $0x0  }
0xd3: {  	s10 =	sadd.s32 $0x15140, s9;
	[sflag:s30] =	ssyncadd.s32 $0xFFFFE000  }
0xd4: {  	[spmem:s2] =	stream.indirect.scatter.add.f32 [tilespmem:s24], [sflag:$0x5], $0x40, s10, s19, $0xb8;
	[tilespmem:$0x1E440] =	vst v63  }
0xd5: {  	_ =	swait.ge [sflag:s15], $0x2000  }
0xd6: {  	[sflag:s15] =	ssyncset.done $0x0  }
0xd7: {  	s10 =	sadd.s32 $0x13F40, s9;
	[sflag:s15] =	ssyncadd.s32 $0xFFFFE000  }
0xd8: {  	[tilespmem:s24], [sflag:$0x3] =	stream.indirect.gather [spmem:s3], $0x40, s10, s19, $0xb8;
	[tilespmem:$0x1E440] =	vst v63  }
0xd9: {  	_ =	swait.ge [sflag:s31], $0x2000  }
0xda: {  	[sflag:s31] =	ssyncset.done $0x0  }
.Ltmp1:
0xdb: {  	s10 =	sadd.s32 $0x151C0, s9;
	[sflag:s31] =	ssyncadd.s32 $0xFFFFE000;
	(pc) =	sbr.rel @p0 .LBB2_4-.Ltmp1, $4  }
0xdc: {  	[spmem:s2] =	stream.indirect.scatter.add.f32 [tilespmem:s26], [sflag:$0x5], $0x40, s10, s19, $0xb8;
	[tilespmem:$0x1E440] =	vst v63  }
0xdd: {  	_ =	swait.ge [sflag:s15], $0x2000  }
0xde: {  	[sflag:s15] =	ssyncset.done $0x0  }
0xdf: {  	s9 =	sadd.s32 $0x13FC0, s9;
	[sflag:s15] =	ssyncadd.s32 $0xFFFFE000  }
0xe0: {  	[tilespmem:s26], [sflag:$0x4] =	stream.indirect.gather [spmem:s3], $0x40, s9, s19, $0xb8;
	[tilespmem:$0x1E440] =	vst v63  }
0xe1: {  	_ =	swait.ge [sflag:s28], $0x2000  }
0xe2: {  	[sflag:s28] =	ssyncset.done $0x0  }
0xe3: {  	[sflag:s28] =	ssyncadd.s32 $0xFFFFE000  }
0xe4: {  	[spmem:s2] =	stream.indirect.scatter.add.f32 [tilespmem:s20], [sflag:$0x5], $0x40, s0, s19, $0xb8;
	[tilespmem:$0x1E440] =	vst v63  }
0xe5: {  	_ =	swait.ge [sflag:s15], $0x2000  }
0xe6: {  	[sflag:s15] =	ssyncset.done $0x0  }
0xe7: {  	[sflag:s15] =	ssyncadd.s32 $0xFFFFE000  }
0xe8: {  	_ =	swait.ge [sflag:s29], $0x2000  }
0xe9: {  	[sflag:s29] =	ssyncset.done $0x0  }
0xea: {  	[sflag:s29] =	ssyncadd.s32 $0xFFFFE000  }
0xeb: {  	[spmem:s2] =	stream.indirect.scatter.add.f32 [tilespmem:s22], [sflag:$0x5], $0x40, s1, s19, $0xb8;
	[tilespmem:$0x1E440] =	vst v63  }
0xec: {  	_ =	swait.ge [sflag:s15], $0x2000  }
0xed: {  	[sflag:s15] =	ssyncset.done $0x0  }
0xee: {  	[sflag:s15] =	ssyncadd.s32 $0xFFFFE000  }
0xef: {  	_ =	swait.ge [sflag:s30], $0x2000  }
0xf0: {  	[sflag:s30] =	ssyncset.done $0x0  }
0xf1: {  	[sflag:s30] =	ssyncadd.s32 $0xFFFFE000  }
0xf2: {  	[spmem:s2] =	stream.indirect.scatter.add.f32 [tilespmem:s24], [sflag:$0x5], $0x40, s4, s19, $0xb8;
	[tilespmem:$0x1E440] =	vst v63  }
0xf3: {  	_ =	swait.ge [sflag:s15], $0x2000  }
0xf4: {  	[sflag:s15] =	ssyncset.done $0x0  }
0xf5: {  	[sflag:s15] =	ssyncadd.s32 $0xFFFFE000  }
0xf6: {  	_ =	swait.ge [sflag:s31], $0x2000  }
0xf7: {  	[sflag:s31] =	ssyncset.done $0x0  }
0xf8: {  	[sflag:s31] =	ssyncadd.s32 $0xFFFFE000  }
0xf9: {  	[spmem:s2] =	stream.indirect.scatter.add.f32 [tilespmem:s26], [sflag:$0x5], $0x40, s5, s19, $0xb8;
	[tilespmem:$0x1E440] =	vst v63  }
0xfa: {  	_ =	swait.ge [sflag:s15], $0x2000  }
0xfb: {  	s7 =	sadd.s32 $0x1, s7;
	[sflag:s15] =	ssyncset.done $0x0  }
0xfc: {  	p0 =	sne.s32 s7, s13;
	[sflag:s15] =	ssyncadd.s32 $0xFFFFE000  }
.Ltmp2:
0xfd: {  	[bflag:$0x0] =	sbarrier.arrive $0xFFFF;
	(pc) =	sbr.rel @p0 .LBB2_1-.Ltmp2, $4  }
0xfe: {  	[hbm:s12], [sflag:s6] =	dma.local [spmem:s14], $0x1400  }
0xff: {  	_ =	swait.ge [sflag:s15], $0x1400  }
0x100: {  	[sflag:s15] =	ssyncset.done $0x0  }
0x101: {  	[sflag:s15] =	ssyncadd.s32 $0xFFFFEC00  }
0x102: {  	_ =	sfence.sel $0x180000  }
0x103: {  	[bflag:$0x0] =	sbarrier.arrive $0xFFFF  }
0x104: {  	_ =	strace $0x9000004D  }
0x105: {  	s0 =	stileid.u32;
	[bflag:$0x2] =	sbarrier.arrive $0xFFFF  }
0x106: {  	p0 =	sne.s32 s0, $0x0;
	s0 =	rddreg [dreg:$0x3]  }
0x107: {  	s0 =	sadd.s32 @!p0 $0x100000, s0  }
0x108: {  	[sflag:s0] =	ssyncadd.tile.s32 @!p0 $0x1;
	_ =	shalt  }
.Lfunc_end2:
_tile_overlayer_lowered:
.L_overlay_start_2:
0x109: {  	(tag) =	ssettag $0x2  }
0x10a: {  	s0 =	rddreg [dreg:$0x0];
	s2 =	stileid.u32  }
0x10b: {  	s1 =	rddreg [dreg:$0x1];
	p0 =	sne.s32 s2, $0x0  }
0x10c: {  	s3 =	rddreg [dreg:$0x2];
	[bflag:$0x3] =	sbarrier.arrive $0xFFFF;
	s2 =	simm.s32 @!p0 $0x1C05  }
0x10d: {  	[timem:s3], [sflag:s2] =	dma.local @!p0 [hbm:s0], s1  }
0x10e: {  	s0 =	simm.s32 @!p0 $0x5  }
0x10f: {  	_ =	swait.ge @!p0 [sflag:s0], s1  }
0x110: {  	s1 =	ssub.s32 @!p0 $0x0, s1;
	[sflag:s0] =	ssyncset.done @!p0 $0x0  }
0x111: {  	[sflag:s0] =	ssyncadd.s32 @!p0 s1  }
0x112: {  	[bflag:$0x3] =	sbarrier.arrive $0xFFFF  }
0x113: {  	_ =	shalt  }

// kernel: kernel.18.cloned.1.call-start
scs
__scs_entry_jumppad:
0x0: {  	(pc) =	sbr.rel $0x88, $3  }
0x1: {  	(tag) =	ssettag $0x0;
	lr =	simm.s32 $0x1  }
0x2: {  	[smem:$0x3F9A] =	sst lr;
	_ =	strace $0xD0000000  }
0x3: {  	_ = 	snop  }
0x4: {  	_ = 	snop  }
0x5: {  	_ = 	snop  }
0x6: {  	_ = 	snop  }
0x7: {  	_ = 	snop  }
__scs_overlays_trampoline_lowered:
0x8: {  	[smem:$0x3FA9] =	sst s0  }
0x9: {  	[smem:$0x3FAA] =	sst s1  }
0xa: {  	[smem:$0x3FAB] =	sst s2  }
0xb: {  	[smem:$0x3FAC] =	sst s3  }
0xc: {  	[smem:$0x3FAD] =	sst s4  }
0xd: {  	[smem:$0x3FAE] =	sst s5  }
0xe: {  	[smem:$0x3FAF] =	sst s6  }
0xf: {  	[smem:$0x3FB0] =	sst s7  }
0x10: {  	[smem:$0x3FB1] =	sst s8  }
0x11: {  	[smem:$0x3FB2] =	sst s9;
	s0 =	simm.s32 @!p0 $0x0  }
0x12: {  	s1 =	sld [smem:$0x3F98];
	s0 =	simm.s32 @p0 $0x1  }
0x13: {  	[smem:$0x3FB3] =	sst s0;
	s0 =	simm.s32 @!p1 $0x0  }
0x14: {  	s2 =	sld [smem:$0x3F97];
	s0 =	simm.s32 @p1 $0x1  }
0x15: {  	[smem:$0x3FB4] =	sst s0;
	s0 =	simm.s32 @!p2 $0x0  }
0x16: {  	s3 =	sld [smem:$0x3FDB];
	s0 =	simm.s32 @p2 $0x1  }
0x17: {  	s4 =	simm.s32 $0x1BF5;
	[smem:$0x3FB6] =	sst s0  }
0x18: {  	s0 =	sld [smem:$0x3F99];
	_ =	swait.ge [sflag:s4], $0x0  }
0x19: {  	s7 =	sld [smem:$0x3F9A]  }
0x1a: {  	s8 =	sadd.s32 $0xFFFFE003, lr  }
0x1b: {  	s9 =	sadd.s32 $0xFFFFFEF7, lr;
	s5 =	simm.s32 $0xFFFFFFFF;
	p2 =	slt.u32 s8, $0xFFFFF086  }
0x1c: {  	p1 =	slt.u32 s9, $0xF7A;
	s5 =	simm.s32 @!p2 $0x0  }
0x1d: {  	s5 =	simm.s32 @p1 $0x1;
	p0 =	seq.s32 s7, s2  }
0x1e: {  	s7 =	smul.u32 @!p0 $0xF7A, s2;
	p2 =	seq.s32 @!p0 s5, $0x0  }
0x1f: {  	s9 =	smul.u32 $0xF7A, s1;
	s8 =	simm.s32 @!p0 $0x1BF5;
	p2 =	por !p2, p0  }
0x20: {  	[sflag:s8] =	ssyncset.s32 @!p0 $0xFFFFF086;
	s6 =	sadd.s32 @!p0 s3, s7;
	s7 =	simm.s32 @!p0 $0x108  }
0x21: {  	s3 =	sadd.s32 s3, s9;
	s6 =	sadd.s32 @!p0 $0x88, s6;
	s7 =	simm.s32 @p2 $0x1082  }
0x22: {  	[simem:s7], [sflag:s8] =	dma.local @!p0 [hbm:s6], $0xF7A  }
0x23: {  	s9 =	sor.u32 $0xD0000000, s2;
	s6 =	simm.s32 $0x108;
	_ =	swait.ge @!p0 [sflag:s8], $0x0  }
0x24: {  	s3 =	sadd.s32 $0x88, s3;
	s6 =	simm.s32 @!p1 $0x1082;
	[sflag:s4] =	ssyncset.s32 $0xFFFFF086  }
0x25: {  	[simem:s6], [sflag:s4] =	dma.local [hbm:s3], $0xF7A  }
0x26: {  	[smem:$0x3F9A] =	sst s1;
	(tag) =	ssettag s2;
	_ =	strace s9  }
0x27: {  	s1 =	sld [smem:$0x3FAA]  }
0x28: {  	s2 =	sld [smem:$0x3FAB]  }
0x29: {  	s4 =	sld [smem:$0x3FAD]  }
0x2a: {  	p0 =	seq.s32 s5, $0x0;
	s5 =	sld [smem:$0x3FAE]  }
0x2b: {  	s6 =	sld [smem:$0x3FAF]  }
0x2c: {  	s7 =	sld [smem:$0x3FB0]  }
0x2d: {  	s3 =	simm.s32 $0x108;
	s8 =	sld [smem:$0x3FB1]  }
0x2e: {  	s3 =	simm.s32 @!p0 $0x1082;
	s9 =	sld [smem:$0x3FB2]  }
0x2f: {  	lr =	sadd.s32 s0, s3;
	s0 =	sld [smem:$0x3FA9]  }
0x30: {  	s3 =	sld [smem:$0x3FAC]  }
0x31: {  	[smem:$0x3FB5] =	sst s10  }
0x32: {  	s10 =	sld [smem:$0x3FB3];
	_ =	sdelay $0x3  }
0x33: {  	p0 =	seq.s32 s10, $0x1;
	s10 =	sld [smem:$0x3FB5];
	_ =	sdelay $0x3  }
0x34: {  	[smem:$0x3FB5] =	sst s10  }
0x35: {  	s10 =	sld [smem:$0x3FB4];
	_ =	sdelay $0x3  }
0x36: {  	p1 =	seq.s32 s10, $0x1;
	s10 =	sld [smem:$0x3FB5];
	_ =	sdelay $0x3  }
0x37: {  	[smem:$0x3FB5] =	sst s10  }
0x38: {  	s10 =	sld [smem:$0x3FB6]  }
0x39: {  	_ = 	snop;
	(pc) =	sbr.ind lr, $3  }
0x3a: {  	_ = 	snop  }
0x3b: {  	_ = 	snop  }
0x3c: {  	p2 =	seq.s32 s10, $0x1;
	s10 =	sld [smem:$0x3FB5]  }
0x3d: {  	_ =	shalt  }
0x3e: {  	_ =	shalt  }
0x3f: {  	_ =	shalt  }
0x40: {  	_ =	shalt  }
0x41: {  	_ =	shalt  }
0x42: {  	_ =	shalt  }
0x43: {  	_ =	shalt  }
0x44: {  	_ =	shalt  }
0x45: {  	_ =	shalt  }
0x46: {  	_ =	shalt  }
0x47: {  	_ =	shalt  }
0x48: {  	_ =	shalt  }
0x49: {  	_ =	shalt  }
0x4a: {  	_ =	shalt  }
0x4b: {  	_ =	shalt  }
0x4c: {  	_ =	shalt  }
0x4d: {  	_ =	shalt  }
0x4e: {  	_ =	shalt  }
0x4f: {  	_ =	shalt  }
0x50: {  	_ =	shalt  }
0x51: {  	_ =	shalt  }
0x52: {  	_ =	shalt  }
0x53: {  	_ =	shalt  }
0x54: {  	_ =	shalt  }
0x55: {  	_ =	shalt  }
0x56: {  	_ =	shalt  }
0x57: {  	_ =	shalt  }
0x58: {  	_ =	shalt  }
0x59: {  	_ =	shalt  }
0x5a: {  	_ =	shalt  }
0x5b: {  	_ =	shalt  }
0x5c: {  	_ =	shalt  }
0x5d: {  	_ =	shalt  }
0x5e: {  	_ =	shalt  }
0x5f: {  	_ =	shalt  }
0x60: {  	_ =	shalt  }
0x61: {  	_ =	shalt  }
0x62: {  	_ =	shalt  }
0x63: {  	_ =	shalt  }
0x64: {  	_ =	shalt  }
0x65: {  	_ =	shalt  }
0x66: {  	_ =	shalt  }
0x67: {  	_ =	shalt  }
0x68: {  	_ =	shalt  }
0x69: {  	_ =	shalt  }
0x6a: {  	_ =	shalt  }
0x6b: {  	_ =	shalt  }
0x6c: {  	_ =	shalt  }
0x6d: {  	_ =	shalt  }
0x6e: {  	_ =	shalt  }
0x6f: {  	_ =	shalt  }
0x70: {  	_ =	shalt  }
0x71: {  	_ =	shalt  }
0x72: {  	_ =	shalt  }
0x73: {  	_ =	shalt  }
0x74: {  	_ =	shalt  }
0x75: {  	_ =	shalt  }
0x76: {  	_ =	shalt  }
0x77: {  	_ =	shalt  }
0x78: {  	_ =	shalt  }
0x79: {  	_ =	shalt  }
0x7a: {  	_ =	shalt  }
0x7b: {  	_ =	shalt  }
0x7c: {  	_ =	shalt  }
0x7d: {  	_ =	shalt  }
0x7e: {  	_ =	shalt  }
0x7f: {  	_ =	shalt  }
0x80: {  	_ =	shalt  }
0x81: {  	_ =	shalt  }
0x82: {  	_ =	shalt  }
0x83: {  	_ =	shalt  }
0x84: {  	_ =	shalt  }
0x85: {  	_ =	shalt  }
0x86: {  	_ =	shalt  }
0x87: {  	_ =	shalt  }
.Lfunc_end0:
.L_simem_size_0:
called_computation.3_lowered:
.L_overlay_start_0:
0x88: {  	s2 =	sld [smem:$0x3FD9]  }
0x89: {  	s3 =	sld [smem:$0x3FFE];
	_ =	sdelay $0x1  }
0x8a: {  	s1 =	srdreg.scid  }
0x8b: {  	s0 =	sand.u32 $0x1, s1  }
0x8c: {  	s16 =	sshll.u32 s0, $0xA;
	s2 =	sadd.s32 s3, s2  }
0x8d: {  	s2 =	sadd.s32 s2, s16  }
0x8e: {  	[smem:$0x3FC1] =	sst s2  }
0x8f: {  	_ = 	snop  }
0x90: {  	(tm) =	ssettm $0x1  }
0x91: {  	s17 =	sld [smem:$0x3FFB];
	_ =	sdelay $0x3  }
0x92: {  	_ =	strace s17  }
0x93: {  	s2 =	sld [smem:$0x3FFC];
	_ =	sdelay $0x3  }
0x94: {  	_ =	strace s2  }
0x95: {  	s2 =	sld [smem:$0x3FFD];
	_ =	sdelay $0x3  }
0x96: {  	_ =	strace s2  }
0x97: {  	_ =	strace $0x8FFFFFFF  }
0x98: {  	s18 =	sld [smem:$0x3FDB];
	_ =	sdelay $0x1  }
0x99: {  	s19 =	simm.s32 $_scs_section_size  }
0x9a: {  	s4 =	simm.s32 $_size__tile_overlayer_lowered;
	s5 =	simm.s32 $_tile_overlayer_lowered  }
0x9b: {  	s22 =	simm.s32 $0x1BFF;
	s21 =	sshll.u32 s5, $0x1;
	s2 =	sadd.s32 s19, s18  }
0x9c: {  	s6 =	simm.s32 $0x0;
	s20 =	sshll.u32 s4, $0x1;
	s4 =	sadd.s32 s21, s2  }
0x9d: {  	[timem:s6], [sflag:s22] =	dma.local [hbm:s4], s20  }
0x9e: {  	_ =	swait.ge [sflag:s22], s20  }
0x9f: {  	s3 =	ssub.s32 $0x0, s20;
	[sflag:s22] =	ssyncset.done $0x0  }
0xa0: {  	[sflag:s22] =	ssyncadd.s32 s3;
	_ =	sdelay $0x1  }
0xa1: {  	s23 =	simm.s32 $0x1B8B  }
0xa2: {  	_ =	swait.ge [sflag:s23], $0x1  }
0xa3: {  	[sflag:s23] =	ssyncset.done $0x0  }
0xa4: {  	s25 =	simm.s32 $0x1B8E;
	s24 =	sld [smem:$0x3FFE];
	[sflag:s23] =	ssyncadd.s32 $0xFFFFFFFF  }
0xa5: {  	s26 =	simm.s32 $execute0_lowered;
	[smem:$0x3FD2] =	sst s25  }
0xa6: {  	s4 =	sshll.u32 s26, $0x1;
	_ =	strace $0x8000004F;
	[dreg:$0x1] =	wrdreg $0xFFFFFFFF  }
0xa7: {  	s28 =	simm.s32 $_size_execute0_lowered;
	s2 =	sadd.s32 s2, s4;
	[dreg:$0x0] =	wrdreg $0x0  }
0xa8: {  	s4 =	sshll.u32 s28, $0x1;
	[dreg:$0x2] =	wrdreg s2  }
0xa9: {  	[dreg:$0x3] =	wrdreg s4  }
0xaa: {  	[dreg:$0x4] =	wrdreg $0xC0  }
0xab: {  	_ =	task [dreg:s6], $0x5FFFF  }
0xac: {  	[dreg:$0x1] =	wrdreg $0xFFFFFFFF  }
0xad: {  	[dreg:$0x0] =	wrdreg $0x60  }
0xae: {  	[dreg:$0x2] =	wrdreg s24  }
0xaf: {  	[dreg:$0x3] =	wrdreg $0x0  }
0xb0: {  	[dreg:$0x4] =	wrdreg $0x9  }
0xb1: {  	_ =	task.clear_ibuf [dreg:s6], $0x5FFFF;
	_ =	strace $0x9000004F  }
0xb2: {  	s29 =	simm.s32 $0x9;
	_ =	strace $0x80000051  }
0xb3: {  	_ =	swait.ge [sflag:s29], $0x1  }
0xb4: {  	[sflag:s29] =	ssyncadd.s32 $0xFFFFFFFF  }
0xb5: {  	_ =	strace $0x90000051  }
0xb6: {  	_ =	sfence  }
0xb7: {  	s30 =	sld [smem:$0x0];
	_ =	sdelay $0x2  }
0xb8: {  	s31 =	sshll.u32 s1, $0xD;
	s1 =	sshrl.u32 s1, $0x2  }
0xb9: {  	s3 =	sand.u32 $0x4000, s31;
	s1 =	sadd.s32 s1, s30  }
0xba: {  	s0 =	sor.u32 s3, s0;
	s1 =	sshll.u32 s1, $0x11  }
0xbb: {  	s0 =	sor.u32 s1, s0  }
0xbc: {  	s0 =	sadd.s32 $0x8F2B, s0  }
0xbd: {  	[sflag:s0] =	ssyncadd.remote.s32 $0x1  }
0xbe: {  	_ =	sfence.sel $0xFFFF  }
0xbf: {  	[dreg:$0x0] =	wrdreg $0xFFFFFFFF;
	(pc) =	sbr.abs _section_cstart, $3  }
0xc0: {  	[dreg:$0x1] =	wrdreg $0xFFFFFFFF  }
0xc1: {  	_ =	task.clear_ibuf [dreg:s6], $0x2FFFF;
	_ =	strace $0x9FFFFFFF  }
0xc2: {  	(tm) =	ssettm $0x7FFFFFFF  }
0xc3: {  	_ =	shalt  }
tec
execute0_lowered:
.L_overlay_start_1:
0x0: {  	(tag) =	ssettag $0x1  }
0x1: {  	s0 =	rddreg [dreg:$0x0]  }
0x2: {  	s2 =	rddreg [dreg:$0x1]  }
0x3: {  	s10 =	stileid.u32;
	s1 =	srdreg.scid  }
0x4: {  	s3 =	simm.s32 $0x0;
	s13 =	simm.s32 $0x7;
	s16 =	simm.s32 $0x80  }
0x5: {  	s20 =	simm.s32 $0xA020;
	s22 =	simm.s32 $0xB020;
	s28 =	simm.s32 $0x3  }
0x6: {  	s29 =	simm.s32 $0x4;
	s30 =	simm.s32 $0xC0A0;
	s31 =	simm.s32 $0x5  }
0x7: {  	s1 =	sand.u32 $0x1, s1;
	s4 =	sshll.u32 s10, $0x1;
	s5 =	smul.u32 $0x9C40, s10  }
0x8: {  	[smem:$0x7FF] =	sst s3;
	s25 =	sshll.u32 s10, $0x6;
	s6 =	sor.u32 s1, s4  }
0x9: {  	_ =	strace $0x80000050;
	s1 =	ssub.s32 $0x2, s1;
	s4 =	smul.u32 $0x320, s6  }
0xa: {  	v0 =	vlaneseq.u32;
	s7 =	sshrl.u32 s5, $0x4;
	s8 =	sshrl.u32 s1, $0x1;
	s24 =	sshrl.u32 s5, $0x1  }
0xb: {  	v0 =	vmul.u32 $0x18, v0;
	s5 =	smul.u32 $0x1900, s6;
	s7 =	sadd.s32 s7, s0;
	s23 =	ssub.s32 s1, s8  }
0xc: {  	s1 =	sadd.s32 s24, s2;
	s24 =	simm.s32 $0x2;
	s9 =	sadd.s32 s4, s0  }
.Ltmp0:
0xd: {  	v1 =	vor.u32 $0x1, v0;
	v2 =	vor.u32 $0x2, v0;
	v3 =	vor.u32 $0x3, v0;
	s4 =	sadd.s32 $0x11600, s0;
	s26 =	sadd.s32 $0x1200, s7;
	(pc) =	sbr.rel .LBB2_1-.Ltmp0, $4  }
0xe: {  	v4 =	vor.u32 $0x4, v0;
	v5 =	vor.u32 $0x5, v0;
	v6 =	vor.u32 $0x6, v0;
	s7 =	sor.u32 $0x1C07, s25;
	s10 =	sor.u32 $0x80, s5;
	s11 =	smax.u32 s23, $0x1  }
0xf: {  	v7 =	vor.u32 $0x7, v0;
	v8 =	vadd.s32 $0x8, v0;
	v9 =	vadd.s32 $0x9, v0;
	s12 =	sshrl.u32 s1, $0x3;
	s23 =	simm.s32 $0x1;
	s25 =	simm.s32 $0xC120  }
0x10: {  	v10 =	vadd.s32 $0xA, v0;
	v11 =	vadd.s32 $0xB, v0;
	v12 =	vadd.s32 $0xC, v0;
	s0 =	simm.s32 $0x6;
	s1 =	simm.s32 $0x0;
	[dreg:$0x3] =	wrdreg s26  }
0x11: {  	v13 =	vadd.s32 $0xD, v0;
	v14 =	vadd.s32 $0xE, v0;
	v15 =	vadd.s32 $0xF, v0;
	s8 =	sadd.s32 $0x32E00, s9;
	s9 =	sadd.s32 $0xB200, s9;
	s26 =	simm.s32 $0xC020  }
.LBB2_8:
0x12: {  	s1 =	sadd.s32 $0x1, s1  }
0x13: {  	_ =	swait.ge [sflag:s31], $0x80;
	p0 =	sne.s32 s1, s11  }
.Ltmp1:
0x14: {  	[sflag:s31] =	ssyncset.done $0x0;
	(pc) =	sbr.rel @!p0 .LBB2_9-.Ltmp1, $4  }
0x15: {  	[sflag:s31] =	ssyncadd.s32 $0xFFFFFF80  }
0x16: {  	_ =	swait.ge [sflag:s0], $0x80  }
0x17: {  	[sflag:s0] =	ssyncset.done $0x0  }
0x18: {  	[sflag:s0] =	ssyncadd.s32 $0xFFFFFF80  }
.LBB2_1:
0x19: {  	s6 =	rddreg [dreg:$0x3]  }
0x1a: {  	[spmem:s12], [sflag:s7] =	dma.local [hbm:s6], $0x9C4  }
0x1b: {  	_ =	swait.ge [sflag:s13], $0x9C4  }
0x1c: {  	[sflag:s13] =	ssyncset.done $0x0  }
0x1d: {  	s17 =	simm.s32 $0x4E20;
	[sflag:s13] =	ssyncadd.s32 $0xFFFFF63C  }
0x1e: {  	[tilespmem:s17], [sflag:$0x7] =	stream.linear.gather [hbm4b:s8+s3], $0x1900, $0x38;
	[tilespmem:$0xC2A0] =	vst v63  }
0x1f: {  	_ =	swait.ge [sflag:s13], $0x1900  }
0x20: {  	[sflag:s13] =	ssyncset.done $0x0  }
0x21: {  	s14 =	simm.s32 $0x6720;
	[sflag:s13] =	ssyncadd.s32 $0xFFFFE700  }
0x22: {  	[tilespmem:s14], [sflag:$0x7] =	stream.linear.gather [hbm4b:s9+s3], $0x1900, $0x38;
	[tilespmem:$0xC2A0] =	vst v63  }
0x23: {  	_ =	swait.ge [sflag:s13], $0x1900  }
0x24: {  	[sflag:s13] =	ssyncset.done $0x0  }
0x25: {  	[sflag:s13] =	ssyncadd.s32 $0xFFFFE700  }
0x26: {  	s15 =	simm.s32 $0x8020;
	[bflag:$0x0] =	sbarrier.arrive $0xFFFF  }
0x27: {  	[tilespmem:s15], [sflag:$0x1] =	stream.indirect.gather [spmem:s2], $0x20, s17, s16, $0xb8;
	[tilespmem:$0xC2A0] =	vst v63  }
0x28: {  	s18 =	simm.s32 $0x9020  }
0x29: {  	[tilespmem:s18], [sflag:$0x2] =	stream.indirect.gather [spmem:s2], $0x20, s14, s16, $0xb8;
	[tilespmem:$0xC2A0] =	vst v63  }
0x2a: {  	s19 =	simm.s32 $0x4EA0  }
0x2b: {  	[tilespmem:s20], [sflag:$0x3] =	stream.indirect.gather [spmem:s2], $0x20, s19, s16, $0xb8;
	[tilespmem:$0xC2A0] =	vst v63  }
0x2c: {  	s21 =	simm.s32 $0x67A0;
	s17 =	simm.s32 $0x0  }
0x2d: {  	[tilespmem:s22], [sflag:$0x4] =	stream.indirect.gather [spmem:s2], $0x20, s21, s16, $0xb8;
	[tilespmem:$0xC2A0] =	vst v63  }
.LBB2_2:
0x2e: {  	_ =	swait.ge [sflag:s23], $0x1000  }
0x2f: {  	[sflag:s23] =	ssyncset.done $0x0  }
0x30: {  	[sflag:s23] =	ssyncadd.s32 $0xFFFFF000  }
0x31: {  	_ =	swait.ge [sflag:s24], $0x1000  }
0x32: {  	p0 =	seq.s32 s17, $0x0;
	[sflag:s24] =	ssyncset.done $0x0  }
0x33: {  	s6 =	simm.s32 @!p0 $0x5;
	[sflag:s24] =	ssyncadd.s32 $0xFFFFF000  }
0x34: {  	_ =	swait.ge @!p0 [sflag:s6], $0x80  }
0x35: {  	[sflag:s6] =	ssyncset.done @!p0 $0x0  }
0x36: {  	s19 =	simm.s32 $0x0;
	[sflag:s6] =	ssyncadd.s32 @!p0 $0xFFFFFF80  }
0x37: {  	v16 =	vld [tilespmem:s19+$0x9030]  }
0x38: {  	v17 =	vld [tilespmem:s19+$0x8020]  }
0x39: {  	v18 =	vld [tilespmem:s19+$0x8030]  }
0x3a: {  	v19 =	vld [tilespmem:s19+$0x9020];
	_ =	sdelay $0x3  }
0x3b: {  	v16 =	vmul.bf16 v16, v18  }
0x3c: {  	v17 =	vmul.bf16 v19, v17  }
0x3d: {  	v18 =	vunpack.i.u.bf16.f32 v16  }
0x3e: {  	v16 =	vunpack.i.l.bf16.f32 v16;
	v19 =	vunpack.i.u.bf16.f32 v17;
	v17 =	vunpack.i.l.bf16.f32 v17  }
0x3f: {  	v16 =	vadd.f32 v16, v18;
	v17 =	vadd.f32 v17, v19;
	_ =	sdelay $0x1  }
0x40: {  	v16 =	vadd.f32 v16, v17;
	_ =	sdelay $0x1  }
0x41: {  	[tilespmem:$0xC120] =	vst v16  }
0x42: {  	v16 =	vld [tilespmem:s19+$0x8040]  }
0x43: {  	v17 =	vld [tilespmem:s19+$0x9050]  }
0x44: {  	v18 =	vld [tilespmem:s19+$0x9040]  }
0x45: {  	v19 =	vld [tilespmem:s19+$0x8050];
	_ =	sdelay $0x3  }
0x46: {  	v16 =	vmul.bf16 v18, v16  }
0x47: {  	v17 =	vmul.bf16 v17, v19  }
0x48: {  	v18 =	vunpack.i.u.bf16.f32 v16  }
0x49: {  	v16 =	vunpack.i.l.bf16.f32 v16;
	v19 =	vunpack.i.u.bf16.f32 v17;
	v17 =	vunpack.i.l.bf16.f32 v17  }
0x4a: {  	v16 =	vadd.f32 v16, v18;
	v17 =	vadd.f32 v17, v19;
	_ =	sdelay $0x1  }
0x4b: {  	v16 =	vadd.f32 v17, v16;
	_ =	sdelay $0x1  }
0x4c: {  	[tilespmem:$0xC138] =	vst v16  }
0x4d: {  	v16 =	vld [tilespmem:s19+$0x9070]  }
0x4e: {  	v17 =	vld [tilespmem:s19+$0x9060]  }
0x4f: {  	v18 =	vld [tilespmem:s19+$0x8060]  }
0x50: {  	v19 =	vld [tilespmem:s19+$0x8070];
	_ =	sdelay $0x3  }
0x51: {  	v17 =	vmul.bf16 v17, v18  }
0x52: {  	v16 =	vmul.bf16 v16, v19  }
0x53: {  	v18 =	vunpack.i.u.bf16.f32 v17  }
0x54: {  	v17 =	vunpack.i.l.bf16.f32 v17;
	v19 =	vunpack.i.u.bf16.f32 v16;
	v16 =	vunpack.i.l.bf16.f32 v16  }
0x55: {  	v17 =	vadd.f32 v17, v18;
	v16 =	vadd.f32 v16, v19;
	_ =	sdelay $0x1  }
0x56: {  	v16 =	vadd.f32 v16, v17;
	_ =	sdelay $0x1  }
0x57: {  	[tilespmem:$0xC150] =	vst v16  }
0x58: {  	v16 =	vld [tilespmem:s19+$0x9080]  }
0x59: {  	v17 =	vld [tilespmem:s19+$0x9090]  }
0x5a: {  	v18 =	vld [tilespmem:s19+$0x8080]  }
0x5b: {  	v19 =	vld [tilespmem:s19+$0x8090];
	_ =	sdelay $0x3  }
0x5c: {  	v16 =	vmul.bf16 v16, v18  }
0x5d: {  	v17 =	vmul.bf16 v17, v19  }
0x5e: {  	v18 =	vunpack.i.u.bf16.f32 v16  }
0x5f: {  	v16 =	vunpack.i.l.bf16.f32 v16;
	v19 =	vunpack.i.u.bf16.f32 v17;
	v17 =	vunpack.i.l.bf16.f32 v17  }
0x60: {  	v16 =	vadd.f32 v16, v18;
	v17 =	vadd.f32 v17, v19;
	_ =	sdelay $0x1  }
0x61: {  	v16 =	vadd.f32 v17, v16;
	_ =	sdelay $0x1  }
0x62: {  	[tilespmem:$0xC168] =	vst v16  }
0x63: {  	v16 =	vld [tilespmem:s19+$0x90A0]  }
0x64: {  	v17 =	vld [tilespmem:s19+$0x90B0]  }
0x65: {  	v18 =	vld [tilespmem:s19+$0x80A0]  }
0x66: {  	v19 =	vld [tilespmem:s19+$0x80B0];
	_ =	sdelay $0x3  }
0x67: {  	v16 =	vmul.bf16 v16, v18  }
0x68: {  	v17 =	vmul.bf16 v17, v19  }
0x69: {  	v18 =	vunpack.i.u.bf16.f32 v16  }
0x6a: {  	v16 =	vunpack.i.l.bf16.f32 v16;
	v19 =	vunpack.i.u.bf16.f32 v17;
	v17 =	vunpack.i.l.bf16.f32 v17  }
0x6b: {  	v16 =	vadd.f32 v16, v18;
	v17 =	vadd.f32 v17, v19;
	_ =	sdelay $0x1  }
0x6c: {  	v16 =	vadd.f32 v17, v16;
	_ =	sdelay $0x1  }
0x6d: {  	[tilespmem:$0xC180] =	vst v16  }
0x6e: {  	v16 =	vld [tilespmem:s19+$0x90C0]  }
0x6f: {  	v17 =	vld [tilespmem:s19+$0x90D0]  }
0x70: {  	v18 =	vld [tilespmem:s19+$0x80C0]  }
0x71: {  	v19 =	vld [tilespmem:s19+$0x80D0];
	_ =	sdelay $0x3  }
0x72: {  	v16 =	vmul.bf16 v16, v18  }
0x73: {  	v17 =	vmul.bf16 v17, v19  }
0x74: {  	v18 =	vunpack.i.u.bf16.f32 v16  }
0x75: {  	v16 =	vunpack.i.l.bf16.f32 v16;
	v19 =	vunpack.i.u.bf16.f32 v17;
	v17 =	vunpack.i.l.bf16.f32 v17  }
0x76: {  	v16 =	vadd.f32 v16, v18;
	v17 =	vadd.f32 v17, v19;
	_ =	sdelay $0x1  }
0x77: {  	v16 =	vadd.f32 v17, v16;
	_ =	sdelay $0x1  }
0x78: {  	[tilespmem:$0xC198] =	vst v16  }
0x79: {  	v16 =	vld [tilespmem:s19+$0x90E0]  }
0x7a: {  	v17 =	vld [tilespmem:s19+$0x90F0]  }
0x7b: {  	v18 =	vld [tilespmem:s19+$0x80E0]  }
0x7c: {  	v19 =	vld [tilespmem:s19+$0x80F0];
	_ =	sdelay $0x3  }
0x7d: {  	v16 =	vmul.bf16 v16, v18  }
0x7e: {  	v17 =	vmul.bf16 v17, v19  }
0x7f: {  	v18 =	vunpack.i.u.bf16.f32 v16  }
0x80: {  	v16 =	vunpack.i.l.bf16.f32 v16;
	v19 =	vunpack.i.u.bf16.f32 v17;
	v17 =	vunpack.i.l.bf16.f32 v17  }
0x81: {  	v16 =	vadd.f32 v16, v18;
	v17 =	vadd.f32 v17, v19;
	_ =	sdelay $0x1  }
0x82: {  	v16 =	vadd.f32 v17, v16;
	_ =	sdelay $0x1  }
0x83: {  	[tilespmem:$0xC1B0] =	vst v16  }
0x84: {  	v16 =	vld [tilespmem:s19+$0x9100]  }
0x85: {  	v17 =	vld [tilespmem:s19+$0x9110]  }
0x86: {  	v18 =	vld [tilespmem:s19+$0x8100]  }
0x87: {  	v19 =	vld [tilespmem:s19+$0x8110];
	_ =	sdelay $0x3  }
0x88: {  	v16 =	vmul.bf16 v16, v18  }
0x89: {  	v17 =	vmul.bf16 v17, v19  }
0x8a: {  	v18 =	vunpack.i.u.bf16.f32 v16  }
0x8b: {  	v16 =	vunpack.i.l.bf16.f32 v16;
	v19 =	vunpack.i.u.bf16.f32 v17;
	v17 =	vunpack.i.l.bf16.f32 v17  }
0x8c: {  	v16 =	vadd.f32 v16, v18;
	v17 =	vadd.f32 v17, v19;
	_ =	sdelay $0x1  }
0x8d: {  	v16 =	vadd.f32 v17, v16;
	_ =	sdelay $0x1  }
0x8e: {  	[tilespmem:$0xC1C8] =	vst v16  }
0x8f: {  	v16 =	vld [tilespmem:s19+$0x9120]  }
0x90: {  	v17 =	vld [tilespmem:s19+$0x9130]  }
0x91: {  	v18 =	vld [tilespmem:s19+$0x8120]  }
0x92: {  	v19 =	vld [tilespmem:s19+$0x8130];
	_ =	sdelay $0x3  }
0x93: {  	v16 =	vmul.bf16 v16, v18  }
0x94: {  	v17 =	vmul.bf16 v17, v19  }
0x95: {  	v18 =	vunpack.i.u.bf16.f32 v16  }
0x96: {  	v16 =	vunpack.i.l.bf16.f32 v16;
	v19 =	vunpack.i.u.bf16.f32 v17;
	v17 =	vunpack.i.l.bf16.f32 v17  }
0x97: {  	v16 =	vadd.f32 v16, v18;
	v17 =	vadd.f32 v17, v19;
	_ =	sdelay $0x1  }
0x98: {  	v16 =	vadd.f32 v17, v16;
	_ =	sdelay $0x1  }
0x99: {  	[tilespmem:$0xC1E0] =	vst v16  }
0x9a: {  	v16 =	vld [tilespmem:s19+$0x9140]  }
0x9b: {  	v17 =	vld [tilespmem:s19+$0x9150]  }
0x9c: {  	v18 =	vld [tilespmem:s19+$0x8140]  }
0x9d: {  	v19 =	vld [tilespmem:s19+$0x8150];
	_ =	sdelay $0x3  }
0x9e: {  	v16 =	vmul.bf16 v16, v18  }
0x9f: {  	v17 =	vmul.bf16 v17, v19  }
0xa0: {  	v18 =	vunpack.i.l.bf16.f32 v16  }
0xa1: {  	v16 =	vunpack.i.u.bf16.f32 v16;
	v19 =	vunpack.i.u.bf16.f32 v17;
	v17 =	vunpack.i.l.bf16.f32 v17  }
0xa2: {  	v16 =	vadd.f32 v18, v16;
	v17 =	vadd.f32 v17, v19;
	_ =	sdelay $0x1  }
0xa3: {  	v16 =	vadd.f32 v17, v16;
	_ =	sdelay $0x1  }
0xa4: {  	[tilespmem:$0xC1F8] =	vst v16  }
0xa5: {  	v16 =	vld [tilespmem:s19+$0x9160]  }
0xa6: {  	v17 =	vld [tilespmem:s19+$0x9170]  }
0xa7: {  	v18 =	vld [tilespmem:s19+$0x8160]  }
0xa8: {  	v19 =	vld [tilespmem:s19+$0x8170];
	_ =	sdelay $0x3  }
0xa9: {  	v16 =	vmul.bf16 v16, v18  }
0xaa: {  	v17 =	vmul.bf16 v17, v19  }
0xab: {  	v18 =	vunpack.i.u.bf16.f32 v16  }
0xac: {  	v16 =	vunpack.i.l.bf16.f32 v16;
	v19 =	vunpack.i.u.bf16.f32 v17;
	v17 =	vunpack.i.l.bf16.f32 v17  }
0xad: {  	v16 =	vadd.f32 v16, v18;
	v17 =	vadd.f32 v17, v19;
	_ =	sdelay $0x1  }
0xae: {  	v16 =	vadd.f32 v17, v16;
	_ =	sdelay $0x1  }
0xaf: {  	[tilespmem:$0xC210] =	vst v16  }
0xb0: {  	v16 =	vld [tilespmem:s19+$0x9180]  }
0xb1: {  	v17 =	vld [tilespmem:s19+$0x9190]  }
0xb2: {  	v18 =	vld [tilespmem:s19+$0x8180]  }
0xb3: {  	v19 =	vld [tilespmem:s19+$0x8190];
	_ =	sdelay $0x3  }
0xb4: {  	v16 =	vmul.bf16 v16, v18  }
0xb5: {  	v17 =	vmul.bf16 v17, v19  }
0xb6: {  	v18 =	vunpack.i.u.bf16.f32 v16  }
0xb7: {  	v16 =	vunpack.i.l.bf16.f32 v16;
	v19 =	vunpack.i.u.bf16.f32 v17;
	v17 =	vunpack.i.l.bf16.f32 v17  }
0xb8: {  	v16 =	vadd.f32 v16, v18;
	v17 =	vadd.f32 v17, v19;
	_ =	sdelay $0x1  }
0xb9: {  	v16 =	vadd.f32 v17, v16;
	_ =	sdelay $0x1  }
0xba: {  	[tilespmem:$0xC228] =	vst v16  }
0xbb: {  	v16 =	vld [tilespmem:s19+$0x91B0]  }
0xbc: {  	v17 =	vld [tilespmem:s19+$0x91A0]  }
0xbd: {  	v18 =	vld [tilespmem:s19+$0x81A0]  }
0xbe: {  	v19 =	vld [tilespmem:s19+$0x81B0];
	_ =	sdelay $0x3  }
0xbf: {  	v17 =	vmul.bf16 v17, v18  }
0xc0: {  	v16 =	vmul.bf16 v16, v19  }
0xc1: {  	v18 =	vunpack.i.u.bf16.f32 v17  }
0xc2: {  	v17 =	vunpack.i.l.bf16.f32 v17;
	v19 =	vunpack.i.u.bf16.f32 v16;
	v16 =	vunpack.i.l.bf16.f32 v16  }
0xc3: {  	v17 =	vadd.f32 v17, v18;
	v16 =	vadd.f32 v16, v19;
	_ =	sdelay $0x1  }
0xc4: {  	v16 =	vadd.f32 v16, v17;
	_ =	sdelay $0x1  }
0xc5: {  	[tilespmem:$0xC240] =	vst v16  }
0xc6: {  	v16 =	vld [tilespmem:s19+$0x91C0]  }
0xc7: {  	v17 =	vld [tilespmem:s19+$0x91D0]  }
0xc8: {  	v18 =	vld [tilespmem:s19+$0x81C0]  }
0xc9: {  	v19 =	vld [tilespmem:s19+$0x81D0];
	_ =	sdelay $0x3  }
0xca: {  	v16 =	vmul.bf16 v16, v18  }
0xcb: {  	v17 =	vmul.bf16 v17, v19  }
0xcc: {  	v18 =	vunpack.i.u.bf16.f32 v16  }
0xcd: {  	v16 =	vunpack.i.l.bf16.f32 v16;
	v19 =	vunpack.i.u.bf16.f32 v17;
	v17 =	vunpack.i.l.bf16.f32 v17  }
0xce: {  	v16 =	vadd.f32 v16, v18;
	v17 =	vadd.f32 v17, v19;
	_ =	sdelay $0x1  }
0xcf: {  	v16 =	vadd.f32 v17, v16;
	_ =	sdelay $0x1  }
0xd0: {  	[tilespmem:$0xC258] =	vst v16  }
0xd1: {  	s18 =	sshll.u32 s17, $0x8;
	v16 =	vld [tilespmem:s19+$0x91E0]  }
0xd2: {  	s14 =	simm.s32 $0xC020;
	s15 =	simm.s32 $0x800;
	s21 =	simm.s32 $0xC020;
	v17 =	vld [tilespmem:s19+$0x91F0]  }
.LBB2_3:
0xd3: {  	p1 =	sne.s32 s15, $0x3800  }
0xd4: {  	v18 =	vld [tilespmem:s19+$0x81E0];
	s14 =	sadd.s32 $0x10, s14;
	s6 =	smov.u32 s15;
	s15 =	sadd.s32 $0x800, s15  }
0xd5: {  	v19 =	vld [tilespmem:s19+$0x81F0];
	_ =	sdelay $0x3  }
0xd6: {  	v16 =	vmul.bf16 v16, v18  }
0xd7: {  	v17 =	vmul.bf16 v17, v19  }
0xd8: {  	v18 =	vunpack.i.u.bf16.f32 v16;
	v16 =	vunpack.i.l.bf16.f32 v16  }
0xd9: {  	v16 =	vadd.f32 v16, v18;
	v18 =	vunpack.i.u.bf16.f32 v17;
	v17 =	vunpack.i.l.bf16.f32 v17  }
0xda: {  	v17 =	vadd.f32 v17, v18;
	_ =	sdelay $0x1  }
0xdb: {  	v16 =	vadd.f32 v17, v16;
	_ =	sdelay $0x1  }
0xdc: {  	[tilespmem:$0xC270] =	vst v16  }
0xdd: {  	v16 =	vld [tilespmem:s19+$0x9200]  }
0xde: {  	v17 =	vld [tilespmem:s19+$0x9210]  }
0xdf: {  	v18 =	vld [tilespmem:s19+$0x8200]  }
0xe0: {  	v19 =	vld [tilespmem:s19+$0x8210];
	_ =	sdelay $0x3  }
0xe1: {  	v16 =	vmul.bf16 v16, v18  }
0xe2: {  	v17 =	vmul.bf16 v17, v19  }
0xe3: {  	v18 =	vunpack.i.u.bf16.f32 v16;
	v16 =	vunpack.i.l.bf16.f32 v16  }
0xe4: {  	v16 =	vadd.f32 v16, v18;
	v18 =	vunpack.i.u.bf16.f32 v17;
	v17 =	vunpack.i.l.bf16.f32 v17  }
0xe5: {  	v17 =	vadd.f32 v17, v18;
	_ =	sdelay $0x1  }
0xe6: {  	v16 =	vadd.f32 v17, v16;
	_ =	sdelay $0x1  }
0xe7: {  	[tilespmem:$0xC288] =	vst v16  }
0xe8: {  	v16 =	vld.idx.msk [tilespmem:v8+s25+$0x0], $0xffff  }
0xe9: {  	v17 =	vld.idx.msk [tilespmem:v13+s25+$0x0], $0xffff  }
0xea: {  	v18 =	vld.idx.msk [tilespmem:v7+s25+$0x0], $0xffff  }
0xeb: {  	v19 =	vld.idx.msk [tilespmem:v6+s25+$0x0], $0xffff  }
0xec: {  	v20 =	vld.idx.msk [tilespmem:v9+s25+$0x0], $0xffff  }
0xed: {  	v21 =	vld.idx.msk [tilespmem:v5+s25+$0x0], $0xffff  }
0xee: {  	v22 =	vld.idx.msk [tilespmem:v1+s25+$0x0], $0xffff  }
0xef: {  	v23 =	vld.idx.msk [tilespmem:v4+s25+$0x0], $0xffff  }
0xf0: {  	v24 =	vld.idx.msk [tilespmem:v0+s25+$0x0], $0xffff  }
0xf1: {  	v25 =	vld.idx.msk [tilespmem:v2+s25+$0x0], $0xffff  }
0xf2: {  	v26 =	vld.idx.msk [tilespmem:v3+s25+$0x0], $0xffff  }
0xf3: {  	v27 =	vld.idx.msk [tilespmem:v11+s25+$0x0], $0xffff  }
0xf4: {  	v22 =	vadd.f32 $0.0e+00, v22;
	v28 =	vld.idx.msk [tilespmem:v12+s25+$0x0], $0xffff  }
0xf5: {  	v29 =	vld.idx.msk [tilespmem:v10+s25+$0x0], $0xffff  }
0xf6: {  	v24 =	vadd.f32 $0.0e+00, v24;
	v21 =	vadd.f32 v21, v22;
	v22 =	vld.idx.msk [tilespmem:v14+s25+$0x0], $0xffff  }
0xf7: {  	v25 =	vadd.f32 $0.0e+00, v25;
	v30 =	vld.idx.msk [tilespmem:v15+s25+$0x0], $0xffff  }
0xf8: {  	v26 =	vadd.f32 $0.0e+00, v26;
	v23 =	vadd.f32 v23, v24  }
0xf9: {  	v20 =	vadd.f32 v20, v21;
	v19 =	vadd.f32 v19, v25  }
0xfa: {  	v18 =	vadd.f32 v18, v26;
	v16 =	vadd.f32 v16, v23  }
0xfb: {  	v17 =	vadd.f32 v17, v20;
	v19 =	vadd.f32 v29, v19  }
0xfc: {  	v18 =	vadd.f32 v27, v18;
	v16 =	vadd.f32 v28, v16  }
0xfd: {  	v19 =	vadd.f32 v22, v19  }
0xfe: {  	v18 =	vadd.f32 v30, v18  }
0xff: {  	v16 =	vadd.f32 v17, v16  }
0x100: {  	v17 =	vadd.f32 v18, v19;
	_ =	sdelay $0x1  }
0x101: {  	v16 =	vadd.f32 v17, v16;
	_ =	sdelay $0x1  }
0x102: {  	s19 =	sshra.s32 s6, $0x2;
	[tilespmem:s21+$0x0] =	vst v16;
	s21 =	smov.u32 s14  }
0x103: {  	v16 =	vld [tilespmem:s19+$0x9030]  }
0x104: {  	v17 =	vld [tilespmem:s19+$0x8020]  }
0x105: {  	v18 =	vld [tilespmem:s19+$0x8030]  }
0x106: {  	v19 =	vld [tilespmem:s19+$0x9020];
	_ =	sdelay $0x3  }
0x107: {  	v16 =	vmul.bf16 v16, v18  }
0x108: {  	v17 =	vmul.bf16 v19, v17  }
0x109: {  	v18 =	vunpack.i.u.bf16.f32 v16;
	v16 =	vunpack.i.l.bf16.f32 v16  }
0x10a: {  	v19 =	vunpack.i.u.bf16.f32 v17;
	v17 =	vunpack.i.l.bf16.f32 v17;
	v16 =	vadd.f32 v16, v18  }
0x10b: {  	v17 =	vadd.f32 v17, v19;
	_ =	sdelay $0x1  }
0x10c: {  	v16 =	vadd.f32 v16, v17;
	_ =	sdelay $0x1  }
0x10d: {  	[tilespmem:$0xC120] =	vst v16  }
0x10e: {  	v16 =	vld [tilespmem:s19+$0x8040]  }
0x10f: {  	v17 =	vld [tilespmem:s19+$0x9050]  }
0x110: {  	v18 =	vld [tilespmem:s19+$0x9040]  }
0x111: {  	v19 =	vld [tilespmem:s19+$0x8050];
	_ =	sdelay $0x3  }
0x112: {  	v16 =	vmul.bf16 v18, v16  }
0x113: {  	v17 =	vmul.bf16 v17, v19  }
0x114: {  	v18 =	vunpack.i.u.bf16.f32 v16;
	v16 =	vunpack.i.l.bf16.f32 v16  }
0x115: {  	v16 =	vadd.f32 v16, v18;
	v18 =	vunpack.i.u.bf16.f32 v17;
	v17 =	vunpack.i.l.bf16.f32 v17  }
0x116: {  	v17 =	vadd.f32 v17, v18;
	_ =	sdelay $0x1  }
0x117: {  	v16 =	vadd.f32 v17, v16;
	_ =	sdelay $0x1  }
0x118: {  	[tilespmem:$0xC138] =	vst v16  }
0x119: {  	v16 =	vld [tilespmem:s19+$0x9070]  }
0x11a: {  	v17 =	vld [tilespmem:s19+$0x9060]  }
0x11b: {  	v18 =	vld [tilespmem:s19+$0x8060]  }
0x11c: {  	v19 =	vld [tilespmem:s19+$0x8070];
	_ =	sdelay $0x3  }
0x11d: {  	v17 =	vmul.bf16 v17, v18  }
0x11e: {  	v16 =	vmul.bf16 v16, v19  }
0x11f: {  	v18 =	vunpack.i.u.bf16.f32 v17;
	v17 =	vunpack.i.l.bf16.f32 v17  }
0x120: {  	v17 =	vadd.f32 v17, v18;
	v18 =	vunpack.i.u.bf16.f32 v16;
	v16 =	vunpack.i.l.bf16.f32 v16  }
0x121: {  	v16 =	vadd.f32 v16, v18;
	_ =	sdelay $0x1  }
0x122: {  	v16 =	vadd.f32 v16, v17;
	_ =	sdelay $0x1  }
0x123: {  	[tilespmem:$0xC150] =	vst v16  }
0x124: {  	v16 =	vld [tilespmem:s19+$0x9080]  }
0x125: {  	v17 =	vld [tilespmem:s19+$0x9090]  }
0x126: {  	v18 =	vld [tilespmem:s19+$0x8080]  }
0x127: {  	v19 =	vld [tilespmem:s19+$0x8090];
	_ =	sdelay $0x3  }
0x128: {  	v16 =	vmul.bf16 v16, v18  }
0x129: {  	v17 =	vmul.bf16 v17, v19  }
0x12a: {  	v18 =	vunpack.i.u.bf16.f32 v16;
	v16 =	vunpack.i.l.bf16.f32 v16  }
0x12b: {  	v16 =	vadd.f32 v16, v18;
	v18 =	vunpack.i.u.bf16.f32 v17;
	v17 =	vunpack.i.l.bf16.f32 v17  }
0x12c: {  	v17 =	vadd.f32 v17, v18;
	_ =	sdelay $0x1  }
0x12d: {  	v16 =	vadd.f32 v17, v16;
	_ =	sdelay $0x1  }
0x12e: {  	[tilespmem:$0xC168] =	vst v16  }
0x12f: {  	v16 =	vld [tilespmem:s19+$0x90A0]  }
0x130: {  	v17 =	vld [tilespmem:s19+$0x90B0]  }
0x131: {  	v18 =	vld [tilespmem:s19+$0x80A0]  }
0x132: {  	v19 =	vld [tilespmem:s19+$0x80B0];
	_ =	sdelay $0x3  }
0x133: {  	v16 =	vmul.bf16 v16, v18  }
0x134: {  	v17 =	vmul.bf16 v17, v19  }
0x135: {  	v18 =	vunpack.i.u.bf16.f32 v16;
	v16 =	vunpack.i.l.bf16.f32 v16  }
0x136: {  	v16 =	vadd.f32 v16, v18;
	v18 =	vunpack.i.u.bf16.f32 v17;
	v17 =	vunpack.i.l.bf16.f32 v17  }
0x137: {  	v17 =	vadd.f32 v17, v18;
	_ =	sdelay $0x1  }
0x138: {  	v16 =	vadd.f32 v17, v16;
	_ =	sdelay $0x1  }
0x139: {  	[tilespmem:$0xC180] =	vst v16  }
0x13a: {  	v16 =	vld [tilespmem:s19+$0x90C0]  }
0x13b: {  	v17 =	vld [tilespmem:s19+$0x90D0]  }
0x13c: {  	v18 =	vld [tilespmem:s19+$0x80C0]  }
0x13d: {  	v19 =	vld [tilespmem:s19+$0x80D0];
	_ =	sdelay $0x3  }
0x13e: {  	v16 =	vmul.bf16 v16, v18  }
0x13f: {  	v17 =	vmul.bf16 v17, v19  }
0x140: {  	v18 =	vunpack.i.u.bf16.f32 v16;
	v16 =	vunpack.i.l.bf16.f32 v16  }
0x141: {  	v16 =	vadd.f32 v16, v18;
	v18 =	vunpack.i.u.bf16.f32 v17;
	v17 =	vunpack.i.l.bf16.f32 v17  }
0x142: {  	v17 =	vadd.f32 v17, v18;
	_ =	sdelay $0x1  }
0x143: {  	v16 =	vadd.f32 v17, v16;
	_ =	sdelay $0x1  }
0x144: {  	[tilespmem:$0xC198] =	vst v16  }
0x145: {  	v16 =	vld [tilespmem:s19+$0x90E0]  }
0x146: {  	v17 =	vld [tilespmem:s19+$0x90F0]  }
0x147: {  	v18 =	vld [tilespmem:s19+$0x80E0]  }
0x148: {  	v19 =	vld [tilespmem:s19+$0x80F0];
	_ =	sdelay $0x3  }
0x149: {  	v16 =	vmul.bf16 v16, v18  }
0x14a: {  	v17 =	vmul.bf16 v17, v19  }
0x14b: {  	v18 =	vunpack.i.u.bf16.f32 v16;
	v16 =	vunpack.i.l.bf16.f32 v16  }
0x14c: {  	v16 =	vadd.f32 v16, v18;
	v18 =	vunpack.i.u.bf16.f32 v17;
	v17 =	vunpack.i.l.bf16.f32 v17  }
0x14d: {  	v17 =	vadd.f32 v17, v18;
	_ =	sdelay $0x1  }
0x14e: {  	v16 =	vadd.f32 v17, v16;
	_ =	sdelay $0x1  }
0x14f: {  	[tilespmem:$0xC1B0] =	vst v16  }
0x150: {  	v16 =	vld [tilespmem:s19+$0x9100]  }
0x151: {  	v17 =	vld [tilespmem:s19+$0x9110]  }
0x152: {  	v18 =	vld [tilespmem:s19+$0x8100]  }
0x153: {  	v19 =	vld [tilespmem:s19+$0x8110];
	_ =	sdelay $0x3  }
0x154: {  	v16 =	vmul.bf16 v16, v18  }
0x155: {  	v17 =	vmul.bf16 v17, v19  }
0x156: {  	v18 =	vunpack.i.u.bf16.f32 v16;
	v16 =	vunpack.i.l.bf16.f32 v16  }
0x157: {  	v16 =	vadd.f32 v16, v18;
	v18 =	vunpack.i.u.bf16.f32 v17;
	v17 =	vunpack.i.l.bf16.f32 v17  }
0x158: {  	v17 =	vadd.f32 v17, v18;
	_ =	sdelay $0x1  }
0x159: {  	v16 =	vadd.f32 v17, v16;
	_ =	sdelay $0x1  }
0x15a: {  	[tilespmem:$0xC1C8] =	vst v16  }
0x15b: {  	v16 =	vld [tilespmem:s19+$0x9120]  }
0x15c: {  	v17 =	vld [tilespmem:s19+$0x9130]  }
0x15d: {  	v18 =	vld [tilespmem:s19+$0x8120]  }
0x15e: {  	v19 =	vld [tilespmem:s19+$0x8130];
	_ =	sdelay $0x3  }
0x15f: {  	v16 =	vmul.bf16 v16, v18  }
0x160: {  	v17 =	vmul.bf16 v17, v19  }
0x161: {  	v18 =	vunpack.i.u.bf16.f32 v16;
	v16 =	vunpack.i.l.bf16.f32 v16  }
0x162: {  	v16 =	vadd.f32 v16, v18;
	v18 =	vunpack.i.u.bf16.f32 v17;
	v17 =	vunpack.i.l.bf16.f32 v17  }
0x163: {  	v17 =	vadd.f32 v17, v18;
	_ =	sdelay $0x1  }
0x164: {  	v16 =	vadd.f32 v17, v16;
	_ =	sdelay $0x1  }
0x165: {  	[tilespmem:$0xC1E0] =	vst v16  }
0x166: {  	v16 =	vld [tilespmem:s19+$0x9140]  }
0x167: {  	v17 =	vld [tilespmem:s19+$0x9150]  }
0x168: {  	v18 =	vld [tilespmem:s19+$0x8140]  }
0x169: {  	v19 =	vld [tilespmem:s19+$0x8150];
	_ =	sdelay $0x3  }
0x16a: {  	v16 =	vmul.bf16 v16, v18  }
0x16b: {  	v17 =	vmul.bf16 v17, v19  }
0x16c: {  	v18 =	vunpack.i.l.bf16.f32 v16  }
0x16d: {  	v16 =	vunpack.i.u.bf16.f32 v16;
	v19 =	vunpack.i.u.bf16.f32 v17;
	v17 =	vunpack.i.l.bf16.f32 v17  }
0x16e: {  	v16 =	vadd.f32 v18, v16;
	v17 =	vadd.f32 v17, v19;
	_ =	sdelay $0x1  }
0x16f: {  	v16 =	vadd.f32 v17, v16;
	_ =	sdelay $0x1  }
0x170: {  	[tilespmem:$0xC1F8] =	vst v16  }
0x171: {  	v16 =	vld [tilespmem:s19+$0x9160]  }
0x172: {  	v17 =	vld [tilespmem:s19+$0x9170]  }
0x173: {  	v18 =	vld [tilespmem:s19+$0x8160]  }
0x174: {  	v19 =	vld [tilespmem:s19+$0x8170];
	_ =	sdelay $0x3  }
0x175: {  	v16 =	vmul.bf16 v16, v18  }
0x176: {  	v17 =	vmul.bf16 v17, v19  }
0x177: {  	v18 =	vunpack.i.u.bf16.f32 v16;
	v16 =	vunpack.i.l.bf16.f32 v16  }
0x178: {  	v16 =	vadd.f32 v16, v18;
	v18 =	vunpack.i.u.bf16.f32 v17;
	v17 =	vunpack.i.l.bf16.f32 v17  }
0x179: {  	v17 =	vadd.f32 v17, v18;
	_ =	sdelay $0x1  }
0x17a: {  	v16 =	vadd.f32 v17, v16;
	_ =	sdelay $0x1  }
0x17b: {  	[tilespmem:$0xC210] =	vst v16  }
0x17c: {  	v16 =	vld [tilespmem:s19+$0x9180]  }
0x17d: {  	v17 =	vld [tilespmem:s19+$0x9190]  }
0x17e: {  	v18 =	vld [tilespmem:s19+$0x8180]  }
0x17f: {  	v19 =	vld [tilespmem:s19+$0x8190];
	_ =	sdelay $0x3  }
0x180: {  	v16 =	vmul.bf16 v16, v18  }
0x181: {  	v17 =	vmul.bf16 v17, v19  }
0x182: {  	v18 =	vunpack.i.u.bf16.f32 v16;
	v16 =	vunpack.i.l.bf16.f32 v16  }
0x183: {  	v16 =	vadd.f32 v16, v18;
	v18 =	vunpack.i.u.bf16.f32 v17;
	v17 =	vunpack.i.l.bf16.f32 v17  }
0x184: {  	v17 =	vadd.f32 v17, v18;
	_ =	sdelay $0x1  }
0x185: {  	v16 =	vadd.f32 v17, v16;
	_ =	sdelay $0x1  }
0x186: {  	[tilespmem:$0xC228] =	vst v16  }
0x187: {  	v16 =	vld [tilespmem:s19+$0x91B0]  }
0x188: {  	v17 =	vld [tilespmem:s19+$0x91A0]  }
0x189: {  	v18 =	vld [tilespmem:s19+$0x81A0]  }
0x18a: {  	v19 =	vld [tilespmem:s19+$0x81B0];
	_ =	sdelay $0x3  }
0x18b: {  	v17 =	vmul.bf16 v17, v18  }
0x18c: {  	v16 =	vmul.bf16 v16, v19  }
0x18d: {  	v18 =	vunpack.i.u.bf16.f32 v17;
	v17 =	vunpack.i.l.bf16.f32 v17  }
0x18e: {  	v17 =	vadd.f32 v17, v18;
	v18 =	vunpack.i.u.bf16.f32 v16;
	v16 =	vunpack.i.l.bf16.f32 v16  }
0x18f: {  	v16 =	vadd.f32 v16, v18;
	_ =	sdelay $0x1  }
0x190: {  	v16 =	vadd.f32 v16, v17;
	_ =	sdelay $0x1  }
0x191: {  	[tilespmem:$0xC240] =	vst v16  }
0x192: {  	v16 =	vld [tilespmem:s19+$0x91C0]  }
0x193: {  	v17 =	vld [tilespmem:s19+$0x91D0]  }
0x194: {  	v18 =	vld [tilespmem:s19+$0x81C0]  }
0x195: {  	v19 =	vld [tilespmem:s19+$0x81D0];
	_ =	sdelay $0x3  }
0x196: {  	v16 =	vmul.bf16 v16, v18  }
0x197: {  	v17 =	vmul.bf16 v17, v19  }
0x198: {  	v18 =	vunpack.i.u.bf16.f32 v16;
	v16 =	vunpack.i.l.bf16.f32 v16  }
0x199: {  	v16 =	vadd.f32 v16, v18;
	v18 =	vunpack.i.u.bf16.f32 v17;
	v17 =	vunpack.i.l.bf16.f32 v17  }
0x19a: {  	v17 =	vadd.f32 v17, v18;
	_ =	sdelay $0x1  }
.Ltmp2:
0x19b: {  	v16 =	vadd.f32 v17, v16;
	(pc) =	sbr.rel @p1 .LBB2_3-.Ltmp2, $4  }
0x19c: {  	_ = 	snop  }
0x19d: {  	[tilespmem:$0xC258] =	vst v16  }
0x19e: {  	v16 =	vld [tilespmem:s19+$0x91E0]  }
0x19f: {  	v17 =	vld [tilespmem:s19+$0x91F0]  }
0x1a0: {  	v18 =	vld [tilespmem:s19+$0x81E0]  }
0x1a1: {  	v19 =	vld [tilespmem:s19+$0x81F0];
	_ =	sdelay $0x3  }
0x1a2: {  	v16 =	vmul.bf16 v16, v18  }
0x1a3: {  	v17 =	vmul.bf16 v17, v19  }
0x1a4: {  	v18 =	vunpack.i.u.bf16.f32 v16  }
0x1a5: {  	v16 =	vunpack.i.l.bf16.f32 v16;
	v19 =	vunpack.i.u.bf16.f32 v17;
	v17 =	vunpack.i.l.bf16.f32 v17  }
0x1a6: {  	v16 =	vadd.f32 v16, v18;
	v17 =	vadd.f32 v17, v19;
	_ =	sdelay $0x1  }
0x1a7: {  	v16 =	vadd.f32 v17, v16;
	_ =	sdelay $0x1  }
0x1a8: {  	[tilespmem:$0xC270] =	vst v16  }
0x1a9: {  	v16 =	vld [tilespmem:s19+$0x9200]  }
0x1aa: {  	v17 =	vld [tilespmem:s19+$0x9210]  }
0x1ab: {  	v18 =	vld [tilespmem:s19+$0x8200]  }
0x1ac: {  	v19 =	vld [tilespmem:s19+$0x8210];
	_ =	sdelay $0x3  }
0x1ad: {  	v16 =	vmul.bf16 v16, v18  }
0x1ae: {  	v17 =	vmul.bf16 v17, v19  }
0x1af: {  	v18 =	vunpack.i.u.bf16.f32 v16  }
0x1b0: {  	v16 =	vunpack.i.l.bf16.f32 v16;
	v19 =	vunpack.i.u.bf16.f32 v17;
	v17 =	vunpack.i.l.bf16.f32 v17  }
0x1b1: {  	v16 =	vadd.f32 v16, v18;
	v17 =	vadd.f32 v17, v19;
	_ =	sdelay $0x1  }
0x1b2: {  	v16 =	vadd.f32 v17, v16;
	_ =	sdelay $0x1  }
0x1b3: {  	[tilespmem:$0xC288] =	vst v16  }
0x1b4: {  	v16 =	vld.idx.msk [tilespmem:v8+s25+$0x0], $0xffff  }
0x1b5: {  	v17 =	vld.idx.msk [tilespmem:v13+s25+$0x0], $0xffff  }
0x1b6: {  	v18 =	vld.idx.msk [tilespmem:v7+s25+$0x0], $0xffff  }
0x1b7: {  	v19 =	vld.idx.msk [tilespmem:v6+s25+$0x0], $0xffff  }
0x1b8: {  	v20 =	vld.idx.msk [tilespmem:v9+s25+$0x0], $0xffff  }
0x1b9: {  	v21 =	vld.idx.msk [tilespmem:v5+s25+$0x0], $0xffff  }
0x1ba: {  	v22 =	vld.idx.msk [tilespmem:v1+s25+$0x0], $0xffff  }
0x1bb: {  	v23 =	vld.idx.msk [tilespmem:v0+s25+$0x0], $0xffff  }
0x1bc: {  	v24 =	vld.idx.msk [tilespmem:v2+s25+$0x0], $0xffff  }
0x1bd: {  	v25 =	vld.idx.msk [tilespmem:v3+s25+$0x0], $0xffff  }
0x1be: {  	v26 =	vld.idx.msk [tilespmem:v4+s25+$0x0], $0xffff  }
0x1bf: {  	v27 =	vld.idx.msk [tilespmem:v11+s25+$0x0], $0xffff  }
0x1c0: {  	v28 =	vld.idx.msk [tilespmem:v12+s25+$0x0], $0xffff  }
0x1c1: {  	v29 =	vld.idx.msk [tilespmem:v10+s25+$0x0], $0xffff;
	v22 =	vadd.f32 $0.0e+00, v22;
	v23 =	vadd.f32 $0.0e+00, v23  }
0x1c2: {  	v30 =	vld.idx.msk [tilespmem:v14+s25+$0x0], $0xffff;
	v24 =	vadd.f32 $0.0e+00, v24;
	v25 =	vadd.f32 $0.0e+00, v25  }
0x1c3: {  	v63 =	vld.idx.msk [tilespmem:v15+s25+$0x0], $0xffff;
	v21 =	vadd.f32 v21, v22;
	v23 =	vadd.f32 v26, v23  }
0x1c4: {  	v19 =	vadd.f32 v19, v24;
	v18 =	vadd.f32 v18, v25  }
0x1c5: {  	v20 =	vadd.f32 v20, v21;
	v16 =	vadd.f32 v16, v23  }
0x1c6: {  	v19 =	vadd.f32 v29, v19;
	v18 =	vadd.f32 v27, v18  }
0x1c7: {  	v17 =	vadd.f32 v17, v20;
	v16 =	vadd.f32 v28, v16  }
0x1c8: {  	v19 =	vadd.f32 v30, v19;
	v18 =	vadd.f32 v63, v18;
	_ =	sdelay $0x1  }
0x1c9: {  	v16 =	vadd.f32 v17, v16;
	v17 =	vadd.f32 v18, v19;
	_ =	sdelay $0x1  }
0x1ca: {  	s6 =	sadd.s32 s5, s18;
	v16 =	vadd.f32 v17, v16  }
0x1cb: {  	s6 =	sshrl.u32 s6, $0x3  }
0x1cc: {  	p1 =	seq.s32 s17, $0x18;
	s6 =	sadd.s32 s4, s6;
	[tilespmem:s21+$0x0] =	vst v16  }
0x1cd: {  	[hbm4b:s6+s3] =	stream.linear.scatter [tilespmem:s26], [sflag:$0x5], $0x80, $0x38;
	[tilespmem:$0xC2A0] =	vst v63  }
0x1ce: {  	s14 =	simm.s32 @!p1 $0x80;
	s15 =	simm.s32 @!p1 $0x8020;
	s6 =	sadd.s32 @!p1 $0x4F20, s18  }
0x1cf: {  	[tilespmem:s15], [sflag:$0x1] =	stream.indirect.gather @!p1 [spmem:s2], $0x20, s6, s14, $0xb8;
	[tilespmem:$0xC2A0] =	vst v63  }
0x1d0: {  	s6 =	sadd.s32 @!p1 $0x6820, s18;
	s15 =	simm.s32 @!p1 $0x9020  }
0x1d1: {  	[tilespmem:s15], [sflag:$0x2] =	stream.indirect.gather @!p1 [spmem:s2], $0x20, s6, s14, $0xb8;
	[tilespmem:$0xC2A0] =	vst v63  }
0x1d2: {  	_ =	swait.ge [sflag:s28], $0x1000  }
0x1d3: {  	[sflag:s28] =	ssyncset.done $0x0  }
0x1d4: {  	[sflag:s28] =	ssyncadd.s32 $0xFFFFF000  }
0x1d5: {  	_ =	swait.ge [sflag:s29], $0x1000  }
0x1d6: {  	[sflag:s29] =	ssyncset.done $0x0  }
0x1d7: {  	s6 =	simm.s32 @!p0 $0x6;
	[sflag:s29] =	ssyncadd.s32 $0xFFFFF000  }
0x1d8: {  	_ =	swait.ge @!p0 [sflag:s6], $0x80  }
0x1d9: {  	[sflag:s6] =	ssyncset.done @!p0 $0x0  }
0x1da: {  	s19 =	simm.s32 $0x0;
	[sflag:s6] =	ssyncadd.s32 @!p0 $0xFFFFFF80  }
0x1db: {  	v16 =	vld [tilespmem:s19+$0xB030]  }
0x1dc: {  	v17 =	vld [tilespmem:s19+$0xA020]  }
0x1dd: {  	v18 =	vld [tilespmem:s19+$0xA030]  }
0x1de: {  	v19 =	vld [tilespmem:s19+$0xB020];
	_ =	sdelay $0x3  }
0x1df: {  	v16 =	vmul.bf16 v16, v18  }
0x1e0: {  	v17 =	vmul.bf16 v19, v17  }
0x1e1: {  	v18 =	vunpack.i.u.bf16.f32 v16  }
0x1e2: {  	v16 =	vunpack.i.l.bf16.f32 v16;
	v19 =	vunpack.i.u.bf16.f32 v17;
	v17 =	vunpack.i.l.bf16.f32 v17  }
0x1e3: {  	v16 =	vadd.f32 v16, v18;
	v17 =	vadd.f32 v17, v19;
	_ =	sdelay $0x1  }
0x1e4: {  	v16 =	vadd.f32 v16, v17;
	_ =	sdelay $0x1  }
0x1e5: {  	[tilespmem:$0xC120] =	vst v16  }
0x1e6: {  	v16 =	vld [tilespmem:s19+$0xA040]  }
0x1e7: {  	v17 =	vld [tilespmem:s19+$0xB050]  }
0x1e8: {  	v18 =	vld [tilespmem:s19+$0xB040]  }
0x1e9: {  	v19 =	vld [tilespmem:s19+$0xA050];
	_ =	sdelay $0x3  }
0x1ea: {  	v16 =	vmul.bf16 v18, v16  }
0x1eb: {  	v17 =	vmul.bf16 v17, v19  }
0x1ec: {  	v18 =	vunpack.i.u.bf16.f32 v16  }
0x1ed: {  	v16 =	vunpack.i.l.bf16.f32 v16;
	v19 =	vunpack.i.u.bf16.f32 v17;
	v17 =	vunpack.i.l.bf16.f32 v17  }
0x1ee: {  	v16 =	vadd.f32 v16, v18;
	v17 =	vadd.f32 v17, v19;
	_ =	sdelay $0x1  }
0x1ef: {  	v16 =	vadd.f32 v17, v16;
	_ =	sdelay $0x1  }
0x1f0: {  	[tilespmem:$0xC138] =	vst v16  }
0x1f1: {  	v16 =	vld [tilespmem:s19+$0xB070]  }
0x1f2: {  	v17 =	vld [tilespmem:s19+$0xB060]  }
0x1f3: {  	v18 =	vld [tilespmem:s19+$0xA060]  }
0x1f4: {  	v19 =	vld [tilespmem:s19+$0xA070];
	_ =	sdelay $0x3  }
0x1f5: {  	v17 =	vmul.bf16 v17, v18  }
0x1f6: {  	v16 =	vmul.bf16 v16, v19  }
0x1f7: {  	v18 =	vunpack.i.u.bf16.f32 v17  }
0x1f8: {  	v17 =	vunpack.i.l.bf16.f32 v17;
	v19 =	vunpack.i.u.bf16.f32 v16;
	v16 =	vunpack.i.l.bf16.f32 v16  }
0x1f9: {  	v17 =	vadd.f32 v17, v18;
	v16 =	vadd.f32 v16, v19;
	_ =	sdelay $0x1  }
0x1fa: {  	v16 =	vadd.f32 v16, v17;
	_ =	sdelay $0x1  }
0x1fb: {  	[tilespmem:$0xC150] =	vst v16  }
0x1fc: {  	v16 =	vld [tilespmem:s19+$0xB080]  }
0x1fd: {  	v17 =	vld [tilespmem:s19+$0xB090]  }
0x1fe: {  	v18 =	vld [tilespmem:s19+$0xA080]  }
0x1ff: {  	v19 =	vld [tilespmem:s19+$0xA090];
	_ =	sdelay $0x3  }
0x200: {  	v16 =	vmul.bf16 v16, v18  }
0x201: {  	v17 =	vmul.bf16 v17, v19  }
0x202: {  	v18 =	vunpack.i.u.bf16.f32 v16  }
0x203: {  	v16 =	vunpack.i.l.bf16.f32 v16;
	v19 =	vunpack.i.u.bf16.f32 v17;
	v17 =	vunpack.i.l.bf16.f32 v17  }
0x204: {  	v16 =	vadd.f32 v16, v18;
	v17 =	vadd.f32 v17, v19;
	_ =	sdelay $0x1  }
0x205: {  	v16 =	vadd.f32 v17, v16;
	_ =	sdelay $0x1  }
0x206: {  	[tilespmem:$0xC168] =	vst v16  }
0x207: {  	v16 =	vld [tilespmem:s19+$0xB0A0]  }
0x208: {  	v17 =	vld [tilespmem:s19+$0xB0B0]  }
0x209: {  	v18 =	vld [tilespmem:s19+$0xA0A0]  }
0x20a: {  	v19 =	vld [tilespmem:s19+$0xA0B0];
	_ =	sdelay $0x3  }
0x20b: {  	v16 =	vmul.bf16 v16, v18  }
0x20c: {  	v17 =	vmul.bf16 v17, v19  }
0x20d: {  	v18 =	vunpack.i.u.bf16.f32 v16  }
0x20e: {  	v16 =	vunpack.i.l.bf16.f32 v16;
	v19 =	vunpack.i.u.bf16.f32 v17;
	v17 =	vunpack.i.l.bf16.f32 v17  }
0x20f: {  	v16 =	vadd.f32 v16, v18;
	v17 =	vadd.f32 v17, v19;
	_ =	sdelay $0x1  }
0x210: {  	v16 =	vadd.f32 v17, v16;
	_ =	sdelay $0x1  }
0x211: {  	[tilespmem:$0xC180] =	vst v16  }
0x212: {  	v16 =	vld [tilespmem:s19+$0xB0C0]  }
0x213: {  	v17 =	vld [tilespmem:s19+$0xB0D0]  }
0x214: {  	v18 =	vld [tilespmem:s19+$0xA0C0]  }
0x215: {  	v19 =	vld [tilespmem:s19+$0xA0D0];
	_ =	sdelay $0x3  }
0x216: {  	v16 =	vmul.bf16 v16, v18  }
0x217: {  	v17 =	vmul.bf16 v17, v19  }
0x218: {  	v18 =	vunpack.i.u.bf16.f32 v16  }
0x219: {  	v16 =	vunpack.i.l.bf16.f32 v16;
	v19 =	vunpack.i.u.bf16.f32 v17;
	v17 =	vunpack.i.l.bf16.f32 v17  }
0x21a: {  	v16 =	vadd.f32 v16, v18;
	v17 =	vadd.f32 v17, v19;
	_ =	sdelay $0x1  }
0x21b: {  	v16 =	vadd.f32 v17, v16;
	_ =	sdelay $0x1  }
0x21c: {  	[tilespmem:$0xC198] =	vst v16  }
0x21d: {  	v16 =	vld [tilespmem:s19+$0xB0E0]  }
0x21e: {  	v17 =	vld [tilespmem:s19+$0xB0F0]  }
0x21f: {  	v18 =	vld [tilespmem:s19+$0xA0E0]  }
0x220: {  	v19 =	vld [tilespmem:s19+$0xA0F0];
	_ =	sdelay $0x3  }
0x221: {  	v16 =	vmul.bf16 v16, v18  }
0x222: {  	v17 =	vmul.bf16 v17, v19  }
0x223: {  	v18 =	vunpack.i.u.bf16.f32 v16  }
0x224: {  	v16 =	vunpack.i.l.bf16.f32 v16;
	v19 =	vunpack.i.u.bf16.f32 v17;
	v17 =	vunpack.i.l.bf16.f32 v17  }
0x225: {  	v16 =	vadd.f32 v16, v18;
	v17 =	vadd.f32 v17, v19;
	_ =	sdelay $0x1  }
0x226: {  	v16 =	vadd.f32 v17, v16;
	_ =	sdelay $0x1  }
0x227: {  	[tilespmem:$0xC1B0] =	vst v16  }
0x228: {  	v16 =	vld [tilespmem:s19+$0xB100]  }
0x229: {  	v17 =	vld [tilespmem:s19+$0xB110]  }
0x22a: {  	v18 =	vld [tilespmem:s19+$0xA100]  }
0x22b: {  	v19 =	vld [tilespmem:s19+$0xA110];
	_ =	sdelay $0x3  }
0x22c: {  	v16 =	vmul.bf16 v16, v18  }
0x22d: {  	v17 =	vmul.bf16 v17, v19  }
0x22e: {  	v18 =	vunpack.i.u.bf16.f32 v16  }
0x22f: {  	v16 =	vunpack.i.l.bf16.f32 v16;
	v19 =	vunpack.i.u.bf16.f32 v17;
	v17 =	vunpack.i.l.bf16.f32 v17  }
0x230: {  	v16 =	vadd.f32 v16, v18;
	v17 =	vadd.f32 v17, v19;
	_ =	sdelay $0x1  }
0x231: {  	v16 =	vadd.f32 v17, v16;
	_ =	sdelay $0x1  }
0x232: {  	[tilespmem:$0xC1C8] =	vst v16  }
0x233: {  	v16 =	vld [tilespmem:s19+$0xB120]  }
0x234: {  	v17 =	vld [tilespmem:s19+$0xB130]  }
0x235: {  	v18 =	vld [tilespmem:s19+$0xA120]  }
0x236: {  	v19 =	vld [tilespmem:s19+$0xA130];
	_ =	sdelay $0x3  }
0x237: {  	v16 =	vmul.bf16 v16, v18  }
0x238: {  	v17 =	vmul.bf16 v17, v19  }
0x239: {  	v18 =	vunpack.i.u.bf16.f32 v16  }
0x23a: {  	v16 =	vunpack.i.l.bf16.f32 v16;
	v19 =	vunpack.i.u.bf16.f32 v17;
	v17 =	vunpack.i.l.bf16.f32 v17  }
0x23b: {  	v16 =	vadd.f32 v16, v18;
	v17 =	vadd.f32 v17, v19;
	_ =	sdelay $0x1  }
0x23c: {  	v16 =	vadd.f32 v17, v16;
	_ =	sdelay $0x1  }
0x23d: {  	[tilespmem:$0xC1E0] =	vst v16  }
0x23e: {  	v16 =	vld [tilespmem:s19+$0xB140]  }
0x23f: {  	v17 =	vld [tilespmem:s19+$0xB150]  }
0x240: {  	v18 =	vld [tilespmem:s19+$0xA140]  }
0x241: {  	v19 =	vld [tilespmem:s19+$0xA150];
	_ =	sdelay $0x3  }
0x242: {  	v16 =	vmul.bf16 v16, v18  }
0x243: {  	v17 =	vmul.bf16 v17, v19  }
0x244: {  	v18 =	vunpack.i.l.bf16.f32 v16  }
0x245: {  	v16 =	vunpack.i.u.bf16.f32 v16;
	v19 =	vunpack.i.u.bf16.f32 v17;
	v17 =	vunpack.i.l.bf16.f32 v17  }
0x246: {  	v16 =	vadd.f32 v18, v16;
	v17 =	vadd.f32 v17, v19;
	_ =	sdelay $0x1  }
0x247: {  	v16 =	vadd.f32 v17, v16;
	_ =	sdelay $0x1  }
0x248: {  	[tilespmem:$0xC1F8] =	vst v16  }
0x249: {  	v16 =	vld [tilespmem:s19+$0xB160]  }
0x24a: {  	v17 =	vld [tilespmem:s19+$0xB170]  }
0x24b: {  	v18 =	vld [tilespmem:s19+$0xA160]  }
0x24c: {  	v19 =	vld [tilespmem:s19+$0xA170];
	_ =	sdelay $0x3  }
0x24d: {  	v16 =	vmul.bf16 v16, v18  }
0x24e: {  	v17 =	vmul.bf16 v17, v19  }
0x24f: {  	v18 =	vunpack.i.u.bf16.f32 v16  }
0x250: {  	v16 =	vunpack.i.l.bf16.f32 v16;
	v19 =	vunpack.i.u.bf16.f32 v17;
	v17 =	vunpack.i.l.bf16.f32 v17  }
0x251: {  	v16 =	vadd.f32 v16, v18;
	v17 =	vadd.f32 v17, v19;
	_ =	sdelay $0x1  }
0x252: {  	v16 =	vadd.f32 v17, v16;
	_ =	sdelay $0x1  }
0x253: {  	[tilespmem:$0xC210] =	vst v16  }
0x254: {  	v16 =	vld [tilespmem:s19+$0xB180]  }
0x255: {  	v17 =	vld [tilespmem:s19+$0xB190]  }
0x256: {  	v18 =	vld [tilespmem:s19+$0xA180]  }
0x257: {  	v19 =	vld [tilespmem:s19+$0xA190];
	_ =	sdelay $0x3  }
0x258: {  	v16 =	vmul.bf16 v16, v18  }
0x259: {  	v17 =	vmul.bf16 v17, v19  }
0x25a: {  	v18 =	vunpack.i.u.bf16.f32 v16  }
0x25b: {  	v16 =	vunpack.i.l.bf16.f32 v16;
	v19 =	vunpack.i.u.bf16.f32 v17;
	v17 =	vunpack.i.l.bf16.f32 v17  }
0x25c: {  	v16 =	vadd.f32 v16, v18;
	v17 =	vadd.f32 v17, v19;
	_ =	sdelay $0x1  }
0x25d: {  	v16 =	vadd.f32 v17, v16;
	_ =	sdelay $0x1  }
0x25e: {  	[tilespmem:$0xC228] =	vst v16  }
0x25f: {  	v16 =	vld [tilespmem:s19+$0xB1B0]  }
0x260: {  	v17 =	vld [tilespmem:s19+$0xB1A0]  }
0x261: {  	v18 =	vld [tilespmem:s19+$0xA1A0]  }
0x262: {  	v19 =	vld [tilespmem:s19+$0xA1B0];
	_ =	sdelay $0x3  }
0x263: {  	v17 =	vmul.bf16 v17, v18  }
0x264: {  	v16 =	vmul.bf16 v16, v19  }
0x265: {  	v18 =	vunpack.i.u.bf16.f32 v17  }
0x266: {  	v17 =	vunpack.i.l.bf16.f32 v17;
	v19 =	vunpack.i.u.bf16.f32 v16;
	v16 =	vunpack.i.l.bf16.f32 v16  }
0x267: {  	v17 =	vadd.f32 v17, v18;
	v16 =	vadd.f32 v16, v19;
	_ =	sdelay $0x1  }
0x268: {  	v16 =	vadd.f32 v16, v17;
	_ =	sdelay $0x1  }
0x269: {  	[tilespmem:$0xC240] =	vst v16  }
0x26a: {  	v16 =	vld [tilespmem:s19+$0xB1C0]  }
0x26b: {  	v17 =	vld [tilespmem:s19+$0xB1D0]  }
0x26c: {  	v18 =	vld [tilespmem:s19+$0xA1C0]  }
0x26d: {  	v19 =	vld [tilespmem:s19+$0xA1D0];
	_ =	sdelay $0x3  }
0x26e: {  	v16 =	vmul.bf16 v16, v18  }
0x26f: {  	v17 =	vmul.bf16 v17, v19  }
0x270: {  	v18 =	vunpack.i.u.bf16.f32 v16  }
0x271: {  	v16 =	vunpack.i.l.bf16.f32 v16;
	v19 =	vunpack.i.u.bf16.f32 v17;
	v17 =	vunpack.i.l.bf16.f32 v17  }
0x272: {  	v16 =	vadd.f32 v16, v18;
	v17 =	vadd.f32 v17, v19;
	_ =	sdelay $0x1  }
0x273: {  	v16 =	vadd.f32 v17, v16;
	_ =	sdelay $0x1  }
0x274: {  	[tilespmem:$0xC258] =	vst v16  }
0x275: {  	v16 =	vld [tilespmem:s19+$0xB1E0]  }
0x276: {  	s21 =	simm.s32 $0xC0A0;
	s14 =	simm.s32 $0xC0A0;
	s15 =	simm.s32 $0x800;
	v17 =	vld [tilespmem:s19+$0xB1F0]  }
.LBB2_5:
0x277: {  	p0 =	sne.s32 s15, $0x3800  }
0x278: {  	v18 =	vld [tilespmem:s19+$0xA1E0];
	s14 =	sadd.s32 $0x10, s14;
	s6 =	smov.u32 s15;
	s15 =	sadd.s32 $0x800, s15  }
0x279: {  	v19 =	vld [tilespmem:s19+$0xA1F0];
	_ =	sdelay $0x3  }
0x27a: {  	v16 =	vmul.bf16 v16, v18  }
0x27b: {  	v17 =	vmul.bf16 v17, v19  }
0x27c: {  	v18 =	vunpack.i.u.bf16.f32 v16;
	v16 =	vunpack.i.l.bf16.f32 v16  }
0x27d: {  	v16 =	vadd.f32 v16, v18;
	v18 =	vunpack.i.u.bf16.f32 v17;
	v17 =	vunpack.i.l.bf16.f32 v17  }
0x27e: {  	v17 =	vadd.f32 v17, v18;
	_ =	sdelay $0x1  }
0x27f: {  	v16 =	vadd.f32 v17, v16;
	_ =	sdelay $0x1  }
0x280: {  	[tilespmem:$0xC270] =	vst v16  }
0x281: {  	v16 =	vld [tilespmem:s19+$0xB200]  }
0x282: {  	v17 =	vld [tilespmem:s19+$0xB210]  }
0x283: {  	v18 =	vld [tilespmem:s19+$0xA200]  }
0x284: {  	v19 =	vld [tilespmem:s19+$0xA210];
	_ =	sdelay $0x3  }
0x285: {  	v16 =	vmul.bf16 v16, v18  }
0x286: {  	v17 =	vmul.bf16 v17, v19  }
0x287: {  	v18 =	vunpack.i.u.bf16.f32 v16;
	v16 =	vunpack.i.l.bf16.f32 v16  }
0x288: {  	v16 =	vadd.f32 v16, v18;
	v18 =	vunpack.i.u.bf16.f32 v17;
	v17 =	vunpack.i.l.bf16.f32 v17  }
0x289: {  	v17 =	vadd.f32 v17, v18;
	_ =	sdelay $0x1  }
0x28a: {  	v16 =	vadd.f32 v17, v16;
	_ =	sdelay $0x1  }
0x28b: {  	[tilespmem:$0xC288] =	vst v16  }
0x28c: {  	v16 =	vld.idx.msk [tilespmem:v8+s25+$0x0], $0xffff  }
0x28d: {  	v17 =	vld.idx.msk [tilespmem:v13+s25+$0x0], $0xffff  }
0x28e: {  	v18 =	vld.idx.msk [tilespmem:v7+s25+$0x0], $0xffff  }
0x28f: {  	v19 =	vld.idx.msk [tilespmem:v6+s25+$0x0], $0xffff  }
0x290: {  	v20 =	vld.idx.msk [tilespmem:v9+s25+$0x0], $0xffff  }
0x291: {  	v21 =	vld.idx.msk [tilespmem:v5+s25+$0x0], $0xffff  }
0x292: {  	v22 =	vld.idx.msk [tilespmem:v1+s25+$0x0], $0xffff  }
0x293: {  	v23 =	vld.idx.msk [tilespmem:v4+s25+$0x0], $0xffff  }
0x294: {  	v24 =	vld.idx.msk [tilespmem:v0+s25+$0x0], $0xffff  }
0x295: {  	v25 =	vld.idx.msk [tilespmem:v2+s25+$0x0], $0xffff  }
0x296: {  	v26 =	vld.idx.msk [tilespmem:v3+s25+$0x0], $0xffff  }
0x297: {  	v27 =	vld.idx.msk [tilespmem:v11+s25+$0x0], $0xffff  }
0x298: {  	v22 =	vadd.f32 $0.0e+00, v22;
	v28 =	vld.idx.msk [tilespmem:v12+s25+$0x0], $0xffff  }
0x299: {  	v29 =	vld.idx.msk [tilespmem:v10+s25+$0x0], $0xffff  }
0x29a: {  	v24 =	vadd.f32 $0.0e+00, v24;
	v21 =	vadd.f32 v21, v22;
	v22 =	vld.idx.msk [tilespmem:v14+s25+$0x0], $0xffff  }
0x29b: {  	v25 =	vadd.f32 $0.0e+00, v25;
	v30 =	vld.idx.msk [tilespmem:v15+s25+$0x0], $0xffff  }
0x29c: {  	v26 =	vadd.f32 $0.0e+00, v26;
	v23 =	vadd.f32 v23, v24  }
0x29d: {  	v20 =	vadd.f32 v20, v21;
	v19 =	vadd.f32 v19, v25  }
0x29e: {  	v18 =	vadd.f32 v18, v26;
	v16 =	vadd.f32 v16, v23  }
0x29f: {  	v17 =	vadd.f32 v17, v20;
	v19 =	vadd.f32 v29, v19  }
0x2a0: {  	v18 =	vadd.f32 v27, v18;
	v16 =	vadd.f32 v28, v16  }
0x2a1: {  	v19 =	vadd.f32 v22, v19  }
0x2a2: {  	v18 =	vadd.f32 v30, v18  }
0x2a3: {  	v16 =	vadd.f32 v17, v16  }
0x2a4: {  	v17 =	vadd.f32 v18, v19;
	_ =	sdelay $0x1  }
0x2a5: {  	v16 =	vadd.f32 v17, v16;
	_ =	sdelay $0x1  }
0x2a6: {  	s19 =	sshra.s32 s6, $0x2;
	[tilespmem:s21+$0x0] =	vst v16;
	s21 =	smov.u32 s14  }
0x2a7: {  	v16 =	vld [tilespmem:s19+$0xB030]  }
0x2a8: {  	v17 =	vld [tilespmem:s19+$0xA020]  }
0x2a9: {  	v18 =	vld [tilespmem:s19+$0xA030]  }
0x2aa: {  	v19 =	vld [tilespmem:s19+$0xB020];
	_ =	sdelay $0x3  }
0x2ab: {  	v16 =	vmul.bf16 v16, v18  }
0x2ac: {  	v17 =	vmul.bf16 v19, v17  }
0x2ad: {  	v18 =	vunpack.i.u.bf16.f32 v16;
	v16 =	vunpack.i.l.bf16.f32 v16  }
0x2ae: {  	v19 =	vunpack.i.u.bf16.f32 v17;
	v17 =	vunpack.i.l.bf16.f32 v17;
	v16 =	vadd.f32 v16, v18  }
0x2af: {  	v17 =	vadd.f32 v17, v19;
	_ =	sdelay $0x1  }
0x2b0: {  	v16 =	vadd.f32 v16, v17;
	_ =	sdelay $0x1  }
0x2b1: {  	[tilespmem:$0xC120] =	vst v16  }
0x2b2: {  	v16 =	vld [tilespmem:s19+$0xA040]  }
0x2b3: {  	v17 =	vld [tilespmem:s19+$0xB050]  }
0x2b4: {  	v18 =	vld [tilespmem:s19+$0xB040]  }
0x2b5: {  	v19 =	vld [tilespmem:s19+$0xA050];
	_ =	sdelay $0x3  }
0x2b6: {  	v16 =	vmul.bf16 v18, v16  }
0x2b7: {  	v17 =	vmul.bf16 v17, v19  }
0x2b8: {  	v18 =	vunpack.i.u.bf16.f32 v16;
	v16 =	vunpack.i.l.bf16.f32 v16  }
0x2b9: {  	v16 =	vadd.f32 v16, v18;
	v18 =	vunpack.i.u.bf16.f32 v17;
	v17 =	vunpack.i.l.bf16.f32 v17  }
0x2ba: {  	v17 =	vadd.f32 v17, v18;
	_ =	sdelay $0x1  }
0x2bb: {  	v16 =	vadd.f32 v17, v16;
	_ =	sdelay $0x1  }
0x2bc: {  	[tilespmem:$0xC138] =	vst v16  }
0x2bd: {  	v16 =	vld [tilespmem:s19+$0xB070]  }
0x2be: {  	v17 =	vld [tilespmem:s19+$0xB060]  }
0x2bf: {  	v18 =	vld [tilespmem:s19+$0xA060]  }
0x2c0: {  	v19 =	vld [tilespmem:s19+$0xA070];
	_ =	sdelay $0x3  }
0x2c1: {  	v17 =	vmul.bf16 v17, v18  }
0x2c2: {  	v16 =	vmul.bf16 v16, v19  }
0x2c3: {  	v18 =	vunpack.i.u.bf16.f32 v17;
	v17 =	vunpack.i.l.bf16.f32 v17  }
0x2c4: {  	v17 =	vadd.f32 v17, v18;
	v18 =	vunpack.i.u.bf16.f32 v16;
	v16 =	vunpack.i.l.bf16.f32 v16  }
0x2c5: {  	v16 =	vadd.f32 v16, v18;
	_ =	sdelay $0x1  }
0x2c6: {  	v16 =	vadd.f32 v16, v17;
	_ =	sdelay $0x1  }
0x2c7: {  	[tilespmem:$0xC150] =	vst v16  }
0x2c8: {  	v16 =	vld [tilespmem:s19+$0xB080]  }
0x2c9: {  	v17 =	vld [tilespmem:s19+$0xB090]  }
0x2ca: {  	v18 =	vld [tilespmem:s19+$0xA080]  }
0x2cb: {  	v19 =	vld [tilespmem:s19+$0xA090];
	_ =	sdelay $0x3  }
0x2cc: {  	v16 =	vmul.bf16 v16, v18  }
0x2cd: {  	v17 =	vmul.bf16 v17, v19  }
0x2ce: {  	v18 =	vunpack.i.u.bf16.f32 v16;
	v16 =	vunpack.i.l.bf16.f32 v16  }
0x2cf: {  	v16 =	vadd.f32 v16, v18;
	v18 =	vunpack.i.u.bf16.f32 v17;
	v17 =	vunpack.i.l.bf16.f32 v17  }
0x2d0: {  	v17 =	vadd.f32 v17, v18;
	_ =	sdelay $0x1  }
0x2d1: {  	v16 =	vadd.f32 v17, v16;
	_ =	sdelay $0x1  }
0x2d2: {  	[tilespmem:$0xC168] =	vst v16  }
0x2d3: {  	v16 =	vld [tilespmem:s19+$0xB0A0]  }
0x2d4: {  	v17 =	vld [tilespmem:s19+$0xB0B0]  }
0x2d5: {  	v18 =	vld [tilespmem:s19+$0xA0A0]  }
0x2d6: {  	v19 =	vld [tilespmem:s19+$0xA0B0];
	_ =	sdelay $0x3  }
0x2d7: {  	v16 =	vmul.bf16 v16, v18  }
0x2d8: {  	v17 =	vmul.bf16 v17, v19  }
0x2d9: {  	v18 =	vunpack.i.u.bf16.f32 v16;
	v16 =	vunpack.i.l.bf16.f32 v16  }
0x2da: {  	v16 =	vadd.f32 v16, v18;
	v18 =	vunpack.i.u.bf16.f32 v17;
	v17 =	vunpack.i.l.bf16.f32 v17  }
0x2db: {  	v17 =	vadd.f32 v17, v18;
	_ =	sdelay $0x1  }
0x2dc: {  	v16 =	vadd.f32 v17, v16;
	_ =	sdelay $0x1  }
0x2dd: {  	[tilespmem:$0xC180] =	vst v16  }
0x2de: {  	v16 =	vld [tilespmem:s19+$0xB0C0]  }
0x2df: {  	v17 =	vld [tilespmem:s19+$0xB0D0]  }
0x2e0: {  	v18 =	vld [tilespmem:s19+$0xA0C0]  }
0x2e1: {  	v19 =	vld [tilespmem:s19+$0xA0D0];
	_ =	sdelay $0x3  }
0x2e2: {  	v16 =	vmul.bf16 v16, v18  }
0x2e3: {  	v17 =	vmul.bf16 v17, v19  }
0x2e4: {  	v18 =	vunpack.i.u.bf16.f32 v16;
	v16 =	vunpack.i.l.bf16.f32 v16  }
0x2e5: {  	v16 =	vadd.f32 v16, v18;
	v18 =	vunpack.i.u.bf16.f32 v17;
	v17 =	vunpack.i.l.bf16.f32 v17  }
0x2e6: {  	v17 =	vadd.f32 v17, v18;
	_ =	sdelay $0x1  }
0x2e7: {  	v16 =	vadd.f32 v17, v16;
	_ =	sdelay $0x1  }
0x2e8: {  	[tilespmem:$0xC198] =	vst v16  }
0x2e9: {  	v16 =	vld [tilespmem:s19+$0xB0E0]  }
0x2ea: {  	v17 =	vld [tilespmem:s19+$0xB0F0]  }
0x2eb: {  	v18 =	vld [tilespmem:s19+$0xA0E0]  }
0x2ec: {  	v19 =	vld [tilespmem:s19+$0xA0F0];
	_ =	sdelay $0x3  }
0x2ed: {  	v16 =	vmul.bf16 v16, v18  }
0x2ee: {  	v17 =	vmul.bf16 v17, v19  }
0x2ef: {  	v18 =	vunpack.i.u.bf16.f32 v16;
	v16 =	vunpack.i.l.bf16.f32 v16  }
0x2f0: {  	v16 =	vadd.f32 v16, v18;
	v18 =	vunpack.i.u.bf16.f32 v17;
	v17 =	vunpack.i.l.bf16.f32 v17  }
0x2f1: {  	v17 =	vadd.f32 v17, v18;
	_ =	sdelay $0x1  }
0x2f2: {  	v16 =	vadd.f32 v17, v16;
	_ =	sdelay $0x1  }
0x2f3: {  	[tilespmem:$0xC1B0] =	vst v16  }
0x2f4: {  	v16 =	vld [tilespmem:s19+$0xB100]  }
0x2f5: {  	v17 =	vld [tilespmem:s19+$0xB110]  }
0x2f6: {  	v18 =	vld [tilespmem:s19+$0xA100]  }
0x2f7: {  	v19 =	vld [tilespmem:s19+$0xA110];
	_ =	sdelay $0x3  }
0x2f8: {  	v16 =	vmul.bf16 v16, v18  }
0x2f9: {  	v17 =	vmul.bf16 v17, v19  }
0x2fa: {  	v18 =	vunpack.i.u.bf16.f32 v16;
	v16 =	vunpack.i.l.bf16.f32 v16  }
0x2fb: {  	v16 =	vadd.f32 v16, v18;
	v18 =	vunpack.i.u.bf16.f32 v17;
	v17 =	vunpack.i.l.bf16.f32 v17  }
0x2fc: {  	v17 =	vadd.f32 v17, v18;
	_ =	sdelay $0x1  }
0x2fd: {  	v16 =	vadd.f32 v17, v16;
	_ =	sdelay $0x1  }
0x2fe: {  	[tilespmem:$0xC1C8] =	vst v16  }
0x2ff: {  	v16 =	vld [tilespmem:s19+$0xB120]  }
0x300: {  	v17 =	vld [tilespmem:s19+$0xB130]  }
0x301: {  	v18 =	vld [tilespmem:s19+$0xA120]  }
0x302: {  	v19 =	vld [tilespmem:s19+$0xA130];
	_ =	sdelay $0x3  }
0x303: {  	v16 =	vmul.bf16 v16, v18  }
0x304: {  	v17 =	vmul.bf16 v17, v19  }
0x305: {  	v18 =	vunpack.i.u.bf16.f32 v16;
	v16 =	vunpack.i.l.bf16.f32 v16  }
0x306: {  	v16 =	vadd.f32 v16, v18;
	v18 =	vunpack.i.u.bf16.f32 v17;
	v17 =	vunpack.i.l.bf16.f32 v17  }
0x307: {  	v17 =	vadd.f32 v17, v18;
	_ =	sdelay $0x1  }
0x308: {  	v16 =	vadd.f32 v17, v16;
	_ =	sdelay $0x1  }
0x309: {  	[tilespmem:$0xC1E0] =	vst v16  }
0x30a: {  	v16 =	vld [tilespmem:s19+$0xB140]  }
0x30b: {  	v17 =	vld [tilespmem:s19+$0xB150]  }
0x30c: {  	v18 =	vld [tilespmem:s19+$0xA140]  }
0x30d: {  	v19 =	vld [tilespmem:s19+$0xA150];
	_ =	sdelay $0x3  }
0x30e: {  	v16 =	vmul.bf16 v16, v18  }
0x30f: {  	v17 =	vmul.bf16 v17, v19  }
0x310: {  	v18 =	vunpack.i.l.bf16.f32 v16  }
0x311: {  	v16 =	vunpack.i.u.bf16.f32 v16;
	v19 =	vunpack.i.u.bf16.f32 v17;
	v17 =	vunpack.i.l.bf16.f32 v17  }
0x312: {  	v16 =	vadd.f32 v18, v16;
	v17 =	vadd.f32 v17, v19;
	_ =	sdelay $0x1  }
0x313: {  	v16 =	vadd.f32 v17, v16;
	_ =	sdelay $0x1  }
0x314: {  	[tilespmem:$0xC1F8] =	vst v16  }
0x315: {  	v16 =	vld [tilespmem:s19+$0xB160]  }
0x316: {  	v17 =	vld [tilespmem:s19+$0xB170]  }
0x317: {  	v18 =	vld [tilespmem:s19+$0xA160]  }
0x318: {  	v19 =	vld [tilespmem:s19+$0xA170];
	_ =	sdelay $0x3  }
0x319: {  	v16 =	vmul.bf16 v16, v18  }
0x31a: {  	v17 =	vmul.bf16 v17, v19  }
0x31b: {  	v18 =	vunpack.i.u.bf16.f32 v16;
	v16 =	vunpack.i.l.bf16.f32 v16  }
0x31c: {  	v16 =	vadd.f32 v16, v18;
	v18 =	vunpack.i.u.bf16.f32 v17;
	v17 =	vunpack.i.l.bf16.f32 v17  }
0x31d: {  	v17 =	vadd.f32 v17, v18;
	_ =	sdelay $0x1  }
0x31e: {  	v16 =	vadd.f32 v17, v16;
	_ =	sdelay $0x1  }
0x31f: {  	[tilespmem:$0xC210] =	vst v16  }
0x320: {  	v16 =	vld [tilespmem:s19+$0xB180]  }
0x321: {  	v17 =	vld [tilespmem:s19+$0xB190]  }
0x322: {  	v18 =	vld [tilespmem:s19+$0xA180]  }
0x323: {  	v19 =	vld [tilespmem:s19+$0xA190];
	_ =	sdelay $0x3  }
0x324: {  	v16 =	vmul.bf16 v16, v18  }
0x325: {  	v17 =	vmul.bf16 v17, v19  }
0x326: {  	v18 =	vunpack.i.u.bf16.f32 v16;
	v16 =	vunpack.i.l.bf16.f32 v16  }
0x327: {  	v16 =	vadd.f32 v16, v18;
	v18 =	vunpack.i.u.bf16.f32 v17;
	v17 =	vunpack.i.l.bf16.f32 v17  }
0x328: {  	v17 =	vadd.f32 v17, v18;
	_ =	sdelay $0x1  }
0x329: {  	v16 =	vadd.f32 v17, v16;
	_ =	sdelay $0x1  }
0x32a: {  	[tilespmem:$0xC228] =	vst v16  }
0x32b: {  	v16 =	vld [tilespmem:s19+$0xB1B0]  }
0x32c: {  	v17 =	vld [tilespmem:s19+$0xB1A0]  }
0x32d: {  	v18 =	vld [tilespmem:s19+$0xA1A0]  }
0x32e: {  	v19 =	vld [tilespmem:s19+$0xA1B0];
	_ =	sdelay $0x3  }
0x32f: {  	v17 =	vmul.bf16 v17, v18  }
0x330: {  	v16 =	vmul.bf16 v16, v19  }
0x331: {  	v18 =	vunpack.i.u.bf16.f32 v17;
	v17 =	vunpack.i.l.bf16.f32 v17  }
0x332: {  	v17 =	vadd.f32 v17, v18;
	v18 =	vunpack.i.u.bf16.f32 v16;
	v16 =	vunpack.i.l.bf16.f32 v16  }
0x333: {  	v16 =	vadd.f32 v16, v18;
	_ =	sdelay $0x1  }
0x334: {  	v16 =	vadd.f32 v16, v17;
	_ =	sdelay $0x1  }
0x335: {  	[tilespmem:$0xC240] =	vst v16  }
0x336: {  	v16 =	vld [tilespmem:s19+$0xB1C0]  }
0x337: {  	v17 =	vld [tilespmem:s19+$0xB1D0]  }
0x338: {  	v18 =	vld [tilespmem:s19+$0xA1C0]  }
0x339: {  	v19 =	vld [tilespmem:s19+$0xA1D0];
	_ =	sdelay $0x3  }
0x33a: {  	v16 =	vmul.bf16 v16, v18  }
0x33b: {  	v17 =	vmul.bf16 v17, v19  }
0x33c: {  	v18 =	vunpack.i.u.bf16.f32 v16;
	v16 =	vunpack.i.l.bf16.f32 v16  }
0x33d: {  	v16 =	vadd.f32 v16, v18;
	v18 =	vunpack.i.u.bf16.f32 v17;
	v17 =	vunpack.i.l.bf16.f32 v17  }
0x33e: {  	v17 =	vadd.f32 v17, v18;
	_ =	sdelay $0x1  }
.Ltmp3:
0x33f: {  	v16 =	vadd.f32 v17, v16;
	(pc) =	sbr.rel @p0 .LBB2_5-.Ltmp3, $4  }
0x340: {  	_ = 	snop  }
0x341: {  	[tilespmem:$0xC258] =	vst v16  }
0x342: {  	v16 =	vld [tilespmem:s19+$0xB1E0]  }
0x343: {  	v17 =	vld [tilespmem:s19+$0xB1F0]  }
0x344: {  	v18 =	vld [tilespmem:s19+$0xA1E0]  }
0x345: {  	v19 =	vld [tilespmem:s19+$0xA1F0];
	_ =	sdelay $0x3  }
0x346: {  	v16 =	vmul.bf16 v16, v18  }
0x347: {  	v17 =	vmul.bf16 v17, v19  }
0x348: {  	v18 =	vunpack.i.u.bf16.f32 v16  }
0x349: {  	v16 =	vunpack.i.l.bf16.f32 v16;
	v19 =	vunpack.i.u.bf16.f32 v17;
	v17 =	vunpack.i.l.bf16.f32 v17  }
0x34a: {  	v16 =	vadd.f32 v16, v18;
	v17 =	vadd.f32 v17, v19;
	_ =	sdelay $0x1  }
0x34b: {  	v16 =	vadd.f32 v17, v16;
	_ =	sdelay $0x1  }
0x34c: {  	[tilespmem:$0xC270] =	vst v16  }
0x34d: {  	v16 =	vld [tilespmem:s19+$0xB200]  }
0x34e: {  	v17 =	vld [tilespmem:s19+$0xB210]  }
0x34f: {  	v59 =	vld [tilespmem:s19+$0xA200]  }
0x350: {  	v60 =	vld [tilespmem:s19+$0xA210];
	_ =	sdelay $0x3  }
0x351: {  	v16 =	vmul.bf16 v16, v59  }
0x352: {  	v17 =	vmul.bf16 v17, v60  }
0x353: {  	v18 =	vunpack.i.u.bf16.f32 v16  }
0x354: {  	v16 =	vunpack.i.l.bf16.f32 v16;
	v19 =	vunpack.i.u.bf16.f32 v17;
	v17 =	vunpack.i.l.bf16.f32 v17  }
0x355: {  	v16 =	vadd.f32 v16, v18;
	v17 =	vadd.f32 v17, v19;
	_ =	sdelay $0x1  }
0x356: {  	v16 =	vadd.f32 v17, v16;
	_ =	sdelay $0x1  }
0x357: {  	[tilespmem:$0xC288] =	vst v16  }
0x358: {  	v16 =	vld.idx.msk [tilespmem:v8+s25+$0x0], $0xffff  }
0x359: {  	v17 =	vld.idx.msk [tilespmem:v13+s25+$0x0], $0xffff  }
0x35a: {  	v61 =	vld.idx.msk [tilespmem:v7+s25+$0x0], $0xffff  }
0x35b: {  	v62 =	vld.idx.msk [tilespmem:v6+s25+$0x0], $0xffff  }
0x35c: {  	v20 =	vld.idx.msk [tilespmem:v9+s25+$0x0], $0xffff  }
0x35d: {  	v21 =	vld.idx.msk [tilespmem:v5+s25+$0x0], $0xffff  }
0x35e: {  	v22 =	vld.idx.msk [tilespmem:v1+s25+$0x0], $0xffff  }
0x35f: {  	v23 =	vld.idx.msk [tilespmem:v0+s25+$0x0], $0xffff  }
0x360: {  	v24 =	vld.idx.msk [tilespmem:v2+s25+$0x0], $0xffff  }
0x361: {  	v25 =	vld.idx.msk [tilespmem:v3+s25+$0x0], $0xffff  }
0x362: {  	v26 =	vld.idx.msk [tilespmem:v4+s25+$0x0], $0xffff  }
0x363: {  	v27 =	vld.idx.msk [tilespmem:v11+s25+$0x0], $0xffff  }
0x364: {  	v28 =	vld.idx.msk [tilespmem:v12+s25+$0x0], $0xffff  }
0x365: {  	v29 =	vld.idx.msk [tilespmem:v10+s25+$0x0], $0xffff;
	v22 =	vadd.f32 $0.0e+00, v22;
	v23 =	vadd.f32 $0.0e+00, v23  }
0x366: {  	v30 =	vld.idx.msk [tilespmem:v14+s25+$0x0], $0xffff;
	v24 =	vadd.f32 $0.0e+00, v24;
	v25 =	vadd.f32 $0.0e+00, v25  }
0x367: {  	v63 =	vld.idx.msk [tilespmem:v15+s25+$0x0], $0xffff;
	v21 =	vadd.f32 v21, v22;
	v23 =	vadd.f32 v26, v23  }
0x368: {  	v19 =	vadd.f32 v62, v24;
	v18 =	vadd.f32 v61, v25  }
0x369: {  	v20 =	vadd.f32 v20, v21;
	v16 =	vadd.f32 v16, v23  }
0x36a: {  	v19 =	vadd.f32 v29, v19;
	v18 =	vadd.f32 v27, v18  }
0x36b: {  	v17 =	vadd.f32 v17, v20;
	v16 =	vadd.f32 v28, v16  }
0x36c: {  	v19 =	vadd.f32 v30, v19;
	v18 =	vadd.f32 v63, v18;
	_ =	sdelay $0x1  }
0x36d: {  	v16 =	vadd.f32 v17, v16;
	v17 =	vadd.f32 v18, v19  }
.Ltmp4:
0x36e: {  	_ = 	snop;
	(pc) =	sbr.rel @p1 .LBB2_8-.Ltmp4, $4  }
0x36f: {  	s6 =	sadd.s32 s18, s10;
	v16 =	vadd.f32 v17, v16  }
0x370: {  	s6 =	sshrl.u32 s6, $0x3  }
0x371: {  	s6 =	sadd.s32 s4, s6;
	[tilespmem:s21+$0x0] =	vst v16  }
0x372: {  	[hbm4b:s6+s3] =	stream.linear.scatter [tilespmem:s30], [sflag:$0x6], $0x80, $0x38;
	[tilespmem:$0xC2A0] =	vst v63  }
.Ltmp5:
0x373: {  	(pc) =	sbr.rel .LBB2_2-.Ltmp5, $4  }
0x374: {  	s6 =	sadd.s32 $0x4FA0, s18  }
0x375: {  	[tilespmem:s20], [sflag:$0x3] =	stream.indirect.gather [spmem:s2], $0x20, s6, s16, $0xb8;
	[tilespmem:$0xC2A0] =	vst v63  }
0x376: {  	s21 =	sadd.s32 $0x68A0, s18;
	s17 =	sadd.s32 $0x1, s17  }
0x377: {  	[tilespmem:s22], [sflag:$0x4] =	stream.indirect.gather [spmem:s2], $0x20, s21, s16, $0xb8;
	[tilespmem:$0xC2A0] =	vst v63  }
.LBB2_9:
0x378: {  	_ =	sfence.sel $0x180000  }
0x379: {  	[bflag:$0x0] =	sbarrier.arrive $0xFFFF  }
0x37a: {  	_ =	strace $0x90000050  }
0x37b: {  	s0 =	stileid.u32;
	[bflag:$0x2] =	sbarrier.arrive $0xFFFF  }
0x37c: {  	p0 =	sne.s32 s0, $0x0;
	s0 =	rddreg [dreg:$0x2]  }
0x37d: {  	s0 =	sadd.s32 @!p0 $0x100000, s0  }
0x37e: {  	[sflag:s0] =	ssyncadd.tile.s32 @!p0 $0x1;
	_ =	shalt  }
.Lfunc_end2:
_tile_overlayer_lowered:
.L_overlay_start_2:
0x37f: {  	(tag) =	ssettag $0x2  }
0x380: {  	s0 =	rddreg [dreg:$0x0];
	s2 =	stileid.u32  }
0x381: {  	s1 =	rddreg [dreg:$0x1];
	p0 =	sne.s32 s2, $0x0  }
0x382: {  	s3 =	rddreg [dreg:$0x2];
	[bflag:$0x3] =	sbarrier.arrive $0xFFFF;
	s2 =	simm.s32 @!p0 $0x1C07  }
0x383: {  	[timem:s3], [sflag:s2] =	dma.local @!p0 [hbm:s0], s1  }
0x384: {  	s0 =	simm.s32 @!p0 $0x7  }
0x385: {  	_ =	swait.ge @!p0 [sflag:s0], s1  }
0x386: {  	s1 =	ssub.s32 @!p0 $0x0, s1;
	[sflag:s0] =	ssyncset.done @!p0 $0x0  }
0x387: {  	[sflag:s0] =	ssyncadd.s32 @!p0 s1  }
0x388: {  	[bflag:$0x3] =	sbarrier.arrive $0xFFFF  }
0x389: {  	_ =	shalt  }

// kernel: kernel.9.cloned.1.call-start
scs
__scs_entry_jumppad:
0x0: {  	(pc) =	sbr.rel $0x88, $3  }
0x1: {  	(tag) =	ssettag $0x0;
	lr =	simm.s32 $0x1  }
0x2: {  	[smem:$0x3F9A] =	sst lr;
	_ =	strace $0xD0000000  }
0x3: {  	_ = 	snop  }
0x4: {  	_ = 	snop  }
0x5: {  	_ = 	snop  }
0x6: {  	_ = 	snop  }
0x7: {  	_ = 	snop  }
__scs_overlays_trampoline_lowered:
0x8: {  	[smem:$0x3FA9] =	sst s0  }
0x9: {  	[smem:$0x3FAA] =	sst s1  }
0xa: {  	[smem:$0x3FAB] =	sst s2  }
0xb: {  	[smem:$0x3FAC] =	sst s3  }
0xc: {  	[smem:$0x3FAD] =	sst s4  }
0xd: {  	[smem:$0x3FAE] =	sst s5  }
0xe: {  	[smem:$0x3FAF] =	sst s6  }
0xf: {  	[smem:$0x3FB0] =	sst s7  }
0x10: {  	[smem:$0x3FB1] =	sst s8  }
0x11: {  	[smem:$0x3FB2] =	sst s9;
	s0 =	simm.s32 @!p0 $0x0  }
0x12: {  	s1 =	sld [smem:$0x3F98];
	s0 =	simm.s32 @p0 $0x1  }
0x13: {  	[smem:$0x3FB3] =	sst s0;
	s0 =	simm.s32 @!p1 $0x0  }
0x14: {  	s2 =	sld [smem:$0x3F97];
	s0 =	simm.s32 @p1 $0x1  }
0x15: {  	[smem:$0x3FB4] =	sst s0;
	s0 =	simm.s32 @!p2 $0x0  }
0x16: {  	s3 =	sld [smem:$0x3FDB];
	s0 =	simm.s32 @p2 $0x1  }
0x17: {  	s4 =	simm.s32 $0x1BF5;
	[smem:$0x3FB6] =	sst s0  }
0x18: {  	s0 =	sld [smem:$0x3F99];
	_ =	swait.ge [sflag:s4], $0x0  }
0x19: {  	s7 =	sld [smem:$0x3F9A]  }
0x1a: {  	s8 =	sadd.s32 $0xFFFFE003, lr  }
0x1b: {  	s9 =	sadd.s32 $0xFFFFFEF7, lr;
	s5 =	simm.s32 $0xFFFFFFFF;
	p2 =	slt.u32 s8, $0xFFFFF086  }
0x1c: {  	p1 =	slt.u32 s9, $0xF7A;
	s5 =	simm.s32 @!p2 $0x0  }
0x1d: {  	s5 =	simm.s32 @p1 $0x1;
	p0 =	seq.s32 s7, s2  }
0x1e: {  	s7 =	smul.u32 @!p0 $0xF7A, s2;
	p2 =	seq.s32 @!p0 s5, $0x0  }
0x1f: {  	s9 =	smul.u32 $0xF7A, s1;
	s8 =	simm.s32 @!p0 $0x1BF5;
	p2 =	por !p2, p0  }
0x20: {  	[sflag:s8] =	ssyncset.s32 @!p0 $0xFFFFF086;
	s6 =	sadd.s32 @!p0 s3, s7;
	s7 =	simm.s32 @!p0 $0x108  }
0x21: {  	s3 =	sadd.s32 s3, s9;
	s6 =	sadd.s32 @!p0 $0x88, s6;
	s7 =	simm.s32 @p2 $0x1082  }
0x22: {  	[simem:s7], [sflag:s8] =	dma.local @!p0 [hbm:s6], $0xF7A  }
0x23: {  	s9 =	sor.u32 $0xD0000000, s2;
	s6 =	simm.s32 $0x108;
	_ =	swait.ge @!p0 [sflag:s8], $0x0  }
0x24: {  	s3 =	sadd.s32 $0x88, s3;
	s6 =	simm.s32 @!p1 $0x1082;
	[sflag:s4] =	ssyncset.s32 $0xFFFFF086  }
0x25: {  	[simem:s6], [sflag:s4] =	dma.local [hbm:s3], $0xF7A  }
0x26: {  	[smem:$0x3F9A] =	sst s1;
	(tag) =	ssettag s2;
	_ =	strace s9  }
0x27: {  	s1 =	sld [smem:$0x3FAA]  }
0x28: {  	s2 =	sld [smem:$0x3FAB]  }
0x29: {  	s4 =	sld [smem:$0x3FAD]  }
0x2a: {  	p0 =	seq.s32 s5, $0x0;
	s5 =	sld [smem:$0x3FAE]  }
0x2b: {  	s6 =	sld [smem:$0x3FAF]  }
0x2c: {  	s7 =	sld [smem:$0x3FB0]  }
0x2d: {  	s3 =	simm.s32 $0x108;
	s8 =	sld [smem:$0x3FB1]  }
0x2e: {  	s3 =	simm.s32 @!p0 $0x1082;
	s9 =	sld [smem:$0x3FB2]  }
0x2f: {  	lr =	sadd.s32 s0, s3;
	s0 =	sld [smem:$0x3FA9]  }
0x30: {  	s3 =	sld [smem:$0x3FAC]  }
0x31: {  	[smem:$0x3FB5] =	sst s10  }
0x32: {  	s10 =	sld [smem:$0x3FB3];
	_ =	sdelay $0x3  }
0x33: {  	p0 =	seq.s32 s10, $0x1;
	s10 =	sld [smem:$0x3FB5];
	_ =	sdelay $0x3  }
0x34: {  	[smem:$0x3FB5] =	sst s10  }
0x35: {  	s10 =	sld [smem:$0x3FB4];
	_ =	sdelay $0x3  }
0x36: {  	p1 =	seq.s32 s10, $0x1;
	s10 =	sld [smem:$0x3FB5];
	_ =	sdelay $0x3  }
0x37: {  	[smem:$0x3FB5] =	sst s10  }
0x38: {  	s10 =	sld [smem:$0x3FB6]  }
0x39: {  	_ = 	snop;
	(pc) =	sbr.ind lr, $3  }
0x3a: {  	_ = 	snop  }
0x3b: {  	_ = 	snop  }
0x3c: {  	p2 =	seq.s32 s10, $0x1;
	s10 =	sld [smem:$0x3FB5]  }
0x3d: {  	_ =	shalt  }
0x3e: {  	_ =	shalt  }
0x3f: {  	_ =	shalt  }
0x40: {  	_ =	shalt  }
0x41: {  	_ =	shalt  }
0x42: {  	_ =	shalt  }
0x43: {  	_ =	shalt  }
0x44: {  	_ =	shalt  }
0x45: {  	_ =	shalt  }
0x46: {  	_ =	shalt  }
0x47: {  	_ =	shalt  }
0x48: {  	_ =	shalt  }
0x49: {  	_ =	shalt  }
0x4a: {  	_ =	shalt  }
0x4b: {  	_ =	shalt  }
0x4c: {  	_ =	shalt  }
0x4d: {  	_ =	shalt  }
0x4e: {  	_ =	shalt  }
0x4f: {  	_ =	shalt  }
0x50: {  	_ =	shalt  }
0x51: {  	_ =	shalt  }
0x52: {  	_ =	shalt  }
0x53: {  	_ =	shalt  }
0x54: {  	_ =	shalt  }
0x55: {  	_ =	shalt  }
0x56: {  	_ =	shalt  }
0x57: {  	_ =	shalt  }
0x58: {  	_ =	shalt  }
0x59: {  	_ =	shalt  }
0x5a: {  	_ =	shalt  }
0x5b: {  	_ =	shalt  }
0x5c: {  	_ =	shalt  }
0x5d: {  	_ =	shalt  }
0x5e: {  	_ =	shalt  }
0x5f: {  	_ =	shalt  }
0x60: {  	_ =	shalt  }
0x61: {  	_ =	shalt  }
0x62: {  	_ =	shalt  }
0x63: {  	_ =	shalt  }
0x64: {  	_ =	shalt  }
0x65: {  	_ =	shalt  }
0x66: {  	_ =	shalt  }
0x67: {  	_ =	shalt  }
0x68: {  	_ =	shalt  }
0x69: {  	_ =	shalt  }
0x6a: {  	_ =	shalt  }
0x6b: {  	_ =	shalt  }
0x6c: {  	_ =	shalt  }
0x6d: {  	_ =	shalt  }
0x6e: {  	_ =	shalt  }
0x6f: {  	_ =	shalt  }
0x70: {  	_ =	shalt  }
0x71: {  	_ =	shalt  }
0x72: {  	_ =	shalt  }
0x73: {  	_ =	shalt  }
0x74: {  	_ =	shalt  }
0x75: {  	_ =	shalt  }
0x76: {  	_ =	shalt  }
0x77: {  	_ =	shalt  }
0x78: {  	_ =	shalt  }
0x79: {  	_ =	shalt  }
0x7a: {  	_ =	shalt  }
0x7b: {  	_ =	shalt  }
0x7c: {  	_ =	shalt  }
0x7d: {  	_ =	shalt  }
0x7e: {  	_ =	shalt  }
0x7f: {  	_ =	shalt  }
0x80: {  	_ =	shalt  }
0x81: {  	_ =	shalt  }
0x82: {  	_ =	shalt  }
0x83: {  	_ =	shalt  }
0x84: {  	_ =	shalt  }
0x85: {  	_ =	shalt  }
0x86: {  	_ =	shalt  }
0x87: {  	_ =	shalt  }
.Lfunc_end0:
.L_simem_size_0:
called_computation_lowered:
.L_overlay_start_0:
0x88: {  	s2 =	sld [smem:$0x3FD9]  }
0x89: {  	s3 =	sld [smem:$0x3FFE];
	_ =	sdelay $0x1  }
0x8a: {  	s1 =	srdreg.scid  }
0x8b: {  	s0 =	sand.u32 $0x1, s1  }
0x8c: {  	s17 =	sshll.u32 s0, $0xA;
	s2 =	sadd.s32 s3, s2  }
0x8d: {  	s2 =	sadd.s32 s2, s17  }
0x8e: {  	[smem:$0x3FC1] =	sst s2  }
0x8f: {  	_ = 	snop  }
0x90: {  	s2 =	sld [smem:$0x3FD0];
	(tm) =	ssettm $0x1  }
0x91: {  	s18 =	sld [smem:$0x3FFB];
	_ =	sdelay $0x3  }
0x92: {  	_ =	strace s18  }
0x93: {  	s3 =	sld [smem:$0x3FFC];
	_ =	sdelay $0x3  }
0x94: {  	_ =	strace s3  }
0x95: {  	s3 =	sld [smem:$0x3FFD];
	_ =	sdelay $0x3  }
0x96: {  	_ =	strace s3  }
0x97: {  	_ =	strace $0x8FFFFFFF  }
0x98: {  	s19 =	sld [smem:$0x3FDB];
	_ =	sdelay $0x1  }
0x99: {  	s4 =	simm.s32 $_scs_section_size  }
0x9a: {  	s5 =	simm.s32 $_size__tile_overlayer_lowered;
	s6 =	simm.s32 $_tile_overlayer_lowered  }
0x9b: {  	s22 =	simm.s32 $0x1BFF;
	s21 =	sshll.u32 s6, $0x1;
	s3 =	sadd.s32 s4, s19  }
0x9c: {  	s7 =	simm.s32 $0x0;
	s20 =	sshll.u32 s5, $0x1;
	s5 =	sadd.s32 s21, s3  }
0x9d: {  	[timem:s7], [sflag:s22] =	dma.local [hbm:s5], s20  }
0x9e: {  	_ =	swait.ge [sflag:s22], s20  }
0x9f: {  	s4 =	ssub.s32 $0x0, s20;
	[sflag:s22] =	ssyncset.done $0x0  }
0xa0: {  	[sflag:s22] =	ssyncadd.s32 s4;
	_ =	sdelay $0x1  }
0xa1: {  	s23 =	simm.s32 $0x1B8B  }
0xa2: {  	_ =	swait.ge [sflag:s23], $0x1  }
0xa3: {  	[sflag:s23] =	ssyncset.done $0x0  }
0xa4: {  	s25 =	simm.s32 $0x1B8E;
	s24 =	sld [smem:$0x3FFE];
	[sflag:s23] =	ssyncadd.s32 $0xFFFFFFFF  }
0xa5: {  	s26 =	simm.s32 $execute0_lowered;
	[smem:$0x3FD2] =	sst s25  }
0xa6: {  	s5 =	sshll.u32 s26, $0x1;
	_ =	strace $0x80000046;
	[dreg:$0x1] =	wrdreg $0xFFFFFFFF  }
0xa7: {  	s28 =	simm.s32 $_size_execute0_lowered;
	s3 =	sadd.s32 s3, s5;
	[dreg:$0x0] =	wrdreg $0x0  }
0xa8: {  	s5 =	sshll.u32 s28, $0x1;
	[dreg:$0x2] =	wrdreg s3  }
0xa9: {  	[dreg:$0x3] =	wrdreg s5  }
0xaa: {  	[dreg:$0x4] =	wrdreg $0xC0  }
0xab: {  	_ =	task [dreg:s7], $0x5FFFF  }
0xac: {  	[dreg:$0x1] =	wrdreg $0xFFFFFFFF  }
0xad: {  	[dreg:$0x0] =	wrdreg $0x60  }
0xae: {  	[dreg:$0x2] =	wrdreg s24  }
0xaf: {  	[dreg:$0x3] =	wrdreg s2  }
0xb0: {  	[dreg:$0x4] =	wrdreg $0x0  }
0xb1: {  	[dreg:$0x5] =	wrdreg $0x9  }
0xb2: {  	_ =	task.clear_ibuf [dreg:s7], $0x6FFFF;
	_ =	strace $0x90000046  }
0xb3: {  	s29 =	simm.s32 $0x9;
	_ =	strace $0x80000048  }
0xb4: {  	_ =	swait.ge [sflag:s29], $0x1  }
0xb5: {  	[sflag:s29] =	ssyncadd.s32 $0xFFFFFFFF  }
0xb6: {  	_ =	strace $0x90000048  }
0xb7: {  	_ =	sfence  }
0xb8: {  	s30 =	sld [smem:$0x0];
	_ =	sdelay $0x2  }
0xb9: {  	s31 =	sshll.u32 s1, $0xD;
	s1 =	sshrl.u32 s1, $0x2  }
0xba: {  	s3 =	sand.u32 $0x4000, s31;
	s1 =	sadd.s32 s1, s30  }
0xbb: {  	s0 =	sor.u32 s3, s0;
	s1 =	sshll.u32 s1, $0x11  }
0xbc: {  	s0 =	sor.u32 s1, s0  }
0xbd: {  	s0 =	sadd.s32 $0x8F2B, s0  }
0xbe: {  	[sflag:s0] =	ssyncadd.remote.s32 $0x1  }
0xbf: {  	_ =	sfence.sel $0xFFFF  }
0xc0: {  	[dreg:$0x0] =	wrdreg $0xFFFFFFFF;
	(pc) =	sbr.abs _section_cstart, $3  }
0xc1: {  	[dreg:$0x1] =	wrdreg $0xFFFFFFFF  }
0xc2: {  	_ =	task.clear_ibuf [dreg:s7], $0x2FFFF;
	_ =	strace $0x9FFFFFFF  }
0xc3: {  	(tm) =	ssettm $0x7FFFFFFF  }
tec
execute0_lowered:
.L_overlay_start_1:
0x0: {  	(tag) =	ssettag $0x1  }
0x1: {  	s5 =	rddreg [dreg:$0x0]  }
0x2: {  	s6 =	rddreg [dreg:$0x1]  }
0x3: {  	s2 =	rddreg [dreg:$0x2]  }
0x4: {  	s0 =	rddreg [dreg:$0x3];
	s3 =	srdreg.scid  }
0x5: {  	s1 =	stileid.u32;
	s12 =	simm.s32 $0x2800;
	s13 =	simm.s32 $0x3000  }
0x6: {  	s14 =	simm.s32 $0x80;
	s15 =	simm.s32 $0x1;
	s16 =	simm.s32 $0x0  }
0x7: {  	s4 =	sand.u32 $0x1, s3;
	s7 =	sshll.u32 s1, $0x1;
	s8 =	smul.u32 $0x2800, s1  }
0x8: {  	s3 =	simm.s32 $0x0;
	s31 =	sshll.u32 s1, $0x6;
	s7 =	sor.u32 s4, s7  }
0x9: {  	s9 =	smul.u32 $0x28000, s4;
	[smem:$0x7FF] =	sst s3;
	s10 =	ssub.s32 $0x2, s4  }
0xa: {  	s4 =	sadd.s32 $0xB200, s5;
	s7 =	smul.u32 $0x500, s7;
	_ =	strace $0x80000047  }
0xb: {  	s11 =	sshrl.u32 s10, $0x1;
	s29 =	sadd.s32 s8, s2;
	s9 =	sadd.s32 s8, s9  }
0xc: {  	s30 =	sshrl.u32 s8, $0x3;
	s10 =	ssub.s32 s10, s11;
	s9 =	sshrl.u32 s9, $0x3  }
0xd: {  	s11 =	simm.s32 $0x2;
	s7 =	sadd.s32 s7, s5;
	s9 =	sadd.s32 s9, s5  }
0xe: {  	s5 =	sadd.s32 s6, s30;
	s6 =	sor.u32 $0x1C02, s31;
	s7 =	sadd.s32 $0x1200, s7  }
0xf: {  	s8 =	sadd.s32 $0xB400, s9;
	s9 =	smax.u32 s10, $0x1;
	s10 =	sshrl.u32 s29, $0x3  }
.LBB2_1:
0x10: {  	[spmem:s10], [sflag:s6] =	dma.local [hbm:s5], $0x500  }
0x11: {  	_ =	swait.ge [sflag:s11], $0x500  }
0x12: {  	[sflag:s11] =	ssyncset.done $0x0  }
0x13: {  	[sflag:s11] =	ssyncadd.s32 $0xFFFFFB00  }
0x14: {  	[tilespmem:s12], [sflag:$0x2] =	stream.linear.gather [hbm4b:s4+s3], $0x800, $0x38;
	[tilespmem:$0x5800] =	vst v63  }
0x15: {  	_ =	swait.ge [sflag:s11], $0x800  }
0x16: {  	[sflag:s11] =	ssyncset.done $0x0  }
0x17: {  	[sflag:s11] =	ssyncadd.s32 $0xFFFFF800  }
0x18: {  	[tilespmem:s13], [sflag:$0x2] =	stream.linear.gather [hbm4b:s7+s3], $0x2800, $0x38;
	[tilespmem:$0x5800] =	vst v63  }
0x19: {  	_ =	swait.ge [sflag:s11], $0x2800  }
0x1a: {  	[sflag:s11] =	ssyncset.done $0x0  }
0x1b: {  	[sflag:s11] =	ssyncadd.s32 $0xFFFFD800  }
0x1c: {  	s17 =	simm.s32 $0x0;
	[bflag:$0x0] =	sbarrier.arrive $0xFFFF  }
.LBB2_2:
0x1d: {  	p0 =	sne.s32 s17, $0x9E00  }
.Ltmp0:
0x1e: {  	_ = 	snop;
	(pc) =	sbr.rel @p0 .LBB2_2-.Ltmp0, $4  }
0x1f: {  	_ = 	snop  }
0x20: {  	s18 =	sshra.s32 s17, $0x2  }
0x21: {  	s17 =	sadd.s32 $0x200, s17;
	s18 =	sadd.s32 $0x3000, s18  }
0x22: {  	[spmem:s2] =	stream.indirect.scatter.add.f32 [tilespmem:s12], [sflag:$0x1], $0x10, s18, s14, $0xb8;
	[tilespmem:$0x5800] =	vst v63  }
0x23: {  	_ =	swait.ge [sflag:s15], $0x800  }
0x24: {  	s17 =	simm.s32 $0x4F;
	[sflag:s15] =	ssyncset.done $0x0  }
.LBB2_4:
0x25: {  	p0 =	sne.s32 s17, $0x1;
	s17 =	sadd.s32 $0xFFFFFFFF, s17;
	[sflag:s15] =	ssyncadd.s32 $0xFFFFF800  }
.Ltmp1:
0x26: {  	(pc) =	sbr.rel @p0 .LBB2_4-.Ltmp1, $3  }
0x27: {  	_ =	sdelay $0x1  }
0x28: {  	_ =	swait.ge [sflag:s15], $0x800  }
0x29: {  	[sflag:s15] =	ssyncset.done $0x0  }
0x2a: {  	s16 =	sadd.s32 $0x1, s16  }
0x2b: {  	[sflag:s15] =	ssyncadd.s32 $0xFFFFF800;
	p0 =	sne.s32 s16, s9  }
.Ltmp2:
0x2c: {  	[bflag:$0x0] =	sbarrier.arrive $0xFFFF;
	(pc) =	sbr.rel @p0 .LBB2_1-.Ltmp2, $4  }
0x2d: {  	[hbm:s8], [sflag:s6] =	dma.local [spmem:s10], $0x500  }
0x2e: {  	_ =	swait.ge [sflag:s11], $0x500  }
0x2f: {  	[sflag:s11] =	ssyncset.done $0x0  }
0x30: {  	[sflag:s11] =	ssyncadd.s32 $0xFFFFFB00  }
0x31: {  	_ =	sfence.sel $0x180000  }
0x32: {  	[bflag:$0x0] =	sbarrier.arrive $0xFFFF  }
0x33: {  	p0 =	sne.s32 s1, $0x0;
	_ =	strace $0x90000047  }
0x34: {  	s0 =	sadd.s32 @!p0 $0x100000, s0;
	[bflag:$0x2] =	sbarrier.arrive $0xFFFF  }
0x35: {  	[sflag:s0] =	ssyncadd.tile.s32 @!p0 $0x1;
	_ =	shalt  }
.Lfunc_end2:
_tile_overlayer_lowered:
.L_overlay_start_2:
0x36: {  	(tag) =	ssettag $0x2  }
0x37: {  	s0 =	rddreg [dreg:$0x0];
	s2 =	stileid.u32  }
0x38: {  	s1 =	rddreg [dreg:$0x1];
	p0 =	sne.s32 s2, $0x0  }
0x39: {  	s3 =	rddreg [dreg:$0x2];
	[bflag:$0x3] =	sbarrier.arrive $0xFFFF;
	s2 =	simm.s32 @!p0 $0x1C02  }
0x3a: {  	[timem:s3], [sflag:s2] =	dma.local @!p0 [hbm:s0], s1  }
0x3b: {  	s0 =	simm.s32 @!p0 $0x2  }
0x3c: {  	_ =	swait.ge @!p0 [sflag:s0], s1  }
0x3d: {  	s1 =	ssub.s32 @!p0 $0x0, s1;
	[sflag:s0] =	ssyncset.done @!p0 $0x0  }
0x3e: {  	[sflag:s0] =	ssyncadd.s32 @!p0 s1  }
0x3f: {  	[bflag:$0x3] =	sbarrier.arrive $0xFFFF  }
0x40: {  	_ =	shalt  }

</sc_bundles>
